<compile_context>
chip_gen: v7x
topology: tpu7x:2x2x1
jax: 0.10.2.dev20260603
libtpu: 0.0.44.dev20260713+nightly
codegen_flags: <defaults>
</compile_context>

<pallas_src>
import functools

import jax
import jax.numpy as jnp
from jax import lax
from jax.experimental import pallas as pl
from jax.experimental.pallas import tpu as pltpu
from jax.experimental.pallas import tpu_sc as plsc

_ROWS = 1000
_CHUNK = 80
_EPS = 1e-5



def _p_body(h_ref, wl_ref, wr_ref, b_ref, y_ref, z_ref):
    h = h_ref[...]
    y_ref[...] = jnp.dot(h, wl_ref[...], preferred_element_type=jnp.float32)
    z_ref[...] = (jnp.dot(h, wr_ref[...], preferred_element_type=jnp.float32)
                  + b_ref[0:1, :])


def _prologue(h, wlT, wrT, b):
    n, d = h.shape
    wo = wlT.shape[1]
    grid = (n // _ROWS,)
    row_spec = pl.BlockSpec((_ROWS, d), lambda i: (i, 0))
    w_spec = pl.BlockSpec((d, wo), lambda i: (0, 0))
    vec_spec = pl.BlockSpec((1, wo), lambda i: (0, 0))
    out_spec = pl.BlockSpec((_ROWS, wo), lambda i: (i, 0))
    out_shape = [jax.ShapeDtypeStruct((n, wo), jnp.float32)] * 2
    return pl.pallas_call(_p_body, grid=grid,
                          in_specs=[row_spec, w_spec, w_spec, vec_spec],
                          out_specs=[out_spec, out_spec],
                          out_shape=out_shape)(h, wlT, wrT, b)



def _e_body(a0_ref, a1_ref, z_ref, d0_ref, d1_ref, h_ref):
    deg = jnp.maximum(d0_ref[...] + d1_ref[...], 1.0)
    h_ref[...] = (a0_ref[...] + a1_ref[...]) / deg + z_ref[...]


def _epilogue(accs, z, degs):
    n, wo = z.shape
    nb = n // _ROWS
    grid = (nb,)
    a0 = pl.BlockSpec((_ROWS, wo), lambda i: (i, 0))
    a1 = pl.BlockSpec((_ROWS, wo), lambda i: (i + nb, 0))
    d0 = pl.BlockSpec((_ROWS, 1), lambda i: (i, 0))
    d1 = pl.BlockSpec((_ROWS, 1), lambda i: (i + nb, 0))
    zs = pl.BlockSpec((_ROWS, wo), lambda i: (i, 0))
    out_shape = [jax.ShapeDtypeStruct((n, wo), jnp.float32)]
    out_specs = [pl.BlockSpec((_ROWS, wo), lambda i: (i, 0))]
    return pl.pallas_call(_e_body, grid=grid,
                          in_specs=[a0, a1, zs, d0, d1],
                          out_specs=out_specs,
                          out_shape=out_shape)(accs, accs, z, degs, degs)



def _m_body(n_nodes, a0_ref, a1_ref, z_ref, d0_ref, d1_ref, wl_ref, wr_ref,
            b_ref, g_ref, be_ref, y_ref, z2_ref, h_scr, st_scr):
    p = pl.program_id(0)
    i = pl.program_id(1)

    @pl.when(p == 0)
    def _():
        deg = jnp.maximum(d0_ref[...] + d1_ref[...], 1.0)
        h = (a0_ref[...] + a1_ref[...]) / deg + z_ref[...]
        h_scr[pl.ds(i * _ROWS, _ROWS), :] = h

        @pl.when(i == 0)
        def _():
            st_scr[...] = jnp.zeros_like(st_scr)

        st_scr[0:1, :] += jnp.sum(h, axis=0, keepdims=True)
        st_scr[1:2, :] += jnp.sum(h * h, axis=0, keepdims=True)

    @pl.when(p == 1)
    def _():
        m = st_scr[0:1, :] / n_nodes
        var = st_scr[1:2, :] / n_nodes - m * m
        scale = lax.rsqrt(var + _EPS) * g_ref[0:1, :]
        h = h_scr[pl.ds(i * _ROWS, _ROWS), :]
        h = jnp.maximum((h - m) * scale + be_ref[0:1, :], 0.0)
        y_ref[...] = jnp.dot(h, wl_ref[...], preferred_element_type=jnp.float32)
        z2_ref[...] = (jnp.dot(h, wr_ref[...],
                               preferred_element_type=jnp.float32)
                       + b_ref[0:1, :])


def _mid(accs, z, degs, wlT, wrT, b, g, be):
    n, dd = z.shape
    wo = wlT.shape[1]
    nb = n // _ROWS
    grid = (2, nb)

    def once(bs):
        return pl.BlockSpec(bs, lambda p, i: (0, 0))

    def p0(bs):
        return pl.BlockSpec(bs, lambda p, i: ((1 - p) * i, 0))

    def p1(bs):
        return pl.BlockSpec(bs, lambda p, i: (p * i, 0))

    a0 = pl.BlockSpec((_ROWS, dd), lambda p, i: ((1 - p) * i, 0))
    a1 = pl.BlockSpec((_ROWS, dd), lambda p, i: ((1 - p) * i + nb, 0))
    d0 = pl.BlockSpec((_ROWS, 1), lambda p, i: ((1 - p) * i, 0))
    d1 = pl.BlockSpec((_ROWS, 1), lambda p, i: ((1 - p) * i + nb, 0))
    out_shape = [jax.ShapeDtypeStruct((n, wo), jnp.float32)] * 2
    return pl.pallas_call(
        functools.partial(_m_body, n), grid=grid,
        in_specs=[a0, a1, p0((_ROWS, dd)), d0, d1,
                  once((dd, wo)), once((dd, wo)), once((1, wo)),
                  once((1, dd)), once((1, dd))],
        out_specs=[p1((_ROWS, wo)), p1((_ROWS, wo))],
        out_shape=out_shape,
        scratch_shapes=[pltpu.VMEM((n, dd), jnp.float32),
                        pltpu.VMEM((8, dd), jnp.float32)],
    )(accs, accs, z, degs, degs, wlT, wrT, b, g, be)



def _make_sc_agg(n_nodes, width, e_total, with_deg, scalar=False):
    nw = 32
    epw = e_total // nw
    nch = epw // _CHUNK
    rpt = (n_nodes // 16) // 8 * 8
    tail = n_nodes - 16 * rpt
    mesh = plsc.VectorSubcoreMesh(core_axis_name="c", subcore_axis_name="s")

    nbuf = 3
    zrows = rpt // 8
    if scalar:
        out_type = [jax.ShapeDtypeStruct((2 * n_nodes,), jnp.float32)]
        row_shape, acc_shape, z_shape = (_CHUNK,), (n_nodes,), (rpt,)
    else:
        out_type = [jax.ShapeDtypeStruct((2 * n_nodes, width), jnp.float32)]
        row_shape, acc_shape, z_shape = ((_CHUNK, width), (n_nodes, width),
                                         (zrows, width))
    scratch = (
        [pltpu.VMEM((_CHUNK,), jnp.int32) for _ in range(nbuf)]
        + [pltpu.VMEM((_CHUNK,), jnp.int32) for _ in range(nbuf)]
        + [pltpu.VMEM(row_shape, jnp.float32) for _ in range(nbuf)]
        + [pltpu.VMEM(z_shape, jnp.float32)]
        + [pltpu.VMEM_SHARED(acc_shape, jnp.float32)]
        + [pltpu.SemaphoreType.DMA for _ in range(3 * nbuf)]
    )
    if with_deg:
        out_type.append(jax.ShapeDtypeStruct((2 * n_nodes,), jnp.float32))
        scratch += [
            pltpu.VMEM((_CHUNK,), jnp.float32),
            pltpu.VMEM((rpt,), jnp.float32),
            pltpu.VMEM_SHARED((n_nodes,), jnp.float32),
        ]

    def body(*refs):
        if with_deg:
            (y_hbm, src_hbm, dst_hbm, acc_out, deg_out) = refs[:5]
            (ones_v, zb_v, deg_sh) = refs[-3:]
            rest = refs[5:-3]
        else:
            (y_hbm, src_hbm, dst_hbm, acc_out) = refs[:4]
            rest = refs[4:]
        srcb = rest[0:nbuf]
        dstb = rest[nbuf:2 * nbuf]
        rowb = rest[2 * nbuf:3 * nbuf]
        zrow_v = rest[3 * nbuf]
        acc_sh = rest[3 * nbuf + 1]
        gsem = rest[3 * nbuf + 2:3 * nbuf + 2 + nbuf]
        isem = rest[3 * nbuf + 2 + nbuf:3 * nbuf + 2 + 2 * nbuf]
        ssem = rest[3 * nbuf + 2 + 2 * nbuf:3 * nbuf + 2 + 3 * nbuf]
        c = lax.axis_index("c")
        s = lax.axis_index("s")
        w = c * 16 + s
        r0 = s * rpt
        t0 = 16 * rpt
        zv = jnp.zeros((16,), jnp.float32)

        if scalar:
            def fill_zr(j, carry):
                zrow_v[pl.ds(j * 16, 16)] = zv
                return carry

            lax.fori_loop(0, rpt // 16, fill_zr, 0)
            pltpu.sync_copy(zrow_v, acc_sh.at[pl.ds(r0, rpt)])
        else:
            def fill_zr(j, carry):
                for k in range(width // 16):
                    zrow_v[j, pl.ds(k * 16, 16)] = zv
                return carry

            lax.fori_loop(0, zrows, fill_zr, 0)
            for t in range(rpt // zrows):
                pltpu.sync_copy(zrow_v,
                                acc_sh.at[pl.ds(r0 + t * zrows, zrows)])
        if with_deg:
            ov = jnp.full((16,), 1.0, jnp.float32)
            for k in range(_CHUNK // 16):
                ones_v[pl.ds(k * 16, 16)] = ov

            def fill_z(j, carry):
                zb_v[pl.ds(j * 16, 16)] = zv
                return carry

            lax.fori_loop(0, rpt // 16, fill_z, 0)
            pltpu.sync_copy(zb_v, deg_sh.at[pl.ds(r0, rpt)])
        if tail:
            @pl.when(s == 15)
            def _():
                pltpu.sync_copy(zrow_v.at[pl.ds(0, tail)],
                                acc_sh.at[pl.ds(t0, tail)])
                if with_deg:
                    pltpu.sync_copy(zb_v.at[pl.ds(0, tail)],
                                    deg_sh.at[pl.ds(t0, tail)])
        plsc.subcore_barrier()

        base0 = w * epw

        def start_idx(j, b):
            base = base0 + j * _CHUNK
            pltpu.async_copy(src_hbm.at[pl.ds(base, _CHUNK)], srcb[b], isem[b])
            pltpu.async_copy(dst_hbm.at[pl.ds(base, _CHUNK)], dstb[b], isem[b])

        def wait_idx(j, b):
            base = base0 + j * _CHUNK
            pltpu.make_async_copy(src_hbm.at[pl.ds(base, _CHUNK)], srcb[b],
                                  isem[b]).wait()
            pltpu.make_async_copy(dst_hbm.at[pl.ds(base, _CHUNK)], dstb[b],
                                  isem[b]).wait()

        def scale_idx(b):
            for k in range(_CHUNK // 16):
                v = srcb[b][pl.ds(k * 16, 16)]
                srcb[b][pl.ds(k * 16, 16)] = v * width

        def start_gather(b):
            if scalar:
                scale_idx(b)
            pltpu.async_copy(y_hbm.at[srcb[b]], rowb[b], gsem[b])

        def wait_gather(b):
            pltpu.make_async_copy(y_hbm.at[srcb[b]], rowb[b], gsem[b]).wait()

        def start_scatter(b):
            pltpu.async_copy(rowb[b], acc_sh.at[dstb[b]], ssem[b], add=True)
            if with_deg:
                pltpu.async_copy(ones_v, deg_sh.at[dstb[b]], ssem[b], add=True)

        def wait_scatter(b):
            pltpu.make_async_copy(rowb[b], acc_sh.at[dstb[b]], ssem[b]).wait()
            if with_deg:
                pltpu.make_async_copy(ones_v, deg_sh.at[dstb[b]],
                                      ssem[b]).wait()

        def stage(j, b, p, q, guard):
            if guard:
                @pl.when(j >= 1)
                def _():
                    wait_scatter(q)
            else:
                if j >= 1:
                    wait_scatter(q)

            @pl.when(j + 2 < nch)
            def _():
                start_idx(j + 2, q)

            @pl.when(j + 1 < nch)
            def _():
                wait_idx(j + 1, p)
                start_gather(p)
            wait_gather(b)
            start_scatter(b)

        start_idx(0, 0)
        start_idx(1, 1)
        wait_idx(0, 0)
        start_gather(0)

        def step3(j3, carry):
            for b in range(nbuf):
                j = nbuf * j3 + b
                stage(j, b, (b + 1) % nbuf, (b + 2) % nbuf, True)
            return carry

        nfull = nch // nbuf
        lax.fori_loop(0, nfull, step3, 0)
        for j in range(nfull * nbuf, nch):
            b = j % nbuf
            stage(j, b, (j + 1) % nbuf, (j + 2) % nbuf, False)
        wait_scatter((nch - 1) % nbuf)
        plsc.subcore_barrier()
        o0 = c * n_nodes + r0
        if scalar:
            pltpu.sync_copy(acc_sh.at[pl.ds(r0, rpt)], zrow_v)
            pltpu.sync_copy(zrow_v, acc_out.at[pl.ds(o0, rpt)])
        else:
            pltpu.sync_copy(acc_sh.at[pl.ds(r0, rpt)],
                            acc_out.at[pl.ds(o0, rpt)])
        if with_deg:
            pltpu.sync_copy(deg_sh.at[pl.ds(r0, rpt)], zb_v)
            pltpu.sync_copy(zb_v, deg_out.at[pl.ds(c * n_nodes + r0, rpt)])
        if tail:
            @pl.when(s == 15)
            def _():
                ot = c * n_nodes + t0
                if scalar:
                    pltpu.sync_copy(acc_sh.at[pl.ds(t0, tail)],
                                    zrow_v.at[pl.ds(0, tail)])
                    pltpu.sync_copy(zrow_v.at[pl.ds(0, tail)],
                                    acc_out.at[pl.ds(ot, tail)])
                else:
                    pltpu.sync_copy(acc_sh.at[pl.ds(t0, tail)],
                                    acc_out.at[pl.ds(ot, tail)])
                if with_deg:
                    pltpu.sync_copy(deg_sh.at[pl.ds(t0, tail)],
                                    zb_v.at[pl.ds(0, tail)])
                    pltpu.sync_copy(zb_v.at[pl.ds(0, tail)],
                                    deg_out.at[pl.ds(ot, tail)])

    return pl.kernel(body, out_type=tuple(out_type), mesh=mesh,
                     scratch_types=tuple(scratch))



def kernel(x, edge_index, Wl1, Wr1, b1, g1, be1, Wl2, Wr2, b2, g2, be2,
           Wl3, Wr3, b3):
    n, d = x.shape
    e = edge_index.shape[1]
    assert e % (32 * _CHUNK) == 0 and n % 16 == 0 and n % _ROWS == 0

    src = edge_index[0]
    dst = edge_index[1]

    agg_deg = _make_sc_agg(n, d, e, True)
    agg = _make_sc_agg(n, d, e, False)

    y1, zz1 = _prologue(x, Wl1.T, Wr1.T, b1.reshape(1, -1))
    acc1, deg_flat = agg_deg(y1, src, dst)
    degs = deg_flat.reshape(2 * n, 1)

    y2, zz2 = _mid(acc1, zz1, degs, Wl2.T, Wr2.T, b2.reshape(1, -1),
                   g1.reshape(1, -1), be1.reshape(1, -1))
    (acc2,) = agg(y2, src, dst)

    w3l = jnp.pad(Wl3.T, ((0, 0), (0, d - 1)))
    w3r = jnp.pad(Wr3.T, ((0, 0), (0, d - 1)))
    b3w = jnp.pad(b3.reshape(1, 1), ((0, 0), (0, d - 1)))
    y3, zz3 = _mid(acc2, zz2, degs, w3l, w3r, b3w,
                   g2.reshape(1, -1), be2.reshape(1, -1))
    agg_sc = _make_sc_agg(n, d, e, False, scalar=True)
    (acc3f,) = agg_sc(y3.reshape(-1), src, dst)
    (out_c,) = _epilogue(acc3f.reshape(2 * n, 1), zz3[:, 0:1], degs)
    return out_c

# --- scband reference (transcript-rebuilt; emitter-appended) ---
"""Pipeline reference for scband-gnn-rank-62139586839089 (READ-ONLY COPY).

The authoritative reference and input builder live on the scoring server;
editing this copy changes nothing except your own understanding.
"""

import jax, jax.numpy as jnp
import numpy as np

N = 10000
E = 320000
D = 128
H = 128


def setup_inputs(seed: int = 0) -> dict:
    key = jax.random.key(seed)
    ks = jax.random.split(key, 16)
    x = jax.random.normal(ks[0], (N, D), dtype=jnp.float32)
    edge_index = jax.random.randint(ks[1], (2, E), 0, N, dtype=jnp.int32)
    s1 = 1.0 / np.sqrt(D)
    s2 = 1.0 / np.sqrt(H)
    Wl1 = jax.random.normal(ks[2], (H, D), dtype=jnp.float32) * s1
    Wr1 = jax.random.normal(ks[3], (H, D), dtype=jnp.float32) * s1
    b1 = jnp.zeros((H,), dtype=jnp.float32)
    g1 = jnp.ones((H,), dtype=jnp.float32)
    be1 = jnp.zeros((H,), dtype=jnp.float32)
    Wl2 = jax.random.normal(ks[4], (H, H), dtype=jnp.float32) * s2
    Wr2 = jax.random.normal(ks[5], (H, H), dtype=jnp.float32) * s2
    b2 = jnp.zeros((H,), dtype=jnp.float32)
    g2 = jnp.ones((H,), dtype=jnp.float32)
    be2 = jnp.zeros((H,), dtype=jnp.float32)
    Wl3 = jax.random.normal(ks[6], (1, H), dtype=jnp.float32) * s2
    Wr3 = jax.random.normal(ks[7], (1, H), dtype=jnp.float32) * s2
    b3 = jnp.zeros((1,), dtype=jnp.float32)
    return {"x": x, "edge_index": edge_index,
            "Wl1": Wl1, "Wr1": Wr1, "b1": b1, "g1": g1, "be1": be1,
            "Wl2": Wl2, "Wr2": Wr2, "b2": b2, "g2": g2, "be2": be2,
            "Wl3": Wl3, "Wr3": Wr3, "b3": b3}


def _sage_conv(x, edge_index, Wl, Wr, b):
    # PyG SAGEConv with aggr='mean': out = lin_l(mean_{j in N(i)} x_j) + lin_r(x_i)
    src = edge_index[0]
    dst = edge_index[1]
    msg = jnp.take(x, src, axis=0)
    summed = jax.ops.segment_sum(msg, dst, num_segments=N)
    deg = jax.ops.segment_sum(jnp.ones((edge_index.shape[1],), dtype=x.dtype), dst, num_segments=N)
    mean = summed / jnp.clip(deg, 1.0)[:, None]
    return mean @ Wl.T + b + x @ Wr.T


def _batchnorm(x, g, b, eps=1e-5):
    m = jnp.mean(x, axis=0)
    v = jnp.var(x, axis=0)
    return (x - m) / jnp.sqrt(v + eps) * g + b


def reference(x, edge_index, Wl1, Wr1, b1, g1, be1, Wl2, Wr2, b2, g2, be2, Wl3, Wr3, b3):
    # gnnScorer.forward: [SAGEConv -> BN -> ReLU -> Dropout(eval)] x (L-1) -> SAGEConv -> [N,1]
    h = _sage_conv(x, edge_index, Wl1, Wr1, b1)
    h = _batchnorm(h, g1, be1)
    h = jax.nn.relu(h)
    h = _sage_conv(h, edge_index, Wl2, Wr2, b2)
    h = _batchnorm(h, g2, be2)
    h = jax.nn.relu(h)
    out = _sage_conv(h, edge_index, Wl3, Wr3, b3)
    return out

if __name__ == "__main__":
    import jax
    _d = setup_inputs()
    print(jax.jit(kernel)(*tuple(_d.values())))

</pallas_src>

<mosaic_0001>
#map = affine_map<(d0, d1) -> (0, 0)>
#map1 = affine_map<(d0, d1) -> (0)>
module attributes {stable_mosaic.version = 14 : i64} {
  func.func @body(%arg0: i32, %arg1: i32, %arg2: memref<10000x128xf32, #tpu.memory_space<hbm>>, %arg3: memref<320000xi32, #tpu.memory_space<hbm>>, %arg4: memref<320000xi32, #tpu.memory_space<hbm>>, %arg5: memref<20000x128xf32, #tpu.memory_space<hbm>>, %arg6: memref<80xi32, #tpu.memory_space<vmem>>, %arg7: memref<80xi32, #tpu.memory_space<vmem>>, %arg8: memref<80xi32, #tpu.memory_space<vmem>>, %arg9: memref<80xi32, #tpu.memory_space<vmem>>, %arg10: memref<80xi32, #tpu.memory_space<vmem>>, %arg11: memref<80xi32, #tpu.memory_space<vmem>>, %arg12: memref<80x128xf32, #tpu.memory_space<vmem>>, %arg13: memref<80x128xf32, #tpu.memory_space<vmem>>, %arg14: memref<80x128xf32, #tpu.memory_space<vmem>>, %arg15: memref<78x128xf32, #tpu.memory_space<vmem>>, %arg16: memref<10000x128xf32, #tpu.memory_space<vmem_shared>>, %arg17: memref<!tpu.dma_semaphore, #tpu.memory_space<semaphore_mem>>, %arg18: memref<!tpu.dma_semaphore, #tpu.memory_space<semaphore_mem>>, %arg19: memref<!tpu.dma_semaphore, #tpu.memory_space<semaphore_mem>>, %arg20: memref<!tpu.dma_semaphore, #tpu.memory_space<semaphore_mem>>, %arg21: memref<!tpu.dma_semaphore, #tpu.memory_space<semaphore_mem>>, %arg22: memref<!tpu.dma_semaphore, #tpu.memory_space<semaphore_mem>>, %arg23: memref<!tpu.dma_semaphore, #tpu.memory_space<semaphore_mem>>, %arg24: memref<!tpu.dma_semaphore, #tpu.memory_space<semaphore_mem>>, %arg25: memref<!tpu.dma_semaphore, #tpu.memory_space<semaphore_mem>>) attributes {dimension_semantics = [#tpu.dimension_semantics<core_parallel>, #tpu.dimension_semantics<subcore_parallel>], iteration_bounds = array<i64: 2, 16>, scalar_prefetch = 0 : i64, scratch_operands = 20 : i64, tpu.core_type = #tpu.core_type<sc_vector_subcore>, window_params = [{transform_indices = #map}, {transform_indices = #map1}, {transform_indices = #map1}, {transform_indices = #map}]} {
    %mul3A = arith.constant 16 : i32
    %mul3A_0 = arith.muli %arg0, %mul3A : i32
    %add3A = arith.addi %mul3A_0, %arg1 : i32
    %mul3A_1 = arith.constant 624 : i32
    %mul3A_2 = arith.muli %arg1, %mul3A_1 : i32
    %broadcast_in_dim3A = arith.constant 0.000000e+00 : f32
    %broadcast_in_dim3A_3 = vector.broadcast %broadcast_in_dim3A : f32 to vector<16xf32>
    %scan3A = arith.constant 0 : i32
    %scan3A_4 = arith.constant 0 : i32
    %scan3A_5 = arith.constant 78 : i32
    %scan3A_6 = arith.addi %scan3A_4, %scan3A_5 : i32
    %scan3A_7 = arith.constant 1 : i32
    scf.for %scan3A_93 = %scan3A_4 to %scan3A_6 step %scan3A_7  : i32 {
      %swap3A = arith.index_cast %scan3A_93 : i32 to index
      %swap3A_94 = arith.constant 0 : index
      %swap3A_95 = tpu.vector_load %arg15[%swap3A, %swap3A_94] {strides = array<i32>} : memref<78x128xf32, #tpu.memory_space<vmem>>, vector<1x16xf32>,
      %swap3A_96 = vector.shape_cast %swap3A_95 : vector<1x16xf32> to vector<16xf32>
      %swap3A_97 = vector.shape_cast %broadcast_in_dim3A_3 : vector<16xf32> to vector<1x16xf32>
      tpu.vector_store %arg15[%swap3A, %swap3A_94], %swap3A_97 {strides = array<i32>} : memref<78x128xf32, #tpu.memory_space<vmem>>, vector<1x16xf32>,
      %swap3A_98 = arith.index_cast %scan3A_93 : i32 to index
      %swap3A_99 = arith.constant 16 : index
      %swap3A_100 = tpu.vector_load %arg15[%swap3A_98, %swap3A_99] {strides = array<i32>} : memref<78x128xf32, #tpu.memory_space<vmem>>, vector<1x16xf32>,
      %swap3A_101 = vector.shape_cast %swap3A_100 : vector<1x16xf32> to vector<16xf32>
      %swap3A_102 = vector.shape_cast %broadcast_in_dim3A_3 : vector<16xf32> to vector<1x16xf32>
      tpu.vector_store %arg15[%swap3A_98, %swap3A_99], %swap3A_102 {strides = array<i32>} : memref<78x128xf32, #tpu.memory_space<vmem>>, vector<1x16xf32>,
      %swap3A_103 = arith.index_cast %scan3A_93 : i32 to index
      %swap3A_104 = arith.constant 32 : index
      %swap3A_105 = tpu.vector_load %arg15[%swap3A_103, %swap3A_104] {strides = array<i32>} : memref<78x128xf32, #tpu.memory_space<vmem>>, vector<1x16xf32>,
      %swap3A_106 = vector.shape_cast %swap3A_105 : vector<1x16xf32> to vector<16xf32>
      %swap3A_107 = vector.shape_cast %broadcast_in_dim3A_3 : vector<16xf32> to vector<1x16xf32>
      tpu.vector_store %arg15[%swap3A_103, %swap3A_104], %swap3A_107 {strides = array<i32>} : memref<78x128xf32, #tpu.memory_space<vmem>>, vector<1x16xf32>,
      %swap3A_108 = arith.index_cast %scan3A_93 : i32 to index
      %swap3A_109 = arith.constant 48 : index
      %swap3A_110 = tpu.vector_load %arg15[%swap3A_108, %swap3A_109] {strides = array<i32>} : memref<78x128xf32, #tpu.memory_space<vmem>>, vector<1x16xf32>,
      %swap3A_111 = vector.shape_cast %swap3A_110 : vector<1x16xf32> to vector<16xf32>
      %swap3A_112 = vector.shape_cast %broadcast_in_dim3A_3 : vector<16xf32> to vector<1x16xf32>
      tpu.vector_store %arg15[%swap3A_108, %swap3A_109], %swap3A_112 {strides = array<i32>} : memref<78x128xf32, #tpu.memory_space<vmem>>, vector<1x16xf32>,
      %swap3A_113 = arith.index_cast %scan3A_93 : i32 to index
      %swap3A_114 = arith.constant 64 : index
      %swap3A_115 = tpu.vector_load %arg15[%swap3A_113, %swap3A_114] {strides = array<i32>} : memref<78x128xf32, #tpu.memory_space<vmem>>, vector<1x16xf32>,
      %swap3A_116 = vector.shape_cast %swap3A_115 : vector<1x16xf32> to vector<16xf32>
      %swap3A_117 = vector.shape_cast %broadcast_in_dim3A_3 : vector<16xf32> to vector<1x16xf32>
      tpu.vector_store %arg15[%swap3A_113, %swap3A_114], %swap3A_117 {strides = array<i32>} : memref<78x128xf32, #tpu.memory_space<vmem>>, vector<1x16xf32>,
      %swap3A_118 = arith.index_cast %scan3A_93 : i32 to index
      %swap3A_119 = arith.constant 80 : index
      %swap3A_120 = tpu.vector_load %arg15[%swap3A_118, %swap3A_119] {strides = array<i32>} : memref<78x128xf32, #tpu.memory_space<vmem>>, vector<1x16xf32>,
      %swap3A_121 = vector.shape_cast %swap3A_120 : vector<1x16xf32> to vector<16xf32>
      %swap3A_122 = vector.shape_cast %broadcast_in_dim3A_3 : vector<16xf32> to vector<1x16xf32>
      tpu.vector_store %arg15[%swap3A_118, %swap3A_119], %swap3A_122 {strides = array<i32>} : memref<78x128xf32, #tpu.memory_space<vmem>>, vector<1x16xf32>,
      %swap3A_123 = arith.index_cast %scan3A_93 : i32 to index
      %swap3A_124 = arith.constant 96 : index
      %swap3A_125 = tpu.vector_load %arg15[%swap3A_123, %swap3A_124] {strides = array<i32>} : memref<78x128xf32, #tpu.memory_space<vmem>>, vector<1x16xf32>,
      %swap3A_126 = vector.shape_cast %swap3A_125 : vector<1x16xf32> to vector<16xf32>
      %swap3A_127 = vector.shape_cast %broadcast_in_dim3A_3 : vector<16xf32> to vector<1x16xf32>
      tpu.vector_store %arg15[%swap3A_123, %swap3A_124], %swap3A_127 {strides = array<i32>} : memref<78x128xf32, #tpu.memory_space<vmem>>, vector<1x16xf32>,
      %swap3A_128 = arith.index_cast %scan3A_93 : i32 to index
      %swap3A_129 = arith.constant 112 : index
      %swap3A_130 = tpu.vector_load %arg15[%swap3A_128, %swap3A_129] {strides = array<i32>} : memref<78x128xf32, #tpu.memory_space<vmem>>, vector<1x16xf32>,
      %swap3A_131 = vector.shape_cast %swap3A_130 : vector<1x16xf32> to vector<16xf32>
      %swap3A_132 = vector.shape_cast %broadcast_in_dim3A_3 : vector<16xf32> to vector<1x16xf32>
      tpu.vector_store %arg15[%swap3A_128, %swap3A_129], %swap3A_132 {strides = array<i32>} : memref<78x128xf32, #tpu.memory_space<vmem>>, vector<1x16xf32>,
    }
    %scan3A_8 = arith.constant 78 : i32
    %add3A_9 = arith.constant 0 : i32
    %add3A_10 = arith.addi %mul3A_2, %add3A_9 : i32
    "tpu.region"() ({
      %run_scoped3A = tpu.sem_alloc : memref<!tpu.dma_semaphore, #tpu.memory_space<semaphore_mem>>
      %dma_start3A_93 = arith.constant 0 : i32
      %dma_start3A_94 = tpu.memref_slice %arg16[%add3A_10, %dma_start3A_93] : memref<10000x128xf32, #tpu.memory_space<vmem_shared>> -> memref<78x128xf32, #tpu.memory_space<vmem_shared>>
      %dma_start3A_95 = arith.constant 0 : i32
      %dma_start3A_96 = tpu.memref_slice %arg16[%add3A_10, %dma_start3A_95] : memref<10000x128xf32, #tpu.memory_space<vmem_shared>> -> memref<78x128xf32, #tpu.memory_space<vmem_shared>>
      tpu.enqueue_dma source(%arg15 : memref<78x128xf32, #tpu.memory_space<vmem>>) target(%dma_start3A_96 : memref<78x128xf32, #tpu.memory_space<vmem_shared>>) target_semaphore(%run_scoped3A : memref<!tpu.dma_semaphore, #tpu.memory_space<semaphore_mem>>)
      %dma_wait3A_97 = arith.constant 0 : i32
      %dma_wait3A_98 = tpu.memref_slice %arg16[%add3A_10, %dma_wait3A_97] : memref<10000x128xf32, #tpu.memory_space<vmem_shared>> -> memref<78x128xf32, #tpu.memory_space<vmem_shared>>
      %dma_wait3A_99 = arith.constant 0 : i32
      %dma_wait3A_100 = tpu.memref_slice %arg16[%add3A_10, %dma_wait3A_99] : memref<10000x128xf32, #tpu.memory_space<vmem_shared>> -> memref<78x128xf32, #tpu.memory_space<vmem_shared>>
      tpu.wait_dma2 semaphore(%run_scoped3A : memref<!tpu.dma_semaphore, #tpu.memory_space<semaphore_mem>>) src(%arg15 : memref<78x128xf32, #tpu.memory_space<vmem>>) dst(%dma_wait3A_100 : memref<78x128xf32, #tpu.memory_space<vmem_shared>>)
      tpu.yield
    }) : () -> ()
    %add3A_11 = arith.constant 78 : i32
    %add3A_12 = arith.addi %mul3A_2, %add3A_11 : i32
    "tpu.region"() ({
      %run_scoped3A = tpu.sem_alloc : memref<!tpu.dma_semaphore, #tpu.memory_space<semaphore_mem>>
      %dma_start3A_93 = arith.constant 0 : i32
      %dma_start3A_94 = tpu.memref_slice %arg16[%add3A_12, %dma_start3A_93] : memref<10000x128xf32, #tpu.memory_space<vmem_shared>> -> memref<78x128xf32, #tpu.memory_space<vmem_shared>>
      %dma_start3A_95 = arith.constant 0 : i32
      %dma_start3A_96 = tpu.memref_slice %arg16[%add3A_12, %dma_start3A_95] : memref<10000x128xf32, #tpu.memory_space<vmem_shared>> -> memref<78x128xf32, #tpu.memory_space<vmem_shared>>
      tpu.enqueue_dma source(%arg15 : memref<78x128xf32, #tpu.memory_space<vmem>>) target(%dma_start3A_96 : memref<78x128xf32, #tpu.memory_space<vmem_shared>>) target_semaphore(%run_scoped3A : memref<!tpu.dma_semaphore, #tpu.memory_space<semaphore_mem>>)
      %dma_wait3A_97 = arith.constant 0 : i32
      %dma_wait3A_98 = tpu.memref_slice %arg16[%add3A_12, %dma_wait3A_97] : memref<10000x128xf32, #tpu.memory_space<vmem_shared>> -> memref<78x128xf32, #tpu.memory_space<vmem_shared>>
      %dma_wait3A_99 = arith.constant 0 : i32
      %dma_wait3A_100 = tpu.memref_slice %arg16[%add3A_12, %dma_wait3A_99] : memref<10000x128xf32, #tpu.memory_space<vmem_shared>> -> memref<78x128xf32, #tpu.memory_space<vmem_shared>>
      tpu.wait_dma2 semaphore(%run_scoped3A : memref<!tpu.dma_semaphore, #tpu.memory_space<semaphore_mem>>) src(%arg15 : memref<78x128xf32, #tpu.memory_space<vmem>>) dst(%dma_wait3A_100 : memref<78x128xf32, #tpu.memory_space<vmem_shared>>)
      tpu.yield
    }) : () -> ()
    %add3A_13 = arith.constant 156 : i32
    %add3A_14 = arith.addi %mul3A_2, %add3A_13 : i32
    "tpu.region"() ({
      %run_scoped3A = tpu.sem_alloc : memref<!tpu.dma_semaphore, #tpu.memory_space<semaphore_mem>>
      %dma_start3A_93 = arith.constant 0 : i32
      %dma_start3A_94 = tpu.memref_slice %arg16[%add3A_14, %dma_start3A_93] : memref<10000x128xf32, #tpu.memory_space<vmem_shared>> -> memref<78x128xf32, #tpu.memory_space<vmem_shared>>
      %dma_start3A_95 = arith.constant 0 : i32
      %dma_start3A_96 = tpu.memref_slice %arg16[%add3A_14, %dma_start3A_95] : memref<10000x128xf32, #tpu.memory_space<vmem_shared>> -> memref<78x128xf32, #tpu.memory_space<vmem_shared>>
      tpu.enqueue_dma source(%arg15 : memref<78x128xf32, #tpu.memory_space<vmem>>) target(%dma_start3A_96 : memref<78x128xf32, #tpu.memory_space<vmem_shared>>) target_semaphore(%run_scoped3A : memref<!tpu.dma_semaphore, #tpu.memory_space<semaphore_mem>>)
      %dma_wait3A_97 = arith.constant 0 : i32
      %dma_wait3A_98 = tpu.memref_slice %arg16[%add3A_14, %dma_wait3A_97] : memref<10000x128xf32, #tpu.memory_space<vmem_shared>> -> memref<78x128xf32, #tpu.memory_space<vmem_shared>>
      %dma_wait3A_99 = arith.constant 0 : i32
      %dma_wait3A_100 = tpu.memref_slice %arg16[%add3A_14, %dma_wait3A_99] : memref<10000x128xf32, #tpu.memory_space<vmem_shared>> -> memref<78x128xf32, #tpu.memory_space<vmem_shared>>
      tpu.wait_dma2 semaphore(%run_scoped3A : memref<!tpu.dma_semaphore, #tpu.memory_space<semaphore_mem>>) src(%arg15 : memref<78x128xf32, #tpu.memory_space<vmem>>) dst(%dma_wait3A_100 : memref<78x128xf32, #tpu.memory_space<vmem_shared>>)
      tpu.yield
    }) : () -> ()
    %add3A_15 = arith.constant 234 : i32
    %add3A_16 = arith.addi %mul3A_2, %add3A_15 : i32
    "tpu.region"() ({
      %run_scoped3A = tpu.sem_alloc : memref<!tpu.dma_semaphore, #tpu.memory_space<semaphore_mem>>
      %dma_start3A_93 = arith.constant 0 : i32
      %dma_start3A_94 = tpu.memref_slice %arg16[%add3A_16, %dma_start3A_93] : memref<10000x128xf32, #tpu.memory_space<vmem_shared>> -> memref<78x128xf32, #tpu.memory_space<vmem_shared>>
      %dma_start3A_95 = arith.constant 0 : i32
      %dma_start3A_96 = tpu.memref_slice %arg16[%add3A_16, %dma_start3A_95] : memref<10000x128xf32, #tpu.memory_space<vmem_shared>> -> memref<78x128xf32, #tpu.memory_space<vmem_shared>>
      tpu.enqueue_dma source(%arg15 : memref<78x128xf32, #tpu.memory_space<vmem>>) target(%dma_start3A_96 : memref<78x128xf32, #tpu.memory_space<vmem_shared>>) target_semaphore(%run_scoped3A : memref<!tpu.dma_semaphore, #tpu.memory_space<semaphore_mem>>)
      %dma_wait3A_97 = arith.constant 0 : i32
      %dma_wait3A_98 = tpu.memref_slice %arg16[%add3A_16, %dma_wait3A_97] : memref<10000x128xf32, #tpu.memory_space<vmem_shared>> -> memref<78x128xf32, #tpu.memory_space<vmem_shared>>
      %dma_wait3A_99 = arith.constant 0 : i32
      %dma_wait3A_100 = tpu.memref_slice %arg16[%add3A_16, %dma_wait3A_99] : memref<10000x128xf32, #tpu.memory_space<vmem_shared>> -> memref<78x128xf32, #tpu.memory_space<vmem_shared>>
      tpu.wait_dma2 semaphore(%run_scoped3A : memref<!tpu.dma_semaphore, #tpu.memory_space<semaphore_mem>>) src(%arg15 : memref<78x128xf32, #tpu.memory_space<vmem>>) dst(%dma_wait3A_100 : memref<78x128xf32, #tpu.memory_space<vmem_shared>>)
      tpu.yield
    }) : () -> ()
    %add3A_17 = arith.constant 312 : i32
    %add3A_18 = arith.addi %mul3A_2, %add3A_17 : i32
    "tpu.region"() ({
      %run_scoped3A = tpu.sem_alloc : memref<!tpu.dma_semaphore, #tpu.memory_space<semaphore_mem>>
      %dma_start3A_93 = arith.constant 0 : i32
      %dma_start3A_94 = tpu.memref_slice %arg16[%add3A_18, %dma_start3A_93] : memref<10000x128xf32, #tpu.memory_space<vmem_shared>> -> memref<78x128xf32, #tpu.memory_space<vmem_shared>>
      %dma_start3A_95 = arith.constant 0 : i32
      %dma_start3A_96 = tpu.memref_slice %arg16[%add3A_18, %dma_start3A_95] : memref<10000x128xf32, #tpu.memory_space<vmem_shared>> -> memref<78x128xf32, #tpu.memory_space<vmem_shared>>
      tpu.enqueue_dma source(%arg15 : memref<78x128xf32, #tpu.memory_space<vmem>>) target(%dma_start3A_96 : memref<78x128xf32, #tpu.memory_space<vmem_shared>>) target_semaphore(%run_scoped3A : memref<!tpu.dma_semaphore, #tpu.memory_space<semaphore_mem>>)
      %dma_wait3A_97 = arith.constant 0 : i32
      %dma_wait3A_98 = tpu.memref_slice %arg16[%add3A_18, %dma_wait3A_97] : memref<10000x128xf32, #tpu.memory_space<vmem_shared>> -> memref<78x128xf32, #tpu.memory_space<vmem_shared>>
      %dma_wait3A_99 = arith.constant 0 : i32
      %dma_wait3A_100 = tpu.memref_slice %arg16[%add3A_18, %dma_wait3A_99] : memref<10000x128xf32, #tpu.memory_space<vmem_shared>> -> memref<78x128xf32, #tpu.memory_space<vmem_shared>>
      tpu.wait_dma2 semaphore(%run_scoped3A : memref<!tpu.dma_semaphore, #tpu.memory_space<semaphore_mem>>) src(%arg15 : memref<78x128xf32, #tpu.memory_space<vmem>>) dst(%dma_wait3A_100 : memref<78x128xf32, #tpu.memory_space<vmem_shared>>)
      tpu.yield
    }) : () -> ()
    %add3A_19 = arith.constant 390 : i32
    %add3A_20 = arith.addi %mul3A_2, %add3A_19 : i32
    "tpu.region"() ({
      %run_scoped3A = tpu.sem_alloc : memref<!tpu.dma_semaphore, #tpu.memory_space<semaphore_mem>>
      %dma_start3A_93 = arith.constant 0 : i32
      %dma_start3A_94 = tpu.memref_slice %arg16[%add3A_20, %dma_start3A_93] : memref<10000x128xf32, #tpu.memory_space<vmem_shared>> -> memref<78x128xf32, #tpu.memory_space<vmem_shared>>
      %dma_start3A_95 = arith.constant 0 : i32
      %dma_start3A_96 = tpu.memref_slice %arg16[%add3A_20, %dma_start3A_95] : memref<10000x128xf32, #tpu.memory_space<vmem_shared>> -> memref<78x128xf32, #tpu.memory_space<vmem_shared>>
      tpu.enqueue_dma source(%arg15 : memref<78x128xf32, #tpu.memory_space<vmem>>) target(%dma_start3A_96 : memref<78x128xf32, #tpu.memory_space<vmem_shared>>) target_semaphore(%run_scoped3A : memref<!tpu.dma_semaphore, #tpu.memory_space<semaphore_mem>>)
      %dma_wait3A_97 = arith.constant 0 : i32
      %dma_wait3A_98 = tpu.memref_slice %arg16[%add3A_20, %dma_wait3A_97] : memref<10000x128xf32, #tpu.memory_space<vmem_shared>> -> memref<78x128xf32, #tpu.memory_space<vmem_shared>>
      %dma_wait3A_99 = arith.constant 0 : i32
      %dma_wait3A_100 = tpu.memref_slice %arg16[%add3A_20, %dma_wait3A_99] : memref<10000x128xf32, #tpu.memory_space<vmem_shared>> -> memref<78x128xf32, #tpu.memory_space<vmem_shared>>
      tpu.wait_dma2 semaphore(%run_scoped3A : memref<!tpu.dma_semaphore, #tpu.memory_space<semaphore_mem>>) src(%arg15 : memref<78x128xf32, #tpu.memory_space<vmem>>) dst(%dma_wait3A_100 : memref<78x128xf32, #tpu.memory_space<vmem_shared>>)
      tpu.yield
    }) : () -> ()
    %add3A_21 = arith.constant 468 : i32
    %add3A_22 = arith.addi %mul3A_2, %add3A_21 : i32
    "tpu.region"() ({
      %run_scoped3A = tpu.sem_alloc : memref<!tpu.dma_semaphore, #tpu.memory_space<semaphore_mem>>
      %dma_start3A_93 = arith.constant 0 : i32
      %dma_start3A_94 = tpu.memref_slice %arg16[%add3A_22, %dma_start3A_93] : memref<10000x128xf32, #tpu.memory_space<vmem_shared>> -> memref<78x128xf32, #tpu.memory_space<vmem_shared>>
      %dma_start3A_95 = arith.constant 0 : i32
      %dma_start3A_96 = tpu.memref_slice %arg16[%add3A_22, %dma_start3A_95] : memref<10000x128xf32, #tpu.memory_space<vmem_shared>> -> memref<78x128xf32, #tpu.memory_space<vmem_shared>>
      tpu.enqueue_dma source(%arg15 : memref<78x128xf32, #tpu.memory_space<vmem>>) target(%dma_start3A_96 : memref<78x128xf32, #tpu.memory_space<vmem_shared>>) target_semaphore(%run_scoped3A : memref<!tpu.dma_semaphore, #tpu.memory_space<semaphore_mem>>)
      %dma_wait3A_97 = arith.constant 0 : i32
      %dma_wait3A_98 = tpu.memref_slice %arg16[%add3A_22, %dma_wait3A_97] : memref<10000x128xf32, #tpu.memory_space<vmem_shared>> -> memref<78x128xf32, #tpu.memory_space<vmem_shared>>
      %dma_wait3A_99 = arith.constant 0 : i32
      %dma_wait3A_100 = tpu.memref_slice %arg16[%add3A_22, %dma_wait3A_99] : memref<10000x128xf32, #tpu.memory_space<vmem_shared>> -> memref<78x128xf32, #tpu.memory_space<vmem_shared>>
      tpu.wait_dma2 semaphore(%run_scoped3A : memref<!tpu.dma_semaphore, #tpu.memory_space<semaphore_mem>>) src(%arg15 : memref<78x128xf32, #tpu.memory_space<vmem>>) dst(%dma_wait3A_100 : memref<78x128xf32, #tpu.memory_space<vmem_shared>>)
      tpu.yield
    }) : () -> ()
    %add3A_23 = arith.constant 546 : i32
    %add3A_24 = arith.addi %mul3A_2, %add3A_23 : i32
    "tpu.region"() ({
      %run_scoped3A = tpu.sem_alloc : memref<!tpu.dma_semaphore, #tpu.memory_space<semaphore_mem>>
      %dma_start3A_93 = arith.constant 0 : i32
      %dma_start3A_94 = tpu.memref_slice %arg16[%add3A_24, %dma_start3A_93] : memref<10000x128xf32, #tpu.memory_space<vmem_shared>> -> memref<78x128xf32, #tpu.memory_space<vmem_shared>>
      %dma_start3A_95 = arith.constant 0 : i32
      %dma_start3A_96 = tpu.memref_slice %arg16[%add3A_24, %dma_start3A_95] : memref<10000x128xf32, #tpu.memory_space<vmem_shared>> -> memref<78x128xf32, #tpu.memory_space<vmem_shared>>
      tpu.enqueue_dma source(%arg15 : memref<78x128xf32, #tpu.memory_space<vmem>>) target(%dma_start3A_96 : memref<78x128xf32, #tpu.memory_space<vmem_shared>>) target_semaphore(%run_scoped3A : memref<!tpu.dma_semaphore, #tpu.memory_space<semaphore_mem>>)
      %dma_wait3A_97 = arith.constant 0 : i32
      %dma_wait3A_98 = tpu.memref_slice %arg16[%add3A_24, %dma_wait3A_97] : memref<10000x128xf32, #tpu.memory_space<vmem_shared>> -> memref<78x128xf32, #tpu.memory_space<vmem_shared>>
      %dma_wait3A_99 = arith.constant 0 : i32
      %dma_wait3A_100 = tpu.memref_slice %arg16[%add3A_24, %dma_wait3A_99] : memref<10000x128xf32, #tpu.memory_space<vmem_shared>> -> memref<78x128xf32, #tpu.memory_space<vmem_shared>>
      tpu.wait_dma2 semaphore(%run_scoped3A : memref<!tpu.dma_semaphore, #tpu.memory_space<semaphore_mem>>) src(%arg15 : memref<78x128xf32, #tpu.memory_space<vmem>>) dst(%dma_wait3A_100 : memref<78x128xf32, #tpu.memory_space<vmem_shared>>)
      tpu.yield
    }) : () -> ()
    %eq3A = arith.constant 15 : i32
    %eq3A_25 = arith.cmpi eq, %arg1, %eq3A : i32
    %convert_element_type3A = arith.extui %eq3A_25 : i1 to i32
    %cond3A = arith.constant 0 : i32
    %cond3A_26 = arith.cmpi ne, %convert_element_type3A, %cond3A : i32
    scf.if %cond3A_26 {
      "tpu.region"() ({
        %run_scoped3A = tpu.sem_alloc : memref<!tpu.dma_semaphore, #tpu.memory_space<semaphore_mem>>
        %dma_start3A_93 = arith.constant 0 : i32
        %dma_start3A_94 = arith.constant 0 : i32
        %dma_start3A_95 = tpu.memref_slice %arg15[%dma_start3A_93, %dma_start3A_94] : memref<78x128xf32, #tpu.memory_space<vmem>> -> memref<16x128xf32, #tpu.memory_space<vmem>>
        %dma_start3A_96 = arith.constant 9984 : i32
        %dma_start3A_97 = arith.constant 0 : i32
        %dma_start3A_98 = tpu.memref_slice %arg16[%dma_start3A_96, %dma_start3A_97] : memref<10000x128xf32, #tpu.memory_space<vmem_shared>> -> memref<16x128xf32, #tpu.memory_space<vmem_shared>>
        %dma_start3A_99 = arith.constant 9984 : i32
        %dma_start3A_100 = arith.constant 0 : i32
        %dma_start3A_101 = tpu.memref_slice %arg16[%dma_start3A_99, %dma_start3A_100] : memref<10000x128xf32, #tpu.memory_space<vmem_shared>> -> memref<16x128xf32, #tpu.memory_space<vmem_shared>>
        %dma_start3A_102 = arith.constant 0 : i32
        %dma_start3A_103 = arith.constant 0 : i32
        %dma_start3A_104 = tpu.memref_slice %arg15[%dma_start3A_102, %dma_start3A_103] : memref<78x128xf32, #tpu.memory_space<vmem>> -> memref<16x128xf32, #tpu.memory_space<vmem>>
        tpu.enqueue_dma source(%dma_start3A_104 : memref<16x128xf32, #tpu.memory_space<vmem>>) target(%dma_start3A_101 : memref<16x128xf32, #tpu.memory_space<vmem_shared>>) target_semaphore(%run_scoped3A : memref<!tpu.dma_semaphore, #tpu.memory_space<semaphore_mem>>)
        %dma_wait3A_105 = arith.constant 0 : i32
        %dma_wait3A_106 = arith.constant 0 : i32
        %dma_wait3A_107 = tpu.memref_slice %arg15[%dma_wait3A_105, %dma_wait3A_106] : memref<78x128xf32, #tpu.memory_space<vmem>> -> memref<16x128xf32, #tpu.memory_space<vmem>>
        %dma_wait3A_108 = arith.constant 9984 : i32
        %dma_wait3A_109 = arith.constant 0 : i32
        %dma_wait3A_110 = tpu.memref_slice %arg16[%dma_wait3A_108, %dma_wait3A_109] : memref<10000x128xf32, #tpu.memory_space<vmem_shared>> -> memref<16x128xf32, #tpu.memory_space<vmem_shared>>
        %dma_wait3A_111 = arith.constant 9984 : i32
        %dma_wait3A_112 = arith.constant 0 : i32
        %dma_wait3A_113 = tpu.memref_slice %arg16[%dma_wait3A_111, %dma_wait3A_112] : memref<10000x128xf32, #tpu.memory_space<vmem_shared>> -> memref<16x128xf32, #tpu.memory_space<vmem_shared>>
        %dma_wait3A_114 = arith.constant 0 : i32
        %dma_wait3A_115 = arith.constant 0 : i32
        %dma_wait3A_116 = tpu.memref_slice %arg15[%dma_wait3A_114, %dma_wait3A_115] : memref<78x128xf32, #tpu.memory_space<vmem>> -> memref<16x128xf32, #tpu.memory_space<vmem>>
        tpu.wait_dma2 semaphore(%run_scoped3A : memref<!tpu.dma_semaphore, #tpu.memory_space<semaphore_mem>>) src(%dma_wait3A_116 : memref<16x128xf32, #tpu.memory_space<vmem>>) dst(%dma_wait3A_113 : memref<16x128xf32, #tpu.memory_space<vmem_shared>>)
        tpu.yield
      }) : () -> ()
    } else {
    }
    %barrier3A = arith.constant 0 : index
    tpu.barrier barrier_id(%barrier3A)
    %mul3A_27 = arith.constant 10000 : i32
    %mul3A_28 = arith.muli %add3A, %mul3A_27 : i32
    %add3A_29 = arith.constant 0 : i32
    %add3A_30 = arith.addi %mul3A_28, %add3A_29 : i32
    %dma_start3A = tpu.memref_slice %arg3[%add3A_30] : memref<320000xi32, #tpu.memory_space<hbm>> -> memref<80xi32, #tpu.memory_space<hbm>>
    %dma_start3A_31 = tpu.memref_slice %arg3[%add3A_30] : memref<320000xi32, #tpu.memory_space<hbm>> -> memref<80xi32, #tpu.memory_space<hbm>>
    tpu.enqueue_dma source(%dma_start3A_31 : memref<80xi32, #tpu.memory_space<hbm>>) target(%arg6 : memref<80xi32, #tpu.memory_space<vmem>>) target_semaphore(%arg20 : memref<!tpu.dma_semaphore, #tpu.memory_space<semaphore_mem>>)
    %dma_start3A_32 = tpu.memref_slice %arg4[%add3A_30] : memref<320000xi32, #tpu.memory_space<hbm>> -> memref<80xi32, #tpu.memory_space<hbm>>
    %dma_start3A_33 = tpu.memref_slice %arg4[%add3A_30] : memref<320000xi32, #tpu.memory_space<hbm>> -> memref<80xi32, #tpu.memory_space<hbm>>
    tpu.enqueue_dma source(%dma_start3A_33 : memref<80xi32, #tpu.memory_space<hbm>>) target(%arg9 : memref<80xi32, #tpu.memory_space<vmem>>) target_semaphore(%arg20 : memref<!tpu.dma_semaphore, #tpu.memory_space<semaphore_mem>>)
    %add3A_34 = arith.constant 80 : i32
    %add3A_35 = arith.addi %mul3A_28, %add3A_34 : i32
    %dma_start3A_36 = tpu.memref_slice %arg3[%add3A_35] : memref<320000xi32, #tpu.memory_space<hbm>> -> memref<80xi32, #tpu.memory_space<hbm>>
    %dma_start3A_37 = tpu.memref_slice %arg3[%add3A_35] : memref<320000xi32, #tpu.memory_space<hbm>> -> memref<80xi32, #tpu.memory_space<hbm>>
    tpu.enqueue_dma source(%dma_start3A_37 : memref<80xi32, #tpu.memory_space<hbm>>) target(%arg7 : memref<80xi32, #tpu.memory_space<vmem>>) target_semaphore(%arg21 : memref<!tpu.dma_semaphore, #tpu.memory_space<semaphore_mem>>)
    %dma_start3A_38 = tpu.memref_slice %arg4[%add3A_35] : memref<320000xi32, #tpu.memory_space<hbm>> -> memref<80xi32, #tpu.memory_space<hbm>>
    %dma_start3A_39 = tpu.memref_slice %arg4[%add3A_35] : memref<320000xi32, #tpu.memory_space<hbm>> -> memref<80xi32, #tpu.memory_space<hbm>>
    tpu.enqueue_dma source(%dma_start3A_39 : memref<80xi32, #tpu.memory_space<hbm>>) target(%arg10 : memref<80xi32, #tpu.memory_space<vmem>>) target_semaphore(%arg21 : memref<!tpu.dma_semaphore, #tpu.memory_space<semaphore_mem>>)
    %add3A_40 = arith.constant 0 : i32
    %add3A_41 = arith.addi %mul3A_28, %add3A_40 : i32
    %dma_wait3A = tpu.memref_slice %arg3[%add3A_41] : memref<320000xi32, #tpu.memory_space<hbm>> -> memref<80xi32, #tpu.memory_space<hbm>>
    %dma_wait3A_42 = tpu.memref_slice %arg3[%add3A_41] : memref<320000xi32, #tpu.memory_space<hbm>> -> memref<80xi32, #tpu.memory_space<hbm>>
    tpu.wait_dma2 semaphore(%arg20 : memref<!tpu.dma_semaphore, #tpu.memory_space<semaphore_mem>>) src(%dma_wait3A_42 : memref<80xi32, #tpu.memory_space<hbm>>) dst(%arg6 : memref<80xi32, #tpu.memory_space<vmem>>)
    %dma_wait3A_43 = tpu.memref_slice %arg4[%add3A_41] : memref<320000xi32, #tpu.memory_space<hbm>> -> memref<80xi32, #tpu.memory_space<hbm>>
    %dma_wait3A_44 = tpu.memref_slice %arg4[%add3A_41] : memref<320000xi32, #tpu.memory_space<hbm>> -> memref<80xi32, #tpu.memory_space<hbm>>
    tpu.wait_dma2 semaphore(%arg20 : memref<!tpu.dma_semaphore, #tpu.memory_space<semaphore_mem>>) src(%dma_wait3A_44 : memref<80xi32, #tpu.memory_space<hbm>>) dst(%arg9 : memref<80xi32, #tpu.memory_space<vmem>>)
    %dma_start3A_45 = arith.constant 0 : i32
    %dma_start3A_46 = arith.constant 0 : i32
    %dma_start3A_47 = tpu.memref_slice %arg2[%dma_start3A_45, %dma_start3A_46] : memref<10000x128xf32, #tpu.memory_space<hbm>> -> memref<10000x128xf32, #tpu.memory_space<hbm>>
    tpu.enqueue_indirect_dma source(%dma_start3A_47 : memref<10000x128xf32, #tpu.memory_space<hbm>>) target(%arg12 : memref<80x128xf32, #tpu.memory_space<vmem>>) offsets(%arg6 : memref<80xi32, #tpu.memory_space<vmem>>) semaphore(%arg17 : memref<!tpu.dma_semaphore, #tpu.memory_space<semaphore_mem>>)
    %scan3A_48 = arith.constant 0 : i32
    %scan3A_49 = arith.constant 0 : i32
    %scan3A_50 = arith.constant 41 : i32
    %scan3A_51 = arith.addi %scan3A_49, %scan3A_50 : i32
    %scan3A_52 = arith.constant 1 : i32
    scf.for %scan3A_93 = %scan3A_49 to %scan3A_51 step %scan3A_52  : i32 {
      %mul3A_94 = arith.constant 3 : i32
      %mul3A_95 = arith.muli %mul3A_94, %scan3A_93 : i32
      %add3A_96 = arith.constant 0 : i32
      %add3A_97 = arith.addi %mul3A_95, %add3A_96 : i32
      %ge3A = arith.constant 1 : i32
      %ge3A_98 = arith.cmpi sge, %add3A_97, %ge3A : i32
      %convert_element_type3A_99 = arith.extui %ge3A_98 : i1 to i32
      %cond3A_100 = arith.constant 0 : i32
      %cond3A_101 = arith.cmpi ne, %convert_element_type3A_99, %cond3A_100 : i32
      scf.if %cond3A_101 {
        %dma_wait3A_179 = arith.constant 0 : i32
        %dma_wait3A_180 = arith.constant 0 : i32
        %dma_wait3A_181 = tpu.memref_slice %arg16[%dma_wait3A_179, %dma_wait3A_180] : memref<10000x128xf32, #tpu.memory_space<vmem_shared>> -> memref<10000x128xf32, #tpu.memory_space<vmem_shared>>
        tpu.wait_indirect_dma semaphore(%arg25 : memref<!tpu.dma_semaphore, #tpu.memory_space<semaphore_mem>>) src(%arg14 : memref<80x128xf32, #tpu.memory_space<vmem>>) dst(%dma_wait3A_181 : memref<10000x128xf32, #tpu.memory_space<vmem_shared>>)
      } else {
      }
      %add3A_102 = arith.constant 2 : i32
      %add3A_103 = arith.addi %add3A_97, %add3A_102 : i32
      %lt3A = arith.constant 125 : i32
      %lt3A_104 = arith.cmpi slt, %add3A_103, %lt3A : i32
      %convert_element_type3A_105 = arith.extui %lt3A_104 : i1 to i32
      %cond3A_106 = arith.constant 0 : i32
      %cond3A_107 = arith.cmpi ne, %convert_element_type3A_105, %cond3A_106 : i32
      scf.if %cond3A_107 {
        %add3A_179 = arith.constant 2 : i32
        %add3A_180 = arith.addi %add3A_97, %add3A_179 : i32
        %mul3A_181 = arith.constant 80 : i32
        %mul3A_182 = arith.muli %add3A_180, %mul3A_181 : i32
        %add3A_183 = arith.addi %mul3A_28, %mul3A_182 : i32
        %dma_start3A_184 = tpu.memref_slice %arg3[%add3A_183] : memref<320000xi32, #tpu.memory_space<hbm>> -> memref<80xi32, #tpu.memory_space<hbm>>
        %dma_start3A_185 = tpu.memref_slice %arg3[%add3A_183] : memref<320000xi32, #tpu.memory_space<hbm>> -> memref<80xi32, #tpu.memory_space<hbm>>
        tpu.enqueue_dma source(%dma_start3A_185 : memref<80xi32, #tpu.memory_space<hbm>>) target(%arg8 : memref<80xi32, #tpu.memory_space<vmem>>) target_semaphore(%arg22 : memref<!tpu.dma_semaphore, #tpu.memory_space<semaphore_mem>>)
        %dma_start3A_186 = tpu.memref_slice %arg4[%add3A_183] : memref<320000xi32, #tpu.memory_space<hbm>> -> memref<80xi32, #tpu.memory_space<hbm>>
        %dma_start3A_187 = tpu.memref_slice %arg4[%add3A_183] : memref<320000xi32, #tpu.memory_space<hbm>> -> memref<80xi32, #tpu.memory_space<hbm>>
        tpu.enqueue_dma source(%dma_start3A_187 : memref<80xi32, #tpu.memory_space<hbm>>) target(%arg11 : memref<80xi32, #tpu.memory_space<vmem>>) target_semaphore(%arg22 : memref<!tpu.dma_semaphore, #tpu.memory_space<semaphore_mem>>)
      } else {
      }
      %add3A_108 = arith.constant 1 : i32
      %add3A_109 = arith.addi %add3A_97, %add3A_108 : i32
      %lt3A_110 = arith.constant 125 : i32
      %lt3A_111 = arith.cmpi slt, %add3A_109, %lt3A_110 : i32
      %convert_element_type3A_112 = arith.extui %lt3A_111 : i1 to i32
      %cond3A_113 = arith.constant 0 : i32
      %cond3A_114 = arith.cmpi ne, %convert_element_type3A_112, %cond3A_113 : i32
      scf.if %cond3A_114 {
        %add3A_179 = arith.constant 1 : i32
        %add3A_180 = arith.addi %add3A_97, %add3A_179 : i32
        %mul3A_181 = arith.constant 80 : i32
        %mul3A_182 = arith.muli %add3A_180, %mul3A_181 : i32
        %add3A_183 = arith.addi %mul3A_28, %mul3A_182 : i32
        %dma_wait3A_184 = tpu.memref_slice %arg3[%add3A_183] : memref<320000xi32, #tpu.memory_space<hbm>> -> memref<80xi32, #tpu.memory_space<hbm>>
        %dma_wait3A_185 = tpu.memref_slice %arg3[%add3A_183] : memref<320000xi32, #tpu.memory_space<hbm>> -> memref<80xi32, #tpu.memory_space<hbm>>
        tpu.wait_dma2 semaphore(%arg21 : memref<!tpu.dma_semaphore, #tpu.memory_space<semaphore_mem>>) src(%dma_wait3A_185 : memref<80xi32, #tpu.memory_space<hbm>>) dst(%arg7 : memref<80xi32, #tpu.memory_space<vmem>>)
        %dma_wait3A_186 = tpu.memref_slice %arg4[%add3A_183] : memref<320000xi32, #tpu.memory_space<hbm>> -> memref<80xi32, #tpu.memory_space<hbm>>
        %dma_wait3A_187 = tpu.memref_slice %arg4[%add3A_183] : memref<320000xi32, #tpu.memory_space<hbm>> -> memref<80xi32, #tpu.memory_space<hbm>>
        tpu.wait_dma2 semaphore(%arg21 : memref<!tpu.dma_semaphore, #tpu.memory_space<semaphore_mem>>) src(%dma_wait3A_187 : memref<80xi32, #tpu.memory_space<hbm>>) dst(%arg10 : memref<80xi32, #tpu.memory_space<vmem>>)
        %dma_start3A_188 = arith.constant 0 : i32
        %dma_start3A_189 = arith.constant 0 : i32
        %dma_start3A_190 = tpu.memref_slice %arg2[%dma_start3A_188, %dma_start3A_189] : memref<10000x128xf32, #tpu.memory_space<hbm>> -> memref<10000x128xf32, #tpu.memory_space<hbm>>
        tpu.enqueue_indirect_dma source(%dma_start3A_190 : memref<10000x128xf32, #tpu.memory_space<hbm>>) target(%arg13 : memref<80x128xf32, #tpu.memory_space<vmem>>) offsets(%arg7 : memref<80xi32, #tpu.memory_space<vmem>>) semaphore(%arg18 : memref<!tpu.dma_semaphore, #tpu.memory_space<semaphore_mem>>)
      } else {
      }
      %dma_wait3A_115 = arith.constant 0 : i32
      %dma_wait3A_116 = arith.constant 0 : i32
      %dma_wait3A_117 = tpu.memref_slice %arg2[%dma_wait3A_115, %dma_wait3A_116] : memref<10000x128xf32, #tpu.memory_space<hbm>> -> memref<10000x128xf32, #tpu.memory_space<hbm>>
      tpu.wait_indirect_dma semaphore(%arg17 : memref<!tpu.dma_semaphore, #tpu.memory_space<semaphore_mem>>) src(%dma_wait3A_117 : memref<10000x128xf32, #tpu.memory_space<hbm>>) dst(%arg12 : memref<80x128xf32, #tpu.memory_space<vmem>>)
      %dma_start3A_118 = arith.constant 0 : i32
      %dma_start3A_119 = arith.constant 0 : i32
      %dma_start3A_120 = tpu.memref_slice %arg16[%dma_start3A_118, %dma_start3A_119] : memref<10000x128xf32, #tpu.memory_space<vmem_shared>> -> memref<10000x128xf32, #tpu.memory_space<vmem_shared>>
      tpu.enqueue_indirect_dma source(%arg12 : memref<80x128xf32, #tpu.memory_space<vmem>>) target(%dma_start3A_120 : memref<10000x128xf32, #tpu.memory_space<vmem_shared>>) offsets(%arg9 : memref<80xi32, #tpu.memory_space<vmem>>) semaphore(%arg23 : memref<!tpu.dma_semaphore, #tpu.memory_space<semaphore_mem>>) {add = true}
      %mul3A_121 = arith.constant 3 : i32
      %mul3A_122 = arith.muli %mul3A_121, %scan3A_93 : i32
      %add3A_123 = arith.constant 1 : i32
      %add3A_124 = arith.addi %mul3A_122, %add3A_123 : i32
      %ge3A_125 = arith.constant 1 : i32
      %ge3A_126 = arith.cmpi sge, %add3A_124, %ge3A_125 : i32
      %convert_element_type3A_127 = arith.extui %ge3A_126 : i1 to i32
      %cond3A_128 = arith.constant 0 : i32
      %cond3A_129 = arith.cmpi ne, %convert_element_type3A_127, %cond3A_128 : i32
      scf.if %cond3A_129 {
        %dma_wait3A_179 = arith.constant 0 : i32
        %dma_wait3A_180 = arith.constant 0 : i32
        %dma_wait3A_181 = tpu.memref_slice %arg16[%dma_wait3A_179, %dma_wait3A_180] : memref<10000x128xf32, #tpu.memory_space<vmem_shared>> -> memref<10000x128xf32, #tpu.memory_space<vmem_shared>>
        tpu.wait_indirect_dma semaphore(%arg23 : memref<!tpu.dma_semaphore, #tpu.memory_space<semaphore_mem>>) src(%arg12 : memref<80x128xf32, #tpu.memory_space<vmem>>) dst(%dma_wait3A_181 : memref<10000x128xf32, #tpu.memory_space<vmem_shared>>)
      } else {
      }
      %add3A_130 = arith.constant 2 : i32
      %add3A_131 = arith.addi %add3A_124, %add3A_130 : i32
      %lt3A_132 = arith.constant 125 : i32
      %lt3A_133 = arith.cmpi slt, %add3A_131, %lt3A_132 : i32
      %convert_element_type3A_134 = arith.extui %lt3A_133 : i1 to i32
      %cond3A_135 = arith.constant 0 : i32
      %cond3A_136 = arith.cmpi ne, %convert_element_type3A_134, %cond3A_135 : i32
      scf.if %cond3A_136 {
        %add3A_179 = arith.constant 2 : i32
        %add3A_180 = arith.addi %add3A_124, %add3A_179 : i32
        %mul3A_181 = arith.constant 80 : i32
        %mul3A_182 = arith.muli %add3A_180, %mul3A_181 : i32
        %add3A_183 = arith.addi %mul3A_28, %mul3A_182 : i32
        %dma_start3A_184 = tpu.memref_slice %arg3[%add3A_183] : memref<320000xi32, #tpu.memory_space<hbm>> -> memref<80xi32, #tpu.memory_space<hbm>>
        %dma_start3A_185 = tpu.memref_slice %arg3[%add3A_183] : memref<320000xi32, #tpu.memory_space<hbm>> -> memref<80xi32, #tpu.memory_space<hbm>>
        tpu.enqueue_dma source(%dma_start3A_185 : memref<80xi32, #tpu.memory_space<hbm>>) target(%arg6 : memref<80xi32, #tpu.memory_space<vmem>>) target_semaphore(%arg20 : memref<!tpu.dma_semaphore, #tpu.memory_space<semaphore_mem>>)
        %dma_start3A_186 = tpu.memref_slice %arg4[%add3A_183] : memref<320000xi32, #tpu.memory_space<hbm>> -> memref<80xi32, #tpu.memory_space<hbm>>
        %dma_start3A_187 = tpu.memref_slice %arg4[%add3A_183] : memref<320000xi32, #tpu.memory_space<hbm>> -> memref<80xi32, #tpu.memory_space<hbm>>
        tpu.enqueue_dma source(%dma_start3A_187 : memref<80xi32, #tpu.memory_space<hbm>>) target(%arg9 : memref<80xi32, #tpu.memory_space<vmem>>) target_semaphore(%arg20 : memref<!tpu.dma_semaphore, #tpu.memory_space<semaphore_mem>>)
      } else {
      }
      %add3A_137 = arith.constant 1 : i32
      %add3A_138 = arith.addi %add3A_124, %add3A_137 : i32
      %lt3A_139 = arith.constant 125 : i32
      %lt3A_140 = arith.cmpi slt, %add3A_138, %lt3A_139 : i32
      %convert_element_type3A_141 = arith.extui %lt3A_140 : i1 to i32
      %cond3A_142 = arith.constant 0 : i32
      %cond3A_143 = arith.cmpi ne, %convert_element_type3A_141, %cond3A_142 : i32
      scf.if %cond3A_143 {
        %add3A_179 = arith.constant 1 : i32
        %add3A_180 = arith.addi %add3A_124, %add3A_179 : i32
        %mul3A_181 = arith.constant 80 : i32
        %mul3A_182 = arith.muli %add3A_180, %mul3A_181 : i32
        %add3A_183 = arith.addi %mul3A_28, %mul3A_182 : i32
        %dma_wait3A_184 = tpu.memref_slice %arg3[%add3A_183] : memref<320000xi32, #tpu.memory_space<hbm>> -> memref<80xi32, #tpu.memory_space<hbm>>
        %dma_wait3A_185 = tpu.memref_slice %arg3[%add3A_183] : memref<320000xi32, #tpu.memory_space<hbm>> -> memref<80xi32, #tpu.memory_space<hbm>>
        tpu.wait_dma2 semaphore(%arg22 : memref<!tpu.dma_semaphore, #tpu.memory_space<semaphore_mem>>) src(%dma_wait3A_185 : memref<80xi32, #tpu.memory_space<hbm>>) dst(%arg8 : memref<80xi32, #tpu.memory_space<vmem>>)
        %dma_wait3A_186 = tpu.memref_slice %arg4[%add3A_183] : memref<320000xi32, #tpu.memory_space<hbm>> -> memref<80xi32, #tpu.memory_space<hbm>>
        %dma_wait3A_187 = tpu.memref_slice %arg4[%add3A_183] : memref<320000xi32, #tpu.memory_space<hbm>> -> memref<80xi32, #tpu.memory_space<hbm>>
        tpu.wait_dma2 semaphore(%arg22 : memref<!tpu.dma_semaphore, #tpu.memory_space<semaphore_mem>>) src(%dma_wait3A_187 : memref<80xi32, #tpu.memory_space<hbm>>) dst(%arg11 : memref<80xi32, #tpu.memory_space<vmem>>)
        %dma_start3A_188 = arith.constant 0 : i32
        %dma_start3A_189 = arith.constant 0 : i32
        %dma_start3A_190 = tpu.memref_slice %arg2[%dma_start3A_188, %dma_start3A_189] : memref<10000x128xf32, #tpu.memory_space<hbm>> -> memref<10000x128xf32, #tpu.memory_space<hbm>>
        tpu.enqueue_indirect_dma source(%dma_start3A_190 : memref<10000x128xf32, #tpu.memory_space<hbm>>) target(%arg14 : memref<80x128xf32, #tpu.memory_space<vmem>>) offsets(%arg8 : memref<80xi32, #tpu.memory_space<vmem>>) semaphore(%arg19 : memref<!tpu.dma_semaphore, #tpu.memory_space<semaphore_mem>>)
      } else {
      }
      %dma_wait3A_144 = arith.constant 0 : i32
      %dma_wait3A_145 = arith.constant 0 : i32
      %dma_wait3A_146 = tpu.memref_slice %arg2[%dma_wait3A_144, %dma_wait3A_145] : memref<10000x128xf32, #tpu.memory_space<hbm>> -> memref<10000x128xf32, #tpu.memory_space<hbm>>
      tpu.wait_indirect_dma semaphore(%arg18 : memref<!tpu.dma_semaphore, #tpu.memory_space<semaphore_mem>>) src(%dma_wait3A_146 : memref<10000x128xf32, #tpu.memory_space<hbm>>) dst(%arg13 : memref<80x128xf32, #tpu.memory_space<vmem>>)
      %dma_start3A_147 = arith.constant 0 : i32
      %dma_start3A_148 = arith.constant 0 : i32
      %dma_start3A_149 = tpu.memref_slice %arg16[%dma_start3A_147, %dma_start3A_148] : memref<10000x128xf32, #tpu.memory_space<vmem_shared>> -> memref<10000x128xf32, #tpu.memory_space<vmem_shared>>
      tpu.enqueue_indirect_dma source(%arg13 : memref<80x128xf32, #tpu.memory_space<vmem>>) target(%dma_start3A_149 : memref<10000x128xf32, #tpu.memory_space<vmem_shared>>) offsets(%arg10 : memref<80xi32, #tpu.memory_space<vmem>>) semaphore(%arg24 : memref<!tpu.dma_semaphore, #tpu.memory_space<semaphore_mem>>) {add = true}
      %mul3A_150 = arith.constant 3 : i32
      %mul3A_151 = arith.muli %mul3A_150, %scan3A_93 : i32
      %add3A_152 = arith.constant 2 : i32
      %add3A_153 = arith.addi %mul3A_151, %add3A_152 : i32
      %ge3A_154 = arith.constant 1 : i32
      %ge3A_155 = arith.cmpi sge, %add3A_153, %ge3A_154 : i32
      %convert_element_type3A_156 = arith.extui %ge3A_155 : i1 to i32
      %cond3A_157 = arith.constant 0 : i32
      %cond3A_158 = arith.cmpi ne, %convert_element_type3A_156, %cond3A_157 : i32
      scf.if %cond3A_158 {
        %dma_wait3A_179 = arith.constant 0 : i32
        %dma_wait3A_180 = arith.constant 0 : i32
        %dma_wait3A_181 = tpu.memref_slice %arg16[%dma_wait3A_179, %dma_wait3A_180] : memref<10000x128xf32, #tpu.memory_space<vmem_shared>> -> memref<10000x128xf32, #tpu.memory_space<vmem_shared>>
        tpu.wait_indirect_dma semaphore(%arg24 : memref<!tpu.dma_semaphore, #tpu.memory_space<semaphore_mem>>) src(%arg13 : memref<80x128xf32, #tpu.memory_space<vmem>>) dst(%dma_wait3A_181 : memref<10000x128xf32, #tpu.memory_space<vmem_shared>>)
      } else {
      }
      %add3A_159 = arith.constant 2 : i32
      %add3A_160 = arith.addi %add3A_153, %add3A_159 : i32
      %lt3A_161 = arith.constant 125 : i32
      %lt3A_162 = arith.cmpi slt, %add3A_160, %lt3A_161 : i32
      %convert_element_type3A_163 = arith.extui %lt3A_162 : i1 to i32
      %cond3A_164 = arith.constant 0 : i32
      %cond3A_165 = arith.cmpi ne, %convert_element_type3A_163, %cond3A_164 : i32
      scf.if %cond3A_165 {
        %add3A_179 = arith.constant 2 : i32
        %add3A_180 = arith.addi %add3A_153, %add3A_179 : i32
        %mul3A_181 = arith.constant 80 : i32
        %mul3A_182 = arith.muli %add3A_180, %mul3A_181 : i32
        %add3A_183 = arith.addi %mul3A_28, %mul3A_182 : i32
        %dma_start3A_184 = tpu.memref_slice %arg3[%add3A_183] : memref<320000xi32, #tpu.memory_space<hbm>> -> memref<80xi32, #tpu.memory_space<hbm>>
        %dma_start3A_185 = tpu.memref_slice %arg3[%add3A_183] : memref<320000xi32, #tpu.memory_space<hbm>> -> memref<80xi32, #tpu.memory_space<hbm>>
        tpu.enqueue_dma source(%dma_start3A_185 : memref<80xi32, #tpu.memory_space<hbm>>) target(%arg7 : memref<80xi32, #tpu.memory_space<vmem>>) target_semaphore(%arg21 : memref<!tpu.dma_semaphore, #tpu.memory_space<semaphore_mem>>)
        %dma_start3A_186 = tpu.memref_slice %arg4[%add3A_183] : memref<320000xi32, #tpu.memory_space<hbm>> -> memref<80xi32, #tpu.memory_space<hbm>>
        %dma_start3A_187 = tpu.memref_slice %arg4[%add3A_183] : memref<320000xi32, #tpu.memory_space<hbm>> -> memref<80xi32, #tpu.memory_space<hbm>>
        tpu.enqueue_dma source(%dma_start3A_187 : memref<80xi32, #tpu.memory_space<hbm>>) target(%arg10 : memref<80xi32, #tpu.memory_space<vmem>>) target_semaphore(%arg21 : memref<!tpu.dma_semaphore, #tpu.memory_space<semaphore_mem>>)
      } else {
      }
      %add3A_166 = arith.constant 1 : i32
      %add3A_167 = arith.addi %add3A_153, %add3A_166 : i32
      %lt3A_168 = arith.constant 125 : i32
      %lt3A_169 = arith.cmpi slt, %add3A_167, %lt3A_168 : i32
      %convert_element_type3A_170 = arith.extui %lt3A_169 : i1 to i32
      %cond3A_171 = arith.constant 0 : i32
      %cond3A_172 = arith.cmpi ne, %convert_element_type3A_170, %cond3A_171 : i32
      scf.if %cond3A_172 {
        %add3A_179 = arith.constant 1 : i32
        %add3A_180 = arith.addi %add3A_153, %add3A_179 : i32
        %mul3A_181 = arith.constant 80 : i32
        %mul3A_182 = arith.muli %add3A_180, %mul3A_181 : i32
        %add3A_183 = arith.addi %mul3A_28, %mul3A_182 : i32
        %dma_wait3A_184 = tpu.memref_slice %arg3[%add3A_183] : memref<320000xi32, #tpu.memory_space<hbm>> -> memref<80xi32, #tpu.memory_space<hbm>>
        %dma_wait3A_185 = tpu.memref_slice %arg3[%add3A_183] : memref<320000xi32, #tpu.memory_space<hbm>> -> memref<80xi32, #tpu.memory_space<hbm>>
        tpu.wait_dma2 semaphore(%arg20 : memref<!tpu.dma_semaphore, #tpu.memory_space<semaphore_mem>>) src(%dma_wait3A_185 : memref<80xi32, #tpu.memory_space<hbm>>) dst(%arg6 : memref<80xi32, #tpu.memory_space<vmem>>)
        %dma_wait3A_186 = tpu.memref_slice %arg4[%add3A_183] : memref<320000xi32, #tpu.memory_space<hbm>> -> memref<80xi32, #tpu.memory_space<hbm>>
        %dma_wait3A_187 = tpu.memref_slice %arg4[%add3A_183] : memref<320000xi32, #tpu.memory_space<hbm>> -> memref<80xi32, #tpu.memory_space<hbm>>
        tpu.wait_dma2 semaphore(%arg20 : memref<!tpu.dma_semaphore, #tpu.memory_space<semaphore_mem>>) src(%dma_wait3A_187 : memref<80xi32, #tpu.memory_space<hbm>>) dst(%arg9 : memref<80xi32, #tpu.memory_space<vmem>>)
        %dma_start3A_188 = arith.constant 0 : i32
        %dma_start3A_189 = arith.constant 0 : i32
        %dma_start3A_190 = tpu.memref_slice %arg2[%dma_start3A_188, %dma_start3A_189] : memref<10000x128xf32, #tpu.memory_space<hbm>> -> memref<10000x128xf32, #tpu.memory_space<hbm>>
        tpu.enqueue_indirect_dma source(%dma_start3A_190 : memref<10000x128xf32, #tpu.memory_space<hbm>>) target(%arg12 : memref<80x128xf32, #tpu.memory_space<vmem>>) offsets(%arg6 : memref<80xi32, #tpu.memory_space<vmem>>) semaphore(%arg17 : memref<!tpu.dma_semaphore, #tpu.memory_space<semaphore_mem>>)
      } else {
      }
      %dma_wait3A_173 = arith.constant 0 : i32
      %dma_wait3A_174 = arith.constant 0 : i32
      %dma_wait3A_175 = tpu.memref_slice %arg2[%dma_wait3A_173, %dma_wait3A_174] : memref<10000x128xf32, #tpu.memory_space<hbm>> -> memref<10000x128xf32, #tpu.memory_space<hbm>>
      tpu.wait_indirect_dma semaphore(%arg19 : memref<!tpu.dma_semaphore, #tpu.memory_space<semaphore_mem>>) src(%dma_wait3A_175 : memref<10000x128xf32, #tpu.memory_space<hbm>>) dst(%arg14 : memref<80x128xf32, #tpu.memory_space<vmem>>)
      %dma_start3A_176 = arith.constant 0 : i32
      %dma_start3A_177 = arith.constant 0 : i32
      %dma_start3A_178 = tpu.memref_slice %arg16[%dma_start3A_176, %dma_start3A_177] : memref<10000x128xf32, #tpu.memory_space<vmem_shared>> -> memref<10000x128xf32, #tpu.memory_space<vmem_shared>>
      tpu.enqueue_indirect_dma source(%arg14 : memref<80x128xf32, #tpu.memory_space<vmem>>) target(%dma_start3A_178 : memref<10000x128xf32, #tpu.memory_space<vmem_shared>>) offsets(%arg11 : memref<80xi32, #tpu.memory_space<vmem>>) semaphore(%arg25 : memref<!tpu.dma_semaphore, #tpu.memory_space<semaphore_mem>>) {add = true}
    }
    %scan3A_53 = arith.constant 41 : i32
    %dma_wait3A_54 = arith.constant 0 : i32
    %dma_wait3A_55 = arith.constant 0 : i32
    %dma_wait3A_56 = tpu.memref_slice %arg16[%dma_wait3A_54, %dma_wait3A_55] : memref<10000x128xf32, #tpu.memory_space<vmem_shared>> -> memref<10000x128xf32, #tpu.memory_space<vmem_shared>>
    tpu.wait_indirect_dma semaphore(%arg25 : memref<!tpu.dma_semaphore, #tpu.memory_space<semaphore_mem>>) src(%arg14 : memref<80x128xf32, #tpu.memory_space<vmem>>) dst(%dma_wait3A_56 : memref<10000x128xf32, #tpu.memory_space<vmem_shared>>)
    %add3A_57 = arith.constant 9920 : i32
    %add3A_58 = arith.addi %mul3A_28, %add3A_57 : i32
    %dma_wait3A_59 = tpu.memref_slice %arg3[%add3A_58] : memref<320000xi32, #tpu.memory_space<hbm>> -> memref<80xi32, #tpu.memory_space<hbm>>
    %dma_wait3A_60 = tpu.memref_slice %arg3[%add3A_58] : memref<320000xi32, #tpu.memory_space<hbm>> -> memref<80xi32, #tpu.memory_space<hbm>>
    tpu.wait_dma2 semaphore(%arg21 : memref<!tpu.dma_semaphore, #tpu.memory_space<semaphore_mem>>) src(%dma_wait3A_60 : memref<80xi32, #tpu.memory_space<hbm>>) dst(%arg7 : memref<80xi32, #tpu.memory_space<vmem>>)
    %dma_wait3A_61 = tpu.memref_slice %arg4[%add3A_58] : memref<320000xi32, #tpu.memory_space<hbm>> -> memref<80xi32, #tpu.memory_space<hbm>>
    %dma_wait3A_62 = tpu.memref_slice %arg4[%add3A_58] : memref<320000xi32, #tpu.memory_space<hbm>> -> memref<80xi32, #tpu.memory_space<hbm>>
    tpu.wait_dma2 semaphore(%arg21 : memref<!tpu.dma_semaphore, #tpu.memory_space<semaphore_mem>>) src(%dma_wait3A_62 : memref<80xi32, #tpu.memory_space<hbm>>) dst(%arg10 : memref<80xi32, #tpu.memory_space<vmem>>)
    %dma_start3A_63 = arith.constant 0 : i32
    %dma_start3A_64 = arith.constant 0 : i32
    %dma_start3A_65 = tpu.memref_slice %arg2[%dma_start3A_63, %dma_start3A_64] : memref<10000x128xf32, #tpu.memory_space<hbm>> -> memref<10000x128xf32, #tpu.memory_space<hbm>>
    tpu.enqueue_indirect_dma source(%dma_start3A_65 : memref<10000x128xf32, #tpu.memory_space<hbm>>) target(%arg13 : memref<80x128xf32, #tpu.memory_space<vmem>>) offsets(%arg7 : memref<80xi32, #tpu.memory_space<vmem>>) semaphore(%arg18 : memref<!tpu.dma_semaphore, #tpu.memory_space<semaphore_mem>>)
    %dma_wait3A_66 = arith.constant 0 : i32
    %dma_wait3A_67 = arith.constant 0 : i32
    %dma_wait3A_68 = tpu.memref_slice %arg2[%dma_wait3A_66, %dma_wait3A_67] : memref<10000x128xf32, #tpu.memory_space<hbm>> -> memref<10000x128xf32, #tpu.memory_space<hbm>>
    tpu.wait_indirect_dma semaphore(%arg17 : memref<!tpu.dma_semaphore, #tpu.memory_space<semaphore_mem>>) src(%dma_wait3A_68 : memref<10000x128xf32, #tpu.memory_space<hbm>>) dst(%arg12 : memref<80x128xf32, #tpu.memory_space<vmem>>)
    %dma_start3A_69 = arith.constant 0 : i32
    %dma_start3A_70 = arith.constant 0 : i32
    %dma_start3A_71 = tpu.memref_slice %arg16[%dma_start3A_69, %dma_start3A_70] : memref<10000x128xf32, #tpu.memory_space<vmem_shared>> -> memref<10000x128xf32, #tpu.memory_space<vmem_shared>>
    tpu.enqueue_indirect_dma source(%arg12 : memref<80x128xf32, #tpu.memory_space<vmem>>) target(%dma_start3A_71 : memref<10000x128xf32, #tpu.memory_space<vmem_shared>>) offsets(%arg9 : memref<80xi32, #tpu.memory_space<vmem>>) semaphore(%arg23 : memref<!tpu.dma_semaphore, #tpu.memory_space<semaphore_mem>>) {add = true}
    %dma_wait3A_72 = arith.constant 0 : i32
    %dma_wait3A_73 = arith.constant 0 : i32
    %dma_wait3A_74 = tpu.memref_slice %arg16[%dma_wait3A_72, %dma_wait3A_73] : memref<10000x128xf32, #tpu.memory_space<vmem_shared>> -> memref<10000x128xf32, #tpu.memory_space<vmem_shared>>
    tpu.wait_indirect_dma semaphore(%arg23 : memref<!tpu.dma_semaphore, #tpu.memory_space<semaphore_mem>>) src(%arg12 : memref<80x128xf32, #tpu.memory_space<vmem>>) dst(%dma_wait3A_74 : memref<10000x128xf32, #tpu.memory_space<vmem_shared>>)
    %dma_wait3A_75 = arith.constant 0 : i32
    %dma_wait3A_76 = arith.constant 0 : i32
    %dma_wait3A_77 = tpu.memref_slice %arg2[%dma_wait3A_75, %dma_wait3A_76] : memref<10000x128xf32, #tpu.memory_space<hbm>> -> memref<10000x128xf32, #tpu.memory_space<hbm>>
    tpu.wait_indirect_dma semaphore(%arg18 : memref<!tpu.dma_semaphore, #tpu.memory_space<semaphore_mem>>) src(%dma_wait3A_77 : memref<10000x128xf32, #tpu.memory_space<hbm>>) dst(%arg13 : memref<80x128xf32, #tpu.memory_space<vmem>>)
    %dma_start3A_78 = arith.constant 0 : i32
    %dma_start3A_79 = arith.constant 0 : i32
    %dma_start3A_80 = tpu.memref_slice %arg16[%dma_start3A_78, %dma_start3A_79] : memref<10000x128xf32, #tpu.memory_space<vmem_shared>> -> memref<10000x128xf32, #tpu.memory_space<vmem_shared>>
    tpu.enqueue_indirect_dma source(%arg13 : memref<80x128xf32, #tpu.memory_space<vmem>>) target(%dma_start3A_80 : memref<10000x128xf32, #tpu.memory_space<vmem_shared>>) offsets(%arg10 : memref<80xi32, #tpu.memory_space<vmem>>) semaphore(%arg24 : memref<!tpu.dma_semaphore, #tpu.memory_space<semaphore_mem>>) {add = true}
    %dma_wait3A_81 = arith.constant 0 : i32
    %dma_wait3A_82 = arith.constant 0 : i32
    %dma_wait3A_83 = tpu.memref_slice %arg16[%dma_wait3A_81, %dma_wait3A_82] : memref<10000x128xf32, #tpu.memory_space<vmem_shared>> -> memref<10000x128xf32, #tpu.memory_space<vmem_shared>>
    tpu.wait_indirect_dma semaphore(%arg24 : memref<!tpu.dma_semaphore, #tpu.memory_space<semaphore_mem>>) src(%arg13 : memref<80x128xf32, #tpu.memory_space<vmem>>) dst(%dma_wait3A_83 : memref<10000x128xf32, #tpu.memory_space<vmem_shared>>)
    %barrier3A_84 = arith.constant 0 : index
    tpu.barrier barrier_id(%barrier3A_84)
    %mul3A_85 = arith.constant 10000 : i32
    %mul3A_86 = arith.muli %arg0, %mul3A_85 : i32
    %add3A_87 = arith.addi %mul3A_86, %mul3A_2 : i32
    "tpu.region"() ({
      %run_scoped3A = tpu.sem_alloc : memref<!tpu.dma_semaphore, #tpu.memory_space<semaphore_mem>>
      %dma_start3A_93 = arith.constant 0 : i32
      %dma_start3A_94 = tpu.memref_slice %arg5[%add3A_87, %dma_start3A_93] : memref<20000x128xf32, #tpu.memory_space<hbm>> -> memref<624x128xf32, #tpu.memory_space<hbm>>
      %dma_start3A_95 = arith.constant 0 : i32
      %dma_start3A_96 = tpu.memref_slice %arg16[%mul3A_2, %dma_start3A_95] : memref<10000x128xf32, #tpu.memory_space<vmem_shared>> -> memref<624x128xf32, #tpu.memory_space<vmem_shared>>
      tpu.enqueue_dma source(%dma_start3A_96 : memref<624x128xf32, #tpu.memory_space<vmem_shared>>) target(%dma_start3A_94 : memref<624x128xf32, #tpu.memory_space<hbm>>) target_semaphore(%run_scoped3A : memref<!tpu.dma_semaphore, #tpu.memory_space<semaphore_mem>>)
      %dma_wait3A_97 = arith.constant 0 : i32
      %dma_wait3A_98 = tpu.memref_slice %arg5[%add3A_87, %dma_wait3A_97] : memref<20000x128xf32, #tpu.memory_space<hbm>> -> memref<624x128xf32, #tpu.memory_space<hbm>>
      %dma_wait3A_99 = arith.constant 0 : i32
      %dma_wait3A_100 = tpu.memref_slice %arg16[%mul3A_2, %dma_wait3A_99] : memref<10000x128xf32, #tpu.memory_space<vmem_shared>> -> memref<624x128xf32, #tpu.memory_space<vmem_shared>>
      tpu.wait_dma2 semaphore(%run_scoped3A : memref<!tpu.dma_semaphore, #tpu.memory_space<semaphore_mem>>) src(%dma_wait3A_100 : memref<624x128xf32, #tpu.memory_space<vmem_shared>>) dst(%dma_wait3A_98 : memref<624x128xf32, #tpu.memory_space<hbm>>)
      tpu.yield
    }) : () -> ()
    %eq3A_88 = arith.constant 15 : i32
    %eq3A_89 = arith.cmpi eq, %arg1, %eq3A_88 : i32
    %convert_element_type3A_90 = arith.extui %eq3A_89 : i1 to i32
    %cond3A_91 = arith.constant 0 : i32
    %cond3A_92 = arith.cmpi ne, %convert_element_type3A_90, %cond3A_91 : i32
    scf.if %cond3A_92 {
      %mul3A_93 = arith.constant 10000 : i32
      %mul3A_94 = arith.muli %arg0, %mul3A_93 : i32
      %add3A_95 = arith.constant 9984 : i32
      %add3A_96 = arith.addi %mul3A_94, %add3A_95 : i32
      "tpu.region"() ({
        %run_scoped3A = tpu.sem_alloc : memref<!tpu.dma_semaphore, #tpu.memory_space<semaphore_mem>>
        %dma_start3A_97 = arith.constant 0 : i32
        %dma_start3A_98 = tpu.memref_slice %arg5[%add3A_96, %dma_start3A_97] : memref<20000x128xf32, #tpu.memory_space<hbm>> -> memref<16x128xf32, #tpu.memory_space<hbm>>
        %dma_start3A_99 = arith.constant 9984 : i32
        %dma_start3A_100 = arith.constant 0 : i32
        %dma_start3A_101 = tpu.memref_slice %arg16[%dma_start3A_99, %dma_start3A_100] : memref<10000x128xf32, #tpu.memory_space<vmem_shared>> -> memref<16x128xf32, #tpu.memory_space<vmem_shared>>
        tpu.enqueue_dma source(%dma_start3A_101 : memref<16x128xf32, #tpu.memory_space<vmem_shared>>) target(%dma_start3A_98 : memref<16x128xf32, #tpu.memory_space<hbm>>) target_semaphore(%run_scoped3A : memref<!tpu.dma_semaphore, #tpu.memory_space<semaphore_mem>>)
        %dma_wait3A_102 = arith.constant 0 : i32
        %dma_wait3A_103 = tpu.memref_slice %arg5[%add3A_96, %dma_wait3A_102] : memref<20000x128xf32, #tpu.memory_space<hbm>> -> memref<16x128xf32, #tpu.memory_space<hbm>>
        %dma_wait3A_104 = arith.constant 9984 : i32
        %dma_wait3A_105 = arith.constant 0 : i32
        %dma_wait3A_106 = tpu.memref_slice %arg16[%dma_wait3A_104, %dma_wait3A_105] : memref<10000x128xf32, #tpu.memory_space<vmem_shared>> -> memref<16x128xf32, #tpu.memory_space<vmem_shared>>
        tpu.wait_dma2 semaphore(%run_scoped3A : memref<!tpu.dma_semaphore, #tpu.memory_space<semaphore_mem>>) src(%dma_wait3A_106 : memref<16x128xf32, #tpu.memory_space<vmem_shared>>) dst(%dma_wait3A_103 : memref<16x128xf32, #tpu.memory_space<hbm>>)
        tpu.yield
      }) : () -> ()
    } else {
    }
    return
  }
}

#map = affine_map<(d0, d1) -> (0)>
module attributes {stable_mosaic.version = 14 : i64} {
  func.func @body(%arg0: i32, %arg1: i32, %arg2: memref<1280000xf32, #tpu.memory_space<hbm>>, %arg3: memref<320000xi32, #tpu.memory_space<hbm>>, %arg4: memref<320000xi32, #tpu.memory_space<hbm>>, %arg5: memref<20000xf32, #tpu.memory_space<hbm>>, %arg6: memref<80xi32, #tpu.memory_space<vmem>>, %arg7: memref<80xi32, #tpu.memory_space<vmem>>, %arg8: memref<80xi32, #tpu.memory_space<vmem>>, %arg9: memref<80xi32, #tpu.memory_space<vmem>>, %arg10: memref<80xi32, #tpu.memory_space<vmem>>, %arg11: memref<80xi32, #tpu.memory_space<vmem>>, %arg12: memref<80xf32, #tpu.memory_space<vmem>>, %arg13: memref<80xf32, #tpu.memory_space<vmem>>, %arg14: memref<80xf32, #tpu.memory_space<vmem>>, %arg15: memref<624xf32, #tpu.memory_space<vmem>>, %arg16: memref<10000xf32, #tpu.memory_space<vmem_shared>>, %arg17: memref<!tpu.dma_semaphore, #tpu.memory_space<semaphore_mem>>, %arg18: memref<!tpu.dma_semaphore, #tpu.memory_space<semaphore_mem>>, %arg19: memref<!tpu.dma_semaphore, #tpu.memory_space<semaphore_mem>>, %arg20: memref<!tpu.dma_semaphore, #tpu.memory_space<semaphore_mem>>, %arg21: memref<!tpu.dma_semaphore, #tpu.memory_space<semaphore_mem>>, %arg22: memref<!tpu.dma_semaphore, #tpu.memory_space<semaphore_mem>>, %arg23: memref<!tpu.dma_semaphore, #tpu.memory_space<semaphore_mem>>, %arg24: memref<!tpu.dma_semaphore, #tpu.memory_space<semaphore_mem>>, %arg25: memref<!tpu.dma_semaphore, #tpu.memory_space<semaphore_mem>>) attributes {dimension_semantics = [#tpu.dimension_semantics<core_parallel>, #tpu.dimension_semantics<subcore_parallel>], iteration_bounds = array<i64: 2, 16>, scalar_prefetch = 0 : i64, scratch_operands = 20 : i64, tpu.core_type = #tpu.core_type<sc_vector_subcore>, window_params = [{transform_indices = #map}, {transform_indices = #map}, {transform_indices = #map}, {transform_indices = #map}]} {
    %mul3A = arith.constant 16 : i32
    %mul3A_0 = arith.muli %arg0, %mul3A : i32
    %add3A = arith.addi %mul3A_0, %arg1 : i32
    %mul3A_1 = arith.constant 624 : i32
    %mul3A_2 = arith.muli %arg1, %mul3A_1 : i32
    %broadcast_in_dim3A = arith.constant 0.000000e+00 : f32
    %broadcast_in_dim3A_3 = vector.broadcast %broadcast_in_dim3A : f32 to vector<16xf32>
    %scan3A = arith.constant 0 : i32
    %scan3A_4 = arith.constant 0 : i32
    %scan3A_5 = arith.constant 39 : i32
    %scan3A_6 = arith.addi %scan3A_4, %scan3A_5 : i32
    %scan3A_7 = arith.constant 1 : i32
    scf.for %scan3A_166 = %scan3A_4 to %scan3A_6 step %scan3A_7  : i32 {
      %mul3A_167 = arith.constant 16 : i32
      %mul3A_168 = arith.muli %scan3A_166, %mul3A_167 : i32
      %swap3A_169 = arith.index_cast %mul3A_168 : i32 to index
      %swap3A_170 = tpu.vector_load %arg15[%swap3A_169] {strides = array<i32>} : memref<624xf32, #tpu.memory_space<vmem>>, vector<16xf32>,
      %swap3A_171 = vector.shape_cast %swap3A_170 : vector<16xf32> to vector<16xf32>
      %swap3A_172 = vector.shape_cast %broadcast_in_dim3A_3 : vector<16xf32> to vector<16xf32>
      tpu.vector_store %arg15[%swap3A_169], %swap3A_172 {strides = array<i32>} : memref<624xf32, #tpu.memory_space<vmem>>, vector<16xf32>,
    }
    %scan3A_8 = arith.constant 39 : i32
    "tpu.region"() ({
      %run_scoped3A = tpu.sem_alloc : memref<!tpu.dma_semaphore, #tpu.memory_space<semaphore_mem>>
      %dma_start3A_166 = tpu.memref_slice %arg16[%mul3A_2] : memref<10000xf32, #tpu.memory_space<vmem_shared>> -> memref<624xf32, #tpu.memory_space<vmem_shared>>
      %dma_start3A_167 = tpu.memref_slice %arg16[%mul3A_2] : memref<10000xf32, #tpu.memory_space<vmem_shared>> -> memref<624xf32, #tpu.memory_space<vmem_shared>>
      tpu.enqueue_dma source(%arg15 : memref<624xf32, #tpu.memory_space<vmem>>) target(%dma_start3A_167 : memref<624xf32, #tpu.memory_space<vmem_shared>>) target_semaphore(%run_scoped3A : memref<!tpu.dma_semaphore, #tpu.memory_space<semaphore_mem>>)
      %dma_wait3A_168 = tpu.memref_slice %arg16[%mul3A_2] : memref<10000xf32, #tpu.memory_space<vmem_shared>> -> memref<624xf32, #tpu.memory_space<vmem_shared>>
      %dma_wait3A_169 = tpu.memref_slice %arg16[%mul3A_2] : memref<10000xf32, #tpu.memory_space<vmem_shared>> -> memref<624xf32, #tpu.memory_space<vmem_shared>>
      tpu.wait_dma2 semaphore(%run_scoped3A : memref<!tpu.dma_semaphore, #tpu.memory_space<semaphore_mem>>) src(%arg15 : memref<624xf32, #tpu.memory_space<vmem>>) dst(%dma_wait3A_169 : memref<624xf32, #tpu.memory_space<vmem_shared>>)
      tpu.yield
    }) : () -> ()
    %eq3A = arith.constant 15 : i32
    %eq3A_9 = arith.cmpi eq, %arg1, %eq3A : i32
    %convert_element_type3A = arith.extui %eq3A_9 : i1 to i32
    %cond3A = arith.constant 0 : i32
    %cond3A_10 = arith.cmpi ne, %convert_element_type3A, %cond3A : i32
    scf.if %cond3A_10 {
      "tpu.region"() ({
        %run_scoped3A = tpu.sem_alloc : memref<!tpu.dma_semaphore, #tpu.memory_space<semaphore_mem>>
        %dma_start3A_166 = arith.constant 0 : i32
        %dma_start3A_167 = tpu.memref_slice %arg15[%dma_start3A_166] : memref<624xf32, #tpu.memory_space<vmem>> -> memref<16xf32, #tpu.memory_space<vmem>>
        %dma_start3A_168 = arith.constant 9984 : i32
        %dma_start3A_169 = tpu.memref_slice %arg16[%dma_start3A_168] : memref<10000xf32, #tpu.memory_space<vmem_shared>> -> memref<16xf32, #tpu.memory_space<vmem_shared>>
        %dma_start3A_170 = arith.constant 9984 : i32
        %dma_start3A_171 = tpu.memref_slice %arg16[%dma_start3A_170] : memref<10000xf32, #tpu.memory_space<vmem_shared>> -> memref<16xf32, #tpu.memory_space<vmem_shared>>
        %dma_start3A_172 = arith.constant 0 : i32
        %dma_start3A_173 = tpu.memref_slice %arg15[%dma_start3A_172] : memref<624xf32, #tpu.memory_space<vmem>> -> memref<16xf32, #tpu.memory_space<vmem>>
        tpu.enqueue_dma source(%dma_start3A_173 : memref<16xf32, #tpu.memory_space<vmem>>) target(%dma_start3A_171 : memref<16xf32, #tpu.memory_space<vmem_shared>>) target_semaphore(%run_scoped3A : memref<!tpu.dma_semaphore, #tpu.memory_space<semaphore_mem>>)
        %dma_wait3A_174 = arith.constant 0 : i32
        %dma_wait3A_175 = tpu.memref_slice %arg15[%dma_wait3A_174] : memref<624xf32, #tpu.memory_space<vmem>> -> memref<16xf32, #tpu.memory_space<vmem>>
        %dma_wait3A_176 = arith.constant 9984 : i32
        %dma_wait3A_177 = tpu.memref_slice %arg16[%dma_wait3A_176] : memref<10000xf32, #tpu.memory_space<vmem_shared>> -> memref<16xf32, #tpu.memory_space<vmem_shared>>
        %dma_wait3A_178 = arith.constant 9984 : i32
        %dma_wait3A_179 = tpu.memref_slice %arg16[%dma_wait3A_178] : memref<10000xf32, #tpu.memory_space<vmem_shared>> -> memref<16xf32, #tpu.memory_space<vmem_shared>>
        %dma_wait3A_180 = arith.constant 0 : i32
        %dma_wait3A_181 = tpu.memref_slice %arg15[%dma_wait3A_180] : memref<624xf32, #tpu.memory_space<vmem>> -> memref<16xf32, #tpu.memory_space<vmem>>
        tpu.wait_dma2 semaphore(%run_scoped3A : memref<!tpu.dma_semaphore, #tpu.memory_space<semaphore_mem>>) src(%dma_wait3A_181 : memref<16xf32, #tpu.memory_space<vmem>>) dst(%dma_wait3A_179 : memref<16xf32, #tpu.memory_space<vmem_shared>>)
        tpu.yield
      }) : () -> ()
    } else {
    }
    %barrier3A = arith.constant 0 : index
    tpu.barrier barrier_id(%barrier3A)
    %mul3A_11 = arith.constant 10000 : i32
    %mul3A_12 = arith.muli %add3A, %mul3A_11 : i32
    %add3A_13 = arith.constant 0 : i32
    %add3A_14 = arith.addi %mul3A_12, %add3A_13 : i32
    %dma_start3A = tpu.memref_slice %arg3[%add3A_14] : memref<320000xi32, #tpu.memory_space<hbm>> -> memref<80xi32, #tpu.memory_space<hbm>>
    %dma_start3A_15 = tpu.memref_slice %arg3[%add3A_14] : memref<320000xi32, #tpu.memory_space<hbm>> -> memref<80xi32, #tpu.memory_space<hbm>>
    tpu.enqueue_dma source(%dma_start3A_15 : memref<80xi32, #tpu.memory_space<hbm>>) target(%arg6 : memref<80xi32, #tpu.memory_space<vmem>>) target_semaphore(%arg20 : memref<!tpu.dma_semaphore, #tpu.memory_space<semaphore_mem>>)
    %dma_start3A_16 = tpu.memref_slice %arg4[%add3A_14] : memref<320000xi32, #tpu.memory_space<hbm>> -> memref<80xi32, #tpu.memory_space<hbm>>
    %dma_start3A_17 = tpu.memref_slice %arg4[%add3A_14] : memref<320000xi32, #tpu.memory_space<hbm>> -> memref<80xi32, #tpu.memory_space<hbm>>
    tpu.enqueue_dma source(%dma_start3A_17 : memref<80xi32, #tpu.memory_space<hbm>>) target(%arg9 : memref<80xi32, #tpu.memory_space<vmem>>) target_semaphore(%arg20 : memref<!tpu.dma_semaphore, #tpu.memory_space<semaphore_mem>>)
    %add3A_18 = arith.constant 80 : i32
    %add3A_19 = arith.addi %mul3A_12, %add3A_18 : i32
    %dma_start3A_20 = tpu.memref_slice %arg3[%add3A_19] : memref<320000xi32, #tpu.memory_space<hbm>> -> memref<80xi32, #tpu.memory_space<hbm>>
    %dma_start3A_21 = tpu.memref_slice %arg3[%add3A_19] : memref<320000xi32, #tpu.memory_space<hbm>> -> memref<80xi32, #tpu.memory_space<hbm>>
    tpu.enqueue_dma source(%dma_start3A_21 : memref<80xi32, #tpu.memory_space<hbm>>) target(%arg7 : memref<80xi32, #tpu.memory_space<vmem>>) target_semaphore(%arg21 : memref<!tpu.dma_semaphore, #tpu.memory_space<semaphore_mem>>)
    %dma_start3A_22 = tpu.memref_slice %arg4[%add3A_19] : memref<320000xi32, #tpu.memory_space<hbm>> -> memref<80xi32, #tpu.memory_space<hbm>>
    %dma_start3A_23 = tpu.memref_slice %arg4[%add3A_19] : memref<320000xi32, #tpu.memory_space<hbm>> -> memref<80xi32, #tpu.memory_space<hbm>>
    tpu.enqueue_dma source(%dma_start3A_23 : memref<80xi32, #tpu.memory_space<hbm>>) target(%arg10 : memref<80xi32, #tpu.memory_space<vmem>>) target_semaphore(%arg21 : memref<!tpu.dma_semaphore, #tpu.memory_space<semaphore_mem>>)
    %add3A_24 = arith.constant 0 : i32
    %add3A_25 = arith.addi %mul3A_12, %add3A_24 : i32
    %dma_wait3A = tpu.memref_slice %arg3[%add3A_25] : memref<320000xi32, #tpu.memory_space<hbm>> -> memref<80xi32, #tpu.memory_space<hbm>>
    %dma_wait3A_26 = tpu.memref_slice %arg3[%add3A_25] : memref<320000xi32, #tpu.memory_space<hbm>> -> memref<80xi32, #tpu.memory_space<hbm>>
    tpu.wait_dma2 semaphore(%arg20 : memref<!tpu.dma_semaphore, #tpu.memory_space<semaphore_mem>>) src(%dma_wait3A_26 : memref<80xi32, #tpu.memory_space<hbm>>) dst(%arg6 : memref<80xi32, #tpu.memory_space<vmem>>)
    %dma_wait3A_27 = tpu.memref_slice %arg4[%add3A_25] : memref<320000xi32, #tpu.memory_space<hbm>> -> memref<80xi32, #tpu.memory_space<hbm>>
    %dma_wait3A_28 = tpu.memref_slice %arg4[%add3A_25] : memref<320000xi32, #tpu.memory_space<hbm>> -> memref<80xi32, #tpu.memory_space<hbm>>
    tpu.wait_dma2 semaphore(%arg20 : memref<!tpu.dma_semaphore, #tpu.memory_space<semaphore_mem>>) src(%dma_wait3A_28 : memref<80xi32, #tpu.memory_space<hbm>>) dst(%arg9 : memref<80xi32, #tpu.memory_space<vmem>>)
    %get3A = arith.constant 0 : index
    %get3A_29 = tpu.vector_load %arg6[%get3A] {strides = array<i32>} : memref<80xi32, #tpu.memory_space<vmem>>, vector<16xi32>,
    %get3A_30 = vector.shape_cast %get3A_29 : vector<16xi32> to vector<16xi32>
    %mul3A_31 = arith.constant 128 : i32
    %mul3A_32 = vector.broadcast %mul3A_31 : i32 to vector<16xi32>
    %mul3A_33 = arith.muli %get3A_30, %mul3A_32 : vector<16xi32>
    %swap3A = arith.constant 0 : index
    %swap3A_34 = tpu.vector_load %arg6[%swap3A] {strides = array<i32>} : memref<80xi32, #tpu.memory_space<vmem>>, vector<16xi32>,
    %swap3A_35 = vector.shape_cast %swap3A_34 : vector<16xi32> to vector<16xi32>
    %swap3A_36 = vector.shape_cast %mul3A_33 : vector<16xi32> to vector<16xi32>
    tpu.vector_store %arg6[%swap3A], %swap3A_36 {strides = array<i32>} : memref<80xi32, #tpu.memory_space<vmem>>, vector<16xi32>,
    %get3A_37 = arith.constant 16 : index
    %get3A_38 = tpu.vector_load %arg6[%get3A_37] {strides = array<i32>} : memref<80xi32, #tpu.memory_space<vmem>>, vector<16xi32>,
    %get3A_39 = vector.shape_cast %get3A_38 : vector<16xi32> to vector<16xi32>
    %mul3A_40 = arith.constant 128 : i32
    %mul3A_41 = vector.broadcast %mul3A_40 : i32 to vector<16xi32>
    %mul3A_42 = arith.muli %get3A_39, %mul3A_41 : vector<16xi32>
    %swap3A_43 = arith.constant 16 : index
    %swap3A_44 = tpu.vector_load %arg6[%swap3A_43] {strides = array<i32>} : memref<80xi32, #tpu.memory_space<vmem>>, vector<16xi32>,
    %swap3A_45 = vector.shape_cast %swap3A_44 : vector<16xi32> to vector<16xi32>
    %swap3A_46 = vector.shape_cast %mul3A_42 : vector<16xi32> to vector<16xi32>
    tpu.vector_store %arg6[%swap3A_43], %swap3A_46 {strides = array<i32>} : memref<80xi32, #tpu.memory_space<vmem>>, vector<16xi32>,
    %get3A_47 = arith.constant 32 : index
    %get3A_48 = tpu.vector_load %arg6[%get3A_47] {strides = array<i32>} : memref<80xi32, #tpu.memory_space<vmem>>, vector<16xi32>,
    %get3A_49 = vector.shape_cast %get3A_48 : vector<16xi32> to vector<16xi32>
    %mul3A_50 = arith.constant 128 : i32
    %mul3A_51 = vector.broadcast %mul3A_50 : i32 to vector<16xi32>
    %mul3A_52 = arith.muli %get3A_49, %mul3A_51 : vector<16xi32>
    %swap3A_53 = arith.constant 32 : index
    %swap3A_54 = tpu.vector_load %arg6[%swap3A_53] {strides = array<i32>} : memref<80xi32, #tpu.memory_space<vmem>>, vector<16xi32>,
    %swap3A_55 = vector.shape_cast %swap3A_54 : vector<16xi32> to vector<16xi32>
    %swap3A_56 = vector.shape_cast %mul3A_52 : vector<16xi32> to vector<16xi32>
    tpu.vector_store %arg6[%swap3A_53], %swap3A_56 {strides = array<i32>} : memref<80xi32, #tpu.memory_space<vmem>>, vector<16xi32>,
    %get3A_57 = arith.constant 48 : index
    %get3A_58 = tpu.vector_load %arg6[%get3A_57] {strides = array<i32>} : memref<80xi32, #tpu.memory_space<vmem>>, vector<16xi32>,
    %get3A_59 = vector.shape_cast %get3A_58 : vector<16xi32> to vector<16xi32>
    %mul3A_60 = arith.constant 128 : i32
    %mul3A_61 = vector.broadcast %mul3A_60 : i32 to vector<16xi32>
    %mul3A_62 = arith.muli %get3A_59, %mul3A_61 : vector<16xi32>
    %swap3A_63 = arith.constant 48 : index
    %swap3A_64 = tpu.vector_load %arg6[%swap3A_63] {strides = array<i32>} : memref<80xi32, #tpu.memory_space<vmem>>, vector<16xi32>,
    %swap3A_65 = vector.shape_cast %swap3A_64 : vector<16xi32> to vector<16xi32>
    %swap3A_66 = vector.shape_cast %mul3A_62 : vector<16xi32> to vector<16xi32>
    tpu.vector_store %arg6[%swap3A_63], %swap3A_66 {strides = array<i32>} : memref<80xi32, #tpu.memory_space<vmem>>, vector<16xi32>,
    %get3A_67 = arith.constant 64 : index
    %get3A_68 = tpu.vector_load %arg6[%get3A_67] {strides = array<i32>} : memref<80xi32, #tpu.memory_space<vmem>>, vector<16xi32>,
    %get3A_69 = vector.shape_cast %get3A_68 : vector<16xi32> to vector<16xi32>
    %mul3A_70 = arith.constant 128 : i32
    %mul3A_71 = vector.broadcast %mul3A_70 : i32 to vector<16xi32>
    %mul3A_72 = arith.muli %get3A_69, %mul3A_71 : vector<16xi32>
    %swap3A_73 = arith.constant 64 : index
    %swap3A_74 = tpu.vector_load %arg6[%swap3A_73] {strides = array<i32>} : memref<80xi32, #tpu.memory_space<vmem>>, vector<16xi32>,
    %swap3A_75 = vector.shape_cast %swap3A_74 : vector<16xi32> to vector<16xi32>
    %swap3A_76 = vector.shape_cast %mul3A_72 : vector<16xi32> to vector<16xi32>
    tpu.vector_store %arg6[%swap3A_73], %swap3A_76 {strides = array<i32>} : memref<80xi32, #tpu.memory_space<vmem>>, vector<16xi32>,
    %dma_start3A_77 = arith.constant 0 : i32
    %dma_start3A_78 = tpu.memref_slice %arg2[%dma_start3A_77] : memref<1280000xf32, #tpu.memory_space<hbm>> -> memref<1280000xf32, #tpu.memory_space<hbm>>
    tpu.enqueue_indirect_dma source(%dma_start3A_78 : memref<1280000xf32, #tpu.memory_space<hbm>>) target(%arg12 : memref<80xf32, #tpu.memory_space<vmem>>) offsets(%arg6 : memref<80xi32, #tpu.memory_space<vmem>>) semaphore(%arg17 : memref<!tpu.dma_semaphore, #tpu.memory_space<semaphore_mem>>)
    %scan3A_79 = arith.constant 0 : i32
    %scan3A_80 = arith.constant 0 : i32
    %scan3A_81 = arith.constant 41 : i32
    %scan3A_82 = arith.addi %scan3A_80, %scan3A_81 : i32
    %scan3A_83 = arith.constant 1 : i32
    scf.for %scan3A_166 = %scan3A_80 to %scan3A_82 step %scan3A_83  : i32 {
      %mul3A_167 = arith.constant 3 : i32
      %mul3A_168 = arith.muli %mul3A_167, %scan3A_166 : i32
      %add3A_169 = arith.constant 0 : i32
      %add3A_170 = arith.addi %mul3A_168, %add3A_169 : i32
      %ge3A = arith.constant 1 : i32
      %ge3A_171 = arith.cmpi sge, %add3A_170, %ge3A : i32
      %convert_element_type3A_172 = arith.extui %ge3A_171 : i1 to i32
      %cond3A_173 = arith.constant 0 : i32
      %cond3A_174 = arith.cmpi ne, %convert_element_type3A_172, %cond3A_173 : i32
      scf.if %cond3A_174 {
        %dma_wait3A_246 = arith.constant 0 : i32
        %dma_wait3A_247 = tpu.memref_slice %arg16[%dma_wait3A_246] : memref<10000xf32, #tpu.memory_space<vmem_shared>> -> memref<10000xf32, #tpu.memory_space<vmem_shared>>
        tpu.wait_indirect_dma semaphore(%arg25 : memref<!tpu.dma_semaphore, #tpu.memory_space<semaphore_mem>>) src(%arg14 : memref<80xf32, #tpu.memory_space<vmem>>) dst(%dma_wait3A_247 : memref<10000xf32, #tpu.memory_space<vmem_shared>>)
      } else {
      }
      %add3A_175 = arith.constant 2 : i32
      %add3A_176 = arith.addi %add3A_170, %add3A_175 : i32
      %lt3A = arith.constant 125 : i32
      %lt3A_177 = arith.cmpi slt, %add3A_176, %lt3A : i32
      %convert_element_type3A_178 = arith.extui %lt3A_177 : i1 to i32
      %cond3A_179 = arith.constant 0 : i32
      %cond3A_180 = arith.cmpi ne, %convert_element_type3A_178, %cond3A_179 : i32
      scf.if %cond3A_180 {
        %add3A_246 = arith.constant 2 : i32
        %add3A_247 = arith.addi %add3A_170, %add3A_246 : i32
        %mul3A_248 = arith.constant 80 : i32
        %mul3A_249 = arith.muli %add3A_247, %mul3A_248 : i32
        %add3A_250 = arith.addi %mul3A_12, %mul3A_249 : i32
        %dma_start3A_251 = tpu.memref_slice %arg3[%add3A_250] : memref<320000xi32, #tpu.memory_space<hbm>> -> memref<80xi32, #tpu.memory_space<hbm>>
        %dma_start3A_252 = tpu.memref_slice %arg3[%add3A_250] : memref<320000xi32, #tpu.memory_space<hbm>> -> memref<80xi32, #tpu.memory_space<hbm>>
        tpu.enqueue_dma source(%dma_start3A_252 : memref<80xi32, #tpu.memory_space<hbm>>) target(%arg8 : memref<80xi32, #tpu.memory_space<vmem>>) target_semaphore(%arg22 : memref<!tpu.dma_semaphore, #tpu.memory_space<semaphore_mem>>)
        %dma_start3A_253 = tpu.memref_slice %arg4[%add3A_250] : memref<320000xi32, #tpu.memory_space<hbm>> -> memref<80xi32, #tpu.memory_space<hbm>>
        %dma_start3A_254 = tpu.memref_slice %arg4[%add3A_250] : memref<320000xi32, #tpu.memory_space<hbm>> -> memref<80xi32, #tpu.memory_space<hbm>>
        tpu.enqueue_dma source(%dma_start3A_254 : memref<80xi32, #tpu.memory_space<hbm>>) target(%arg11 : memref<80xi32, #tpu.memory_space<vmem>>) target_semaphore(%arg22 : memref<!tpu.dma_semaphore, #tpu.memory_space<semaphore_mem>>)
      } else {
      }
      %add3A_181 = arith.constant 1 : i32
      %add3A_182 = arith.addi %add3A_170, %add3A_181 : i32
      %lt3A_183 = arith.constant 125 : i32
      %lt3A_184 = arith.cmpi slt, %add3A_182, %lt3A_183 : i32
      %convert_element_type3A_185 = arith.extui %lt3A_184 : i1 to i32
      %cond3A_186 = arith.constant 0 : i32
      %cond3A_187 = arith.cmpi ne, %convert_element_type3A_185, %cond3A_186 : i32
      scf.if %cond3A_187 {
        %add3A_246 = arith.constant 1 : i32
        %add3A_247 = arith.addi %add3A_170, %add3A_246 : i32
        %mul3A_248 = arith.constant 80 : i32
        %mul3A_249 = arith.muli %add3A_247, %mul3A_248 : i32
        %add3A_250 = arith.addi %mul3A_12, %mul3A_249 : i32
        %dma_wait3A_251 = tpu.memref_slice %arg3[%add3A_250] : memref<320000xi32, #tpu.memory_space<hbm>> -> memref<80xi32, #tpu.memory_space<hbm>>
        %dma_wait3A_252 = tpu.memref_slice %arg3[%add3A_250] : memref<320000xi32, #tpu.memory_space<hbm>> -> memref<80xi32, #tpu.memory_space<hbm>>
        tpu.wait_dma2 semaphore(%arg21 : memref<!tpu.dma_semaphore, #tpu.memory_space<semaphore_mem>>) src(%dma_wait3A_252 : memref<80xi32, #tpu.memory_space<hbm>>) dst(%arg7 : memref<80xi32, #tpu.memory_space<vmem>>)
        %dma_wait3A_253 = tpu.memref_slice %arg4[%add3A_250] : memref<320000xi32, #tpu.memory_space<hbm>> -> memref<80xi32, #tpu.memory_space<hbm>>
        %dma_wait3A_254 = tpu.memref_slice %arg4[%add3A_250] : memref<320000xi32, #tpu.memory_space<hbm>> -> memref<80xi32, #tpu.memory_space<hbm>>
        tpu.wait_dma2 semaphore(%arg21 : memref<!tpu.dma_semaphore, #tpu.memory_space<semaphore_mem>>) src(%dma_wait3A_254 : memref<80xi32, #tpu.memory_space<hbm>>) dst(%arg10 : memref<80xi32, #tpu.memory_space<vmem>>)
        %get3A_255 = arith.constant 0 : index
        %get3A_256 = tpu.vector_load %arg7[%get3A_255] {strides = array<i32>} : memref<80xi32, #tpu.memory_space<vmem>>, vector<16xi32>,
        %get3A_257 = vector.shape_cast %get3A_256 : vector<16xi32> to vector<16xi32>
        %mul3A_258 = arith.constant 128 : i32
        %mul3A_259 = vector.broadcast %mul3A_258 : i32 to vector<16xi32>
        %mul3A_260 = arith.muli %get3A_257, %mul3A_259 : vector<16xi32>
        %swap3A_261 = arith.constant 0 : index
        %swap3A_262 = tpu.vector_load %arg7[%swap3A_261] {strides = array<i32>} : memref<80xi32, #tpu.memory_space<vmem>>, vector<16xi32>,
        %swap3A_263 = vector.shape_cast %swap3A_262 : vector<16xi32> to vector<16xi32>
        %swap3A_264 = vector.shape_cast %mul3A_260 : vector<16xi32> to vector<16xi32>
        tpu.vector_store %arg7[%swap3A_261], %swap3A_264 {strides = array<i32>} : memref<80xi32, #tpu.memory_space<vmem>>, vector<16xi32>,
        %get3A_265 = arith.constant 16 : index
        %get3A_266 = tpu.vector_load %arg7[%get3A_265] {strides = array<i32>} : memref<80xi32, #tpu.memory_space<vmem>>, vector<16xi32>,
        %get3A_267 = vector.shape_cast %get3A_266 : vector<16xi32> to vector<16xi32>
        %mul3A_268 = arith.constant 128 : i32
        %mul3A_269 = vector.broadcast %mul3A_268 : i32 to vector<16xi32>
        %mul3A_270 = arith.muli %get3A_267, %mul3A_269 : vector<16xi32>
        %swap3A_271 = arith.constant 16 : index
        %swap3A_272 = tpu.vector_load %arg7[%swap3A_271] {strides = array<i32>} : memref<80xi32, #tpu.memory_space<vmem>>, vector<16xi32>,
        %swap3A_273 = vector.shape_cast %swap3A_272 : vector<16xi32> to vector<16xi32>
        %swap3A_274 = vector.shape_cast %mul3A_270 : vector<16xi32> to vector<16xi32>
        tpu.vector_store %arg7[%swap3A_271], %swap3A_274 {strides = array<i32>} : memref<80xi32, #tpu.memory_space<vmem>>, vector<16xi32>,
        %get3A_275 = arith.constant 32 : index
        %get3A_276 = tpu.vector_load %arg7[%get3A_275] {strides = array<i32>} : memref<80xi32, #tpu.memory_space<vmem>>, vector<16xi32>,
        %get3A_277 = vector.shape_cast %get3A_276 : vector<16xi32> to vector<16xi32>
        %mul3A_278 = arith.constant 128 : i32
        %mul3A_279 = vector.broadcast %mul3A_278 : i32 to vector<16xi32>
        %mul3A_280 = arith.muli %get3A_277, %mul3A_279 : vector<16xi32>
        %swap3A_281 = arith.constant 32 : index
        %swap3A_282 = tpu.vector_load %arg7[%swap3A_281] {strides = array<i32>} : memref<80xi32, #tpu.memory_space<vmem>>, vector<16xi32>,
        %swap3A_283 = vector.shape_cast %swap3A_282 : vector<16xi32> to vector<16xi32>
        %swap3A_284 = vector.shape_cast %mul3A_280 : vector<16xi32> to vector<16xi32>
        tpu.vector_store %arg7[%swap3A_281], %swap3A_284 {strides = array<i32>} : memref<80xi32, #tpu.memory_space<vmem>>, vector<16xi32>,
        %get3A_285 = arith.constant 48 : index
        %get3A_286 = tpu.vector_load %arg7[%get3A_285] {strides = array<i32>} : memref<80xi32, #tpu.memory_space<vmem>>, vector<16xi32>,
        %get3A_287 = vector.shape_cast %get3A_286 : vector<16xi32> to vector<16xi32>
        %mul3A_288 = arith.constant 128 : i32
        %mul3A_289 = vector.broadcast %mul3A_288 : i32 to vector<16xi32>
        %mul3A_290 = arith.muli %get3A_287, %mul3A_289 : vector<16xi32>
        %swap3A_291 = arith.constant 48 : index
        %swap3A_292 = tpu.vector_load %arg7[%swap3A_291] {strides = array<i32>} : memref<80xi32, #tpu.memory_space<vmem>>, vector<16xi32>,
        %swap3A_293 = vector.shape_cast %swap3A_292 : vector<16xi32> to vector<16xi32>
        %swap3A_294 = vector.shape_cast %mul3A_290 : vector<16xi32> to vector<16xi32>
        tpu.vector_store %arg7[%swap3A_291], %swap3A_294 {strides = array<i32>} : memref<80xi32, #tpu.memory_space<vmem>>, vector<16xi32>,
        %get3A_295 = arith.constant 64 : index
        %get3A_296 = tpu.vector_load %arg7[%get3A_295] {strides = array<i32>} : memref<80xi32, #tpu.memory_space<vmem>>, vector<16xi32>,
        %get3A_297 = vector.shape_cast %get3A_296 : vector<16xi32> to vector<16xi32>
        %mul3A_298 = arith.constant 128 : i32
        %mul3A_299 = vector.broadcast %mul3A_298 : i32 to vector<16xi32>
        %mul3A_300 = arith.muli %get3A_297, %mul3A_299 : vector<16xi32>
        %swap3A_301 = arith.constant 64 : index
        %swap3A_302 = tpu.vector_load %arg7[%swap3A_301] {strides = array<i32>} : memref<80xi32, #tpu.memory_space<vmem>>, vector<16xi32>,
        %swap3A_303 = vector.shape_cast %swap3A_302 : vector<16xi32> to vector<16xi32>
        %swap3A_304 = vector.shape_cast %mul3A_300 : vector<16xi32> to vector<16xi32>
        tpu.vector_store %arg7[%swap3A_301], %swap3A_304 {strides = array<i32>} : memref<80xi32, #tpu.memory_space<vmem>>, vector<16xi32>,
        %dma_start3A_305 = arith.constant 0 : i32
        %dma_start3A_306 = tpu.memref_slice %arg2[%dma_start3A_305] : memref<1280000xf32, #tpu.memory_space<hbm>> -> memref<1280000xf32, #tpu.memory_space<hbm>>
        tpu.enqueue_indirect_dma source(%dma_start3A_306 : memref<1280000xf32, #tpu.memory_space<hbm>>) target(%arg13 : memref<80xf32, #tpu.memory_space<vmem>>) offsets(%arg7 : memref<80xi32, #tpu.memory_space<vmem>>) semaphore(%arg18 : memref<!tpu.dma_semaphore, #tpu.memory_space<semaphore_mem>>)
      } else {
      }
      %dma_wait3A_188 = arith.constant 0 : i32
      %dma_wait3A_189 = tpu.memref_slice %arg2[%dma_wait3A_188] : memref<1280000xf32, #tpu.memory_space<hbm>> -> memref<1280000xf32, #tpu.memory_space<hbm>>
      tpu.wait_indirect_dma semaphore(%arg17 : memref<!tpu.dma_semaphore, #tpu.memory_space<semaphore_mem>>) src(%dma_wait3A_189 : memref<1280000xf32, #tpu.memory_space<hbm>>) dst(%arg12 : memref<80xf32, #tpu.memory_space<vmem>>)
      %dma_start3A_190 = arith.constant 0 : i32
      %dma_start3A_191 = tpu.memref_slice %arg16[%dma_start3A_190] : memref<10000xf32, #tpu.memory_space<vmem_shared>> -> memref<10000xf32, #tpu.memory_space<vmem_shared>>
      tpu.enqueue_indirect_dma source(%arg12 : memref<80xf32, #tpu.memory_space<vmem>>) target(%dma_start3A_191 : memref<10000xf32, #tpu.memory_space<vmem_shared>>) offsets(%arg9 : memref<80xi32, #tpu.memory_space<vmem>>) semaphore(%arg23 : memref<!tpu.dma_semaphore, #tpu.memory_space<semaphore_mem>>) {add = true}
      %mul3A_192 = arith.constant 3 : i32
      %mul3A_193 = arith.muli %mul3A_192, %scan3A_166 : i32
      %add3A_194 = arith.constant 1 : i32
      %add3A_195 = arith.addi %mul3A_193, %add3A_194 : i32
      %ge3A_196 = arith.constant 1 : i32
      %ge3A_197 = arith.cmpi sge, %add3A_195, %ge3A_196 : i32
      %convert_element_type3A_198 = arith.extui %ge3A_197 : i1 to i32
      %cond3A_199 = arith.constant 0 : i32
      %cond3A_200 = arith.cmpi ne, %convert_element_type3A_198, %cond3A_199 : i32
      scf.if %cond3A_200 {
        %dma_wait3A_246 = arith.constant 0 : i32
        %dma_wait3A_247 = tpu.memref_slice %arg16[%dma_wait3A_246] : memref<10000xf32, #tpu.memory_space<vmem_shared>> -> memref<10000xf32, #tpu.memory_space<vmem_shared>>
        tpu.wait_indirect_dma semaphore(%arg23 : memref<!tpu.dma_semaphore, #tpu.memory_space<semaphore_mem>>) src(%arg12 : memref<80xf32, #tpu.memory_space<vmem>>) dst(%dma_wait3A_247 : memref<10000xf32, #tpu.memory_space<vmem_shared>>)
      } else {
      }
      %add3A_201 = arith.constant 2 : i32
      %add3A_202 = arith.addi %add3A_195, %add3A_201 : i32
      %lt3A_203 = arith.constant 125 : i32
      %lt3A_204 = arith.cmpi slt, %add3A_202, %lt3A_203 : i32
      %convert_element_type3A_205 = arith.extui %lt3A_204 : i1 to i32
      %cond3A_206 = arith.constant 0 : i32
      %cond3A_207 = arith.cmpi ne, %convert_element_type3A_205, %cond3A_206 : i32
      scf.if %cond3A_207 {
        %add3A_246 = arith.constant 2 : i32
        %add3A_247 = arith.addi %add3A_195, %add3A_246 : i32
        %mul3A_248 = arith.constant 80 : i32
        %mul3A_249 = arith.muli %add3A_247, %mul3A_248 : i32
        %add3A_250 = arith.addi %mul3A_12, %mul3A_249 : i32
        %dma_start3A_251 = tpu.memref_slice %arg3[%add3A_250] : memref<320000xi32, #tpu.memory_space<hbm>> -> memref<80xi32, #tpu.memory_space<hbm>>
        %dma_start3A_252 = tpu.memref_slice %arg3[%add3A_250] : memref<320000xi32, #tpu.memory_space<hbm>> -> memref<80xi32, #tpu.memory_space<hbm>>
        tpu.enqueue_dma source(%dma_start3A_252 : memref<80xi32, #tpu.memory_space<hbm>>) target(%arg6 : memref<80xi32, #tpu.memory_space<vmem>>) target_semaphore(%arg20 : memref<!tpu.dma_semaphore, #tpu.memory_space<semaphore_mem>>)
        %dma_start3A_253 = tpu.memref_slice %arg4[%add3A_250] : memref<320000xi32, #tpu.memory_space<hbm>> -> memref<80xi32, #tpu.memory_space<hbm>>
        %dma_start3A_254 = tpu.memref_slice %arg4[%add3A_250] : memref<320000xi32, #tpu.memory_space<hbm>> -> memref<80xi32, #tpu.memory_space<hbm>>
        tpu.enqueue_dma source(%dma_start3A_254 : memref<80xi32, #tpu.memory_space<hbm>>) target(%arg9 : memref<80xi32, #tpu.memory_space<vmem>>) target_semaphore(%arg20 : memref<!tpu.dma_semaphore, #tpu.memory_space<semaphore_mem>>)
      } else {
      }
      %add3A_208 = arith.constant 1 : i32
      %add3A_209 = arith.addi %add3A_195, %add3A_208 : i32
      %lt3A_210 = arith.constant 125 : i32
      %lt3A_211 = arith.cmpi slt, %add3A_209, %lt3A_210 : i32
      %convert_element_type3A_212 = arith.extui %lt3A_211 : i1 to i32
      %cond3A_213 = arith.constant 0 : i32
      %cond3A_214 = arith.cmpi ne, %convert_element_type3A_212, %cond3A_213 : i32
      scf.if %cond3A_214 {
        %add3A_246 = arith.constant 1 : i32
        %add3A_247 = arith.addi %add3A_195, %add3A_246 : i32
        %mul3A_248 = arith.constant 80 : i32
        %mul3A_249 = arith.muli %add3A_247, %mul3A_248 : i32
        %add3A_250 = arith.addi %mul3A_12, %mul3A_249 : i32
        %dma_wait3A_251 = tpu.memref_slice %arg3[%add3A_250] : memref<320000xi32, #tpu.memory_space<hbm>> -> memref<80xi32, #tpu.memory_space<hbm>>
        %dma_wait3A_252 = tpu.memref_slice %arg3[%add3A_250] : memref<320000xi32, #tpu.memory_space<hbm>> -> memref<80xi32, #tpu.memory_space<hbm>>
        tpu.wait_dma2 semaphore(%arg22 : memref<!tpu.dma_semaphore, #tpu.memory_space<semaphore_mem>>) src(%dma_wait3A_252 : memref<80xi32, #tpu.memory_space<hbm>>) dst(%arg8 : memref<80xi32, #tpu.memory_space<vmem>>)
        %dma_wait3A_253 = tpu.memref_slice %arg4[%add3A_250] : memref<320000xi32, #tpu.memory_space<hbm>> -> memref<80xi32, #tpu.memory_space<hbm>>
        %dma_wait3A_254 = tpu.memref_slice %arg4[%add3A_250] : memref<320000xi32, #tpu.memory_space<hbm>> -> memref<80xi32, #tpu.memory_space<hbm>>
        tpu.wait_dma2 semaphore(%arg22 : memref<!tpu.dma_semaphore, #tpu.memory_space<semaphore_mem>>) src(%dma_wait3A_254 : memref<80xi32, #tpu.memory_space<hbm>>) dst(%arg11 : memref<80xi32, #tpu.memory_space<vmem>>)
        %get3A_255 = arith.constant 0 : index
        %get3A_256 = tpu.vector_load %arg8[%get3A_255] {strides = array<i32>} : memref<80xi32, #tpu.memory_space<vmem>>, vector<16xi32>,
        %get3A_257 = vector.shape_cast %get3A_256 : vector<16xi32> to vector<16xi32>
        %mul3A_258 = arith.constant 128 : i32
        %mul3A_259 = vector.broadcast %mul3A_258 : i32 to vector<16xi32>
        %mul3A_260 = arith.muli %get3A_257, %mul3A_259 : vector<16xi32>
        %swap3A_261 = arith.constant 0 : index
        %swap3A_262 = tpu.vector_load %arg8[%swap3A_261] {strides = array<i32>} : memref<80xi32, #tpu.memory_space<vmem>>, vector<16xi32>,
        %swap3A_263 = vector.shape_cast %swap3A_262 : vector<16xi32> to vector<16xi32>
        %swap3A_264 = vector.shape_cast %mul3A_260 : vector<16xi32> to vector<16xi32>
        tpu.vector_store %arg8[%swap3A_261], %swap3A_264 {strides = array<i32>} : memref<80xi32, #tpu.memory_space<vmem>>, vector<16xi32>,
        %get3A_265 = arith.constant 16 : index
        %get3A_266 = tpu.vector_load %arg8[%get3A_265] {strides = array<i32>} : memref<80xi32, #tpu.memory_space<vmem>>, vector<16xi32>,
        %get3A_267 = vector.shape_cast %get3A_266 : vector<16xi32> to vector<16xi32>
        %mul3A_268 = arith.constant 128 : i32
        %mul3A_269 = vector.broadcast %mul3A_268 : i32 to vector<16xi32>
        %mul3A_270 = arith.muli %get3A_267, %mul3A_269 : vector<16xi32>
        %swap3A_271 = arith.constant 16 : index
        %swap3A_272 = tpu.vector_load %arg8[%swap3A_271] {strides = array<i32>} : memref<80xi32, #tpu.memory_space<vmem>>, vector<16xi32>,
        %swap3A_273 = vector.shape_cast %swap3A_272 : vector<16xi32> to vector<16xi32>
        %swap3A_274 = vector.shape_cast %mul3A_270 : vector<16xi32> to vector<16xi32>
        tpu.vector_store %arg8[%swap3A_271], %swap3A_274 {strides = array<i32>} : memref<80xi32, #tpu.memory_space<vmem>>, vector<16xi32>,
        %get3A_275 = arith.constant 32 : index
        %get3A_276 = tpu.vector_load %arg8[%get3A_275] {strides = array<i32>} : memref<80xi32, #tpu.memory_space<vmem>>, vector<16xi32>,
        %get3A_277 = vector.shape_cast %get3A_276 : vector<16xi32> to vector<16xi32>
        %mul3A_278 = arith.constant 128 : i32
        %mul3A_279 = vector.broadcast %mul3A_278 : i32 to vector<16xi32>
        %mul3A_280 = arith.muli %get3A_277, %mul3A_279 : vector<16xi32>
        %swap3A_281 = arith.constant 32 : index
        %swap3A_282 = tpu.vector_load %arg8[%swap3A_281] {strides = array<i32>} : memref<80xi32, #tpu.memory_space<vmem>>, vector<16xi32>,
        %swap3A_283 = vector.shape_cast %swap3A_282 : vector<16xi32> to vector<16xi32>
        %swap3A_284 = vector.shape_cast %mul3A_280 : vector<16xi32> to vector<16xi32>
        tpu.vector_store %arg8[%swap3A_281], %swap3A_284 {strides = array<i32>} : memref<80xi32, #tpu.memory_space<vmem>>, vector<16xi32>,
        %get3A_285 = arith.constant 48 : index
        %get3A_286 = tpu.vector_load %arg8[%get3A_285] {strides = array<i32>} : memref<80xi32, #tpu.memory_space<vmem>>, vector<16xi32>,
        %get3A_287 = vector.shape_cast %get3A_286 : vector<16xi32> to vector<16xi32>
        %mul3A_288 = arith.constant 128 : i32
        %mul3A_289 = vector.broadcast %mul3A_288 : i32 to vector<16xi32>
        %mul3A_290 = arith.muli %get3A_287, %mul3A_289 : vector<16xi32>
        %swap3A_291 = arith.constant 48 : index
        %swap3A_292 = tpu.vector_load %arg8[%swap3A_291] {strides = array<i32>} : memref<80xi32, #tpu.memory_space<vmem>>, vector<16xi32>,
        %swap3A_293 = vector.shape_cast %swap3A_292 : vector<16xi32> to vector<16xi32>
        %swap3A_294 = vector.shape_cast %mul3A_290 : vector<16xi32> to vector<16xi32>
        tpu.vector_store %arg8[%swap3A_291], %swap3A_294 {strides = array<i32>} : memref<80xi32, #tpu.memory_space<vmem>>, vector<16xi32>,
        %get3A_295 = arith.constant 64 : index
        %get3A_296 = tpu.vector_load %arg8[%get3A_295] {strides = array<i32>} : memref<80xi32, #tpu.memory_space<vmem>>, vector<16xi32>,
        %get3A_297 = vector.shape_cast %get3A_296 : vector<16xi32> to vector<16xi32>
        %mul3A_298 = arith.constant 128 : i32
        %mul3A_299 = vector.broadcast %mul3A_298 : i32 to vector<16xi32>
        %mul3A_300 = arith.muli %get3A_297, %mul3A_299 : vector<16xi32>
        %swap3A_301 = arith.constant 64 : index
        %swap3A_302 = tpu.vector_load %arg8[%swap3A_301] {strides = array<i32>} : memref<80xi32, #tpu.memory_space<vmem>>, vector<16xi32>,
        %swap3A_303 = vector.shape_cast %swap3A_302 : vector<16xi32> to vector<16xi32>
        %swap3A_304 = vector.shape_cast %mul3A_300 : vector<16xi32> to vector<16xi32>
        tpu.vector_store %arg8[%swap3A_301], %swap3A_304 {strides = array<i32>} : memref<80xi32, #tpu.memory_space<vmem>>, vector<16xi32>,
        %dma_start3A_305 = arith.constant 0 : i32
        %dma_start3A_306 = tpu.memref_slice %arg2[%dma_start3A_305] : memref<1280000xf32, #tpu.memory_space<hbm>> -> memref<1280000xf32, #tpu.memory_space<hbm>>
        tpu.enqueue_indirect_dma source(%dma_start3A_306 : memref<1280000xf32, #tpu.memory_space<hbm>>) target(%arg14 : memref<80xf32, #tpu.memory_space<vmem>>) offsets(%arg8 : memref<80xi32, #tpu.memory_space<vmem>>) semaphore(%arg19 : memref<!tpu.dma_semaphore, #tpu.memory_space<semaphore_mem>>)
      } else {
      }
      %dma_wait3A_215 = arith.constant 0 : i32
      %dma_wait3A_216 = tpu.memref_slice %arg2[%dma_wait3A_215] : memref<1280000xf32, #tpu.memory_space<hbm>> -> memref<1280000xf32, #tpu.memory_space<hbm>>
      tpu.wait_indirect_dma semaphore(%arg18 : memref<!tpu.dma_semaphore, #tpu.memory_space<semaphore_mem>>) src(%dma_wait3A_216 : memref<1280000xf32, #tpu.memory_space<hbm>>) dst(%arg13 : memref<80xf32, #tpu.memory_space<vmem>>)
      %dma_start3A_217 = arith.constant 0 : i32
      %dma_start3A_218 = tpu.memref_slice %arg16[%dma_start3A_217] : memref<10000xf32, #tpu.memory_space<vmem_shared>> -> memref<10000xf32, #tpu.memory_space<vmem_shared>>
      tpu.enqueue_indirect_dma source(%arg13 : memref<80xf32, #tpu.memory_space<vmem>>) target(%dma_start3A_218 : memref<10000xf32, #tpu.memory_space<vmem_shared>>) offsets(%arg10 : memref<80xi32, #tpu.memory_space<vmem>>) semaphore(%arg24 : memref<!tpu.dma_semaphore, #tpu.memory_space<semaphore_mem>>) {add = true}
      %mul3A_219 = arith.constant 3 : i32
      %mul3A_220 = arith.muli %mul3A_219, %scan3A_166 : i32
      %add3A_221 = arith.constant 2 : i32
      %add3A_222 = arith.addi %mul3A_220, %add3A_221 : i32
      %ge3A_223 = arith.constant 1 : i32
      %ge3A_224 = arith.cmpi sge, %add3A_222, %ge3A_223 : i32
      %convert_element_type3A_225 = arith.extui %ge3A_224 : i1 to i32
      %cond3A_226 = arith.constant 0 : i32
      %cond3A_227 = arith.cmpi ne, %convert_element_type3A_225, %cond3A_226 : i32
      scf.if %cond3A_227 {
        %dma_wait3A_246 = arith.constant 0 : i32
        %dma_wait3A_247 = tpu.memref_slice %arg16[%dma_wait3A_246] : memref<10000xf32, #tpu.memory_space<vmem_shared>> -> memref<10000xf32, #tpu.memory_space<vmem_shared>>
        tpu.wait_indirect_dma semaphore(%arg24 : memref<!tpu.dma_semaphore, #tpu.memory_space<semaphore_mem>>) src(%arg13 : memref<80xf32, #tpu.memory_space<vmem>>) dst(%dma_wait3A_247 : memref<10000xf32, #tpu.memory_space<vmem_shared>>)
      } else {
      }
      %add3A_228 = arith.constant 2 : i32
      %add3A_229 = arith.addi %add3A_222, %add3A_228 : i32
      %lt3A_230 = arith.constant 125 : i32
      %lt3A_231 = arith.cmpi slt, %add3A_229, %lt3A_230 : i32
      %convert_element_type3A_232 = arith.extui %lt3A_231 : i1 to i32
      %cond3A_233 = arith.constant 0 : i32
      %cond3A_234 = arith.cmpi ne, %convert_element_type3A_232, %cond3A_233 : i32
      scf.if %cond3A_234 {
        %add3A_246 = arith.constant 2 : i32
        %add3A_247 = arith.addi %add3A_222, %add3A_246 : i32
        %mul3A_248 = arith.constant 80 : i32
        %mul3A_249 = arith.muli %add3A_247, %mul3A_248 : i32
        %add3A_250 = arith.addi %mul3A_12, %mul3A_249 : i32
        %dma_start3A_251 = tpu.memref_slice %arg3[%add3A_250] : memref<320000xi32, #tpu.memory_space<hbm>> -> memref<80xi32, #tpu.memory_space<hbm>>
        %dma_start3A_252 = tpu.memref_slice %arg3[%add3A_250] : memref<320000xi32, #tpu.memory_space<hbm>> -> memref<80xi32, #tpu.memory_space<hbm>>
        tpu.enqueue_dma source(%dma_start3A_252 : memref<80xi32, #tpu.memory_space<hbm>>) target(%arg7 : memref<80xi32, #tpu.memory_space<vmem>>) target_semaphore(%arg21 : memref<!tpu.dma_semaphore, #tpu.memory_space<semaphore_mem>>)
        %dma_start3A_253 = tpu.memref_slice %arg4[%add3A_250] : memref<320000xi32, #tpu.memory_space<hbm>> -> memref<80xi32, #tpu.memory_space<hbm>>
        %dma_start3A_254 = tpu.memref_slice %arg4[%add3A_250] : memref<320000xi32, #tpu.memory_space<hbm>> -> memref<80xi32, #tpu.memory_space<hbm>>
        tpu.enqueue_dma source(%dma_start3A_254 : memref<80xi32, #tpu.memory_space<hbm>>) target(%arg10 : memref<80xi32, #tpu.memory_space<vmem>>) target_semaphore(%arg21 : memref<!tpu.dma_semaphore, #tpu.memory_space<semaphore_mem>>)
      } else {
      }
      %add3A_235 = arith.constant 1 : i32
      %add3A_236 = arith.addi %add3A_222, %add3A_235 : i32
      %lt3A_237 = arith.constant 125 : i32
      %lt3A_238 = arith.cmpi slt, %add3A_236, %lt3A_237 : i32
      %convert_element_type3A_239 = arith.extui %lt3A_238 : i1 to i32
      %cond3A_240 = arith.constant 0 : i32
      %cond3A_241 = arith.cmpi ne, %convert_element_type3A_239, %cond3A_240 : i32
      scf.if %cond3A_241 {
        %add3A_246 = arith.constant 1 : i32
        %add3A_247 = arith.addi %add3A_222, %add3A_246 : i32
        %mul3A_248 = arith.constant 80 : i32
        %mul3A_249 = arith.muli %add3A_247, %mul3A_248 : i32
        %add3A_250 = arith.addi %mul3A_12, %mul3A_249 : i32
        %dma_wait3A_251 = tpu.memref_slice %arg3[%add3A_250] : memref<320000xi32, #tpu.memory_space<hbm>> -> memref<80xi32, #tpu.memory_space<hbm>>
        %dma_wait3A_252 = tpu.memref_slice %arg3[%add3A_250] : memref<320000xi32, #tpu.memory_space<hbm>> -> memref<80xi32, #tpu.memory_space<hbm>>
        tpu.wait_dma2 semaphore(%arg20 : memref<!tpu.dma_semaphore, #tpu.memory_space<semaphore_mem>>) src(%dma_wait3A_252 : memref<80xi32, #tpu.memory_space<hbm>>) dst(%arg6 : memref<80xi32, #tpu.memory_space<vmem>>)
        %dma_wait3A_253 = tpu.memref_slice %arg4[%add3A_250] : memref<320000xi32, #tpu.memory_space<hbm>> -> memref<80xi32, #tpu.memory_space<hbm>>
        %dma_wait3A_254 = tpu.memref_slice %arg4[%add3A_250] : memref<320000xi32, #tpu.memory_space<hbm>> -> memref<80xi32, #tpu.memory_space<hbm>>
        tpu.wait_dma2 semaphore(%arg20 : memref<!tpu.dma_semaphore, #tpu.memory_space<semaphore_mem>>) src(%dma_wait3A_254 : memref<80xi32, #tpu.memory_space<hbm>>) dst(%arg9 : memref<80xi32, #tpu.memory_space<vmem>>)
        %get3A_255 = arith.constant 0 : index
        %get3A_256 = tpu.vector_load %arg6[%get3A_255] {strides = array<i32>} : memref<80xi32, #tpu.memory_space<vmem>>, vector<16xi32>,
        %get3A_257 = vector.shape_cast %get3A_256 : vector<16xi32> to vector<16xi32>
        %mul3A_258 = arith.constant 128 : i32
        %mul3A_259 = vector.broadcast %mul3A_258 : i32 to vector<16xi32>
        %mul3A_260 = arith.muli %get3A_257, %mul3A_259 : vector<16xi32>
        %swap3A_261 = arith.constant 0 : index
        %swap3A_262 = tpu.vector_load %arg6[%swap3A_261] {strides = array<i32>} : memref<80xi32, #tpu.memory_space<vmem>>, vector<16xi32>,
        %swap3A_263 = vector.shape_cast %swap3A_262 : vector<16xi32> to vector<16xi32>
        %swap3A_264 = vector.shape_cast %mul3A_260 : vector<16xi32> to vector<16xi32>
        tpu.vector_store %arg6[%swap3A_261], %swap3A_264 {strides = array<i32>} : memref<80xi32, #tpu.memory_space<vmem>>, vector<16xi32>,
        %get3A_265 = arith.constant 16 : index
        %get3A_266 = tpu.vector_load %arg6[%get3A_265] {strides = array<i32>} : memref<80xi32, #tpu.memory_space<vmem>>, vector<16xi32>,
        %get3A_267 = vector.shape_cast %get3A_266 : vector<16xi32> to vector<16xi32>
        %mul3A_268 = arith.constant 128 : i32
        %mul3A_269 = vector.broadcast %mul3A_268 : i32 to vector<16xi32>
        %mul3A_270 = arith.muli %get3A_267, %mul3A_269 : vector<16xi32>
        %swap3A_271 = arith.constant 16 : index
        %swap3A_272 = tpu.vector_load %arg6[%swap3A_271] {strides = array<i32>} : memref<80xi32, #tpu.memory_space<vmem>>, vector<16xi32>,
        %swap3A_273 = vector.shape_cast %swap3A_272 : vector<16xi32> to vector<16xi32>
        %swap3A_274 = vector.shape_cast %mul3A_270 : vector<16xi32> to vector<16xi32>
        tpu.vector_store %arg6[%swap3A_271], %swap3A_274 {strides = array<i32>} : memref<80xi32, #tpu.memory_space<vmem>>, vector<16xi32>,
        %get3A_275 = arith.constant 32 : index
        %get3A_276 = tpu.vector_load %arg6[%get3A_275] {strides = array<i32>} : memref<80xi32, #tpu.memory_space<vmem>>, vector<16xi32>,
        %get3A_277 = vector.shape_cast %get3A_276 : vector<16xi32> to vector<16xi32>
        %mul3A_278 = arith.constant 128 : i32
        %mul3A_279 = vector.broadcast %mul3A_278 : i32 to vector<16xi32>
        %mul3A_280 = arith.muli %get3A_277, %mul3A_279 : vector<16xi32>
        %swap3A_281 = arith.constant 32 : index
        %swap3A_282 = tpu.vector_load %arg6[%swap3A_281] {strides = array<i32>} : memref<80xi32, #tpu.memory_space<vmem>>, vector<16xi32>,
        %swap3A_283 = vector.shape_cast %swap3A_282 : vector<16xi32> to vector<16xi32>
        %swap3A_284 = vector.shape_cast %mul3A_280 : vector<16xi32> to vector<16xi32>
        tpu.vector_store %arg6[%swap3A_281], %swap3A_284 {strides = array<i32>} : memref<80xi32, #tpu.memory_space<vmem>>, vector<16xi32>,
        %get3A_285 = arith.constant 48 : index
        %get3A_286 = tpu.vector_load %arg6[%get3A_285] {strides = array<i32>} : memref<80xi32, #tpu.memory_space<vmem>>, vector<16xi32>,
        %get3A_287 = vector.shape_cast %get3A_286 : vector<16xi32> to vector<16xi32>
        %mul3A_288 = arith.constant 128 : i32
        %mul3A_289 = vector.broadcast %mul3A_288 : i32 to vector<16xi32>
        %mul3A_290 = arith.muli %get3A_287, %mul3A_289 : vector<16xi32>
        %swap3A_291 = arith.constant 48 : index
        %swap3A_292 = tpu.vector_load %arg6[%swap3A_291] {strides = array<i32>} : memref<80xi32, #tpu.memory_space<vmem>>, vector<16xi32>,
        %swap3A_293 = vector.shape_cast %swap3A_292 : vector<16xi32> to vector<16xi32>
        %swap3A_294 = vector.shape_cast %mul3A_290 : vector<16xi32> to vector<16xi32>
        tpu.vector_store %arg6[%swap3A_291], %swap3A_294 {strides = array<i32>} : memref<80xi32, #tpu.memory_space<vmem>>, vector<16xi32>,
        %get3A_295 = arith.constant 64 : index
        %get3A_296 = tpu.vector_load %arg6[%get3A_295] {strides = array<i32>} : memref<80xi32, #tpu.memory_space<vmem>>, vector<16xi32>,
        %get3A_297 = vector.shape_cast %get3A_296 : vector<16xi32> to vector<16xi32>
        %mul3A_298 = arith.constant 128 : i32
        %mul3A_299 = vector.broadcast %mul3A_298 : i32 to vector<16xi32>
        %mul3A_300 = arith.muli %get3A_297, %mul3A_299 : vector<16xi32>
        %swap3A_301 = arith.constant 64 : index
        %swap3A_302 = tpu.vector_load %arg6[%swap3A_301] {strides = array<i32>} : memref<80xi32, #tpu.memory_space<vmem>>, vector<16xi32>,
        %swap3A_303 = vector.shape_cast %swap3A_302 : vector<16xi32> to vector<16xi32>
        %swap3A_304 = vector.shape_cast %mul3A_300 : vector<16xi32> to vector<16xi32>
        tpu.vector_store %arg6[%swap3A_301], %swap3A_304 {strides = array<i32>} : memref<80xi32, #tpu.memory_space<vmem>>, vector<16xi32>,
        %dma_start3A_305 = arith.constant 0 : i32
        %dma_start3A_306 = tpu.memref_slice %arg2[%dma_start3A_305] : memref<1280000xf32, #tpu.memory_space<hbm>> -> memref<1280000xf32, #tpu.memory_space<hbm>>
        tpu.enqueue_indirect_dma source(%dma_start3A_306 : memref<1280000xf32, #tpu.memory_space<hbm>>) target(%arg12 : memref<80xf32, #tpu.memory_space<vmem>>) offsets(%arg6 : memref<80xi32, #tpu.memory_space<vmem>>) semaphore(%arg17 : memref<!tpu.dma_semaphore, #tpu.memory_space<semaphore_mem>>)
      } else {
      }
      %dma_wait3A_242 = arith.constant 0 : i32
      %dma_wait3A_243 = tpu.memref_slice %arg2[%dma_wait3A_242] : memref<1280000xf32, #tpu.memory_space<hbm>> -> memref<1280000xf32, #tpu.memory_space<hbm>>
      tpu.wait_indirect_dma semaphore(%arg19 : memref<!tpu.dma_semaphore, #tpu.memory_space<semaphore_mem>>) src(%dma_wait3A_243 : memref<1280000xf32, #tpu.memory_space<hbm>>) dst(%arg14 : memref<80xf32, #tpu.memory_space<vmem>>)
      %dma_start3A_244 = arith.constant 0 : i32
      %dma_start3A_245 = tpu.memref_slice %arg16[%dma_start3A_244] : memref<10000xf32, #tpu.memory_space<vmem_shared>> -> memref<10000xf32, #tpu.memory_space<vmem_shared>>
      tpu.enqueue_indirect_dma source(%arg14 : memref<80xf32, #tpu.memory_space<vmem>>) target(%dma_start3A_245 : memref<10000xf32, #tpu.memory_space<vmem_shared>>) offsets(%arg11 : memref<80xi32, #tpu.memory_space<vmem>>) semaphore(%arg25 : memref<!tpu.dma_semaphore, #tpu.memory_space<semaphore_mem>>) {add = true}
    }
    %scan3A_84 = arith.constant 41 : i32
    %dma_wait3A_85 = arith.constant 0 : i32
    %dma_wait3A_86 = tpu.memref_slice %arg16[%dma_wait3A_85] : memref<10000xf32, #tpu.memory_space<vmem_shared>> -> memref<10000xf32, #tpu.memory_space<vmem_shared>>
    tpu.wait_indirect_dma semaphore(%arg25 : memref<!tpu.dma_semaphore, #tpu.memory_space<semaphore_mem>>) src(%arg14 : memref<80xf32, #tpu.memory_space<vmem>>) dst(%dma_wait3A_86 : memref<10000xf32, #tpu.memory_space<vmem_shared>>)
    %add3A_87 = arith.constant 9920 : i32
    %add3A_88 = arith.addi %mul3A_12, %add3A_87 : i32
    %dma_wait3A_89 = tpu.memref_slice %arg3[%add3A_88] : memref<320000xi32, #tpu.memory_space<hbm>> -> memref<80xi32, #tpu.memory_space<hbm>>
    %dma_wait3A_90 = tpu.memref_slice %arg3[%add3A_88] : memref<320000xi32, #tpu.memory_space<hbm>> -> memref<80xi32, #tpu.memory_space<hbm>>
    tpu.wait_dma2 semaphore(%arg21 : memref<!tpu.dma_semaphore, #tpu.memory_space<semaphore_mem>>) src(%dma_wait3A_90 : memref<80xi32, #tpu.memory_space<hbm>>) dst(%arg7 : memref<80xi32, #tpu.memory_space<vmem>>)
    %dma_wait3A_91 = tpu.memref_slice %arg4[%add3A_88] : memref<320000xi32, #tpu.memory_space<hbm>> -> memref<80xi32, #tpu.memory_space<hbm>>
    %dma_wait3A_92 = tpu.memref_slice %arg4[%add3A_88] : memref<320000xi32, #tpu.memory_space<hbm>> -> memref<80xi32, #tpu.memory_space<hbm>>
    tpu.wait_dma2 semaphore(%arg21 : memref<!tpu.dma_semaphore, #tpu.memory_space<semaphore_mem>>) src(%dma_wait3A_92 : memref<80xi32, #tpu.memory_space<hbm>>) dst(%arg10 : memref<80xi32, #tpu.memory_space<vmem>>)
    %get3A_93 = arith.constant 0 : index
    %get3A_94 = tpu.vector_load %arg7[%get3A_93] {strides = array<i32>} : memref<80xi32, #tpu.memory_space<vmem>>, vector<16xi32>,
    %get3A_95 = vector.shape_cast %get3A_94 : vector<16xi32> to vector<16xi32>
    %mul3A_96 = arith.constant 128 : i32
    %mul3A_97 = vector.broadcast %mul3A_96 : i32 to vector<16xi32>
    %mul3A_98 = arith.muli %get3A_95, %mul3A_97 : vector<16xi32>
    %swap3A_99 = arith.constant 0 : index
    %swap3A_100 = tpu.vector_load %arg7[%swap3A_99] {strides = array<i32>} : memref<80xi32, #tpu.memory_space<vmem>>, vector<16xi32>,
    %swap3A_101 = vector.shape_cast %swap3A_100 : vector<16xi32> to vector<16xi32>
    %swap3A_102 = vector.shape_cast %mul3A_98 : vector<16xi32> to vector<16xi32>
    tpu.vector_store %arg7[%swap3A_99], %swap3A_102 {strides = array<i32>} : memref<80xi32, #tpu.memory_space<vmem>>, vector<16xi32>,
    %get3A_103 = arith.constant 16 : index
    %get3A_104 = tpu.vector_load %arg7[%get3A_103] {strides = array<i32>} : memref<80xi32, #tpu.memory_space<vmem>>, vector<16xi32>,
    %get3A_105 = vector.shape_cast %get3A_104 : vector<16xi32> to vector<16xi32>
    %mul3A_106 = arith.constant 128 : i32
    %mul3A_107 = vector.broadcast %mul3A_106 : i32 to vector<16xi32>
    %mul3A_108 = arith.muli %get3A_105, %mul3A_107 : vector<16xi32>
    %swap3A_109 = arith.constant 16 : index
    %swap3A_110 = tpu.vector_load %arg7[%swap3A_109] {strides = array<i32>} : memref<80xi32, #tpu.memory_space<vmem>>, vector<16xi32>,
    %swap3A_111 = vector.shape_cast %swap3A_110 : vector<16xi32> to vector<16xi32>
    %swap3A_112 = vector.shape_cast %mul3A_108 : vector<16xi32> to vector<16xi32>
    tpu.vector_store %arg7[%swap3A_109], %swap3A_112 {strides = array<i32>} : memref<80xi32, #tpu.memory_space<vmem>>, vector<16xi32>,
    %get3A_113 = arith.constant 32 : index
    %get3A_114 = tpu.vector_load %arg7[%get3A_113] {strides = array<i32>} : memref<80xi32, #tpu.memory_space<vmem>>, vector<16xi32>,
    %get3A_115 = vector.shape_cast %get3A_114 : vector<16xi32> to vector<16xi32>
    %mul3A_116 = arith.constant 128 : i32
    %mul3A_117 = vector.broadcast %mul3A_116 : i32 to vector<16xi32>
    %mul3A_118 = arith.muli %get3A_115, %mul3A_117 : vector<16xi32>
    %swap3A_119 = arith.constant 32 : index
    %swap3A_120 = tpu.vector_load %arg7[%swap3A_119] {strides = array<i32>} : memref<80xi32, #tpu.memory_space<vmem>>, vector<16xi32>,
    %swap3A_121 = vector.shape_cast %swap3A_120 : vector<16xi32> to vector<16xi32>
    %swap3A_122 = vector.shape_cast %mul3A_118 : vector<16xi32> to vector<16xi32>
    tpu.vector_store %arg7[%swap3A_119], %swap3A_122 {strides = array<i32>} : memref<80xi32, #tpu.memory_space<vmem>>, vector<16xi32>,
    %get3A_123 = arith.constant 48 : index
    %get3A_124 = tpu.vector_load %arg7[%get3A_123] {strides = array<i32>} : memref<80xi32, #tpu.memory_space<vmem>>, vector<16xi32>,
    %get3A_125 = vector.shape_cast %get3A_124 : vector<16xi32> to vector<16xi32>
    %mul3A_126 = arith.constant 128 : i32
    %mul3A_127 = vector.broadcast %mul3A_126 : i32 to vector<16xi32>
    %mul3A_128 = arith.muli %get3A_125, %mul3A_127 : vector<16xi32>
    %swap3A_129 = arith.constant 48 : index
    %swap3A_130 = tpu.vector_load %arg7[%swap3A_129] {strides = array<i32>} : memref<80xi32, #tpu.memory_space<vmem>>, vector<16xi32>,
    %swap3A_131 = vector.shape_cast %swap3A_130 : vector<16xi32> to vector<16xi32>
    %swap3A_132 = vector.shape_cast %mul3A_128 : vector<16xi32> to vector<16xi32>
    tpu.vector_store %arg7[%swap3A_129], %swap3A_132 {strides = array<i32>} : memref<80xi32, #tpu.memory_space<vmem>>, vector<16xi32>,
    %get3A_133 = arith.constant 64 : index
    %get3A_134 = tpu.vector_load %arg7[%get3A_133] {strides = array<i32>} : memref<80xi32, #tpu.memory_space<vmem>>, vector<16xi32>,
    %get3A_135 = vector.shape_cast %get3A_134 : vector<16xi32> to vector<16xi32>
    %mul3A_136 = arith.constant 128 : i32
    %mul3A_137 = vector.broadcast %mul3A_136 : i32 to vector<16xi32>
    %mul3A_138 = arith.muli %get3A_135, %mul3A_137 : vector<16xi32>
    %swap3A_139 = arith.constant 64 : index
    %swap3A_140 = tpu.vector_load %arg7[%swap3A_139] {strides = array<i32>} : memref<80xi32, #tpu.memory_space<vmem>>, vector<16xi32>,
    %swap3A_141 = vector.shape_cast %swap3A_140 : vector<16xi32> to vector<16xi32>
    %swap3A_142 = vector.shape_cast %mul3A_138 : vector<16xi32> to vector<16xi32>
    tpu.vector_store %arg7[%swap3A_139], %swap3A_142 {strides = array<i32>} : memref<80xi32, #tpu.memory_space<vmem>>, vector<16xi32>,
    %dma_start3A_143 = arith.constant 0 : i32
    %dma_start3A_144 = tpu.memref_slice %arg2[%dma_start3A_143] : memref<1280000xf32, #tpu.memory_space<hbm>> -> memref<1280000xf32, #tpu.memory_space<hbm>>
    tpu.enqueue_indirect_dma source(%dma_start3A_144 : memref<1280000xf32, #tpu.memory_space<hbm>>) target(%arg13 : memref<80xf32, #tpu.memory_space<vmem>>) offsets(%arg7 : memref<80xi32, #tpu.memory_space<vmem>>) semaphore(%arg18 : memref<!tpu.dma_semaphore, #tpu.memory_space<semaphore_mem>>)
    %dma_wait3A_145 = arith.constant 0 : i32
    %dma_wait3A_146 = tpu.memref_slice %arg2[%dma_wait3A_145] : memref<1280000xf32, #tpu.memory_space<hbm>> -> memref<1280000xf32, #tpu.memory_space<hbm>>
    tpu.wait_indirect_dma semaphore(%arg17 : memref<!tpu.dma_semaphore, #tpu.memory_space<semaphore_mem>>) src(%dma_wait3A_146 : memref<1280000xf32, #tpu.memory_space<hbm>>) dst(%arg12 : memref<80xf32, #tpu.memory_space<vmem>>)
    %dma_start3A_147 = arith.constant 0 : i32
    %dma_start3A_148 = tpu.memref_slice %arg16[%dma_start3A_147] : memref<10000xf32, #tpu.memory_space<vmem_shared>> -> memref<10000xf32, #tpu.memory_space<vmem_shared>>
    tpu.enqueue_indirect_dma source(%arg12 : memref<80xf32, #tpu.memory_space<vmem>>) target(%dma_start3A_148 : memref<10000xf32, #tpu.memory_space<vmem_shared>>) offsets(%arg9 : memref<80xi32, #tpu.memory_space<vmem>>) semaphore(%arg23 : memref<!tpu.dma_semaphore, #tpu.memory_space<semaphore_mem>>) {add = true}
    %dma_wait3A_149 = arith.constant 0 : i32
    %dma_wait3A_150 = tpu.memref_slice %arg16[%dma_wait3A_149] : memref<10000xf32, #tpu.memory_space<vmem_shared>> -> memref<10000xf32, #tpu.memory_space<vmem_shared>>
    tpu.wait_indirect_dma semaphore(%arg23 : memref<!tpu.dma_semaphore, #tpu.memory_space<semaphore_mem>>) src(%arg12 : memref<80xf32, #tpu.memory_space<vmem>>) dst(%dma_wait3A_150 : memref<10000xf32, #tpu.memory_space<vmem_shared>>)
    %dma_wait3A_151 = arith.constant 0 : i32
    %dma_wait3A_152 = tpu.memref_slice %arg2[%dma_wait3A_151] : memref<1280000xf32, #tpu.memory_space<hbm>> -> memref<1280000xf32, #tpu.memory_space<hbm>>
    tpu.wait_indirect_dma semaphore(%arg18 : memref<!tpu.dma_semaphore, #tpu.memory_space<semaphore_mem>>) src(%dma_wait3A_152 : memref<1280000xf32, #tpu.memory_space<hbm>>) dst(%arg13 : memref<80xf32, #tpu.memory_space<vmem>>)
    %dma_start3A_153 = arith.constant 0 : i32
    %dma_start3A_154 = tpu.memref_slice %arg16[%dma_start3A_153] : memref<10000xf32, #tpu.memory_space<vmem_shared>> -> memref<10000xf32, #tpu.memory_space<vmem_shared>>
    tpu.enqueue_indirect_dma source(%arg13 : memref<80xf32, #tpu.memory_space<vmem>>) target(%dma_start3A_154 : memref<10000xf32, #tpu.memory_space<vmem_shared>>) offsets(%arg10 : memref<80xi32, #tpu.memory_space<vmem>>) semaphore(%arg24 : memref<!tpu.dma_semaphore, #tpu.memory_space<semaphore_mem>>) {add = true}
    %dma_wait3A_155 = arith.constant 0 : i32
    %dma_wait3A_156 = tpu.memref_slice %arg16[%dma_wait3A_155] : memref<10000xf32, #tpu.memory_space<vmem_shared>> -> memref<10000xf32, #tpu.memory_space<vmem_shared>>
    tpu.wait_indirect_dma semaphore(%arg24 : memref<!tpu.dma_semaphore, #tpu.memory_space<semaphore_mem>>) src(%arg13 : memref<80xf32, #tpu.memory_space<vmem>>) dst(%dma_wait3A_156 : memref<10000xf32, #tpu.memory_space<vmem_shared>>)
    %barrier3A_157 = arith.constant 0 : index
    tpu.barrier barrier_id(%barrier3A_157)
    %mul3A_158 = arith.constant 10000 : i32
    %mul3A_159 = arith.muli %arg0, %mul3A_158 : i32
    %add3A_160 = arith.addi %mul3A_159, %mul3A_2 : i32
    "tpu.region"() ({
      %run_scoped3A = tpu.sem_alloc : memref<!tpu.dma_semaphore, #tpu.memory_space<semaphore_mem>>
      %dma_start3A_166 = tpu.memref_slice %arg16[%mul3A_2] : memref<10000xf32, #tpu.memory_space<vmem_shared>> -> memref<624xf32, #tpu.memory_space<vmem_shared>>
      %dma_start3A_167 = tpu.memref_slice %arg16[%mul3A_2] : memref<10000xf32, #tpu.memory_space<vmem_shared>> -> memref<624xf32, #tpu.memory_space<vmem_shared>>
      tpu.enqueue_dma source(%dma_start3A_167 : memref<624xf32, #tpu.memory_space<vmem_shared>>) target(%arg15 : memref<624xf32, #tpu.memory_space<vmem>>) target_semaphore(%run_scoped3A : memref<!tpu.dma_semaphore, #tpu.memory_space<semaphore_mem>>)
      %dma_wait3A_168 = tpu.memref_slice %arg16[%mul3A_2] : memref<10000xf32, #tpu.memory_space<vmem_shared>> -> memref<624xf32, #tpu.memory_space<vmem_shared>>
      %dma_wait3A_169 = tpu.memref_slice %arg16[%mul3A_2] : memref<10000xf32, #tpu.memory_space<vmem_shared>> -> memref<624xf32, #tpu.memory_space<vmem_shared>>
      tpu.wait_dma2 semaphore(%run_scoped3A : memref<!tpu.dma_semaphore, #tpu.memory_space<semaphore_mem>>) src(%dma_wait3A_169 : memref<624xf32, #tpu.memory_space<vmem_shared>>) dst(%arg15 : memref<624xf32, #tpu.memory_space<vmem>>)
      tpu.yield
    }) : () -> ()
    "tpu.region"() ({
      %run_scoped3A = tpu.sem_alloc : memref<!tpu.dma_semaphore, #tpu.memory_space<semaphore_mem>>
      %dma_start3A_166 = tpu.memref_slice %arg5[%add3A_160] : memref<20000xf32, #tpu.memory_space<hbm>> -> memref<624xf32, #tpu.memory_space<hbm>>
      %dma_start3A_167 = tpu.memref_slice %arg5[%add3A_160] : memref<20000xf32, #tpu.memory_space<hbm>> -> memref<624xf32, #tpu.memory_space<hbm>>
      tpu.enqueue_dma source(%arg15 : memref<624xf32, #tpu.memory_space<vmem>>) target(%dma_start3A_167 : memref<624xf32, #tpu.memory_space<hbm>>) target_semaphore(%run_scoped3A : memref<!tpu.dma_semaphore, #tpu.memory_space<semaphore_mem>>)
      %dma_wait3A_168 = tpu.memref_slice %arg5[%add3A_160] : memref<20000xf32, #tpu.memory_space<hbm>> -> memref<624xf32, #tpu.memory_space<hbm>>
      %dma_wait3A_169 = tpu.memref_slice %arg5[%add3A_160] : memref<20000xf32, #tpu.memory_space<hbm>> -> memref<624xf32, #tpu.memory_space<hbm>>
      tpu.wait_dma2 semaphore(%run_scoped3A : memref<!tpu.dma_semaphore, #tpu.memory_space<semaphore_mem>>) src(%arg15 : memref<624xf32, #tpu.memory_space<vmem>>) dst(%dma_wait3A_169 : memref<624xf32, #tpu.memory_space<hbm>>)
      tpu.yield
    }) : () -> ()
    %eq3A_161 = arith.constant 15 : i32
    %eq3A_162 = arith.cmpi eq, %arg1, %eq3A_161 : i32
    %convert_element_type3A_163 = arith.extui %eq3A_162 : i1 to i32
    %cond3A_164 = arith.constant 0 : i32
    %cond3A_165 = arith.cmpi ne, %convert_element_type3A_163, %cond3A_164 : i32
    scf.if %cond3A_165 {
      %mul3A_166 = arith.constant 10000 : i32
      %mul3A_167 = arith.muli %arg0, %mul3A_166 : i32
      %add3A_168 = arith.constant 9984 : i32
      %add3A_169 = arith.addi %mul3A_167, %add3A_168 : i32
      "tpu.region"() ({
        %run_scoped3A = tpu.sem_alloc : memref<!tpu.dma_semaphore, #tpu.memory_space<semaphore_mem>>
        %dma_start3A_170 = arith.constant 0 : i32
        %dma_start3A_171 = tpu.memref_slice %arg15[%dma_start3A_170] : memref<624xf32, #tpu.memory_space<vmem>> -> memref<16xf32, #tpu.memory_space<vmem>>
        %dma_start3A_172 = arith.constant 9984 : i32
        %dma_start3A_173 = tpu.memref_slice %arg16[%dma_start3A_172] : memref<10000xf32, #tpu.memory_space<vmem_shared>> -> memref<16xf32, #tpu.memory_space<vmem_shared>>
        %dma_start3A_174 = arith.constant 0 : i32
        %dma_start3A_175 = tpu.memref_slice %arg15[%dma_start3A_174] : memref<624xf32, #tpu.memory_space<vmem>> -> memref<16xf32, #tpu.memory_space<vmem>>
        %dma_start3A_176 = arith.constant 9984 : i32
        %dma_start3A_177 = tpu.memref_slice %arg16[%dma_start3A_176] : memref<10000xf32, #tpu.memory_space<vmem_shared>> -> memref<16xf32, #tpu.memory_space<vmem_shared>>
        tpu.enqueue_dma source(%dma_start3A_177 : memref<16xf32, #tpu.memory_space<vmem_shared>>) target(%dma_start3A_175 : memref<16xf32, #tpu.memory_space<vmem>>) target_semaphore(%run_scoped3A : memref<!tpu.dma_semaphore, #tpu.memory_space<semaphore_mem>>)
        %dma_wait3A_178 = arith.constant 0 : i32
        %dma_wait3A_179 = tpu.memref_slice %arg15[%dma_wait3A_178] : memref<624xf32, #tpu.memory_space<vmem>> -> memref<16xf32, #tpu.memory_space<vmem>>
        %dma_wait3A_180 = arith.constant 9984 : i32
        %dma_wait3A_181 = tpu.memref_slice %arg16[%dma_wait3A_180] : memref<10000xf32, #tpu.memory_space<vmem_shared>> -> memref<16xf32, #tpu.memory_space<vmem_shared>>
        %dma_wait3A_182 = arith.constant 0 : i32
        %dma_wait3A_183 = tpu.memref_slice %arg15[%dma_wait3A_182] : memref<624xf32, #tpu.memory_space<vmem>> -> memref<16xf32, #tpu.memory_space<vmem>>
        %dma_wait3A_184 = arith.constant 9984 : i32
        %dma_wait3A_185 = tpu.memref_slice %arg16[%dma_wait3A_184] : memref<10000xf32, #tpu.memory_space<vmem_shared>> -> memref<16xf32, #tpu.memory_space<vmem_shared>>
        tpu.wait_dma2 semaphore(%run_scoped3A : memref<!tpu.dma_semaphore, #tpu.memory_space<semaphore_mem>>) src(%dma_wait3A_185 : memref<16xf32, #tpu.memory_space<vmem_shared>>) dst(%dma_wait3A_183 : memref<16xf32, #tpu.memory_space<vmem>>)
        tpu.yield
      }) : () -> ()
      "tpu.region"() ({
        %run_scoped3A = tpu.sem_alloc : memref<!tpu.dma_semaphore, #tpu.memory_space<semaphore_mem>>
        %dma_start3A_170 = arith.constant 0 : i32
        %dma_start3A_171 = tpu.memref_slice %arg15[%dma_start3A_170] : memref<624xf32, #tpu.memory_space<vmem>> -> memref<16xf32, #tpu.memory_space<vmem>>
        %dma_start3A_172 = tpu.memref_slice %arg5[%add3A_169] : memref<20000xf32, #tpu.memory_space<hbm>> -> memref<16xf32, #tpu.memory_space<hbm>>
        %dma_start3A_173 = tpu.memref_slice %arg5[%add3A_169] : memref<20000xf32, #tpu.memory_space<hbm>> -> memref<16xf32, #tpu.memory_space<hbm>>
        %dma_start3A_174 = arith.constant 0 : i32
        %dma_start3A_175 = tpu.memref_slice %arg15[%dma_start3A_174] : memref<624xf32, #tpu.memory_space<vmem>> -> memref<16xf32, #tpu.memory_space<vmem>>
        tpu.enqueue_dma source(%dma_start3A_175 : memref<16xf32, #tpu.memory_space<vmem>>) target(%dma_start3A_173 : memref<16xf32, #tpu.memory_space<hbm>>) target_semaphore(%run_scoped3A : memref<!tpu.dma_semaphore, #tpu.memory_space<semaphore_mem>>)
        %dma_wait3A_176 = arith.constant 0 : i32
        %dma_wait3A_177 = tpu.memref_slice %arg15[%dma_wait3A_176] : memref<624xf32, #tpu.memory_space<vmem>> -> memref<16xf32, #tpu.memory_space<vmem>>
        %dma_wait3A_178 = tpu.memref_slice %arg5[%add3A_169] : memref<20000xf32, #tpu.memory_space<hbm>> -> memref<16xf32, #tpu.memory_space<hbm>>
        %dma_wait3A_179 = tpu.memref_slice %arg5[%add3A_169] : memref<20000xf32, #tpu.memory_space<hbm>> -> memref<16xf32, #tpu.memory_space<hbm>>
        %dma_wait3A_180 = arith.constant 0 : i32
        %dma_wait3A_181 = tpu.memref_slice %arg15[%dma_wait3A_180] : memref<624xf32, #tpu.memory_space<vmem>> -> memref<16xf32, #tpu.memory_space<vmem>>
        tpu.wait_dma2 semaphore(%run_scoped3A : memref<!tpu.dma_semaphore, #tpu.memory_space<semaphore_mem>>) src(%dma_wait3A_181 : memref<16xf32, #tpu.memory_space<vmem>>) dst(%dma_wait3A_179 : memref<16xf32, #tpu.memory_space<hbm>>)
        tpu.yield
      }) : () -> ()
    } else {
    }
    return
  }
}

#map = affine_map<(d0, d1) -> (0, 0)>
#map1 = affine_map<(d0, d1) -> (0)>
module attributes {stable_mosaic.version = 14 : i64} {
  func.func @body(%arg0: i32, %arg1: i32, %arg2: memref<10000x128xf32, #tpu.memory_space<hbm>>, %arg3: memref<320000xi32, #tpu.memory_space<hbm>>, %arg4: memref<320000xi32, #tpu.memory_space<hbm>>, %arg5: memref<20000x128xf32, #tpu.memory_space<hbm>>, %arg6: memref<20000xf32, #tpu.memory_space<hbm>>, %arg7: memref<80xi32, #tpu.memory_space<vmem>>, %arg8: memref<80xi32, #tpu.memory_space<vmem>>, %arg9: memref<80xi32, #tpu.memory_space<vmem>>, %arg10: memref<80xi32, #tpu.memory_space<vmem>>, %arg11: memref<80xi32, #tpu.memory_space<vmem>>, %arg12: memref<80xi32, #tpu.memory_space<vmem>>, %arg13: memref<80x128xf32, #tpu.memory_space<vmem>>, %arg14: memref<80x128xf32, #tpu.memory_space<vmem>>, %arg15: memref<80x128xf32, #tpu.memory_space<vmem>>, %arg16: memref<78x128xf32, #tpu.memory_space<vmem>>, %arg17: memref<10000x128xf32, #tpu.memory_space<vmem_shared>>, %arg18: memref<!tpu.dma_semaphore, #tpu.memory_space<semaphore_mem>>, %arg19: memref<!tpu.dma_semaphore, #tpu.memory_space<semaphore_mem>>, %arg20: memref<!tpu.dma_semaphore, #tpu.memory_space<semaphore_mem>>, %arg21: memref<!tpu.dma_semaphore, #tpu.memory_space<semaphore_mem>>, %arg22: memref<!tpu.dma_semaphore, #tpu.memory_space<semaphore_mem>>, %arg23: memref<!tpu.dma_semaphore, #tpu.memory_space<semaphore_mem>>, %arg24: memref<!tpu.dma_semaphore, #tpu.memory_space<semaphore_mem>>, %arg25: memref<!tpu.dma_semaphore, #tpu.memory_space<semaphore_mem>>, %arg26: memref<!tpu.dma_semaphore, #tpu.memory_space<semaphore_mem>>, %arg27: memref<80xf32, #tpu.memory_space<vmem>>, %arg28: memref<624xf32, #tpu.memory_space<vmem>>, %arg29: memref<10000xf32, #tpu.memory_space<vmem_shared>>) attributes {dimension_semantics = [#tpu.dimension_semantics<core_parallel>, #tpu.dimension_semantics<subcore_parallel>], iteration_bounds = array<i64: 2, 16>, scalar_prefetch = 0 : i64, scratch_operands = 23 : i64, tpu.core_type = #tpu.core_type<sc_vector_subcore>, window_params = [{transform_indices = #map}, {transform_indices = #map1}, {transform_indices = #map1}, {transform_indices = #map}, {transform_indices = #map1}]} {
    %mul3A = arith.constant 16 : i32
    %mul3A_0 = arith.muli %arg0, %mul3A : i32
    %add3A = arith.addi %mul3A_0, %arg1 : i32
    %mul3A_1 = arith.constant 624 : i32
    %mul3A_2 = arith.muli %arg1, %mul3A_1 : i32
    %broadcast_in_dim3A = arith.constant 0.000000e+00 : f32
    %broadcast_in_dim3A_3 = vector.broadcast %broadcast_in_dim3A : f32 to vector<16xf32>
    %scan3A = arith.constant 0 : i32
    %scan3A_4 = arith.constant 0 : i32
    %scan3A_5 = arith.constant 78 : i32
    %scan3A_6 = arith.addi %scan3A_4, %scan3A_5 : i32
    %scan3A_7 = arith.constant 1 : i32
    scf.for %scan3A_133 = %scan3A_4 to %scan3A_6 step %scan3A_7  : i32 {
      %swap3A_134 = arith.index_cast %scan3A_133 : i32 to index
      %swap3A_135 = arith.constant 0 : index
      %swap3A_136 = tpu.vector_load %arg16[%swap3A_134, %swap3A_135] {strides = array<i32>} : memref<78x128xf32, #tpu.memory_space<vmem>>, vector<1x16xf32>,
      %swap3A_137 = vector.shape_cast %swap3A_136 : vector<1x16xf32> to vector<16xf32>
      %swap3A_138 = vector.shape_cast %broadcast_in_dim3A_3 : vector<16xf32> to vector<1x16xf32>
      tpu.vector_store %arg16[%swap3A_134, %swap3A_135], %swap3A_138 {strides = array<i32>} : memref<78x128xf32, #tpu.memory_space<vmem>>, vector<1x16xf32>,
      %swap3A_139 = arith.index_cast %scan3A_133 : i32 to index
      %swap3A_140 = arith.constant 16 : index
      %swap3A_141 = tpu.vector_load %arg16[%swap3A_139, %swap3A_140] {strides = array<i32>} : memref<78x128xf32, #tpu.memory_space<vmem>>, vector<1x16xf32>,
      %swap3A_142 = vector.shape_cast %swap3A_141 : vector<1x16xf32> to vector<16xf32>
      %swap3A_143 = vector.shape_cast %broadcast_in_dim3A_3 : vector<16xf32> to vector<1x16xf32>
      tpu.vector_store %arg16[%swap3A_139, %swap3A_140], %swap3A_143 {strides = array<i32>} : memref<78x128xf32, #tpu.memory_space<vmem>>, vector<1x16xf32>,
      %swap3A_144 = arith.index_cast %scan3A_133 : i32 to index
      %swap3A_145 = arith.constant 32 : index
      %swap3A_146 = tpu.vector_load %arg16[%swap3A_144, %swap3A_145] {strides = array<i32>} : memref<78x128xf32, #tpu.memory_space<vmem>>, vector<1x16xf32>,
      %swap3A_147 = vector.shape_cast %swap3A_146 : vector<1x16xf32> to vector<16xf32>
      %swap3A_148 = vector.shape_cast %broadcast_in_dim3A_3 : vector<16xf32> to vector<1x16xf32>
      tpu.vector_store %arg16[%swap3A_144, %swap3A_145], %swap3A_148 {strides = array<i32>} : memref<78x128xf32, #tpu.memory_space<vmem>>, vector<1x16xf32>,
      %swap3A_149 = arith.index_cast %scan3A_133 : i32 to index
      %swap3A_150 = arith.constant 48 : index
      %swap3A_151 = tpu.vector_load %arg16[%swap3A_149, %swap3A_150] {strides = array<i32>} : memref<78x128xf32, #tpu.memory_space<vmem>>, vector<1x16xf32>,
      %swap3A_152 = vector.shape_cast %swap3A_151 : vector<1x16xf32> to vector<16xf32>
      %swap3A_153 = vector.shape_cast %broadcast_in_dim3A_3 : vector<16xf32> to vector<1x16xf32>
      tpu.vector_store %arg16[%swap3A_149, %swap3A_150], %swap3A_153 {strides = array<i32>} : memref<78x128xf32, #tpu.memory_space<vmem>>, vector<1x16xf32>,
      %swap3A_154 = arith.index_cast %scan3A_133 : i32 to index
      %swap3A_155 = arith.constant 64 : index
      %swap3A_156 = tpu.vector_load %arg16[%swap3A_154, %swap3A_155] {strides = array<i32>} : memref<78x128xf32, #tpu.memory_space<vmem>>, vector<1x16xf32>,
      %swap3A_157 = vector.shape_cast %swap3A_156 : vector<1x16xf32> to vector<16xf32>
      %swap3A_158 = vector.shape_cast %broadcast_in_dim3A_3 : vector<16xf32> to vector<1x16xf32>
      tpu.vector_store %arg16[%swap3A_154, %swap3A_155], %swap3A_158 {strides = array<i32>} : memref<78x128xf32, #tpu.memory_space<vmem>>, vector<1x16xf32>,
      %swap3A_159 = arith.index_cast %scan3A_133 : i32 to index
      %swap3A_160 = arith.constant 80 : index
      %swap3A_161 = tpu.vector_load %arg16[%swap3A_159, %swap3A_160] {strides = array<i32>} : memref<78x128xf32, #tpu.memory_space<vmem>>, vector<1x16xf32>,
      %swap3A_162 = vector.shape_cast %swap3A_161 : vector<1x16xf32> to vector<16xf32>
      %swap3A_163 = vector.shape_cast %broadcast_in_dim3A_3 : vector<16xf32> to vector<1x16xf32>
      tpu.vector_store %arg16[%swap3A_159, %swap3A_160], %swap3A_163 {strides = array<i32>} : memref<78x128xf32, #tpu.memory_space<vmem>>, vector<1x16xf32>,
      %swap3A_164 = arith.index_cast %scan3A_133 : i32 to index
      %swap3A_165 = arith.constant 96 : index
      %swap3A_166 = tpu.vector_load %arg16[%swap3A_164, %swap3A_165] {strides = array<i32>} : memref<78x128xf32, #tpu.memory_space<vmem>>, vector<1x16xf32>,
      %swap3A_167 = vector.shape_cast %swap3A_166 : vector<1x16xf32> to vector<16xf32>
      %swap3A_168 = vector.shape_cast %broadcast_in_dim3A_3 : vector<16xf32> to vector<1x16xf32>
      tpu.vector_store %arg16[%swap3A_164, %swap3A_165], %swap3A_168 {strides = array<i32>} : memref<78x128xf32, #tpu.memory_space<vmem>>, vector<1x16xf32>,
      %swap3A_169 = arith.index_cast %scan3A_133 : i32 to index
      %swap3A_170 = arith.constant 112 : index
      %swap3A_171 = tpu.vector_load %arg16[%swap3A_169, %swap3A_170] {strides = array<i32>} : memref<78x128xf32, #tpu.memory_space<vmem>>, vector<1x16xf32>,
      %swap3A_172 = vector.shape_cast %swap3A_171 : vector<1x16xf32> to vector<16xf32>
      %swap3A_173 = vector.shape_cast %broadcast_in_dim3A_3 : vector<16xf32> to vector<1x16xf32>
      tpu.vector_store %arg16[%swap3A_169, %swap3A_170], %swap3A_173 {strides = array<i32>} : memref<78x128xf32, #tpu.memory_space<vmem>>, vector<1x16xf32>,
    }
    %scan3A_8 = arith.constant 78 : i32
    %add3A_9 = arith.constant 0 : i32
    %add3A_10 = arith.addi %mul3A_2, %add3A_9 : i32
    "tpu.region"() ({
      %run_scoped3A = tpu.sem_alloc : memref<!tpu.dma_semaphore, #tpu.memory_space<semaphore_mem>>
      %dma_start3A_133 = arith.constant 0 : i32
      %dma_start3A_134 = tpu.memref_slice %arg17[%add3A_10, %dma_start3A_133] : memref<10000x128xf32, #tpu.memory_space<vmem_shared>> -> memref<78x128xf32, #tpu.memory_space<vmem_shared>>
      %dma_start3A_135 = arith.constant 0 : i32
      %dma_start3A_136 = tpu.memref_slice %arg17[%add3A_10, %dma_start3A_135] : memref<10000x128xf32, #tpu.memory_space<vmem_shared>> -> memref<78x128xf32, #tpu.memory_space<vmem_shared>>
      tpu.enqueue_dma source(%arg16 : memref<78x128xf32, #tpu.memory_space<vmem>>) target(%dma_start3A_136 : memref<78x128xf32, #tpu.memory_space<vmem_shared>>) target_semaphore(%run_scoped3A : memref<!tpu.dma_semaphore, #tpu.memory_space<semaphore_mem>>)
      %dma_wait3A_137 = arith.constant 0 : i32
      %dma_wait3A_138 = tpu.memref_slice %arg17[%add3A_10, %dma_wait3A_137] : memref<10000x128xf32, #tpu.memory_space<vmem_shared>> -> memref<78x128xf32, #tpu.memory_space<vmem_shared>>
      %dma_wait3A_139 = arith.constant 0 : i32
      %dma_wait3A_140 = tpu.memref_slice %arg17[%add3A_10, %dma_wait3A_139] : memref<10000x128xf32, #tpu.memory_space<vmem_shared>> -> memref<78x128xf32, #tpu.memory_space<vmem_shared>>
      tpu.wait_dma2 semaphore(%run_scoped3A : memref<!tpu.dma_semaphore, #tpu.memory_space<semaphore_mem>>) src(%arg16 : memref<78x128xf32, #tpu.memory_space<vmem>>) dst(%dma_wait3A_140 : memref<78x128xf32, #tpu.memory_space<vmem_shared>>)
      tpu.yield
    }) : () -> ()
    %add3A_11 = arith.constant 78 : i32
    %add3A_12 = arith.addi %mul3A_2, %add3A_11 : i32
    "tpu.region"() ({
      %run_scoped3A = tpu.sem_alloc : memref<!tpu.dma_semaphore, #tpu.memory_space<semaphore_mem>>
      %dma_start3A_133 = arith.constant 0 : i32
      %dma_start3A_134 = tpu.memref_slice %arg17[%add3A_12, %dma_start3A_133] : memref<10000x128xf32, #tpu.memory_space<vmem_shared>> -> memref<78x128xf32, #tpu.memory_space<vmem_shared>>
      %dma_start3A_135 = arith.constant 0 : i32
      %dma_start3A_136 = tpu.memref_slice %arg17[%add3A_12, %dma_start3A_135] : memref<10000x128xf32, #tpu.memory_space<vmem_shared>> -> memref<78x128xf32, #tpu.memory_space<vmem_shared>>
      tpu.enqueue_dma source(%arg16 : memref<78x128xf32, #tpu.memory_space<vmem>>) target(%dma_start3A_136 : memref<78x128xf32, #tpu.memory_space<vmem_shared>>) target_semaphore(%run_scoped3A : memref<!tpu.dma_semaphore, #tpu.memory_space<semaphore_mem>>)
      %dma_wait3A_137 = arith.constant 0 : i32
      %dma_wait3A_138 = tpu.memref_slice %arg17[%add3A_12, %dma_wait3A_137] : memref<10000x128xf32, #tpu.memory_space<vmem_shared>> -> memref<78x128xf32, #tpu.memory_space<vmem_shared>>
      %dma_wait3A_139 = arith.constant 0 : i32
      %dma_wait3A_140 = tpu.memref_slice %arg17[%add3A_12, %dma_wait3A_139] : memref<10000x128xf32, #tpu.memory_space<vmem_shared>> -> memref<78x128xf32, #tpu.memory_space<vmem_shared>>
      tpu.wait_dma2 semaphore(%run_scoped3A : memref<!tpu.dma_semaphore, #tpu.memory_space<semaphore_mem>>) src(%arg16 : memref<78x128xf32, #tpu.memory_space<vmem>>) dst(%dma_wait3A_140 : memref<78x128xf32, #tpu.memory_space<vmem_shared>>)
      tpu.yield
    }) : () -> ()
    %add3A_13 = arith.constant 156 : i32
    %add3A_14 = arith.addi %mul3A_2, %add3A_13 : i32
    "tpu.region"() ({
      %run_scoped3A = tpu.sem_alloc : memref<!tpu.dma_semaphore, #tpu.memory_space<semaphore_mem>>
      %dma_start3A_133 = arith.constant 0 : i32
      %dma_start3A_134 = tpu.memref_slice %arg17[%add3A_14, %dma_start3A_133] : memref<10000x128xf32, #tpu.memory_space<vmem_shared>> -> memref<78x128xf32, #tpu.memory_space<vmem_shared>>
      %dma_start3A_135 = arith.constant 0 : i32
      %dma_start3A_136 = tpu.memref_slice %arg17[%add3A_14, %dma_start3A_135] : memref<10000x128xf32, #tpu.memory_space<vmem_shared>> -> memref<78x128xf32, #tpu.memory_space<vmem_shared>>
      tpu.enqueue_dma source(%arg16 : memref<78x128xf32, #tpu.memory_space<vmem>>) target(%dma_start3A_136 : memref<78x128xf32, #tpu.memory_space<vmem_shared>>) target_semaphore(%run_scoped3A : memref<!tpu.dma_semaphore, #tpu.memory_space<semaphore_mem>>)
      %dma_wait3A_137 = arith.constant 0 : i32
      %dma_wait3A_138 = tpu.memref_slice %arg17[%add3A_14, %dma_wait3A_137] : memref<10000x128xf32, #tpu.memory_space<vmem_shared>> -> memref<78x128xf32, #tpu.memory_space<vmem_shared>>
      %dma_wait3A_139 = arith.constant 0 : i32
      %dma_wait3A_140 = tpu.memref_slice %arg17[%add3A_14, %dma_wait3A_139] : memref<10000x128xf32, #tpu.memory_space<vmem_shared>> -> memref<78x128xf32, #tpu.memory_space<vmem_shared>>
      tpu.wait_dma2 semaphore(%run_scoped3A : memref<!tpu.dma_semaphore, #tpu.memory_space<semaphore_mem>>) src(%arg16 : memref<78x128xf32, #tpu.memory_space<vmem>>) dst(%dma_wait3A_140 : memref<78x128xf32, #tpu.memory_space<vmem_shared>>)
      tpu.yield
    }) : () -> ()
    %add3A_15 = arith.constant 234 : i32
    %add3A_16 = arith.addi %mul3A_2, %add3A_15 : i32
    "tpu.region"() ({
      %run_scoped3A = tpu.sem_alloc : memref<!tpu.dma_semaphore, #tpu.memory_space<semaphore_mem>>
      %dma_start3A_133 = arith.constant 0 : i32
      %dma_start3A_134 = tpu.memref_slice %arg17[%add3A_16, %dma_start3A_133] : memref<10000x128xf32, #tpu.memory_space<vmem_shared>> -> memref<78x128xf32, #tpu.memory_space<vmem_shared>>
      %dma_start3A_135 = arith.constant 0 : i32
      %dma_start3A_136 = tpu.memref_slice %arg17[%add3A_16, %dma_start3A_135] : memref<10000x128xf32, #tpu.memory_space<vmem_shared>> -> memref<78x128xf32, #tpu.memory_space<vmem_shared>>
      tpu.enqueue_dma source(%arg16 : memref<78x128xf32, #tpu.memory_space<vmem>>) target(%dma_start3A_136 : memref<78x128xf32, #tpu.memory_space<vmem_shared>>) target_semaphore(%run_scoped3A : memref<!tpu.dma_semaphore, #tpu.memory_space<semaphore_mem>>)
      %dma_wait3A_137 = arith.constant 0 : i32
      %dma_wait3A_138 = tpu.memref_slice %arg17[%add3A_16, %dma_wait3A_137] : memref<10000x128xf32, #tpu.memory_space<vmem_shared>> -> memref<78x128xf32, #tpu.memory_space<vmem_shared>>
      %dma_wait3A_139 = arith.constant 0 : i32
      %dma_wait3A_140 = tpu.memref_slice %arg17[%add3A_16, %dma_wait3A_139] : memref<10000x128xf32, #tpu.memory_space<vmem_shared>> -> memref<78x128xf32, #tpu.memory_space<vmem_shared>>
      tpu.wait_dma2 semaphore(%run_scoped3A : memref<!tpu.dma_semaphore, #tpu.memory_space<semaphore_mem>>) src(%arg16 : memref<78x128xf32, #tpu.memory_space<vmem>>) dst(%dma_wait3A_140 : memref<78x128xf32, #tpu.memory_space<vmem_shared>>)
      tpu.yield
    }) : () -> ()
    %add3A_17 = arith.constant 312 : i32
    %add3A_18 = arith.addi %mul3A_2, %add3A_17 : i32
    "tpu.region"() ({
      %run_scoped3A = tpu.sem_alloc : memref<!tpu.dma_semaphore, #tpu.memory_space<semaphore_mem>>
      %dma_start3A_133 = arith.constant 0 : i32
      %dma_start3A_134 = tpu.memref_slice %arg17[%add3A_18, %dma_start3A_133] : memref<10000x128xf32, #tpu.memory_space<vmem_shared>> -> memref<78x128xf32, #tpu.memory_space<vmem_shared>>
      %dma_start3A_135 = arith.constant 0 : i32
      %dma_start3A_136 = tpu.memref_slice %arg17[%add3A_18, %dma_start3A_135] : memref<10000x128xf32, #tpu.memory_space<vmem_shared>> -> memref<78x128xf32, #tpu.memory_space<vmem_shared>>
      tpu.enqueue_dma source(%arg16 : memref<78x128xf32, #tpu.memory_space<vmem>>) target(%dma_start3A_136 : memref<78x128xf32, #tpu.memory_space<vmem_shared>>) target_semaphore(%run_scoped3A : memref<!tpu.dma_semaphore, #tpu.memory_space<semaphore_mem>>)
      %dma_wait3A_137 = arith.constant 0 : i32
      %dma_wait3A_138 = tpu.memref_slice %arg17[%add3A_18, %dma_wait3A_137] : memref<10000x128xf32, #tpu.memory_space<vmem_shared>> -> memref<78x128xf32, #tpu.memory_space<vmem_shared>>
      %dma_wait3A_139 = arith.constant 0 : i32
      %dma_wait3A_140 = tpu.memref_slice %arg17[%add3A_18, %dma_wait3A_139] : memref<10000x128xf32, #tpu.memory_space<vmem_shared>> -> memref<78x128xf32, #tpu.memory_space<vmem_shared>>
      tpu.wait_dma2 semaphore(%run_scoped3A : memref<!tpu.dma_semaphore, #tpu.memory_space<semaphore_mem>>) src(%arg16 : memref<78x128xf32, #tpu.memory_space<vmem>>) dst(%dma_wait3A_140 : memref<78x128xf32, #tpu.memory_space<vmem_shared>>)
      tpu.yield
    }) : () -> ()
    %add3A_19 = arith.constant 390 : i32
    %add3A_20 = arith.addi %mul3A_2, %add3A_19 : i32
    "tpu.region"() ({
      %run_scoped3A = tpu.sem_alloc : memref<!tpu.dma_semaphore, #tpu.memory_space<semaphore_mem>>
      %dma_start3A_133 = arith.constant 0 : i32
      %dma_start3A_134 = tpu.memref_slice %arg17[%add3A_20, %dma_start3A_133] : memref<10000x128xf32, #tpu.memory_space<vmem_shared>> -> memref<78x128xf32, #tpu.memory_space<vmem_shared>>
      %dma_start3A_135 = arith.constant 0 : i32
      %dma_start3A_136 = tpu.memref_slice %arg17[%add3A_20, %dma_start3A_135] : memref<10000x128xf32, #tpu.memory_space<vmem_shared>> -> memref<78x128xf32, #tpu.memory_space<vmem_shared>>
      tpu.enqueue_dma source(%arg16 : memref<78x128xf32, #tpu.memory_space<vmem>>) target(%dma_start3A_136 : memref<78x128xf32, #tpu.memory_space<vmem_shared>>) target_semaphore(%run_scoped3A : memref<!tpu.dma_semaphore, #tpu.memory_space<semaphore_mem>>)
      %dma_wait3A_137 = arith.constant 0 : i32
      %dma_wait3A_138 = tpu.memref_slice %arg17[%add3A_20, %dma_wait3A_137] : memref<10000x128xf32, #tpu.memory_space<vmem_shared>> -> memref<78x128xf32, #tpu.memory_space<vmem_shared>>
      %dma_wait3A_139 = arith.constant 0 : i32
      %dma_wait3A_140 = tpu.memref_slice %arg17[%add3A_20, %dma_wait3A_139] : memref<10000x128xf32, #tpu.memory_space<vmem_shared>> -> memref<78x128xf32, #tpu.memory_space<vmem_shared>>
      tpu.wait_dma2 semaphore(%run_scoped3A : memref<!tpu.dma_semaphore, #tpu.memory_space<semaphore_mem>>) src(%arg16 : memref<78x128xf32, #tpu.memory_space<vmem>>) dst(%dma_wait3A_140 : memref<78x128xf32, #tpu.memory_space<vmem_shared>>)
      tpu.yield
    }) : () -> ()
    %add3A_21 = arith.constant 468 : i32
    %add3A_22 = arith.addi %mul3A_2, %add3A_21 : i32
    "tpu.region"() ({
      %run_scoped3A = tpu.sem_alloc : memref<!tpu.dma_semaphore, #tpu.memory_space<semaphore_mem>>
      %dma_start3A_133 = arith.constant 0 : i32
      %dma_start3A_134 = tpu.memref_slice %arg17[%add3A_22, %dma_start3A_133] : memref<10000x128xf32, #tpu.memory_space<vmem_shared>> -> memref<78x128xf32, #tpu.memory_space<vmem_shared>>
      %dma_start3A_135 = arith.constant 0 : i32
      %dma_start3A_136 = tpu.memref_slice %arg17[%add3A_22, %dma_start3A_135] : memref<10000x128xf32, #tpu.memory_space<vmem_shared>> -> memref<78x128xf32, #tpu.memory_space<vmem_shared>>
      tpu.enqueue_dma source(%arg16 : memref<78x128xf32, #tpu.memory_space<vmem>>) target(%dma_start3A_136 : memref<78x128xf32, #tpu.memory_space<vmem_shared>>) target_semaphore(%run_scoped3A : memref<!tpu.dma_semaphore, #tpu.memory_space<semaphore_mem>>)
      %dma_wait3A_137 = arith.constant 0 : i32
      %dma_wait3A_138 = tpu.memref_slice %arg17[%add3A_22, %dma_wait3A_137] : memref<10000x128xf32, #tpu.memory_space<vmem_shared>> -> memref<78x128xf32, #tpu.memory_space<vmem_shared>>
      %dma_wait3A_139 = arith.constant 0 : i32
      %dma_wait3A_140 = tpu.memref_slice %arg17[%add3A_22, %dma_wait3A_139] : memref<10000x128xf32, #tpu.memory_space<vmem_shared>> -> memref<78x128xf32, #tpu.memory_space<vmem_shared>>
      tpu.wait_dma2 semaphore(%run_scoped3A : memref<!tpu.dma_semaphore, #tpu.memory_space<semaphore_mem>>) src(%arg16 : memref<78x128xf32, #tpu.memory_space<vmem>>) dst(%dma_wait3A_140 : memref<78x128xf32, #tpu.memory_space<vmem_shared>>)
      tpu.yield
    }) : () -> ()
    %add3A_23 = arith.constant 546 : i32
    %add3A_24 = arith.addi %mul3A_2, %add3A_23 : i32
    "tpu.region"() ({
      %run_scoped3A = tpu.sem_alloc : memref<!tpu.dma_semaphore, #tpu.memory_space<semaphore_mem>>
      %dma_start3A_133 = arith.constant 0 : i32
      %dma_start3A_134 = tpu.memref_slice %arg17[%add3A_24, %dma_start3A_133] : memref<10000x128xf32, #tpu.memory_space<vmem_shared>> -> memref<78x128xf32, #tpu.memory_space<vmem_shared>>
      %dma_start3A_135 = arith.constant 0 : i32
      %dma_start3A_136 = tpu.memref_slice %arg17[%add3A_24, %dma_start3A_135] : memref<10000x128xf32, #tpu.memory_space<vmem_shared>> -> memref<78x128xf32, #tpu.memory_space<vmem_shared>>
      tpu.enqueue_dma source(%arg16 : memref<78x128xf32, #tpu.memory_space<vmem>>) target(%dma_start3A_136 : memref<78x128xf32, #tpu.memory_space<vmem_shared>>) target_semaphore(%run_scoped3A : memref<!tpu.dma_semaphore, #tpu.memory_space<semaphore_mem>>)
      %dma_wait3A_137 = arith.constant 0 : i32
      %dma_wait3A_138 = tpu.memref_slice %arg17[%add3A_24, %dma_wait3A_137] : memref<10000x128xf32, #tpu.memory_space<vmem_shared>> -> memref<78x128xf32, #tpu.memory_space<vmem_shared>>
      %dma_wait3A_139 = arith.constant 0 : i32
      %dma_wait3A_140 = tpu.memref_slice %arg17[%add3A_24, %dma_wait3A_139] : memref<10000x128xf32, #tpu.memory_space<vmem_shared>> -> memref<78x128xf32, #tpu.memory_space<vmem_shared>>
      tpu.wait_dma2 semaphore(%run_scoped3A : memref<!tpu.dma_semaphore, #tpu.memory_space<semaphore_mem>>) src(%arg16 : memref<78x128xf32, #tpu.memory_space<vmem>>) dst(%dma_wait3A_140 : memref<78x128xf32, #tpu.memory_space<vmem_shared>>)
      tpu.yield
    }) : () -> ()
    %broadcast_in_dim3A_25 = arith.constant 1.000000e+00 : f32
    %broadcast_in_dim3A_26 = vector.broadcast %broadcast_in_dim3A_25 : f32 to vector<16xf32>
    %swap3A = arith.constant 0 : index
    %swap3A_27 = tpu.vector_load %arg27[%swap3A] {strides = array<i32>} : memref<80xf32, #tpu.memory_space<vmem>>, vector<16xf32>,
    %swap3A_28 = vector.shape_cast %swap3A_27 : vector<16xf32> to vector<16xf32>
    %swap3A_29 = vector.shape_cast %broadcast_in_dim3A_26 : vector<16xf32> to vector<16xf32>
    tpu.vector_store %arg27[%swap3A], %swap3A_29 {strides = array<i32>} : memref<80xf32, #tpu.memory_space<vmem>>, vector<16xf32>,
    %swap3A_30 = arith.constant 16 : index
    %swap3A_31 = tpu.vector_load %arg27[%swap3A_30] {strides = array<i32>} : memref<80xf32, #tpu.memory_space<vmem>>, vector<16xf32>,
    %swap3A_32 = vector.shape_cast %swap3A_31 : vector<16xf32> to vector<16xf32>
    %swap3A_33 = vector.shape_cast %broadcast_in_dim3A_26 : vector<16xf32> to vector<16xf32>
    tpu.vector_store %arg27[%swap3A_30], %swap3A_33 {strides = array<i32>} : memref<80xf32, #tpu.memory_space<vmem>>, vector<16xf32>,
    %swap3A_34 = arith.constant 32 : index
    %swap3A_35 = tpu.vector_load %arg27[%swap3A_34] {strides = array<i32>} : memref<80xf32, #tpu.memory_space<vmem>>, vector<16xf32>,
    %swap3A_36 = vector.shape_cast %swap3A_35 : vector<16xf32> to vector<16xf32>
    %swap3A_37 = vector.shape_cast %broadcast_in_dim3A_26 : vector<16xf32> to vector<16xf32>
    tpu.vector_store %arg27[%swap3A_34], %swap3A_37 {strides = array<i32>} : memref<80xf32, #tpu.memory_space<vmem>>, vector<16xf32>,
    %swap3A_38 = arith.constant 48 : index
    %swap3A_39 = tpu.vector_load %arg27[%swap3A_38] {strides = array<i32>} : memref<80xf32, #tpu.memory_space<vmem>>, vector<16xf32>,
    %swap3A_40 = vector.shape_cast %swap3A_39 : vector<16xf32> to vector<16xf32>
    %swap3A_41 = vector.shape_cast %broadcast_in_dim3A_26 : vector<16xf32> to vector<16xf32>
    tpu.vector_store %arg27[%swap3A_38], %swap3A_41 {strides = array<i32>} : memref<80xf32, #tpu.memory_space<vmem>>, vector<16xf32>,
    %swap3A_42 = arith.constant 64 : index
    %swap3A_43 = tpu.vector_load %arg27[%swap3A_42] {strides = array<i32>} : memref<80xf32, #tpu.memory_space<vmem>>, vector<16xf32>,
    %swap3A_44 = vector.shape_cast %swap3A_43 : vector<16xf32> to vector<16xf32>
    %swap3A_45 = vector.shape_cast %broadcast_in_dim3A_26 : vector<16xf32> to vector<16xf32>
    tpu.vector_store %arg27[%swap3A_42], %swap3A_45 {strides = array<i32>} : memref<80xf32, #tpu.memory_space<vmem>>, vector<16xf32>,
    %scan3A_46 = arith.constant 0 : i32
    %scan3A_47 = arith.constant 0 : i32
    %scan3A_48 = arith.constant 39 : i32
    %scan3A_49 = arith.addi %scan3A_47, %scan3A_48 : i32
    %scan3A_50 = arith.constant 1 : i32
    scf.for %scan3A_133 = %scan3A_47 to %scan3A_49 step %scan3A_50  : i32 {
      %mul3A_134 = arith.constant 16 : i32
      %mul3A_135 = arith.muli %scan3A_133, %mul3A_134 : i32
      %swap3A_136 = arith.index_cast %mul3A_135 : i32 to index
      %swap3A_137 = tpu.vector_load %arg28[%swap3A_136] {strides = array<i32>} : memref<624xf32, #tpu.memory_space<vmem>>, vector<16xf32>,
      %swap3A_138 = vector.shape_cast %swap3A_137 : vector<16xf32> to vector<16xf32>
      %swap3A_139 = vector.shape_cast %broadcast_in_dim3A_3 : vector<16xf32> to vector<16xf32>
      tpu.vector_store %arg28[%swap3A_136], %swap3A_139 {strides = array<i32>} : memref<624xf32, #tpu.memory_space<vmem>>, vector<16xf32>,
    }
    %scan3A_51 = arith.constant 39 : i32
    "tpu.region"() ({
      %run_scoped3A = tpu.sem_alloc : memref<!tpu.dma_semaphore, #tpu.memory_space<semaphore_mem>>
      %dma_start3A_133 = tpu.memref_slice %arg29[%mul3A_2] : memref<10000xf32, #tpu.memory_space<vmem_shared>> -> memref<624xf32, #tpu.memory_space<vmem_shared>>
      %dma_start3A_134 = tpu.memref_slice %arg29[%mul3A_2] : memref<10000xf32, #tpu.memory_space<vmem_shared>> -> memref<624xf32, #tpu.memory_space<vmem_shared>>
      tpu.enqueue_dma source(%arg28 : memref<624xf32, #tpu.memory_space<vmem>>) target(%dma_start3A_134 : memref<624xf32, #tpu.memory_space<vmem_shared>>) target_semaphore(%run_scoped3A : memref<!tpu.dma_semaphore, #tpu.memory_space<semaphore_mem>>)
      %dma_wait3A_135 = tpu.memref_slice %arg29[%mul3A_2] : memref<10000xf32, #tpu.memory_space<vmem_shared>> -> memref<624xf32, #tpu.memory_space<vmem_shared>>
      %dma_wait3A_136 = tpu.memref_slice %arg29[%mul3A_2] : memref<10000xf32, #tpu.memory_space<vmem_shared>> -> memref<624xf32, #tpu.memory_space<vmem_shared>>
      tpu.wait_dma2 semaphore(%run_scoped3A : memref<!tpu.dma_semaphore, #tpu.memory_space<semaphore_mem>>) src(%arg28 : memref<624xf32, #tpu.memory_space<vmem>>) dst(%dma_wait3A_136 : memref<624xf32, #tpu.memory_space<vmem_shared>>)
      tpu.yield
    }) : () -> ()
    %eq3A = arith.constant 15 : i32
    %eq3A_52 = arith.cmpi eq, %arg1, %eq3A : i32
    %convert_element_type3A = arith.extui %eq3A_52 : i1 to i32
    %cond3A = arith.constant 0 : i32
    %cond3A_53 = arith.cmpi ne, %convert_element_type3A, %cond3A : i32
    scf.if %cond3A_53 {
      "tpu.region"() ({
        %run_scoped3A = tpu.sem_alloc : memref<!tpu.dma_semaphore, #tpu.memory_space<semaphore_mem>>
        %dma_start3A_133 = arith.constant 0 : i32
        %dma_start3A_134 = arith.constant 0 : i32
        %dma_start3A_135 = tpu.memref_slice %arg16[%dma_start3A_133, %dma_start3A_134] : memref<78x128xf32, #tpu.memory_space<vmem>> -> memref<16x128xf32, #tpu.memory_space<vmem>>
        %dma_start3A_136 = arith.constant 9984 : i32
        %dma_start3A_137 = arith.constant 0 : i32
        %dma_start3A_138 = tpu.memref_slice %arg17[%dma_start3A_136, %dma_start3A_137] : memref<10000x128xf32, #tpu.memory_space<vmem_shared>> -> memref<16x128xf32, #tpu.memory_space<vmem_shared>>
        %dma_start3A_139 = arith.constant 9984 : i32
        %dma_start3A_140 = arith.constant 0 : i32
        %dma_start3A_141 = tpu.memref_slice %arg17[%dma_start3A_139, %dma_start3A_140] : memref<10000x128xf32, #tpu.memory_space<vmem_shared>> -> memref<16x128xf32, #tpu.memory_space<vmem_shared>>
        %dma_start3A_142 = arith.constant 0 : i32
        %dma_start3A_143 = arith.constant 0 : i32
        %dma_start3A_144 = tpu.memref_slice %arg16[%dma_start3A_142, %dma_start3A_143] : memref<78x128xf32, #tpu.memory_space<vmem>> -> memref<16x128xf32, #tpu.memory_space<vmem>>
        tpu.enqueue_dma source(%dma_start3A_144 : memref<16x128xf32, #tpu.memory_space<vmem>>) target(%dma_start3A_141 : memref<16x128xf32, #tpu.memory_space<vmem_shared>>) target_semaphore(%run_scoped3A : memref<!tpu.dma_semaphore, #tpu.memory_space<semaphore_mem>>)
        %dma_wait3A_145 = arith.constant 0 : i32
        %dma_wait3A_146 = arith.constant 0 : i32
        %dma_wait3A_147 = tpu.memref_slice %arg16[%dma_wait3A_145, %dma_wait3A_146] : memref<78x128xf32, #tpu.memory_space<vmem>> -> memref<16x128xf32, #tpu.memory_space<vmem>>
        %dma_wait3A_148 = arith.constant 9984 : i32
        %dma_wait3A_149 = arith.constant 0 : i32
        %dma_wait3A_150 = tpu.memref_slice %arg17[%dma_wait3A_148, %dma_wait3A_149] : memref<10000x128xf32, #tpu.memory_space<vmem_shared>> -> memref<16x128xf32, #tpu.memory_space<vmem_shared>>
        %dma_wait3A_151 = arith.constant 9984 : i32
        %dma_wait3A_152 = arith.constant 0 : i32
        %dma_wait3A_153 = tpu.memref_slice %arg17[%dma_wait3A_151, %dma_wait3A_152] : memref<10000x128xf32, #tpu.memory_space<vmem_shared>> -> memref<16x128xf32, #tpu.memory_space<vmem_shared>>
        %dma_wait3A_154 = arith.constant 0 : i32
        %dma_wait3A_155 = arith.constant 0 : i32
        %dma_wait3A_156 = tpu.memref_slice %arg16[%dma_wait3A_154, %dma_wait3A_155] : memref<78x128xf32, #tpu.memory_space<vmem>> -> memref<16x128xf32, #tpu.memory_space<vmem>>
        tpu.wait_dma2 semaphore(%run_scoped3A : memref<!tpu.dma_semaphore, #tpu.memory_space<semaphore_mem>>) src(%dma_wait3A_156 : memref<16x128xf32, #tpu.memory_space<vmem>>) dst(%dma_wait3A_153 : memref<16x128xf32, #tpu.memory_space<vmem_shared>>)
        tpu.yield
      }) : () -> ()
      "tpu.region"() ({
        %run_scoped3A = tpu.sem_alloc : memref<!tpu.dma_semaphore, #tpu.memory_space<semaphore_mem>>
        %dma_start3A_133 = arith.constant 0 : i32
        %dma_start3A_134 = tpu.memref_slice %arg28[%dma_start3A_133] : memref<624xf32, #tpu.memory_space<vmem>> -> memref<16xf32, #tpu.memory_space<vmem>>
        %dma_start3A_135 = arith.constant 9984 : i32
        %dma_start3A_136 = tpu.memref_slice %arg29[%dma_start3A_135] : memref<10000xf32, #tpu.memory_space<vmem_shared>> -> memref<16xf32, #tpu.memory_space<vmem_shared>>
        %dma_start3A_137 = arith.constant 9984 : i32
        %dma_start3A_138 = tpu.memref_slice %arg29[%dma_start3A_137] : memref<10000xf32, #tpu.memory_space<vmem_shared>> -> memref<16xf32, #tpu.memory_space<vmem_shared>>
        %dma_start3A_139 = arith.constant 0 : i32
        %dma_start3A_140 = tpu.memref_slice %arg28[%dma_start3A_139] : memref<624xf32, #tpu.memory_space<vmem>> -> memref<16xf32, #tpu.memory_space<vmem>>
        tpu.enqueue_dma source(%dma_start3A_140 : memref<16xf32, #tpu.memory_space<vmem>>) target(%dma_start3A_138 : memref<16xf32, #tpu.memory_space<vmem_shared>>) target_semaphore(%run_scoped3A : memref<!tpu.dma_semaphore, #tpu.memory_space<semaphore_mem>>)
        %dma_wait3A_141 = arith.constant 0 : i32
        %dma_wait3A_142 = tpu.memref_slice %arg28[%dma_wait3A_141] : memref<624xf32, #tpu.memory_space<vmem>> -> memref<16xf32, #tpu.memory_space<vmem>>
        %dma_wait3A_143 = arith.constant 9984 : i32
        %dma_wait3A_144 = tpu.memref_slice %arg29[%dma_wait3A_143] : memref<10000xf32, #tpu.memory_space<vmem_shared>> -> memref<16xf32, #tpu.memory_space<vmem_shared>>
        %dma_wait3A_145 = arith.constant 9984 : i32
        %dma_wait3A_146 = tpu.memref_slice %arg29[%dma_wait3A_145] : memref<10000xf32, #tpu.memory_space<vmem_shared>> -> memref<16xf32, #tpu.memory_space<vmem_shared>>
        %dma_wait3A_147 = arith.constant 0 : i32
        %dma_wait3A_148 = tpu.memref_slice %arg28[%dma_wait3A_147] : memref<624xf32, #tpu.memory_space<vmem>> -> memref<16xf32, #tpu.memory_space<vmem>>
        tpu.wait_dma2 semaphore(%run_scoped3A : memref<!tpu.dma_semaphore, #tpu.memory_space<semaphore_mem>>) src(%dma_wait3A_148 : memref<16xf32, #tpu.memory_space<vmem>>) dst(%dma_wait3A_146 : memref<16xf32, #tpu.memory_space<vmem_shared>>)
        tpu.yield
      }) : () -> ()
    } else {
    }
    %barrier3A = arith.constant 0 : index
    tpu.barrier barrier_id(%barrier3A)
    %mul3A_54 = arith.constant 10000 : i32
    %mul3A_55 = arith.muli %add3A, %mul3A_54 : i32
    %add3A_56 = arith.constant 0 : i32
    %add3A_57 = arith.addi %mul3A_55, %add3A_56 : i32
    %dma_start3A = tpu.memref_slice %arg3[%add3A_57] : memref<320000xi32, #tpu.memory_space<hbm>> -> memref<80xi32, #tpu.memory_space<hbm>>
    %dma_start3A_58 = tpu.memref_slice %arg3[%add3A_57] : memref<320000xi32, #tpu.memory_space<hbm>> -> memref<80xi32, #tpu.memory_space<hbm>>
    tpu.enqueue_dma source(%dma_start3A_58 : memref<80xi32, #tpu.memory_space<hbm>>) target(%arg7 : memref<80xi32, #tpu.memory_space<vmem>>) target_semaphore(%arg21 : memref<!tpu.dma_semaphore, #tpu.memory_space<semaphore_mem>>)
    %dma_start3A_59 = tpu.memref_slice %arg4[%add3A_57] : memref<320000xi32, #tpu.memory_space<hbm>> -> memref<80xi32, #tpu.memory_space<hbm>>
    %dma_start3A_60 = tpu.memref_slice %arg4[%add3A_57] : memref<320000xi32, #tpu.memory_space<hbm>> -> memref<80xi32, #tpu.memory_space<hbm>>
    tpu.enqueue_dma source(%dma_start3A_60 : memref<80xi32, #tpu.memory_space<hbm>>) target(%arg10 : memref<80xi32, #tpu.memory_space<vmem>>) target_semaphore(%arg21 : memref<!tpu.dma_semaphore, #tpu.memory_space<semaphore_mem>>)
    %add3A_61 = arith.constant 80 : i32
    %add3A_62 = arith.addi %mul3A_55, %add3A_61 : i32
    %dma_start3A_63 = tpu.memref_slice %arg3[%add3A_62] : memref<320000xi32, #tpu.memory_space<hbm>> -> memref<80xi32, #tpu.memory_space<hbm>>
    %dma_start3A_64 = tpu.memref_slice %arg3[%add3A_62] : memref<320000xi32, #tpu.memory_space<hbm>> -> memref<80xi32, #tpu.memory_space<hbm>>
    tpu.enqueue_dma source(%dma_start3A_64 : memref<80xi32, #tpu.memory_space<hbm>>) target(%arg8 : memref<80xi32, #tpu.memory_space<vmem>>) target_semaphore(%arg22 : memref<!tpu.dma_semaphore, #tpu.memory_space<semaphore_mem>>)
    %dma_start3A_65 = tpu.memref_slice %arg4[%add3A_62] : memref<320000xi32, #tpu.memory_space<hbm>> -> memref<80xi32, #tpu.memory_space<hbm>>
    %dma_start3A_66 = tpu.memref_slice %arg4[%add3A_62] : memref<320000xi32, #tpu.memory_space<hbm>> -> memref<80xi32, #tpu.memory_space<hbm>>
    tpu.enqueue_dma source(%dma_start3A_66 : memref<80xi32, #tpu.memory_space<hbm>>) target(%arg11 : memref<80xi32, #tpu.memory_space<vmem>>) target_semaphore(%arg22 : memref<!tpu.dma_semaphore, #tpu.memory_space<semaphore_mem>>)
    %add3A_67 = arith.constant 0 : i32
    %add3A_68 = arith.addi %mul3A_55, %add3A_67 : i32
    %dma_wait3A = tpu.memref_slice %arg3[%add3A_68] : memref<320000xi32, #tpu.memory_space<hbm>> -> memref<80xi32, #tpu.memory_space<hbm>>
    %dma_wait3A_69 = tpu.memref_slice %arg3[%add3A_68] : memref<320000xi32, #tpu.memory_space<hbm>> -> memref<80xi32, #tpu.memory_space<hbm>>
    tpu.wait_dma2 semaphore(%arg21 : memref<!tpu.dma_semaphore, #tpu.memory_space<semaphore_mem>>) src(%dma_wait3A_69 : memref<80xi32, #tpu.memory_space<hbm>>) dst(%arg7 : memref<80xi32, #tpu.memory_space<vmem>>)
    %dma_wait3A_70 = tpu.memref_slice %arg4[%add3A_68] : memref<320000xi32, #tpu.memory_space<hbm>> -> memref<80xi32, #tpu.memory_space<hbm>>
    %dma_wait3A_71 = tpu.memref_slice %arg4[%add3A_68] : memref<320000xi32, #tpu.memory_space<hbm>> -> memref<80xi32, #tpu.memory_space<hbm>>
    tpu.wait_dma2 semaphore(%arg21 : memref<!tpu.dma_semaphore, #tpu.memory_space<semaphore_mem>>) src(%dma_wait3A_71 : memref<80xi32, #tpu.memory_space<hbm>>) dst(%arg10 : memref<80xi32, #tpu.memory_space<vmem>>)
    %dma_start3A_72 = arith.constant 0 : i32
    %dma_start3A_73 = arith.constant 0 : i32
    %dma_start3A_74 = tpu.memref_slice %arg2[%dma_start3A_72, %dma_start3A_73] : memref<10000x128xf32, #tpu.memory_space<hbm>> -> memref<10000x128xf32, #tpu.memory_space<hbm>>
    tpu.enqueue_indirect_dma source(%dma_start3A_74 : memref<10000x128xf32, #tpu.memory_space<hbm>>) target(%arg13 : memref<80x128xf32, #tpu.memory_space<vmem>>) offsets(%arg7 : memref<80xi32, #tpu.memory_space<vmem>>) semaphore(%arg18 : memref<!tpu.dma_semaphore, #tpu.memory_space<semaphore_mem>>)
    %scan3A_75 = arith.constant 0 : i32
    %scan3A_76 = arith.constant 0 : i32
    %scan3A_77 = arith.constant 41 : i32
    %scan3A_78 = arith.addi %scan3A_76, %scan3A_77 : i32
    %scan3A_79 = arith.constant 1 : i32
    scf.for %scan3A_133 = %scan3A_76 to %scan3A_78 step %scan3A_79  : i32 {
      %mul3A_134 = arith.constant 3 : i32
      %mul3A_135 = arith.muli %mul3A_134, %scan3A_133 : i32
      %add3A_136 = arith.constant 0 : i32
      %add3A_137 = arith.addi %mul3A_135, %add3A_136 : i32
      %ge3A = arith.constant 1 : i32
      %ge3A_138 = arith.cmpi sge, %add3A_137, %ge3A : i32
      %convert_element_type3A_139 = arith.extui %ge3A_138 : i1 to i32
      %cond3A_140 = arith.constant 0 : i32
      %cond3A_141 = arith.cmpi ne, %convert_element_type3A_139, %cond3A_140 : i32
      scf.if %cond3A_141 {
        %dma_wait3A_225 = arith.constant 0 : i32
        %dma_wait3A_226 = arith.constant 0 : i32
        %dma_wait3A_227 = tpu.memref_slice %arg17[%dma_wait3A_225, %dma_wait3A_226] : memref<10000x128xf32, #tpu.memory_space<vmem_shared>> -> memref<10000x128xf32, #tpu.memory_space<vmem_shared>>
        tpu.wait_indirect_dma semaphore(%arg26 : memref<!tpu.dma_semaphore, #tpu.memory_space<semaphore_mem>>) src(%arg15 : memref<80x128xf32, #tpu.memory_space<vmem>>) dst(%dma_wait3A_227 : memref<10000x128xf32, #tpu.memory_space<vmem_shared>>)
        %dma_wait3A_228 = arith.constant 0 : i32
        %dma_wait3A_229 = tpu.memref_slice %arg29[%dma_wait3A_228] : memref<10000xf32, #tpu.memory_space<vmem_shared>> -> memref<10000xf32, #tpu.memory_space<vmem_shared>>
        tpu.wait_indirect_dma semaphore(%arg26 : memref<!tpu.dma_semaphore, #tpu.memory_space<semaphore_mem>>) src(%arg27 : memref<80xf32, #tpu.memory_space<vmem>>) dst(%dma_wait3A_229 : memref<10000xf32, #tpu.memory_space<vmem_shared>>)
      } else {
      }
      %add3A_142 = arith.constant 2 : i32
      %add3A_143 = arith.addi %add3A_137, %add3A_142 : i32
      %lt3A = arith.constant 125 : i32
      %lt3A_144 = arith.cmpi slt, %add3A_143, %lt3A : i32
      %convert_element_type3A_145 = arith.extui %lt3A_144 : i1 to i32
      %cond3A_146 = arith.constant 0 : i32
      %cond3A_147 = arith.cmpi ne, %convert_element_type3A_145, %cond3A_146 : i32
      scf.if %cond3A_147 {
        %add3A_225 = arith.constant 2 : i32
        %add3A_226 = arith.addi %add3A_137, %add3A_225 : i32
        %mul3A_227 = arith.constant 80 : i32
        %mul3A_228 = arith.muli %add3A_226, %mul3A_227 : i32
        %add3A_229 = arith.addi %mul3A_55, %mul3A_228 : i32
        %dma_start3A_230 = tpu.memref_slice %arg3[%add3A_229] : memref<320000xi32, #tpu.memory_space<hbm>> -> memref<80xi32, #tpu.memory_space<hbm>>
        %dma_start3A_231 = tpu.memref_slice %arg3[%add3A_229] : memref<320000xi32, #tpu.memory_space<hbm>> -> memref<80xi32, #tpu.memory_space<hbm>>
        tpu.enqueue_dma source(%dma_start3A_231 : memref<80xi32, #tpu.memory_space<hbm>>) target(%arg9 : memref<80xi32, #tpu.memory_space<vmem>>) target_semaphore(%arg23 : memref<!tpu.dma_semaphore, #tpu.memory_space<semaphore_mem>>)
        %dma_start3A_232 = tpu.memref_slice %arg4[%add3A_229] : memref<320000xi32, #tpu.memory_space<hbm>> -> memref<80xi32, #tpu.memory_space<hbm>>
        %dma_start3A_233 = tpu.memref_slice %arg4[%add3A_229] : memref<320000xi32, #tpu.memory_space<hbm>> -> memref<80xi32, #tpu.memory_space<hbm>>
        tpu.enqueue_dma source(%dma_start3A_233 : memref<80xi32, #tpu.memory_space<hbm>>) target(%arg12 : memref<80xi32, #tpu.memory_space<vmem>>) target_semaphore(%arg23 : memref<!tpu.dma_semaphore, #tpu.memory_space<semaphore_mem>>)
      } else {
      }
      %add3A_148 = arith.constant 1 : i32
      %add3A_149 = arith.addi %add3A_137, %add3A_148 : i32
      %lt3A_150 = arith.constant 125 : i32
      %lt3A_151 = arith.cmpi slt, %add3A_149, %lt3A_150 : i32
      %convert_element_type3A_152 = arith.extui %lt3A_151 : i1 to i32
      %cond3A_153 = arith.constant 0 : i32
      %cond3A_154 = arith.cmpi ne, %convert_element_type3A_152, %cond3A_153 : i32
      scf.if %cond3A_154 {
        %add3A_225 = arith.constant 1 : i32
        %add3A_226 = arith.addi %add3A_137, %add3A_225 : i32
        %mul3A_227 = arith.constant 80 : i32
        %mul3A_228 = arith.muli %add3A_226, %mul3A_227 : i32
        %add3A_229 = arith.addi %mul3A_55, %mul3A_228 : i32
        %dma_wait3A_230 = tpu.memref_slice %arg3[%add3A_229] : memref<320000xi32, #tpu.memory_space<hbm>> -> memref<80xi32, #tpu.memory_space<hbm>>
        %dma_wait3A_231 = tpu.memref_slice %arg3[%add3A_229] : memref<320000xi32, #tpu.memory_space<hbm>> -> memref<80xi32, #tpu.memory_space<hbm>>
        tpu.wait_dma2 semaphore(%arg22 : memref<!tpu.dma_semaphore, #tpu.memory_space<semaphore_mem>>) src(%dma_wait3A_231 : memref<80xi32, #tpu.memory_space<hbm>>) dst(%arg8 : memref<80xi32, #tpu.memory_space<vmem>>)
        %dma_wait3A_232 = tpu.memref_slice %arg4[%add3A_229] : memref<320000xi32, #tpu.memory_space<hbm>> -> memref<80xi32, #tpu.memory_space<hbm>>
        %dma_wait3A_233 = tpu.memref_slice %arg4[%add3A_229] : memref<320000xi32, #tpu.memory_space<hbm>> -> memref<80xi32, #tpu.memory_space<hbm>>
        tpu.wait_dma2 semaphore(%arg22 : memref<!tpu.dma_semaphore, #tpu.memory_space<semaphore_mem>>) src(%dma_wait3A_233 : memref<80xi32, #tpu.memory_space<hbm>>) dst(%arg11 : memref<80xi32, #tpu.memory_space<vmem>>)
        %dma_start3A_234 = arith.constant 0 : i32
        %dma_start3A_235 = arith.constant 0 : i32
        %dma_start3A_236 = tpu.memref_slice %arg2[%dma_start3A_234, %dma_start3A_235] : memref<10000x128xf32, #tpu.memory_space<hbm>> -> memref<10000x128xf32, #tpu.memory_space<hbm>>
        tpu.enqueue_indirect_dma source(%dma_start3A_236 : memref<10000x128xf32, #tpu.memory_space<hbm>>) target(%arg14 : memref<80x128xf32, #tpu.memory_space<vmem>>) offsets(%arg8 : memref<80xi32, #tpu.memory_space<vmem>>) semaphore(%arg19 : memref<!tpu.dma_semaphore, #tpu.memory_space<semaphore_mem>>)
      } else {
      }
      %dma_wait3A_155 = arith.constant 0 : i32
      %dma_wait3A_156 = arith.constant 0 : i32
      %dma_wait3A_157 = tpu.memref_slice %arg2[%dma_wait3A_155, %dma_wait3A_156] : memref<10000x128xf32, #tpu.memory_space<hbm>> -> memref<10000x128xf32, #tpu.memory_space<hbm>>
      tpu.wait_indirect_dma semaphore(%arg18 : memref<!tpu.dma_semaphore, #tpu.memory_space<semaphore_mem>>) src(%dma_wait3A_157 : memref<10000x128xf32, #tpu.memory_space<hbm>>) dst(%arg13 : memref<80x128xf32, #tpu.memory_space<vmem>>)
      %dma_start3A_158 = arith.constant 0 : i32
      %dma_start3A_159 = arith.constant 0 : i32
      %dma_start3A_160 = tpu.memref_slice %arg17[%dma_start3A_158, %dma_start3A_159] : memref<10000x128xf32, #tpu.memory_space<vmem_shared>> -> memref<10000x128xf32, #tpu.memory_space<vmem_shared>>
      tpu.enqueue_indirect_dma source(%arg13 : memref<80x128xf32, #tpu.memory_space<vmem>>) target(%dma_start3A_160 : memref<10000x128xf32, #tpu.memory_space<vmem_shared>>) offsets(%arg10 : memref<80xi32, #tpu.memory_space<vmem>>) semaphore(%arg24 : memref<!tpu.dma_semaphore, #tpu.memory_space<semaphore_mem>>) {add = true}
      %dma_start3A_161 = arith.constant 0 : i32
      %dma_start3A_162 = tpu.memref_slice %arg29[%dma_start3A_161] : memref<10000xf32, #tpu.memory_space<vmem_shared>> -> memref<10000xf32, #tpu.memory_space<vmem_shared>>
      tpu.enqueue_indirect_dma source(%arg27 : memref<80xf32, #tpu.memory_space<vmem>>) target(%dma_start3A_162 : memref<10000xf32, #tpu.memory_space<vmem_shared>>) offsets(%arg10 : memref<80xi32, #tpu.memory_space<vmem>>) semaphore(%arg24 : memref<!tpu.dma_semaphore, #tpu.memory_space<semaphore_mem>>) {add = true}
      %mul3A_163 = arith.constant 3 : i32
      %mul3A_164 = arith.muli %mul3A_163, %scan3A_133 : i32
      %add3A_165 = arith.constant 1 : i32
      %add3A_166 = arith.addi %mul3A_164, %add3A_165 : i32
      %ge3A_167 = arith.constant 1 : i32
      %ge3A_168 = arith.cmpi sge, %add3A_166, %ge3A_167 : i32
      %convert_element_type3A_169 = arith.extui %ge3A_168 : i1 to i32
      %cond3A_170 = arith.constant 0 : i32
      %cond3A_171 = arith.cmpi ne, %convert_element_type3A_169, %cond3A_170 : i32
      scf.if %cond3A_171 {
        %dma_wait3A_225 = arith.constant 0 : i32
        %dma_wait3A_226 = arith.constant 0 : i32
        %dma_wait3A_227 = tpu.memref_slice %arg17[%dma_wait3A_225, %dma_wait3A_226] : memref<10000x128xf32, #tpu.memory_space<vmem_shared>> -> memref<10000x128xf32, #tpu.memory_space<vmem_shared>>
        tpu.wait_indirect_dma semaphore(%arg24 : memref<!tpu.dma_semaphore, #tpu.memory_space<semaphore_mem>>) src(%arg13 : memref<80x128xf32, #tpu.memory_space<vmem>>) dst(%dma_wait3A_227 : memref<10000x128xf32, #tpu.memory_space<vmem_shared>>)
        %dma_wait3A_228 = arith.constant 0 : i32
        %dma_wait3A_229 = tpu.memref_slice %arg29[%dma_wait3A_228] : memref<10000xf32, #tpu.memory_space<vmem_shared>> -> memref<10000xf32, #tpu.memory_space<vmem_shared>>
        tpu.wait_indirect_dma semaphore(%arg24 : memref<!tpu.dma_semaphore, #tpu.memory_space<semaphore_mem>>) src(%arg27 : memref<80xf32, #tpu.memory_space<vmem>>) dst(%dma_wait3A_229 : memref<10000xf32, #tpu.memory_space<vmem_shared>>)
      } else {
      }
      %add3A_172 = arith.constant 2 : i32
      %add3A_173 = arith.addi %add3A_166, %add3A_172 : i32
      %lt3A_174 = arith.constant 125 : i32
      %lt3A_175 = arith.cmpi slt, %add3A_173, %lt3A_174 : i32
      %convert_element_type3A_176 = arith.extui %lt3A_175 : i1 to i32
      %cond3A_177 = arith.constant 0 : i32
      %cond3A_178 = arith.cmpi ne, %convert_element_type3A_176, %cond3A_177 : i32
      scf.if %cond3A_178 {
        %add3A_225 = arith.constant 2 : i32
        %add3A_226 = arith.addi %add3A_166, %add3A_225 : i32
        %mul3A_227 = arith.constant 80 : i32
        %mul3A_228 = arith.muli %add3A_226, %mul3A_227 : i32
        %add3A_229 = arith.addi %mul3A_55, %mul3A_228 : i32
        %dma_start3A_230 = tpu.memref_slice %arg3[%add3A_229] : memref<320000xi32, #tpu.memory_space<hbm>> -> memref<80xi32, #tpu.memory_space<hbm>>
        %dma_start3A_231 = tpu.memref_slice %arg3[%add3A_229] : memref<320000xi32, #tpu.memory_space<hbm>> -> memref<80xi32, #tpu.memory_space<hbm>>
        tpu.enqueue_dma source(%dma_start3A_231 : memref<80xi32, #tpu.memory_space<hbm>>) target(%arg7 : memref<80xi32, #tpu.memory_space<vmem>>) target_semaphore(%arg21 : memref<!tpu.dma_semaphore, #tpu.memory_space<semaphore_mem>>)
        %dma_start3A_232 = tpu.memref_slice %arg4[%add3A_229] : memref<320000xi32, #tpu.memory_space<hbm>> -> memref<80xi32, #tpu.memory_space<hbm>>
        %dma_start3A_233 = tpu.memref_slice %arg4[%add3A_229] : memref<320000xi32, #tpu.memory_space<hbm>> -> memref<80xi32, #tpu.memory_space<hbm>>
        tpu.enqueue_dma source(%dma_start3A_233 : memref<80xi32, #tpu.memory_space<hbm>>) target(%arg10 : memref<80xi32, #tpu.memory_space<vmem>>) target_semaphore(%arg21 : memref<!tpu.dma_semaphore, #tpu.memory_space<semaphore_mem>>)
      } else {
      }
      %add3A_179 = arith.constant 1 : i32
      %add3A_180 = arith.addi %add3A_166, %add3A_179 : i32
      %lt3A_181 = arith.constant 125 : i32
      %lt3A_182 = arith.cmpi slt, %add3A_180, %lt3A_181 : i32
      %convert_element_type3A_183 = arith.extui %lt3A_182 : i1 to i32
      %cond3A_184 = arith.constant 0 : i32
      %cond3A_185 = arith.cmpi ne, %convert_element_type3A_183, %cond3A_184 : i32
      scf.if %cond3A_185 {
        %add3A_225 = arith.constant 1 : i32
        %add3A_226 = arith.addi %add3A_166, %add3A_225 : i32
        %mul3A_227 = arith.constant 80 : i32
        %mul3A_228 = arith.muli %add3A_226, %mul3A_227 : i32
        %add3A_229 = arith.addi %mul3A_55, %mul3A_228 : i32
        %dma_wait3A_230 = tpu.memref_slice %arg3[%add3A_229] : memref<320000xi32, #tpu.memory_space<hbm>> -> memref<80xi32, #tpu.memory_space<hbm>>
        %dma_wait3A_231 = tpu.memref_slice %arg3[%add3A_229] : memref<320000xi32, #tpu.memory_space<hbm>> -> memref<80xi32, #tpu.memory_space<hbm>>
        tpu.wait_dma2 semaphore(%arg23 : memref<!tpu.dma_semaphore, #tpu.memory_space<semaphore_mem>>) src(%dma_wait3A_231 : memref<80xi32, #tpu.memory_space<hbm>>) dst(%arg9 : memref<80xi32, #tpu.memory_space<vmem>>)
        %dma_wait3A_232 = tpu.memref_slice %arg4[%add3A_229] : memref<320000xi32, #tpu.memory_space<hbm>> -> memref<80xi32, #tpu.memory_space<hbm>>
        %dma_wait3A_233 = tpu.memref_slice %arg4[%add3A_229] : memref<320000xi32, #tpu.memory_space<hbm>> -> memref<80xi32, #tpu.memory_space<hbm>>
        tpu.wait_dma2 semaphore(%arg23 : memref<!tpu.dma_semaphore, #tpu.memory_space<semaphore_mem>>) src(%dma_wait3A_233 : memref<80xi32, #tpu.memory_space<hbm>>) dst(%arg12 : memref<80xi32, #tpu.memory_space<vmem>>)
        %dma_start3A_234 = arith.constant 0 : i32
        %dma_start3A_235 = arith.constant 0 : i32
        %dma_start3A_236 = tpu.memref_slice %arg2[%dma_start3A_234, %dma_start3A_235] : memref<10000x128xf32, #tpu.memory_space<hbm>> -> memref<10000x128xf32, #tpu.memory_space<hbm>>
        tpu.enqueue_indirect_dma source(%dma_start3A_236 : memref<10000x128xf32, #tpu.memory_space<hbm>>) target(%arg15 : memref<80x128xf32, #tpu.memory_space<vmem>>) offsets(%arg9 : memref<80xi32, #tpu.memory_space<vmem>>) semaphore(%arg20 : memref<!tpu.dma_semaphore, #tpu.memory_space<semaphore_mem>>)
      } else {
      }
      %dma_wait3A_186 = arith.constant 0 : i32
      %dma_wait3A_187 = arith.constant 0 : i32
      %dma_wait3A_188 = tpu.memref_slice %arg2[%dma_wait3A_186, %dma_wait3A_187] : memref<10000x128xf32, #tpu.memory_space<hbm>> -> memref<10000x128xf32, #tpu.memory_space<hbm>>
      tpu.wait_indirect_dma semaphore(%arg19 : memref<!tpu.dma_semaphore, #tpu.memory_space<semaphore_mem>>) src(%dma_wait3A_188 : memref<10000x128xf32, #tpu.memory_space<hbm>>) dst(%arg14 : memref<80x128xf32, #tpu.memory_space<vmem>>)
      %dma_start3A_189 = arith.constant 0 : i32
      %dma_start3A_190 = arith.constant 0 : i32
      %dma_start3A_191 = tpu.memref_slice %arg17[%dma_start3A_189, %dma_start3A_190] : memref<10000x128xf32, #tpu.memory_space<vmem_shared>> -> memref<10000x128xf32, #tpu.memory_space<vmem_shared>>
      tpu.enqueue_indirect_dma source(%arg14 : memref<80x128xf32, #tpu.memory_space<vmem>>) target(%dma_start3A_191 : memref<10000x128xf32, #tpu.memory_space<vmem_shared>>) offsets(%arg11 : memref<80xi32, #tpu.memory_space<vmem>>) semaphore(%arg25 : memref<!tpu.dma_semaphore, #tpu.memory_space<semaphore_mem>>) {add = true}
      %dma_start3A_192 = arith.constant 0 : i32
      %dma_start3A_193 = tpu.memref_slice %arg29[%dma_start3A_192] : memref<10000xf32, #tpu.memory_space<vmem_shared>> -> memref<10000xf32, #tpu.memory_space<vmem_shared>>
      tpu.enqueue_indirect_dma source(%arg27 : memref<80xf32, #tpu.memory_space<vmem>>) target(%dma_start3A_193 : memref<10000xf32, #tpu.memory_space<vmem_shared>>) offsets(%arg11 : memref<80xi32, #tpu.memory_space<vmem>>) semaphore(%arg25 : memref<!tpu.dma_semaphore, #tpu.memory_space<semaphore_mem>>) {add = true}
      %mul3A_194 = arith.constant 3 : i32
      %mul3A_195 = arith.muli %mul3A_194, %scan3A_133 : i32
      %add3A_196 = arith.constant 2 : i32
      %add3A_197 = arith.addi %mul3A_195, %add3A_196 : i32
      %ge3A_198 = arith.constant 1 : i32
      %ge3A_199 = arith.cmpi sge, %add3A_197, %ge3A_198 : i32
      %convert_element_type3A_200 = arith.extui %ge3A_199 : i1 to i32
      %cond3A_201 = arith.constant 0 : i32
      %cond3A_202 = arith.cmpi ne, %convert_element_type3A_200, %cond3A_201 : i32
      scf.if %cond3A_202 {
        %dma_wait3A_225 = arith.constant 0 : i32
        %dma_wait3A_226 = arith.constant 0 : i32
        %dma_wait3A_227 = tpu.memref_slice %arg17[%dma_wait3A_225, %dma_wait3A_226] : memref<10000x128xf32, #tpu.memory_space<vmem_shared>> -> memref<10000x128xf32, #tpu.memory_space<vmem_shared>>
        tpu.wait_indirect_dma semaphore(%arg25 : memref<!tpu.dma_semaphore, #tpu.memory_space<semaphore_mem>>) src(%arg14 : memref<80x128xf32, #tpu.memory_space<vmem>>) dst(%dma_wait3A_227 : memref<10000x128xf32, #tpu.memory_space<vmem_shared>>)
        %dma_wait3A_228 = arith.constant 0 : i32
        %dma_wait3A_229 = tpu.memref_slice %arg29[%dma_wait3A_228] : memref<10000xf32, #tpu.memory_space<vmem_shared>> -> memref<10000xf32, #tpu.memory_space<vmem_shared>>
        tpu.wait_indirect_dma semaphore(%arg25 : memref<!tpu.dma_semaphore, #tpu.memory_space<semaphore_mem>>) src(%arg27 : memref<80xf32, #tpu.memory_space<vmem>>) dst(%dma_wait3A_229 : memref<10000xf32, #tpu.memory_space<vmem_shared>>)
      } else {
      }
      %add3A_203 = arith.constant 2 : i32
      %add3A_204 = arith.addi %add3A_197, %add3A_203 : i32
      %lt3A_205 = arith.constant 125 : i32
      %lt3A_206 = arith.cmpi slt, %add3A_204, %lt3A_205 : i32
      %convert_element_type3A_207 = arith.extui %lt3A_206 : i1 to i32
      %cond3A_208 = arith.constant 0 : i32
      %cond3A_209 = arith.cmpi ne, %convert_element_type3A_207, %cond3A_208 : i32
      scf.if %cond3A_209 {
        %add3A_225 = arith.constant 2 : i32
        %add3A_226 = arith.addi %add3A_197, %add3A_225 : i32
        %mul3A_227 = arith.constant 80 : i32
        %mul3A_228 = arith.muli %add3A_226, %mul3A_227 : i32
        %add3A_229 = arith.addi %mul3A_55, %mul3A_228 : i32
        %dma_start3A_230 = tpu.memref_slice %arg3[%add3A_229] : memref<320000xi32, #tpu.memory_space<hbm>> -> memref<80xi32, #tpu.memory_space<hbm>>
        %dma_start3A_231 = tpu.memref_slice %arg3[%add3A_229] : memref<320000xi32, #tpu.memory_space<hbm>> -> memref<80xi32, #tpu.memory_space<hbm>>
        tpu.enqueue_dma source(%dma_start3A_231 : memref<80xi32, #tpu.memory_space<hbm>>) target(%arg8 : memref<80xi32, #tpu.memory_space<vmem>>) target_semaphore(%arg22 : memref<!tpu.dma_semaphore, #tpu.memory_space<semaphore_mem>>)
        %dma_start3A_232 = tpu.memref_slice %arg4[%add3A_229] : memref<320000xi32, #tpu.memory_space<hbm>> -> memref<80xi32, #tpu.memory_space<hbm>>
        %dma_start3A_233 = tpu.memref_slice %arg4[%add3A_229] : memref<320000xi32, #tpu.memory_space<hbm>> -> memref<80xi32, #tpu.memory_space<hbm>>
        tpu.enqueue_dma source(%dma_start3A_233 : memref<80xi32, #tpu.memory_space<hbm>>) target(%arg11 : memref<80xi32, #tpu.memory_space<vmem>>) target_semaphore(%arg22 : memref<!tpu.dma_semaphore, #tpu.memory_space<semaphore_mem>>)
      } else {
      }
      %add3A_210 = arith.constant 1 : i32
      %add3A_211 = arith.addi %add3A_197, %add3A_210 : i32
      %lt3A_212 = arith.constant 125 : i32
      %lt3A_213 = arith.cmpi slt, %add3A_211, %lt3A_212 : i32
      %convert_element_type3A_214 = arith.extui %lt3A_213 : i1 to i32
      %cond3A_215 = arith.constant 0 : i32
      %cond3A_216 = arith.cmpi ne, %convert_element_type3A_214, %cond3A_215 : i32
      scf.if %cond3A_216 {
        %add3A_225 = arith.constant 1 : i32
        %add3A_226 = arith.addi %add3A_197, %add3A_225 : i32
        %mul3A_227 = arith.constant 80 : i32
        %mul3A_228 = arith.muli %add3A_226, %mul3A_227 : i32
        %add3A_229 = arith.addi %mul3A_55, %mul3A_228 : i32
        %dma_wait3A_230 = tpu.memref_slice %arg3[%add3A_229] : memref<320000xi32, #tpu.memory_space<hbm>> -> memref<80xi32, #tpu.memory_space<hbm>>
        %dma_wait3A_231 = tpu.memref_slice %arg3[%add3A_229] : memref<320000xi32, #tpu.memory_space<hbm>> -> memref<80xi32, #tpu.memory_space<hbm>>
        tpu.wait_dma2 semaphore(%arg21 : memref<!tpu.dma_semaphore, #tpu.memory_space<semaphore_mem>>) src(%dma_wait3A_231 : memref<80xi32, #tpu.memory_space<hbm>>) dst(%arg7 : memref<80xi32, #tpu.memory_space<vmem>>)
        %dma_wait3A_232 = tpu.memref_slice %arg4[%add3A_229] : memref<320000xi32, #tpu.memory_space<hbm>> -> memref<80xi32, #tpu.memory_space<hbm>>
        %dma_wait3A_233 = tpu.memref_slice %arg4[%add3A_229] : memref<320000xi32, #tpu.memory_space<hbm>> -> memref<80xi32, #tpu.memory_space<hbm>>
        tpu.wait_dma2 semaphore(%arg21 : memref<!tpu.dma_semaphore, #tpu.memory_space<semaphore_mem>>) src(%dma_wait3A_233 : memref<80xi32, #tpu.memory_space<hbm>>) dst(%arg10 : memref<80xi32, #tpu.memory_space<vmem>>)
        %dma_start3A_234 = arith.constant 0 : i32
        %dma_start3A_235 = arith.constant 0 : i32
        %dma_start3A_236 = tpu.memref_slice %arg2[%dma_start3A_234, %dma_start3A_235] : memref<10000x128xf32, #tpu.memory_space<hbm>> -> memref<10000x128xf32, #tpu.memory_space<hbm>>
        tpu.enqueue_indirect_dma source(%dma_start3A_236 : memref<10000x128xf32, #tpu.memory_space<hbm>>) target(%arg13 : memref<80x128xf32, #tpu.memory_space<vmem>>) offsets(%arg7 : memref<80xi32, #tpu.memory_space<vmem>>) semaphore(%arg18 : memref<!tpu.dma_semaphore, #tpu.memory_space<semaphore_mem>>)
      } else {
      }
      %dma_wait3A_217 = arith.constant 0 : i32
      %dma_wait3A_218 = arith.constant 0 : i32
      %dma_wait3A_219 = tpu.memref_slice %arg2[%dma_wait3A_217, %dma_wait3A_218] : memref<10000x128xf32, #tpu.memory_space<hbm>> -> memref<10000x128xf32, #tpu.memory_space<hbm>>
      tpu.wait_indirect_dma semaphore(%arg20 : memref<!tpu.dma_semaphore, #tpu.memory_space<semaphore_mem>>) src(%dma_wait3A_219 : memref<10000x128xf32, #tpu.memory_space<hbm>>) dst(%arg15 : memref<80x128xf32, #tpu.memory_space<vmem>>)
      %dma_start3A_220 = arith.constant 0 : i32
      %dma_start3A_221 = arith.constant 0 : i32
      %dma_start3A_222 = tpu.memref_slice %arg17[%dma_start3A_220, %dma_start3A_221] : memref<10000x128xf32, #tpu.memory_space<vmem_shared>> -> memref<10000x128xf32, #tpu.memory_space<vmem_shared>>
      tpu.enqueue_indirect_dma source(%arg15 : memref<80x128xf32, #tpu.memory_space<vmem>>) target(%dma_start3A_222 : memref<10000x128xf32, #tpu.memory_space<vmem_shared>>) offsets(%arg12 : memref<80xi32, #tpu.memory_space<vmem>>) semaphore(%arg26 : memref<!tpu.dma_semaphore, #tpu.memory_space<semaphore_mem>>) {add = true}
      %dma_start3A_223 = arith.constant 0 : i32
      %dma_start3A_224 = tpu.memref_slice %arg29[%dma_start3A_223] : memref<10000xf32, #tpu.memory_space<vmem_shared>> -> memref<10000xf32, #tpu.memory_space<vmem_shared>>
      tpu.enqueue_indirect_dma source(%arg27 : memref<80xf32, #tpu.memory_space<vmem>>) target(%dma_start3A_224 : memref<10000xf32, #tpu.memory_space<vmem_shared>>) offsets(%arg12 : memref<80xi32, #tpu.memory_space<vmem>>) semaphore(%arg26 : memref<!tpu.dma_semaphore, #tpu.memory_space<semaphore_mem>>) {add = true}
    }
    %scan3A_80 = arith.constant 41 : i32
    %dma_wait3A_81 = arith.constant 0 : i32
    %dma_wait3A_82 = arith.constant 0 : i32
    %dma_wait3A_83 = tpu.memref_slice %arg17[%dma_wait3A_81, %dma_wait3A_82] : memref<10000x128xf32, #tpu.memory_space<vmem_shared>> -> memref<10000x128xf32, #tpu.memory_space<vmem_shared>>
    tpu.wait_indirect_dma semaphore(%arg26 : memref<!tpu.dma_semaphore, #tpu.memory_space<semaphore_mem>>) src(%arg15 : memref<80x128xf32, #tpu.memory_space<vmem>>) dst(%dma_wait3A_83 : memref<10000x128xf32, #tpu.memory_space<vmem_shared>>)
    %dma_wait3A_84 = arith.constant 0 : i32
    %dma_wait3A_85 = tpu.memref_slice %arg29[%dma_wait3A_84] : memref<10000xf32, #tpu.memory_space<vmem_shared>> -> memref<10000xf32, #tpu.memory_space<vmem_shared>>
    tpu.wait_indirect_dma semaphore(%arg26 : memref<!tpu.dma_semaphore, #tpu.memory_space<semaphore_mem>>) src(%arg27 : memref<80xf32, #tpu.memory_space<vmem>>) dst(%dma_wait3A_85 : memref<10000xf32, #tpu.memory_space<vmem_shared>>)
    %add3A_86 = arith.constant 9920 : i32
    %add3A_87 = arith.addi %mul3A_55, %add3A_86 : i32
    %dma_wait3A_88 = tpu.memref_slice %arg3[%add3A_87] : memref<320000xi32, #tpu.memory_space<hbm>> -> memref<80xi32, #tpu.memory_space<hbm>>
    %dma_wait3A_89 = tpu.memref_slice %arg3[%add3A_87] : memref<320000xi32, #tpu.memory_space<hbm>> -> memref<80xi32, #tpu.memory_space<hbm>>
    tpu.wait_dma2 semaphore(%arg22 : memref<!tpu.dma_semaphore, #tpu.memory_space<semaphore_mem>>) src(%dma_wait3A_89 : memref<80xi32, #tpu.memory_space<hbm>>) dst(%arg8 : memref<80xi32, #tpu.memory_space<vmem>>)
    %dma_wait3A_90 = tpu.memref_slice %arg4[%add3A_87] : memref<320000xi32, #tpu.memory_space<hbm>> -> memref<80xi32, #tpu.memory_space<hbm>>
    %dma_wait3A_91 = tpu.memref_slice %arg4[%add3A_87] : memref<320000xi32, #tpu.memory_space<hbm>> -> memref<80xi32, #tpu.memory_space<hbm>>
    tpu.wait_dma2 semaphore(%arg22 : memref<!tpu.dma_semaphore, #tpu.memory_space<semaphore_mem>>) src(%dma_wait3A_91 : memref<80xi32, #tpu.memory_space<hbm>>) dst(%arg11 : memref<80xi32, #tpu.memory_space<vmem>>)
    %dma_start3A_92 = arith.constant 0 : i32
    %dma_start3A_93 = arith.constant 0 : i32
    %dma_start3A_94 = tpu.memref_slice %arg2[%dma_start3A_92, %dma_start3A_93] : memref<10000x128xf32, #tpu.memory_space<hbm>> -> memref<10000x128xf32, #tpu.memory_space<hbm>>
    tpu.enqueue_indirect_dma source(%dma_start3A_94 : memref<10000x128xf32, #tpu.memory_space<hbm>>) target(%arg14 : memref<80x128xf32, #tpu.memory_space<vmem>>) offsets(%arg8 : memref<80xi32, #tpu.memory_space<vmem>>) semaphore(%arg19 : memref<!tpu.dma_semaphore, #tpu.memory_space<semaphore_mem>>)
    %dma_wait3A_95 = arith.constant 0 : i32
    %dma_wait3A_96 = arith.constant 0 : i32
    %dma_wait3A_97 = tpu.memref_slice %arg2[%dma_wait3A_95, %dma_wait3A_96] : memref<10000x128xf32, #tpu.memory_space<hbm>> -> memref<10000x128xf32, #tpu.memory_space<hbm>>
    tpu.wait_indirect_dma semaphore(%arg18 : memref<!tpu.dma_semaphore, #tpu.memory_space<semaphore_mem>>) src(%dma_wait3A_97 : memref<10000x128xf32, #tpu.memory_space<hbm>>) dst(%arg13 : memref<80x128xf32, #tpu.memory_space<vmem>>)
    %dma_start3A_98 = arith.constant 0 : i32
    %dma_start3A_99 = arith.constant 0 : i32
    %dma_start3A_100 = tpu.memref_slice %arg17[%dma_start3A_98, %dma_start3A_99] : memref<10000x128xf32, #tpu.memory_space<vmem_shared>> -> memref<10000x128xf32, #tpu.memory_space<vmem_shared>>
    tpu.enqueue_indirect_dma source(%arg13 : memref<80x128xf32, #tpu.memory_space<vmem>>) target(%dma_start3A_100 : memref<10000x128xf32, #tpu.memory_space<vmem_shared>>) offsets(%arg10 : memref<80xi32, #tpu.memory_space<vmem>>) semaphore(%arg24 : memref<!tpu.dma_semaphore, #tpu.memory_space<semaphore_mem>>) {add = true}
    %dma_start3A_101 = arith.constant 0 : i32
    %dma_start3A_102 = tpu.memref_slice %arg29[%dma_start3A_101] : memref<10000xf32, #tpu.memory_space<vmem_shared>> -> memref<10000xf32, #tpu.memory_space<vmem_shared>>
    tpu.enqueue_indirect_dma source(%arg27 : memref<80xf32, #tpu.memory_space<vmem>>) target(%dma_start3A_102 : memref<10000xf32, #tpu.memory_space<vmem_shared>>) offsets(%arg10 : memref<80xi32, #tpu.memory_space<vmem>>) semaphore(%arg24 : memref<!tpu.dma_semaphore, #tpu.memory_space<semaphore_mem>>) {add = true}
    %dma_wait3A_103 = arith.constant 0 : i32
    %dma_wait3A_104 = arith.constant 0 : i32
    %dma_wait3A_105 = tpu.memref_slice %arg17[%dma_wait3A_103, %dma_wait3A_104] : memref<10000x128xf32, #tpu.memory_space<vmem_shared>> -> memref<10000x128xf32, #tpu.memory_space<vmem_shared>>
    tpu.wait_indirect_dma semaphore(%arg24 : memref<!tpu.dma_semaphore, #tpu.memory_space<semaphore_mem>>) src(%arg13 : memref<80x128xf32, #tpu.memory_space<vmem>>) dst(%dma_wait3A_105 : memref<10000x128xf32, #tpu.memory_space<vmem_shared>>)
    %dma_wait3A_106 = arith.constant 0 : i32
    %dma_wait3A_107 = tpu.memref_slice %arg29[%dma_wait3A_106] : memref<10000xf32, #tpu.memory_space<vmem_shared>> -> memref<10000xf32, #tpu.memory_space<vmem_shared>>
    tpu.wait_indirect_dma semaphore(%arg24 : memref<!tpu.dma_semaphore, #tpu.memory_space<semaphore_mem>>) src(%arg27 : memref<80xf32, #tpu.memory_space<vmem>>) dst(%dma_wait3A_107 : memref<10000xf32, #tpu.memory_space<vmem_shared>>)
    %dma_wait3A_108 = arith.constant 0 : i32
    %dma_wait3A_109 = arith.constant 0 : i32
    %dma_wait3A_110 = tpu.memref_slice %arg2[%dma_wait3A_108, %dma_wait3A_109] : memref<10000x128xf32, #tpu.memory_space<hbm>> -> memref<10000x128xf32, #tpu.memory_space<hbm>>
    tpu.wait_indirect_dma semaphore(%arg19 : memref<!tpu.dma_semaphore, #tpu.memory_space<semaphore_mem>>) src(%dma_wait3A_110 : memref<10000x128xf32, #tpu.memory_space<hbm>>) dst(%arg14 : memref<80x128xf32, #tpu.memory_space<vmem>>)
    %dma_start3A_111 = arith.constant 0 : i32
    %dma_start3A_112 = arith.constant 0 : i32
    %dma_start3A_113 = tpu.memref_slice %arg17[%dma_start3A_111, %dma_start3A_112] : memref<10000x128xf32, #tpu.memory_space<vmem_shared>> -> memref<10000x128xf32, #tpu.memory_space<vmem_shared>>
    tpu.enqueue_indirect_dma source(%arg14 : memref<80x128xf32, #tpu.memory_space<vmem>>) target(%dma_start3A_113 : memref<10000x128xf32, #tpu.memory_space<vmem_shared>>) offsets(%arg11 : memref<80xi32, #tpu.memory_space<vmem>>) semaphore(%arg25 : memref<!tpu.dma_semaphore, #tpu.memory_space<semaphore_mem>>) {add = true}
    %dma_start3A_114 = arith.constant 0 : i32
    %dma_start3A_115 = tpu.memref_slice %arg29[%dma_start3A_114] : memref<10000xf32, #tpu.memory_space<vmem_shared>> -> memref<10000xf32, #tpu.memory_space<vmem_shared>>
    tpu.enqueue_indirect_dma source(%arg27 : memref<80xf32, #tpu.memory_space<vmem>>) target(%dma_start3A_115 : memref<10000xf32, #tpu.memory_space<vmem_shared>>) offsets(%arg11 : memref<80xi32, #tpu.memory_space<vmem>>) semaphore(%arg25 : memref<!tpu.dma_semaphore, #tpu.memory_space<semaphore_mem>>) {add = true}
    %dma_wait3A_116 = arith.constant 0 : i32
    %dma_wait3A_117 = arith.constant 0 : i32
    %dma_wait3A_118 = tpu.memref_slice %arg17[%dma_wait3A_116, %dma_wait3A_117] : memref<10000x128xf32, #tpu.memory_space<vmem_shared>> -> memref<10000x128xf32, #tpu.memory_space<vmem_shared>>
    tpu.wait_indirect_dma semaphore(%arg25 : memref<!tpu.dma_semaphore, #tpu.memory_space<semaphore_mem>>) src(%arg14 : memref<80x128xf32, #tpu.memory_space<vmem>>) dst(%dma_wait3A_118 : memref<10000x128xf32, #tpu.memory_space<vmem_shared>>)
    %dma_wait3A_119 = arith.constant 0 : i32
    %dma_wait3A_120 = tpu.memref_slice %arg29[%dma_wait3A_119] : memref<10000xf32, #tpu.memory_space<vmem_shared>> -> memref<10000xf32, #tpu.memory_space<vmem_shared>>
    tpu.wait_indirect_dma semaphore(%arg25 : memref<!tpu.dma_semaphore, #tpu.memory_space<semaphore_mem>>) src(%arg27 : memref<80xf32, #tpu.memory_space<vmem>>) dst(%dma_wait3A_120 : memref<10000xf32, #tpu.memory_space<vmem_shared>>)
    %barrier3A_121 = arith.constant 0 : index
    tpu.barrier barrier_id(%barrier3A_121)
    %mul3A_122 = arith.constant 10000 : i32
    %mul3A_123 = arith.muli %arg0, %mul3A_122 : i32
    %add3A_124 = arith.addi %mul3A_123, %mul3A_2 : i32
    "tpu.region"() ({
      %run_scoped3A = tpu.sem_alloc : memref<!tpu.dma_semaphore, #tpu.memory_space<semaphore_mem>>
      %dma_start3A_133 = arith.constant 0 : i32
      %dma_start3A_134 = tpu.memref_slice %arg5[%add3A_124, %dma_start3A_133] : memref<20000x128xf32, #tpu.memory_space<hbm>> -> memref<624x128xf32, #tpu.memory_space<hbm>>
      %dma_start3A_135 = arith.constant 0 : i32
      %dma_start3A_136 = tpu.memref_slice %arg17[%mul3A_2, %dma_start3A_135] : memref<10000x128xf32, #tpu.memory_space<vmem_shared>> -> memref<624x128xf32, #tpu.memory_space<vmem_shared>>
      tpu.enqueue_dma source(%dma_start3A_136 : memref<624x128xf32, #tpu.memory_space<vmem_shared>>) target(%dma_start3A_134 : memref<624x128xf32, #tpu.memory_space<hbm>>) target_semaphore(%run_scoped3A : memref<!tpu.dma_semaphore, #tpu.memory_space<semaphore_mem>>)
      %dma_wait3A_137 = arith.constant 0 : i32
      %dma_wait3A_138 = tpu.memref_slice %arg5[%add3A_124, %dma_wait3A_137] : memref<20000x128xf32, #tpu.memory_space<hbm>> -> memref<624x128xf32, #tpu.memory_space<hbm>>
      %dma_wait3A_139 = arith.constant 0 : i32
      %dma_wait3A_140 = tpu.memref_slice %arg17[%mul3A_2, %dma_wait3A_139] : memref<10000x128xf32, #tpu.memory_space<vmem_shared>> -> memref<624x128xf32, #tpu.memory_space<vmem_shared>>
      tpu.wait_dma2 semaphore(%run_scoped3A : memref<!tpu.dma_semaphore, #tpu.memory_space<semaphore_mem>>) src(%dma_wait3A_140 : memref<624x128xf32, #tpu.memory_space<vmem_shared>>) dst(%dma_wait3A_138 : memref<624x128xf32, #tpu.memory_space<hbm>>)
      tpu.yield
    }) : () -> ()
    "tpu.region"() ({
      %run_scoped3A = tpu.sem_alloc : memref<!tpu.dma_semaphore, #tpu.memory_space<semaphore_mem>>
      %dma_start3A_133 = tpu.memref_slice %arg29[%mul3A_2] : memref<10000xf32, #tpu.memory_space<vmem_shared>> -> memref<624xf32, #tpu.memory_space<vmem_shared>>
      %dma_start3A_134 = tpu.memref_slice %arg29[%mul3A_2] : memref<10000xf32, #tpu.memory_space<vmem_shared>> -> memref<624xf32, #tpu.memory_space<vmem_shared>>
      tpu.enqueue_dma source(%dma_start3A_134 : memref<624xf32, #tpu.memory_space<vmem_shared>>) target(%arg28 : memref<624xf32, #tpu.memory_space<vmem>>) target_semaphore(%run_scoped3A : memref<!tpu.dma_semaphore, #tpu.memory_space<semaphore_mem>>)
      %dma_wait3A_135 = tpu.memref_slice %arg29[%mul3A_2] : memref<10000xf32, #tpu.memory_space<vmem_shared>> -> memref<624xf32, #tpu.memory_space<vmem_shared>>
      %dma_wait3A_136 = tpu.memref_slice %arg29[%mul3A_2] : memref<10000xf32, #tpu.memory_space<vmem_shared>> -> memref<624xf32, #tpu.memory_space<vmem_shared>>
      tpu.wait_dma2 semaphore(%run_scoped3A : memref<!tpu.dma_semaphore, #tpu.memory_space<semaphore_mem>>) src(%dma_wait3A_136 : memref<624xf32, #tpu.memory_space<vmem_shared>>) dst(%arg28 : memref<624xf32, #tpu.memory_space<vmem>>)
      tpu.yield
    }) : () -> ()
    %mul3A_125 = arith.constant 10000 : i32
    %mul3A_126 = arith.muli %arg0, %mul3A_125 : i32
    %add3A_127 = arith.addi %mul3A_126, %mul3A_2 : i32
    "tpu.region"() ({
      %run_scoped3A = tpu.sem_alloc : memref<!tpu.dma_semaphore, #tpu.memory_space<semaphore_mem>>
      %dma_start3A_133 = tpu.memref_slice %arg6[%add3A_127] : memref<20000xf32, #tpu.memory_space<hbm>> -> memref<624xf32, #tpu.memory_space<hbm>>
      %dma_start3A_134 = tpu.memref_slice %arg6[%add3A_127] : memref<20000xf32, #tpu.memory_space<hbm>> -> memref<624xf32, #tpu.memory_space<hbm>>
      tpu.enqueue_dma source(%arg28 : memref<624xf32, #tpu.memory_space<vmem>>) target(%dma_start3A_134 : memref<624xf32, #tpu.memory_space<hbm>>) target_semaphore(%run_scoped3A : memref<!tpu.dma_semaphore, #tpu.memory_space<semaphore_mem>>)
      %dma_wait3A_135 = tpu.memref_slice %arg6[%add3A_127] : memref<20000xf32, #tpu.memory_space<hbm>> -> memref<624xf32, #tpu.memory_space<hbm>>
      %dma_wait3A_136 = tpu.memref_slice %arg6[%add3A_127] : memref<20000xf32, #tpu.memory_space<hbm>> -> memref<624xf32, #tpu.memory_space<hbm>>
      tpu.wait_dma2 semaphore(%run_scoped3A : memref<!tpu.dma_semaphore, #tpu.memory_space<semaphore_mem>>) src(%arg28 : memref<624xf32, #tpu.memory_space<vmem>>) dst(%dma_wait3A_136 : memref<624xf32, #tpu.memory_space<hbm>>)
      tpu.yield
    }) : () -> ()
    %eq3A_128 = arith.constant 15 : i32
    %eq3A_129 = arith.cmpi eq, %arg1, %eq3A_128 : i32
    %convert_element_type3A_130 = arith.extui %eq3A_129 : i1 to i32
    %cond3A_131 = arith.constant 0 : i32
    %cond3A_132 = arith.cmpi ne, %convert_element_type3A_130, %cond3A_131 : i32
    scf.if %cond3A_132 {
      %mul3A_133 = arith.constant 10000 : i32
      %mul3A_134 = arith.muli %arg0, %mul3A_133 : i32
      %add3A_135 = arith.constant 9984 : i32
      %add3A_136 = arith.addi %mul3A_134, %add3A_135 : i32
      "tpu.region"() ({
        %run_scoped3A = tpu.sem_alloc : memref<!tpu.dma_semaphore, #tpu.memory_space<semaphore_mem>>
        %dma_start3A_137 = arith.constant 0 : i32
        %dma_start3A_138 = tpu.memref_slice %arg5[%add3A_136, %dma_start3A_137] : memref<20000x128xf32, #tpu.memory_space<hbm>> -> memref<16x128xf32, #tpu.memory_space<hbm>>
        %dma_start3A_139 = arith.constant 9984 : i32
        %dma_start3A_140 = arith.constant 0 : i32
        %dma_start3A_141 = tpu.memref_slice %arg17[%dma_start3A_139, %dma_start3A_140] : memref<10000x128xf32, #tpu.memory_space<vmem_shared>> -> memref<16x128xf32, #tpu.memory_space<vmem_shared>>
        tpu.enqueue_dma source(%dma_start3A_141 : memref<16x128xf32, #tpu.memory_space<vmem_shared>>) target(%dma_start3A_138 : memref<16x128xf32, #tpu.memory_space<hbm>>) target_semaphore(%run_scoped3A : memref<!tpu.dma_semaphore, #tpu.memory_space<semaphore_mem>>)
        %dma_wait3A_142 = arith.constant 0 : i32
        %dma_wait3A_143 = tpu.memref_slice %arg5[%add3A_136, %dma_wait3A_142] : memref<20000x128xf32, #tpu.memory_space<hbm>> -> memref<16x128xf32, #tpu.memory_space<hbm>>
        %dma_wait3A_144 = arith.constant 9984 : i32
        %dma_wait3A_145 = arith.constant 0 : i32
        %dma_wait3A_146 = tpu.memref_slice %arg17[%dma_wait3A_144, %dma_wait3A_145] : memref<10000x128xf32, #tpu.memory_space<vmem_shared>> -> memref<16x128xf32, #tpu.memory_space<vmem_shared>>
        tpu.wait_dma2 semaphore(%run_scoped3A : memref<!tpu.dma_semaphore, #tpu.memory_space<semaphore_mem>>) src(%dma_wait3A_146 : memref<16x128xf32, #tpu.memory_space<vmem_shared>>) dst(%dma_wait3A_143 : memref<16x128xf32, #tpu.memory_space<hbm>>)
        tpu.yield
      }) : () -> ()
      "tpu.region"() ({
        %run_scoped3A = tpu.sem_alloc : memref<!tpu.dma_semaphore, #tpu.memory_space<semaphore_mem>>
        %dma_start3A_137 = arith.constant 0 : i32
        %dma_start3A_138 = tpu.memref_slice %arg28[%dma_start3A_137] : memref<624xf32, #tpu.memory_space<vmem>> -> memref<16xf32, #tpu.memory_space<vmem>>
        %dma_start3A_139 = arith.constant 9984 : i32
        %dma_start3A_140 = tpu.memref_slice %arg29[%dma_start3A_139] : memref<10000xf32, #tpu.memory_space<vmem_shared>> -> memref<16xf32, #tpu.memory_space<vmem_shared>>
        %dma_start3A_141 = arith.constant 0 : i32
        %dma_start3A_142 = tpu.memref_slice %arg28[%dma_start3A_141] : memref<624xf32, #tpu.memory_space<vmem>> -> memref<16xf32, #tpu.memory_space<vmem>>
        %dma_start3A_143 = arith.constant 9984 : i32
        %dma_start3A_144 = tpu.memref_slice %arg29[%dma_start3A_143] : memref<10000xf32, #tpu.memory_space<vmem_shared>> -> memref<16xf32, #tpu.memory_space<vmem_shared>>
        tpu.enqueue_dma source(%dma_start3A_144 : memref<16xf32, #tpu.memory_space<vmem_shared>>) target(%dma_start3A_142 : memref<16xf32, #tpu.memory_space<vmem>>) target_semaphore(%run_scoped3A : memref<!tpu.dma_semaphore, #tpu.memory_space<semaphore_mem>>)
        %dma_wait3A_145 = arith.constant 0 : i32
        %dma_wait3A_146 = tpu.memref_slice %arg28[%dma_wait3A_145] : memref<624xf32, #tpu.memory_space<vmem>> -> memref<16xf32, #tpu.memory_space<vmem>>
        %dma_wait3A_147 = arith.constant 9984 : i32
        %dma_wait3A_148 = tpu.memref_slice %arg29[%dma_wait3A_147] : memref<10000xf32, #tpu.memory_space<vmem_shared>> -> memref<16xf32, #tpu.memory_space<vmem_shared>>
        %dma_wait3A_149 = arith.constant 0 : i32
        %dma_wait3A_150 = tpu.memref_slice %arg28[%dma_wait3A_149] : memref<624xf32, #tpu.memory_space<vmem>> -> memref<16xf32, #tpu.memory_space<vmem>>
        %dma_wait3A_151 = arith.constant 9984 : i32
        %dma_wait3A_152 = tpu.memref_slice %arg29[%dma_wait3A_151] : memref<10000xf32, #tpu.memory_space<vmem_shared>> -> memref<16xf32, #tpu.memory_space<vmem_shared>>
        tpu.wait_dma2 semaphore(%run_scoped3A : memref<!tpu.dma_semaphore, #tpu.memory_space<semaphore_mem>>) src(%dma_wait3A_152 : memref<16xf32, #tpu.memory_space<vmem_shared>>) dst(%dma_wait3A_150 : memref<16xf32, #tpu.memory_space<vmem>>)
        tpu.yield
      }) : () -> ()
      "tpu.region"() ({
        %run_scoped3A = tpu.sem_alloc : memref<!tpu.dma_semaphore, #tpu.memory_space<semaphore_mem>>
        %dma_start3A_137 = arith.constant 0 : i32
        %dma_start3A_138 = tpu.memref_slice %arg28[%dma_start3A_137] : memref<624xf32, #tpu.memory_space<vmem>> -> memref<16xf32, #tpu.memory_space<vmem>>
        %dma_start3A_139 = tpu.memref_slice %arg6[%add3A_136] : memref<20000xf32, #tpu.memory_space<hbm>> -> memref<16xf32, #tpu.memory_space<hbm>>
        %dma_start3A_140 = tpu.memref_slice %arg6[%add3A_136] : memref<20000xf32, #tpu.memory_space<hbm>> -> memref<16xf32, #tpu.memory_space<hbm>>
        %dma_start3A_141 = arith.constant 0 : i32
        %dma_start3A_142 = tpu.memref_slice %arg28[%dma_start3A_141] : memref<624xf32, #tpu.memory_space<vmem>> -> memref<16xf32, #tpu.memory_space<vmem>>
        tpu.enqueue_dma source(%dma_start3A_142 : memref<16xf32, #tpu.memory_space<vmem>>) target(%dma_start3A_140 : memref<16xf32, #tpu.memory_space<hbm>>) target_semaphore(%run_scoped3A : memref<!tpu.dma_semaphore, #tpu.memory_space<semaphore_mem>>)
        %dma_wait3A_143 = arith.constant 0 : i32
        %dma_wait3A_144 = tpu.memref_slice %arg28[%dma_wait3A_143] : memref<624xf32, #tpu.memory_space<vmem>> -> memref<16xf32, #tpu.memory_space<vmem>>
        %dma_wait3A_145 = tpu.memref_slice %arg6[%add3A_136] : memref<20000xf32, #tpu.memory_space<hbm>> -> memref<16xf32, #tpu.memory_space<hbm>>
        %dma_wait3A_146 = tpu.memref_slice %arg6[%add3A_136] : memref<20000xf32, #tpu.memory_space<hbm>> -> memref<16xf32, #tpu.memory_space<hbm>>
        %dma_wait3A_147 = arith.constant 0 : i32
        %dma_wait3A_148 = tpu.memref_slice %arg28[%dma_wait3A_147] : memref<624xf32, #tpu.memory_space<vmem>> -> memref<16xf32, #tpu.memory_space<vmem>>
        tpu.wait_dma2 semaphore(%run_scoped3A : memref<!tpu.dma_semaphore, #tpu.memory_space<semaphore_mem>>) src(%dma_wait3A_148 : memref<16xf32, #tpu.memory_space<vmem>>) dst(%dma_wait3A_146 : memref<16xf32, #tpu.memory_space<hbm>>)
        tpu.yield
      }) : () -> ()
    } else {
    }
    return
  }
}

module attributes {stable_mosaic.version = 14 : i64} {
  func.func @_p_body(%arg0: i32, %arg1: memref<1000x128xf32, #tpu.memory_space<vmem>>, %arg2: memref<128x128xf32, #tpu.memory_space<vmem>>, %arg3: memref<128x128xf32, #tpu.memory_space<vmem>>, %arg4: memref<1x128xf32, #tpu.memory_space<vmem>>, %arg5: memref<1000x128xf32, #tpu.memory_space<vmem>>, %arg6: memref<1000x128xf32, #tpu.memory_space<vmem>>) attributes {dimension_semantics = [#tpu.dimension_semantics<arbitrary>], iteration_bounds = array<i64: 10>, scalar_prefetch = 0 : i64, scratch_operands = 0 : i64, tpu.core_type = #tpu.core_type<tc>, window_params = [{transform_indices = @transform_0, window_bounds = array<i64: 1000, 128>}, {pipeline_mode = #tpu.pipeline_mode<synchronous>, transform_indices = @transform_1, window_bounds = array<i64: 128, 128>}, {pipeline_mode = #tpu.pipeline_mode<synchronous>, transform_indices = @transform_2, window_bounds = array<i64: 128, 128>}, {pipeline_mode = #tpu.pipeline_mode<synchronous>, transform_indices = @transform_3, window_bounds = array<i64: 1, 128>}, {transform_indices = @transform_4, window_bounds = array<i64: 1000, 128>}, {transform_indices = @transform_5, window_bounds = array<i64: 1000, 128>}]} {
    %get3A = arith.constant 0 : index
    %get3A_0 = arith.constant 0 : index
    %get3A_1 = vector.load %arg1[%get3A, %get3A_0] : memref<1000x128xf32, #tpu.memory_space<vmem>>, vector<1000x128xf32>
    %get3A_2 = arith.constant 0 : index
    %get3A_3 = arith.constant 0 : index
    %get3A_4 = vector.load %arg2[%get3A_2, %get3A_3] : memref<128x128xf32, #tpu.memory_space<vmem>>, vector<128x128xf32>
    %dot_general3A = arith.constant dense<0.000000e+00> : vector<1000x128xf32>
    %dot_general3A_5 = tpu.matmul %get3A_1, %get3A_4, %dot_general3A {dimension_numbers = #tpu.dot_dimension_numbers<[1], [0], [0], [1], [0, 0, 1, 1], [], []>, transpose_lhs_hint = false} : vector<1000x128xf32>, vector<128x128xf32>, vector<1000x128xf32> -> vector<1000x128xf32>
    %swap3A = arith.constant 0 : index
    %swap3A_6 = arith.constant 0 : index
    %swap3A_7 = vector.load %arg5[%swap3A, %swap3A_6] : memref<1000x128xf32, #tpu.memory_space<vmem>>, vector<1000x128xf32>
    tpu.vector_store %arg5[%swap3A, %swap3A_6], %dot_general3A_5 {strides = array<i32>} : memref<1000x128xf32, #tpu.memory_space<vmem>>, vector<1000x128xf32>,
    %get3A_8 = arith.constant 0 : index
    %get3A_9 = arith.constant 0 : index
    %get3A_10 = vector.load %arg3[%get3A_8, %get3A_9] : memref<128x128xf32, #tpu.memory_space<vmem>>, vector<128x128xf32>
    %dot_general3A_11 = arith.constant dense<0.000000e+00> : vector<1000x128xf32>
    %dot_general3A_12 = tpu.matmul %get3A_1, %get3A_10, %dot_general3A_11 {dimension_numbers = #tpu.dot_dimension_numbers<[1], [0], [0], [1], [0, 0, 1, 1], [], []>, transpose_lhs_hint = false} : vector<1000x128xf32>, vector<128x128xf32>, vector<1000x128xf32> -> vector<1000x128xf32>
    %get3A_13 = arith.constant 0 : index
    %get3A_14 = arith.constant 0 : index
    %get3A_15 = vector.load %arg4[%get3A_13, %get3A_14] : memref<1x128xf32, #tpu.memory_space<vmem>>, vector<1x128xf32>
    %add3A = vector.broadcast %get3A_15 : vector<1x128xf32> to vector<1000x128xf32>
    %add3A_16 = arith.addf %dot_general3A_12, %add3A : vector<1000x128xf32>
    %swap3A_17 = arith.constant 0 : index
    %swap3A_18 = arith.constant 0 : index
    %swap3A_19 = vector.load %arg6[%swap3A_17, %swap3A_18] : memref<1000x128xf32, #tpu.memory_space<vmem>>, vector<1000x128xf32>
    tpu.vector_store %arg6[%swap3A_17, %swap3A_18], %add3A_16 {strides = array<i32>} : memref<1000x128xf32, #tpu.memory_space<vmem>>, vector<1000x128xf32>,
    return
  }
  func.func @transform_0(%arg0: i32) -> (i32, i32) {
    %c0_i32 = arith.constant 0 : i32
    %c0_i32_0 = arith.constant 0 : i32
    return %arg0, %c0_i32 : i32, i32
  }
  func.func @transform_1(%arg0: i32) -> (i32, i32) {
    %c0_i32 = arith.constant 0 : i32
    %c0_i32_0 = arith.constant 0 : i32
    %c0_i32_1 = arith.constant 0 : i32
    return %c0_i32, %c0_i32_0 : i32, i32
  }
  func.func @transform_2(%arg0: i32) -> (i32, i32) {
    %c0_i32 = arith.constant 0 : i32
    %c0_i32_0 = arith.constant 0 : i32
    %c0_i32_1 = arith.constant 0 : i32
    return %c0_i32, %c0_i32_0 : i32, i32
  }
  func.func @transform_3(%arg0: i32) -> (i32, i32) {
    %c0_i32 = arith.constant 0 : i32
    %c0_i32_0 = arith.constant 0 : i32
    %c0_i32_1 = arith.constant 0 : i32
    return %c0_i32, %c0_i32_0 : i32, i32
  }
  func.func @transform_4(%arg0: i32) -> (i32, i32) {
    %c0_i32 = arith.constant 0 : i32
    %c0_i32_0 = arith.constant 0 : i32
    return %arg0, %c0_i32 : i32, i32
  }
  func.func @transform_5(%arg0: i32) -> (i32, i32) {
    %c0_i32 = arith.constant 0 : i32
    %c0_i32_0 = arith.constant 0 : i32
    return %arg0, %c0_i32 : i32, i32
  }
}

module attributes {stable_mosaic.version = 14 : i64} {
  func.func @_m_body(%arg0: i32, %arg1: i32, %arg2: memref<1000x128xf32, #tpu.memory_space<vmem>>, %arg3: memref<1000x128xf32, #tpu.memory_space<vmem>>, %arg4: memref<1000x128xf32, #tpu.memory_space<vmem>>, %arg5: memref<1000x1xf32, #tpu.memory_space<vmem>>, %arg6: memref<1000x1xf32, #tpu.memory_space<vmem>>, %arg7: memref<128x128xf32, #tpu.memory_space<vmem>>, %arg8: memref<128x128xf32, #tpu.memory_space<vmem>>, %arg9: memref<1x128xf32, #tpu.memory_space<vmem>>, %arg10: memref<1x128xf32, #tpu.memory_space<vmem>>, %arg11: memref<1x128xf32, #tpu.memory_space<vmem>>, %arg12: memref<1000x128xf32, #tpu.memory_space<vmem>>, %arg13: memref<1000x128xf32, #tpu.memory_space<vmem>>, %arg14: memref<10000x128xf32, #tpu.memory_space<vmem>>, %arg15: memref<8x128xf32, #tpu.memory_space<vmem>>) attributes {dimension_semantics = [#tpu.dimension_semantics<arbitrary>, #tpu.dimension_semantics<arbitrary>], iteration_bounds = array<i64: 2, 10>, scalar_prefetch = 0 : i64, scratch_operands = 2 : i64, tpu.core_type = #tpu.core_type<tc>, window_params = [{transform_indices = @transform_0, window_bounds = array<i64: 1000, 128>}, {transform_indices = @transform_1, window_bounds = array<i64: 1000, 128>}, {transform_indices = @transform_2, window_bounds = array<i64: 1000, 128>}, {transform_indices = @transform_3, window_bounds = array<i64: 1000, 1>}, {transform_indices = @transform_4, window_bounds = array<i64: 1000, 1>}, {pipeline_mode = #tpu.pipeline_mode<synchronous>, transform_indices = @transform_5, window_bounds = array<i64: 128, 128>}, {pipeline_mode = #tpu.pipeline_mode<synchronous>, transform_indices = @transform_6, window_bounds = array<i64: 128, 128>}, {pipeline_mode = #tpu.pipeline_mode<synchronous>, transform_indices = @transform_7, window_bounds = array<i64: 1, 128>}, {pipeline_mode = #tpu.pipeline_mode<synchronous>, transform_indices = @transform_8, window_bounds = array<i64: 1, 128>}, {pipeline_mode = #tpu.pipeline_mode<synchronous>, transform_indices = @transform_9, window_bounds = array<i64: 1, 128>}, {transform_indices = @transform_10, window_bounds = array<i64: 1000, 128>}, {transform_indices = @transform_11, window_bounds = array<i64: 1000, 128>}]} {
    %eq3A = arith.constant 0 : i32
    %eq3A_0 = arith.cmpi eq, %arg0, %eq3A : i32
    %convert_element_type3A = arith.extui %eq3A_0 : i1 to i32
    %cond3A = arith.constant 0 : i32
    %cond3A_1 = arith.cmpi ne, %convert_element_type3A, %cond3A : i32
    scf.if %cond3A_1 {
      %get3A = arith.constant 0 : index
      %get3A_7 = arith.constant 0 : index
      %get3A_8 = vector.load %arg5[%get3A, %get3A_7] : memref<1000x1xf32, #tpu.memory_space<vmem>>, vector<1000x1xf32>
      %get3A_9 = arith.constant 0 : index
      %get3A_10 = arith.constant 0 : index
      %get3A_11 = vector.load %arg6[%get3A_9, %get3A_10] : memref<1000x1xf32, #tpu.memory_space<vmem>>, vector<1000x1xf32>
      %add3A = arith.addf %get3A_8, %get3A_11 : vector<1000x1xf32>
      %max3A = arith.constant 1.000000e+00 : f32
      %max3A_12 = vector.broadcast %max3A : f32 to vector<1000x1xf32>
      %max3A_13 = arith.maximumf %add3A, %max3A_12 : vector<1000x1xf32>
      %get3A_14 = arith.constant 0 : index
      %get3A_15 = arith.constant 0 : index
      %get3A_16 = vector.load %arg2[%get3A_14, %get3A_15] : memref<1000x128xf32, #tpu.memory_space<vmem>>, vector<1000x128xf32>
      %get3A_17 = arith.constant 0 : index
      %get3A_18 = arith.constant 0 : index
      %get3A_19 = vector.load %arg3[%get3A_17, %get3A_18] : memref<1000x128xf32, #tpu.memory_space<vmem>>, vector<1000x128xf32>
      %add3A_20 = arith.addf %get3A_16, %get3A_19 : vector<1000x128xf32>
      %div3A = vector.broadcast %max3A_13 : vector<1000x1xf32> to vector<1000x128xf32>
      %div3A_21 = arith.divf %add3A_20, %div3A : vector<1000x128xf32>
      %get3A_22 = arith.constant 0 : index
      %get3A_23 = arith.constant 0 : index
      %get3A_24 = vector.load %arg4[%get3A_22, %get3A_23] : memref<1000x128xf32, #tpu.memory_space<vmem>>, vector<1000x128xf32>
      %add3A_25 = arith.addf %div3A_21, %get3A_24 : vector<1000x128xf32>
      %mul3A = arith.constant 1000 : i32
      %mul3A_26 = arith.muli %arg1, %mul3A : i32
      %swap3A = arith.index_cast %mul3A_26 : i32 to index
      %swap3A_27 = arith.constant 0 : index
      %swap3A_28 = vector.load %arg14[%swap3A, %swap3A_27] : memref<10000x128xf32, #tpu.memory_space<vmem>>, vector<1000x128xf32>
      tpu.vector_store %arg14[%swap3A, %swap3A_27], %add3A_25 {strides = array<i32>} : memref<10000x128xf32, #tpu.memory_space<vmem>>, vector<1000x128xf32>,
      %eq3A_29 = arith.constant 0 : i32
      %eq3A_30 = arith.cmpi eq, %arg1, %eq3A_29 : i32
      %convert_element_type3A_31 = arith.extui %eq3A_30 : i1 to i32
      %cond3A_32 = arith.constant 0 : i32
      %cond3A_33 = arith.cmpi ne, %convert_element_type3A_31, %cond3A_32 : i32
      scf.if %cond3A_33 {
        %broadcast_in_dim3A_53 = arith.constant 0.000000e+00 : f32
        %broadcast_in_dim3A_54 = vector.broadcast %broadcast_in_dim3A_53 : f32 to vector<8x128xf32>
        %swap3A_55 = arith.constant 0 : index
        %swap3A_56 = arith.constant 0 : index
        %swap3A_57 = vector.load %arg15[%swap3A_55, %swap3A_56] : memref<8x128xf32, #tpu.memory_space<vmem>>, vector<8x128xf32>
        tpu.vector_store %arg15[%swap3A_55, %swap3A_56], %broadcast_in_dim3A_54 {strides = array<i32>} : memref<8x128xf32, #tpu.memory_space<vmem>>, vector<8x128xf32>,
      } else {
      }
      %get3A_34 = arith.constant 0 : index
      %get3A_35 = arith.constant 0 : index
      %get3A_36 = vector.load %arg15[%get3A_34, %get3A_35] : memref<8x128xf32, #tpu.memory_space<vmem>>, vector<1x128xf32>
      %reduce_sum3A = arith.constant dense<0.000000e+00> : vector<128xf32>
      %reduce_sum3A_37 = vector.multi_reduction <add>, %add3A_25, %reduce_sum3A [0] : vector<1000x128xf32> to vector<128xf32>
      %broadcast_in_dim3A = vector.shape_cast %reduce_sum3A_37 : vector<128xf32> to vector<1x128xf32>
      %add3A_38 = arith.addf %get3A_36, %broadcast_in_dim3A : vector<1x128xf32>
      %swap3A_39 = arith.constant 0 : index
      %swap3A_40 = arith.constant 0 : index
      %swap3A_41 = vector.load %arg15[%swap3A_39, %swap3A_40] : memref<8x128xf32, #tpu.memory_space<vmem>>, vector<1x128xf32>
      tpu.vector_store %arg15[%swap3A_39, %swap3A_40], %add3A_38 {strides = array<i32>} : memref<8x128xf32, #tpu.memory_space<vmem>>, vector<1x128xf32>,
      %get3A_42 = arith.constant 1 : index
      %get3A_43 = arith.constant 0 : index
      %get3A_44 = vector.load %arg15[%get3A_42, %get3A_43] : memref<8x128xf32, #tpu.memory_space<vmem>>, vector<1x128xf32>
      %mul3A_45 = arith.mulf %add3A_25, %add3A_25 : vector<1000x128xf32>
      %reduce_sum3A_46 = arith.constant dense<0.000000e+00> : vector<128xf32>
      %reduce_sum3A_47 = vector.multi_reduction <add>, %mul3A_45, %reduce_sum3A_46 [0] : vector<1000x128xf32> to vector<128xf32>
      %broadcast_in_dim3A_48 = vector.shape_cast %reduce_sum3A_47 : vector<128xf32> to vector<1x128xf32>
      %add3A_49 = arith.addf %get3A_44, %broadcast_in_dim3A_48 : vector<1x128xf32>
      %swap3A_50 = arith.constant 1 : index
      %swap3A_51 = arith.constant 0 : index
      %swap3A_52 = vector.load %arg15[%swap3A_50, %swap3A_51] : memref<8x128xf32, #tpu.memory_space<vmem>>, vector<1x128xf32>
      tpu.vector_store %arg15[%swap3A_50, %swap3A_51], %add3A_49 {strides = array<i32>} : memref<8x128xf32, #tpu.memory_space<vmem>>, vector<1x128xf32>,
    } else {
    }
    %eq3A_2 = arith.constant 1 : i32
    %eq3A_3 = arith.cmpi eq, %arg0, %eq3A_2 : i32
    %convert_element_type3A_4 = arith.extui %eq3A_3 : i1 to i32
    %cond3A_5 = arith.constant 0 : i32
    %cond3A_6 = arith.cmpi ne, %convert_element_type3A_4, %cond3A_5 : i32
    scf.if %cond3A_6 {
      %get3A = arith.constant 0 : index
      %get3A_7 = arith.constant 0 : index
      %get3A_8 = vector.load %arg15[%get3A, %get3A_7] : memref<8x128xf32, #tpu.memory_space<vmem>>, vector<1x128xf32>
      %div3A = arith.constant 1.000000e+04 : f32
      %div3A_9 = vector.broadcast %div3A : f32 to vector<1x128xf32>
      %div3A_10 = arith.divf %get3A_8, %div3A_9 : vector<1x128xf32>
      %get3A_11 = arith.constant 1 : index
      %get3A_12 = arith.constant 0 : index
      %get3A_13 = vector.load %arg15[%get3A_11, %get3A_12] : memref<8x128xf32, #tpu.memory_space<vmem>>, vector<1x128xf32>
      %div3A_14 = arith.constant 1.000000e+04 : f32
      %div3A_15 = vector.broadcast %div3A_14 : f32 to vector<1x128xf32>
      %div3A_16 = arith.divf %get3A_13, %div3A_15 : vector<1x128xf32>
      %mul3A = arith.mulf %div3A_10, %div3A_10 : vector<1x128xf32>
      %sub3A = arith.subf %div3A_16, %mul3A : vector<1x128xf32>
      %add3A = arith.constant 9.99999974E-6 : f32
      %add3A_17 = vector.broadcast %add3A : f32 to vector<1x128xf32>
      %add3A_18 = arith.addf %sub3A, %add3A_17 : vector<1x128xf32>
      %rsqrt3A = math.rsqrt %add3A_18 : vector<1x128xf32>
      %get3A_19 = arith.constant 0 : index
      %get3A_20 = arith.constant 0 : index
      %get3A_21 = vector.load %arg10[%get3A_19, %get3A_20] : memref<1x128xf32, #tpu.memory_space<vmem>>, vector<1x128xf32>
      %mul3A_22 = arith.mulf %rsqrt3A, %get3A_21 : vector<1x128xf32>
      %mul3A_23 = arith.constant 1000 : i32
      %mul3A_24 = arith.muli %arg1, %mul3A_23 : i32
      %get3A_25 = arith.index_cast %mul3A_24 : i32 to index
      %get3A_26 = arith.constant 0 : index
      %get3A_27 = vector.load %arg14[%get3A_25, %get3A_26] : memref<10000x128xf32, #tpu.memory_space<vmem>>, vector<1000x128xf32>
      %sub3A_28 = vector.broadcast %div3A_10 : vector<1x128xf32> to vector<1000x128xf32>
      %sub3A_29 = arith.subf %get3A_27, %sub3A_28 : vector<1000x128xf32>
      %mul3A_30 = vector.broadcast %mul3A_22 : vector<1x128xf32> to vector<1000x128xf32>
      %mul3A_31 = arith.mulf %sub3A_29, %mul3A_30 : vector<1000x128xf32>
      %get3A_32 = arith.constant 0 : index
      %get3A_33 = arith.constant 0 : index
      %get3A_34 = vector.load %arg11[%get3A_32, %get3A_33] : memref<1x128xf32, #tpu.memory_space<vmem>>, vector<1x128xf32>
      %add3A_35 = vector.broadcast %get3A_34 : vector<1x128xf32> to vector<1000x128xf32>
      %add3A_36 = arith.addf %mul3A_31, %add3A_35 : vector<1000x128xf32>
      %max3A = arith.constant 0.000000e+00 : f32
      %max3A_37 = vector.broadcast %max3A : f32 to vector<1000x128xf32>
      %max3A_38 = arith.maximumf %add3A_36, %max3A_37 : vector<1000x128xf32>
      %get3A_39 = arith.constant 0 : index
      %get3A_40 = arith.constant 0 : index
      %get3A_41 = vector.load %arg7[%get3A_39, %get3A_40] : memref<128x128xf32, #tpu.memory_space<vmem>>, vector<128x128xf32>
      %dot_general3A = arith.constant dense<0.000000e+00> : vector<1000x128xf32>
      %dot_general3A_42 = tpu.matmul %max3A_38, %get3A_41, %dot_general3A {dimension_numbers = #tpu.dot_dimension_numbers<[1], [0], [0], [1], [0, 0, 1, 1], [], []>, transpose_lhs_hint = false} : vector<1000x128xf32>, vector<128x128xf32>, vector<1000x128xf32> -> vector<1000x128xf32>
      %swap3A = arith.constant 0 : index
      %swap3A_43 = arith.constant 0 : index
      %swap3A_44 = vector.load %arg12[%swap3A, %swap3A_43] : memref<1000x128xf32, #tpu.memory_space<vmem>>, vector<1000x128xf32>
      tpu.vector_store %arg12[%swap3A, %swap3A_43], %dot_general3A_42 {strides = array<i32>} : memref<1000x128xf32, #tpu.memory_space<vmem>>, vector<1000x128xf32>,
      %get3A_45 = arith.constant 0 : index
      %get3A_46 = arith.constant 0 : index
      %get3A_47 = vector.load %arg8[%get3A_45, %get3A_46] : memref<128x128xf32, #tpu.memory_space<vmem>>, vector<128x128xf32>
      %dot_general3A_48 = arith.constant dense<0.000000e+00> : vector<1000x128xf32>
      %dot_general3A_49 = tpu.matmul %max3A_38, %get3A_47, %dot_general3A_48 {dimension_numbers = #tpu.dot_dimension_numbers<[1], [0], [0], [1], [0, 0, 1, 1], [], []>, transpose_lhs_hint = false} : vector<1000x128xf32>, vector<128x128xf32>, vector<1000x128xf32> -> vector<1000x128xf32>
      %get3A_50 = arith.constant 0 : index
      %get3A_51 = arith.constant 0 : index
      %get3A_52 = vector.load %arg9[%get3A_50, %get3A_51] : memref<1x128xf32, #tpu.memory_space<vmem>>, vector<1x128xf32>
      %add3A_53 = vector.broadcast %get3A_52 : vector<1x128xf32> to vector<1000x128xf32>
      %add3A_54 = arith.addf %dot_general3A_49, %add3A_53 : vector<1000x128xf32>
      %swap3A_55 = arith.constant 0 : index
      %swap3A_56 = arith.constant 0 : index
      %swap3A_57 = vector.load %arg13[%swap3A_55, %swap3A_56] : memref<1000x128xf32, #tpu.memory_space<vmem>>, vector<1000x128xf32>
      tpu.vector_store %arg13[%swap3A_55, %swap3A_56], %add3A_54 {strides = array<i32>} : memref<1000x128xf32, #tpu.memory_space<vmem>>, vector<1000x128xf32>,
    } else {
    }
    return
  }
  func.func @transform_0(%arg0: i32, %arg1: i32) -> (i32, i32) {
    %sub3A = arith.constant 1 : i32
    %sub3A_0 = arith.subi %sub3A, %arg0 : i32
    %mul3A = arith.muli %sub3A_0, %arg1 : i32
    %c0_i32 = arith.constant 0 : i32
    %c0_i32_1 = arith.constant 0 : i32
    return %mul3A, %c0_i32 : i32, i32
  }
  func.func @transform_1(%arg0: i32, %arg1: i32) -> (i32, i32) {
    %sub3A = arith.constant 1 : i32
    %sub3A_0 = arith.subi %sub3A, %arg0 : i32
    %mul3A = arith.muli %sub3A_0, %arg1 : i32
    %add3A = arith.constant 10 : i32
    %add3A_1 = arith.addi %mul3A, %add3A : i32
    %c0_i32 = arith.constant 0 : i32
    %c0_i32_2 = arith.constant 0 : i32
    return %add3A_1, %c0_i32 : i32, i32
  }
  func.func @transform_2(%arg0: i32, %arg1: i32) -> (i32, i32) {
    %sub3A = arith.constant 1 : i32
    %sub3A_0 = arith.subi %sub3A, %arg0 : i32
    %mul3A = arith.muli %sub3A_0, %arg1 : i32
    %c0_i32 = arith.constant 0 : i32
    %c0_i32_1 = arith.constant 0 : i32
    return %mul3A, %c0_i32 : i32, i32
  }
  func.func @transform_3(%arg0: i32, %arg1: i32) -> (i32, i32) {
    %sub3A = arith.constant 1 : i32
    %sub3A_0 = arith.subi %sub3A, %arg0 : i32
    %mul3A = arith.muli %sub3A_0, %arg1 : i32
    %c0_i32 = arith.constant 0 : i32
    %c0_i32_1 = arith.constant 0 : i32
    return %mul3A, %c0_i32 : i32, i32
  }
  func.func @transform_4(%arg0: i32, %arg1: i32) -> (i32, i32) {
    %sub3A = arith.constant 1 : i32
    %sub3A_0 = arith.subi %sub3A, %arg0 : i32
    %mul3A = arith.muli %sub3A_0, %arg1 : i32
    %add3A = arith.constant 10 : i32
    %add3A_1 = arith.addi %mul3A, %add3A : i32
    %c0_i32 = arith.constant 0 : i32
    %c0_i32_2 = arith.constant 0 : i32
    return %add3A_1, %c0_i32 : i32, i32
  }
  func.func @transform_5(%arg0: i32, %arg1: i32) -> (i32, i32) {
    %c0_i32 = arith.constant 0 : i32
    %c0_i32_0 = arith.constant 0 : i32
    %c0_i32_1 = arith.constant 0 : i32
    return %c0_i32, %c0_i32_0 : i32, i32
  }
  func.func @transform_6(%arg0: i32, %arg1: i32) -> (i32, i32) {
    %c0_i32 = arith.constant 0 : i32
    %c0_i32_0 = arith.constant 0 : i32
    %c0_i32_1 = arith.constant 0 : i32
    return %c0_i32, %c0_i32_0 : i32, i32
  }
  func.func @transform_7(%arg0: i32, %arg1: i32) -> (i32, i32) {
    %c0_i32 = arith.constant 0 : i32
    %c0_i32_0 = arith.constant 0 : i32
    %c0_i32_1 = arith.constant 0 : i32
    return %c0_i32, %c0_i32_0 : i32, i32
  }
  func.func @transform_8(%arg0: i32, %arg1: i32) -> (i32, i32) {
    %c0_i32 = arith.constant 0 : i32
    %c0_i32_0 = arith.constant 0 : i32
    %c0_i32_1 = arith.constant 0 : i32
    return %c0_i32, %c0_i32_0 : i32, i32
  }
  func.func @transform_9(%arg0: i32, %arg1: i32) -> (i32, i32) {
    %c0_i32 = arith.constant 0 : i32
    %c0_i32_0 = arith.constant 0 : i32
    %c0_i32_1 = arith.constant 0 : i32
    return %c0_i32, %c0_i32_0 : i32, i32
  }
  func.func @transform_10(%arg0: i32, %arg1: i32) -> (i32, i32) {
    %mul3A = arith.muli %arg0, %arg1 : i32
    %c0_i32 = arith.constant 0 : i32
    %c0_i32_0 = arith.constant 0 : i32
    return %mul3A, %c0_i32 : i32, i32
  }
  func.func @transform_11(%arg0: i32, %arg1: i32) -> (i32, i32) {
    %mul3A = arith.muli %arg0, %arg1 : i32
    %c0_i32 = arith.constant 0 : i32
    %c0_i32_0 = arith.constant 0 : i32
    return %mul3A, %c0_i32 : i32, i32
  }
}

module attributes {stable_mosaic.version = 14 : i64} {
  func.func @_e_body(%arg0: i32, %arg1: memref<1000x1xf32, #tpu.memory_space<vmem>>, %arg2: memref<1000x1xf32, #tpu.memory_space<vmem>>, %arg3: memref<1000x1xf32, #tpu.memory_space<vmem>>, %arg4: memref<1000x1xf32, #tpu.memory_space<vmem>>, %arg5: memref<1000x1xf32, #tpu.memory_space<vmem>>, %arg6: memref<1000x1xf32, #tpu.memory_space<vmem>>) attributes {dimension_semantics = [#tpu.dimension_semantics<arbitrary>], iteration_bounds = array<i64: 10>, scalar_prefetch = 0 : i64, scratch_operands = 0 : i64, tpu.core_type = #tpu.core_type<tc>, window_params = [{transform_indices = @transform_0, window_bounds = array<i64: 1000, 1>}, {transform_indices = @transform_1, window_bounds = array<i64: 1000, 1>}, {transform_indices = @transform_2, window_bounds = array<i64: 1000, 1>}, {transform_indices = @transform_3, window_bounds = array<i64: 1000, 1>}, {transform_indices = @transform_4, window_bounds = array<i64: 1000, 1>}, {transform_indices = @transform_5, window_bounds = array<i64: 1000, 1>}]} {
    %get3A = arith.constant 0 : index
    %get3A_0 = arith.constant 0 : index
    %get3A_1 = vector.load %arg4[%get3A, %get3A_0] : memref<1000x1xf32, #tpu.memory_space<vmem>>, vector<1000x1xf32>
    %get3A_2 = arith.constant 0 : index
    %get3A_3 = arith.constant 0 : index
    %get3A_4 = vector.load %arg5[%get3A_2, %get3A_3] : memref<1000x1xf32, #tpu.memory_space<vmem>>, vector<1000x1xf32>
    %add3A = arith.addf %get3A_1, %get3A_4 : vector<1000x1xf32>
    %max3A = arith.constant 1.000000e+00 : f32
    %max3A_5 = vector.broadcast %max3A : f32 to vector<1000x1xf32>
    %max3A_6 = arith.maximumf %add3A, %max3A_5 : vector<1000x1xf32>
    %get3A_7 = arith.constant 0 : index
    %get3A_8 = arith.constant 0 : index
    %get3A_9 = vector.load %arg1[%get3A_7, %get3A_8] : memref<1000x1xf32, #tpu.memory_space<vmem>>, vector<1000x1xf32>
    %get3A_10 = arith.constant 0 : index
    %get3A_11 = arith.constant 0 : index
    %get3A_12 = vector.load %arg2[%get3A_10, %get3A_11] : memref<1000x1xf32, #tpu.memory_space<vmem>>, vector<1000x1xf32>
    %add3A_13 = arith.addf %get3A_9, %get3A_12 : vector<1000x1xf32>
    %div3A = arith.divf %add3A_13, %max3A_6 : vector<1000x1xf32>
    %get3A_14 = arith.constant 0 : index
    %get3A_15 = arith.constant 0 : index
    %get3A_16 = vector.load %arg3[%get3A_14, %get3A_15] : memref<1000x1xf32, #tpu.memory_space<vmem>>, vector<1000x1xf32>
    %add3A_17 = arith.addf %div3A, %get3A_16 : vector<1000x1xf32>
    %swap3A = arith.constant 0 : index
    %swap3A_18 = arith.constant 0 : index
    %swap3A_19 = vector.load %arg6[%swap3A, %swap3A_18] : memref<1000x1xf32, #tpu.memory_space<vmem>>, vector<1000x1xf32>
    tpu.vector_store %arg6[%swap3A, %swap3A_18], %add3A_17 {strides = array<i32>} : memref<1000x1xf32, #tpu.memory_space<vmem>>, vector<1000x1xf32>,
    return
  }
  func.func @transform_0(%arg0: i32) -> (i32, i32) {
    %c0_i32 = arith.constant 0 : i32
    %c0_i32_0 = arith.constant 0 : i32
    return %arg0, %c0_i32 : i32, i32
  }
  func.func @transform_1(%arg0: i32) -> (i32, i32) {
    %add3A = arith.constant 10 : i32
    %add3A_0 = arith.addi %arg0, %add3A : i32
    %c0_i32 = arith.constant 0 : i32
    %c0_i32_1 = arith.constant 0 : i32
    return %add3A_0, %c0_i32 : i32, i32
  }
  func.func @transform_2(%arg0: i32) -> (i32, i32) {
    %c0_i32 = arith.constant 0 : i32
    %c0_i32_0 = arith.constant 0 : i32
    return %arg0, %c0_i32 : i32, i32
  }
  func.func @transform_3(%arg0: i32) -> (i32, i32) {
    %c0_i32 = arith.constant 0 : i32
    %c0_i32_0 = arith.constant 0 : i32
    return %arg0, %c0_i32 : i32, i32
  }
  func.func @transform_4(%arg0: i32) -> (i32, i32) {
    %add3A = arith.constant 10 : i32
    %add3A_0 = arith.addi %arg0, %add3A : i32
    %c0_i32 = arith.constant 0 : i32
    %c0_i32_1 = arith.constant 0 : i32
    return %add3A_0, %c0_i32 : i32, i32
  }
  func.func @transform_5(%arg0: i32) -> (i32, i32) {
    %c0_i32 = arith.constant 0 : i32
    %c0_i32_0 = arith.constant 0 : i32
    return %arg0, %c0_i32 : i32, i32
  }
}

</mosaic_0001>

<sc_bundles>
// kernel: kernel.12.cloned.1.call-start
scs
__scs_entry_jumppad:
0x0: {  	(pc) =	sbr.rel $0x88, $3  }
0x1: {  	(tag) =	ssettag $0x0;
	lr =	simm.s32 $0x1  }
0x2: {  	[smem:$0x3F92] =	sst lr;
	_ =	strace $0xD0000000  }
0x3: {  	_ = 	snop  }
0x4: {  	_ = 	snop  }
0x5: {  	_ = 	snop  }
0x6: {  	_ = 	snop  }
0x7: {  	_ = 	snop  }
__scs_overlays_trampoline_lowered:
0x8: {  	[smem:$0x3FA1] =	sst s0  }
0x9: {  	[smem:$0x3FA2] =	sst s1  }
0xa: {  	[smem:$0x3FA3] =	sst s2  }
0xb: {  	[smem:$0x3FA4] =	sst s3  }
0xc: {  	[smem:$0x3FA5] =	sst s4  }
0xd: {  	[smem:$0x3FA6] =	sst s5  }
0xe: {  	[smem:$0x3FA7] =	sst s6  }
0xf: {  	[smem:$0x3FA8] =	sst s7  }
0x10: {  	[smem:$0x3FA9] =	sst s8  }
0x11: {  	[smem:$0x3FAA] =	sst s9;
	s0 =	simm.s32 @!p0 $0x0  }
0x12: {  	s1 =	sld [smem:$0x3F90];
	s0 =	simm.s32 @p0 $0x1  }
0x13: {  	[smem:$0x3FAB] =	sst s0;
	s0 =	simm.s32 @!p1 $0x0  }
0x14: {  	s2 =	sld [smem:$0x3F8F];
	s0 =	simm.s32 @p1 $0x1  }
0x15: {  	[smem:$0x3FAC] =	sst s0;
	s0 =	simm.s32 @!p2 $0x0  }
0x16: {  	s3 =	sld [smem:$0x3FDB];
	s0 =	simm.s32 @p2 $0x1  }
0x17: {  	s4 =	simm.s32 $0x1BF5;
	[smem:$0x3FAE] =	sst s0  }
0x18: {  	s0 =	sld [smem:$0x3F91];
	_ =	swait.ge [sflag:s4], $0x0  }
0x19: {  	s7 =	sld [smem:$0x3F92]  }
0x1a: {  	s8 =	sadd.s32 $0xFFFFE003, lr  }
0x1b: {  	s9 =	sadd.s32 $0xFFFFFEF7, lr;
	s5 =	simm.s32 $0xFFFFFFFF;
	p2 =	slt.u32 s8, $0xFFFFF086  }
0x1c: {  	p1 =	slt.u32 s9, $0xF7A;
	s5 =	simm.s32 @!p2 $0x0  }
0x1d: {  	s5 =	simm.s32 @p1 $0x1;
	p0 =	seq.s32 s7, s2  }
0x1e: {  	s7 =	smul.u32 @!p0 $0xF7A, s2;
	p2 =	seq.s32 @!p0 s5, $0x0  }
0x1f: {  	s9 =	smul.u32 $0xF7A, s1;
	s8 =	simm.s32 @!p0 $0x1BF5;
	p2 =	por !p2, p0  }
0x20: {  	[sflag:s8] =	ssyncset.s32 @!p0 $0xFFFFF086;
	s6 =	sadd.s32 @!p0 s3, s7;
	s7 =	simm.s32 @!p0 $0x108  }
0x21: {  	s3 =	sadd.s32 s3, s9;
	s6 =	sadd.s32 @!p0 $0x88, s6;
	s7 =	simm.s32 @p2 $0x1082  }
0x22: {  	[simem:s7], [sflag:s8] =	dma.local @!p0 [hbm:s6], $0xF7A  }
0x23: {  	s9 =	sor.u32 $0xD0000000, s2;
	s6 =	simm.s32 $0x108;
	_ =	swait.ge @!p0 [sflag:s8], $0x0  }
0x24: {  	s3 =	sadd.s32 $0x88, s3;
	s6 =	simm.s32 @!p1 $0x1082;
	[sflag:s4] =	ssyncset.s32 $0xFFFFF086  }
0x25: {  	[simem:s6], [sflag:s4] =	dma.local [hbm:s3], $0xF7A  }
0x26: {  	[smem:$0x3F92] =	sst s1;
	(tag) =	ssettag s2;
	_ =	strace s9  }
0x27: {  	s1 =	sld [smem:$0x3FA2]  }
0x28: {  	s2 =	sld [smem:$0x3FA3]  }
0x29: {  	s4 =	sld [smem:$0x3FA5]  }
0x2a: {  	p0 =	seq.s32 s5, $0x0;
	s5 =	sld [smem:$0x3FA6]  }
0x2b: {  	s6 =	sld [smem:$0x3FA7]  }
0x2c: {  	s7 =	sld [smem:$0x3FA8]  }
0x2d: {  	s3 =	simm.s32 $0x108;
	s8 =	sld [smem:$0x3FA9]  }
0x2e: {  	s3 =	simm.s32 @!p0 $0x1082;
	s9 =	sld [smem:$0x3FAA]  }
0x2f: {  	lr =	sadd.s32 s0, s3;
	s0 =	sld [smem:$0x3FA1]  }
0x30: {  	s3 =	sld [smem:$0x3FA4]  }
0x31: {  	[smem:$0x3FAD] =	sst s10  }
0x32: {  	s10 =	sld [smem:$0x3FAB];
	_ =	sdelay $0x3  }
0x33: {  	p0 =	seq.s32 s10, $0x1;
	s10 =	sld [smem:$0x3FAD];
	_ =	sdelay $0x3  }
0x34: {  	[smem:$0x3FAD] =	sst s10  }
0x35: {  	s10 =	sld [smem:$0x3FAC];
	_ =	sdelay $0x3  }
0x36: {  	p1 =	seq.s32 s10, $0x1;
	s10 =	sld [smem:$0x3FAD];
	_ =	sdelay $0x3  }
0x37: {  	[smem:$0x3FAD] =	sst s10  }
0x38: {  	s10 =	sld [smem:$0x3FAE]  }
0x39: {  	_ = 	snop;
	(pc) =	sbr.ind lr, $3  }
0x3a: {  	_ = 	snop  }
0x3b: {  	_ = 	snop  }
0x3c: {  	p2 =	seq.s32 s10, $0x1;
	s10 =	sld [smem:$0x3FAD]  }
0x3d: {  	_ =	shalt  }
0x3e: {  	_ =	shalt  }
0x3f: {  	_ =	shalt  }
0x40: {  	_ =	shalt  }
0x41: {  	_ =	shalt  }
0x42: {  	_ =	shalt  }
0x43: {  	_ =	shalt  }
0x44: {  	_ =	shalt  }
0x45: {  	_ =	shalt  }
0x46: {  	_ =	shalt  }
0x47: {  	_ =	shalt  }
0x48: {  	_ =	shalt  }
0x49: {  	_ =	shalt  }
0x4a: {  	_ =	shalt  }
0x4b: {  	_ =	shalt  }
0x4c: {  	_ =	shalt  }
0x4d: {  	_ =	shalt  }
0x4e: {  	_ =	shalt  }
0x4f: {  	_ =	shalt  }
0x50: {  	_ =	shalt  }
0x51: {  	_ =	shalt  }
0x52: {  	_ =	shalt  }
0x53: {  	_ =	shalt  }
0x54: {  	_ =	shalt  }
0x55: {  	_ =	shalt  }
0x56: {  	_ =	shalt  }
0x57: {  	_ =	shalt  }
0x58: {  	_ =	shalt  }
0x59: {  	_ =	shalt  }
0x5a: {  	_ =	shalt  }
0x5b: {  	_ =	shalt  }
0x5c: {  	_ =	shalt  }
0x5d: {  	_ =	shalt  }
0x5e: {  	_ =	shalt  }
0x5f: {  	_ =	shalt  }
0x60: {  	_ =	shalt  }
0x61: {  	_ =	shalt  }
0x62: {  	_ =	shalt  }
0x63: {  	_ =	shalt  }
0x64: {  	_ =	shalt  }
0x65: {  	_ =	shalt  }
0x66: {  	_ =	shalt  }
0x67: {  	_ =	shalt  }
0x68: {  	_ =	shalt  }
0x69: {  	_ =	shalt  }
0x6a: {  	_ =	shalt  }
0x6b: {  	_ =	shalt  }
0x6c: {  	_ =	shalt  }
0x6d: {  	_ =	shalt  }
0x6e: {  	_ =	shalt  }
0x6f: {  	_ =	shalt  }
0x70: {  	_ =	shalt  }
0x71: {  	_ =	shalt  }
0x72: {  	_ =	shalt  }
0x73: {  	_ =	shalt  }
0x74: {  	_ =	shalt  }
0x75: {  	_ =	shalt  }
0x76: {  	_ =	shalt  }
0x77: {  	_ =	shalt  }
0x78: {  	_ =	shalt  }
0x79: {  	_ =	shalt  }
0x7a: {  	_ =	shalt  }
0x7b: {  	_ =	shalt  }
0x7c: {  	_ =	shalt  }
0x7d: {  	_ =	shalt  }
0x7e: {  	_ =	shalt  }
0x7f: {  	_ =	shalt  }
0x80: {  	_ =	shalt  }
0x81: {  	_ =	shalt  }
0x82: {  	_ =	shalt  }
0x83: {  	_ =	shalt  }
0x84: {  	_ =	shalt  }
0x85: {  	_ =	shalt  }
0x86: {  	_ =	shalt  }
0x87: {  	_ =	shalt  }
.Lfunc_end0:
.L_simem_size_0:
called_computation.1_lowered:
.L_overlay_start_0:
0x88: {  	s2 =	sld [smem:$0x3FD9]  }
0x89: {  	s3 =	sld [smem:$0x3FFE];
	_ =	sdelay $0x1  }
0x8a: {  	s1 =	srdreg.scid  }
0x8b: {  	s0 =	sand.u32 $0x1, s1  }
0x8c: {  	s16 =	sshll.u32 s0, $0xA;
	s2 =	sadd.s32 s3, s2  }
0x8d: {  	s2 =	sadd.s32 s2, s16  }
0x8e: {  	[smem:$0x3FB9] =	sst s2  }
0x8f: {  	_ = 	snop  }
0x90: {  	(tm) =	ssettm $0x1  }
0x91: {  	s17 =	sld [smem:$0x3FFB];
	_ =	sdelay $0x3  }
0x92: {  	_ =	strace s17  }
0x93: {  	s2 =	sld [smem:$0x3FFC];
	_ =	sdelay $0x3  }
0x94: {  	_ =	strace s2  }
0x95: {  	s2 =	sld [smem:$0x3FFD];
	_ =	sdelay $0x3  }
0x96: {  	_ =	strace s2  }
0x97: {  	_ =	strace $0x8FFFFFFF  }
0x98: {  	s18 =	sld [smem:$0x3FDB];
	_ =	sdelay $0x1  }
0x99: {  	s19 =	simm.s32 $_scs_section_size  }
0x9a: {  	s4 =	simm.s32 $_size__tile_overlayer_lowered;
	s5 =	simm.s32 $_tile_overlayer_lowered  }
0x9b: {  	s22 =	simm.s32 $0x1BFF;
	s21 =	sshll.u32 s5, $0x1;
	s2 =	sadd.s32 s19, s18  }
0x9c: {  	s6 =	simm.s32 $0x0;
	s20 =	sshll.u32 s4, $0x1;
	s4 =	sadd.s32 s21, s2  }
0x9d: {  	[timem:s6], [sflag:s22] =	dma.local [hbm:s4], s20  }
0x9e: {  	_ =	swait.ge [sflag:s22], s20  }
0x9f: {  	s3 =	ssub.s32 $0x0, s20;
	[sflag:s22] =	ssyncset.done $0x0  }
0xa0: {  	[sflag:s22] =	ssyncadd.s32 s3;
	_ =	sdelay $0x1  }
0xa1: {  	s23 =	simm.s32 $0x1B8B  }
0xa2: {  	_ =	swait.ge [sflag:s23], $0x1  }
0xa3: {  	[sflag:s23] =	ssyncset.done $0x0  }
0xa4: {  	s25 =	simm.s32 $0x1B8E;
	s24 =	sld [smem:$0x3FFE];
	[sflag:s23] =	ssyncadd.s32 $0xFFFFFFFF  }
0xa5: {  	s26 =	simm.s32 $execute0_lowered;
	[smem:$0x3FD2] =	sst s25  }
0xa6: {  	s4 =	sshll.u32 s26, $0x1;
	_ =	strace $0x80000049;
	[dreg:$0x1] =	wrdreg $0xFFFFFFFF  }
0xa7: {  	s28 =	simm.s32 $_size_execute0_lowered;
	s2 =	sadd.s32 s2, s4;
	[dreg:$0x0] =	wrdreg $0x0  }
0xa8: {  	s4 =	sshll.u32 s28, $0x1;
	[dreg:$0x2] =	wrdreg s2  }
0xa9: {  	[dreg:$0x3] =	wrdreg s4  }
0xaa: {  	[dreg:$0x4] =	wrdreg $0xC0  }
0xab: {  	_ =	task [dreg:s6], $0x5FFFF  }
0xac: {  	[dreg:$0x1] =	wrdreg $0xFFFFFFFF  }
0xad: {  	[dreg:$0x0] =	wrdreg $0x60  }
0xae: {  	[dreg:$0x2] =	wrdreg s24  }
0xaf: {  	[dreg:$0x3] =	wrdreg $0xA3000  }
0xb0: {  	[dreg:$0x4] =	wrdreg $0x9  }
0xb1: {  	_ =	task.clear_ibuf [dreg:s6], $0x5FFFF;
	_ =	strace $0x90000049  }
0xb2: {  	s29 =	simm.s32 $0x9;
	_ =	strace $0x8000004B  }
0xb3: {  	_ =	swait.ge [sflag:s29], $0x1  }
0xb4: {  	[sflag:s29] =	ssyncadd.s32 $0xFFFFFFFF  }
0xb5: {  	_ =	strace $0x9000004B  }
0xb6: {  	_ =	sfence  }
0xb7: {  	s30 =	sld [smem:$0x0];
	_ =	sdelay $0x2  }
0xb8: {  	s31 =	sshll.u32 s1, $0xD;
	s1 =	sshrl.u32 s1, $0x2  }
0xb9: {  	s3 =	sand.u32 $0x4000, s31;
	s1 =	sadd.s32 s1, s30  }
0xba: {  	s0 =	sor.u32 s3, s0;
	s1 =	sshll.u32 s1, $0x11  }
0xbb: {  	s0 =	sor.u32 s1, s0  }
0xbc: {  	s0 =	sadd.s32 $0x8F2B, s0  }
0xbd: {  	[sflag:s0] =	ssyncadd.remote.s32 $0x1  }
0xbe: {  	_ =	sfence.sel $0xFFFF  }
0xbf: {  	[dreg:$0x0] =	wrdreg $0xFFFFFFFF;
	(pc) =	sbr.abs _section_cstart, $3  }
0xc0: {  	[dreg:$0x1] =	wrdreg $0xFFFFFFFF  }
0xc1: {  	_ =	task.clear_ibuf [dreg:s6], $0x2FFFF;
	_ =	strace $0x9FFFFFFF  }
0xc2: {  	(tm) =	ssettm $0x7FFFFFFF  }
0xc3: {  	_ =	shalt  }
tec
execute0_lowered:
.L_overlay_start_1:
0x0: {  	(tag) =	ssettag $0x1  }
0x1: {  	s0 =	rddreg [dreg:$0x0]  }
0x2: {  	s1 =	rddreg [dreg:$0x1];
	s2 =	simm.s32 $0x0;
	s3 =	srdreg.scid  }
0x3: {  	s14 =	stileid.u32;
	s28 =	simm.s32 $0x80;
	s29 =	simm.s32 $0x200  }
0x4: {  	s30 =	simm.s32 $0x4;
	s31 =	simm.s32 $0x50;
	[smem:$0x7FF] =	sst s2  }
0x5: {  	s4 =	sadd.s32 $0x16A00, s0;
	s3 =	sand.u32 $0x1, s3;
	s8 =	smul.u32 $0x4E000, s14  }
0x6: {  	s5 =	sadd.s32 $0xCC00, s0;
	s6 =	sadd.s32 $0x2E00, s0;
	s11 =	smul.u32 $0x2700, s14  }
0x7: {  	s0 =	sadd.s32 $0x3DC00, s0;
	s12 =	smul.u32 $0x2710, s14;
	p0 =	sne.s32 s14, $0xF  }
0x8: {  	_ =	strace $0x8000004A;
	s7 =	ssub.s32 $0x2, s3;
	s20 =	smul.u32 $0x27100, s3  }
0x9: {  	s13 =	sshll.u32 s3, $0x4;
	s3 =	smul.u32 $0x138800, s3;
	s8 =	sshrl.u32 s8, $0x2  }
0xa: {  	s9 =	sshrl.u32 s7, $0x1;
	s10 =	sor.u32 s14, s13;
	s21 =	sadd.s32 s8, s1  }
0xb: {  	s14 =	simm.s32 $0x5300;
	s15 =	sadd.s32 $0x2700, s21;
	[dreg:$0x7] =	wrdreg s21  }
0xc: {  	s9 =	ssub.s32 s7, s9;
	s16 =	sadd.s32 $0x4E00, s21;
	[dreg:$0x8] =	wrdreg s15  }
0xd: {  	s17 =	smul.u32 $0x2710, s10;
	s18 =	sadd.s32 $0x7500, s21;
	[dreg:$0x9] =	wrdreg s16  }
0xe: {  	s12 =	sadd.s32 s12, s20;
	s19 =	sadd.s32 $0x9C00, s21;
	[dreg:$0xa] =	wrdreg s18  }
0xf: {  	s10 =	sadd.s32 s11, s20;
	s22 =	sadd.s32 $0xC300, s21;
	[dreg:$0xb] =	wrdreg s19  }
0x10: {  	s3 =	sshrl.u32 s3, $0x3;
	s23 =	sadd.s32 $0xEA00, s21;
	[dreg:$0xc] =	wrdreg s22  }
0x11: {  	s11 =	simm.s32 $0x1;
	s24 =	sadd.s32 $0x11100, s21;
	[dreg:$0xd] =	wrdreg s23  }
0x12: {  	s13 =	sadd.s32 $0x140, s12;
	[dreg:$0xe] =	wrdreg s24;
	s22 =	sadd.s32 $0x138000, s1  }
0x13: {  	s8 =	sshrl.u32 s17, $0x3;
	s13 =	sshrl.u32 s13, $0x3;
	s15 =	sadd.s32 s0, s10  }
0x14: {  	s0 =	sadd.s32 s0, s3;
	s24 =	smax.u32 s9, $0x1;
	[dreg:$0x12] =	wrdreg s15  }
0x15: {  	s18 =	sadd.s32 $0xA0, s12;
	s9 =	simm.s32 $0x5;
	[dreg:$0x16] =	wrdreg s24  }
0x16: {  	s10 =	simm.s32 $0x2B00;
	s25 =	sadd.s32 s5, s8;
	[dreg:$0xf] =	wrdreg s22  }
0x17: {  	s26 =	sadd.s32 s6, s8;
	s8 =	sadd.s32 $0xA, s8;
	[dreg:$0x10] =	wrdreg s25  }
0x18: {  	s16 =	sadd.s32 s13, s6;
	s20 =	sadd.s32 s13, s5;
	[dreg:$0x11] =	wrdreg s26  }
0x19: {  	s3 =	sshrl.u32 s18, $0x3;
	s0 =	sadd.s32 $0x27000, s0;
	[dreg:$0x3] =	wrdreg s16  }
0x1a: {  	s24 =	simm.s32 $0x7B00;
	s13 =	simm.s32 $0x6;
	[dreg:$0x15] =	wrdreg s0  }
0x1b: {  	s18 =	simm.s32 $0x3;
	s17 =	sadd.s32 s5, s8;
	[dreg:$0x4] =	wrdreg s20  }
0x1c: {  	s19 =	sadd.s32 s6, s8;
	s23 =	sadd.s32 s3, s6;
	[dreg:$0x13] =	wrdreg s17  }
0x1d: {  	s25 =	sadd.s32 s3, s5;
	s26 =	sadd.s32 $0xF0, s12;
	[dreg:$0x14] =	wrdreg s19  }
0x1e: {  	s0 =	simm.s32 $0x300;
	s3 =	simm.s32 $0x100;
	[dreg:$0x5] =	wrdreg s23  }
0x1f: {  	s8 =	simm.s32 $0x280;
	s12 =	simm.s32 $0x7;
	[dreg:$0x17] =	wrdreg s26  }
0x20: {  	s16 =	simm.s32 $0x2;
	s20 =	simm.s32 $0x0;
	[dreg:$0x6] =	wrdreg s25  }
0x21: {  	v0 =	vimm.f32 $0.0e+00;
	s25 =	simm.s32 $0xA;
	s26 =	simm.s32 $0x180;
	s17 =	simm.s32 $0x8  }
.LBB2_1:
0x22: {  	s15 =	simm.s32 $0x0;
	s19 =	simm.s32 $0x200  }
.LBB2_2:
0x23: {  	p1 =	sne.s32 s19, $0x9A00;
	[tilespmem:s15+$0x7B70] =	vst v0  }
0x24: {  	[tilespmem:s15+$0x7B00] =	vst v0  }
0x25: {  	[tilespmem:s15+$0x7B10] =	vst v0  }
.Ltmp0:
0x26: {  	[tilespmem:s15+$0x7B20] =	vst v0;
	(pc) =	sbr.rel @p1 .LBB2_2-.Ltmp0, $4  }
0x27: {  	[tilespmem:s15+$0x7B30] =	vst v0  }
0x28: {  	[tilespmem:s15+$0x7B40] =	vst v0  }
0x29: {  	[tilespmem:s15+$0x7B50] =	vst v0  }
0x2a: {  	[tilespmem:s15+$0x7B60] =	vst v0;
	s15 =	sshra.s32 s19, $0x2;
	s19 =	sadd.s32 $0x200, s19  }
0x2b: {  	[tilespmem:s15+$0x7B70] =	vst v0  }
0x2c: {  	[tilespmem:s15+$0x7B00] =	vst v0  }
0x2d: {  	[tilespmem:s15+$0x7B10] =	vst v0  }
0x2e: {  	[tilespmem:s15+$0x7B20] =	vst v0  }
0x2f: {  	[tilespmem:s15+$0x7B30] =	vst v0  }
0x30: {  	[tilespmem:s15+$0x7B40] =	vst v0  }
0x31: {  	[tilespmem:s15+$0x7B50] =	vst v0  }
0x32: {  	[tilespmem:s15+$0x7B60] =	vst v0  }
0x33: {  	[spmem:s21] =	stream.linear.scatter [tilespmem:s24], [sflag:$0xA], $0x2700, $0x38;
	[tilespmem:$0x1DB80] =	vst v63  }
0x34: {  	_ =	swait.ge [sflag:s25], $0x2700  }
0x35: {  	[sflag:s25] =	ssyncset.done $0x0  }
0x36: {  	s7 =	rddreg [dreg:$0x8];
	[sflag:s25] =	ssyncadd.s32 $0xFFFFD900  }
0x37: {  	[spmem:s7] =	stream.linear.scatter [tilespmem:s24], [sflag:$0xA], $0x2700, $0x38;
	[tilespmem:$0x1DB80] =	vst v63  }
0x38: {  	_ =	swait.ge [sflag:s25], $0x2700  }
0x39: {  	[sflag:s25] =	ssyncset.done $0x0  }
0x3a: {  	s23 =	rddreg [dreg:$0x9];
	[sflag:s25] =	ssyncadd.s32 $0xFFFFD900  }
0x3b: {  	[spmem:s23] =	stream.linear.scatter [tilespmem:s24], [sflag:$0xA], $0x2700, $0x38;
	[tilespmem:$0x1DB80] =	vst v63  }
0x3c: {  	_ =	swait.ge [sflag:s25], $0x2700  }
0x3d: {  	[sflag:s25] =	ssyncset.done $0x0  }
0x3e: {  	s15 =	rddreg [dreg:$0xa];
	[sflag:s25] =	ssyncadd.s32 $0xFFFFD900  }
0x3f: {  	[spmem:s15] =	stream.linear.scatter [tilespmem:s24], [sflag:$0xA], $0x2700, $0x38;
	[tilespmem:$0x1DB80] =	vst v63  }
0x40: {  	_ =	swait.ge [sflag:s25], $0x2700  }
0x41: {  	[sflag:s25] =	ssyncset.done $0x0  }
0x42: {  	s19 =	rddreg [dreg:$0xb];
	[sflag:s25] =	ssyncadd.s32 $0xFFFFD900  }
0x43: {  	[spmem:s19] =	stream.linear.scatter [tilespmem:s24], [sflag:$0xA], $0x2700, $0x38;
	[tilespmem:$0x1DB80] =	vst v63  }
0x44: {  	_ =	swait.ge [sflag:s25], $0x2700  }
0x45: {  	[sflag:s25] =	ssyncset.done $0x0  }
0x46: {  	s21 =	rddreg [dreg:$0xc];
	[sflag:s25] =	ssyncadd.s32 $0xFFFFD900  }
0x47: {  	[spmem:s21] =	stream.linear.scatter [tilespmem:s24], [sflag:$0xA], $0x2700, $0x38;
	[tilespmem:$0x1DB80] =	vst v63  }
0x48: {  	_ =	swait.ge [sflag:s25], $0x2700  }
0x49: {  	[sflag:s25] =	ssyncset.done $0x0  }
0x4a: {  	s23 =	rddreg [dreg:$0xd];
	[sflag:s25] =	ssyncadd.s32 $0xFFFFD900  }
0x4b: {  	[spmem:s23] =	stream.linear.scatter [tilespmem:s24], [sflag:$0xA], $0x2700, $0x38;
	[tilespmem:$0x1DB80] =	vst v63  }
0x4c: {  	_ =	swait.ge [sflag:s25], $0x2700  }
0x4d: {  	[sflag:s25] =	ssyncset.done $0x0  }
0x4e: {  	s15 =	rddreg [dreg:$0xe];
	[sflag:s25] =	ssyncadd.s32 $0xFFFFD900  }
0x4f: {  	[spmem:s15] =	stream.linear.scatter [tilespmem:s24], [sflag:$0xA], $0x2700, $0x38;
	[tilespmem:$0x1DB80] =	vst v63  }
0x50: {  	_ =	swait.ge [sflag:s25], $0x2700  }
0x51: {  	[sflag:s25] =	ssyncset.done $0x0  }
0x52: {  	s15 =	simm.s32 @!p0 $0x7B00;
	[sflag:s25] =	ssyncadd.s32 $0xFFFFD900  }
0x53: {  	[spmem:s22] =	stream.linear.scatter @!p0 [tilespmem:s15], [sflag:$0xA], $0x800, $0x38;
	[tilespmem:$0x1DB80] =	vst v63  }
0x54: {  	s15 =	simm.s32 @!p0 $0xA  }
0x55: {  	_ =	swait.ge @!p0 [sflag:s15], $0x800  }
0x56: {  	[sflag:s15] =	ssyncset.done @!p0 $0x0  }
0x57: {  	[sflag:s15] =	ssyncadd.s32 @!p0 $0xFFFFF800  }
0x58: {  	[bflag:$0x0] =	sbarrier.arrive $0xFFFF  }
0x59: {  	s15 =	simm.s32 $0x0;
	s19 =	rddreg [dreg:$0x10]  }
0x5a: {  	[tilespmem:s15], [sflag:$0x4] =	stream.linear.gather [hbm4b:s19+s15], $0x50, $0x38;
	[tilespmem:$0x1DB80] =	vst v63  }
0x5b: {  	s21 =	rddreg [dreg:$0x11]  }
0x5c: {  	[tilespmem:s26], [sflag:$0x4] =	stream.linear.gather [hbm4b:s21+s15], $0x50, $0x38;
	[tilespmem:$0x1DB80] =	vst v63  }
0x5d: {  	s22 =	rddreg [dreg:$0x13]  }
0x5e: {  	[tilespmem:s28], [sflag:$0x5] =	stream.linear.gather [hbm4b:s22+s15], $0x50, $0x38;
	[tilespmem:$0x1DB80] =	vst v63  }
0x5f: {  	s23 =	rddreg [dreg:$0x14]  }
0x60: {  	[tilespmem:s29], [sflag:$0x5] =	stream.linear.gather [hbm4b:s23+s15], $0x50, $0x38;
	[tilespmem:$0x1DB80] =	vst v63  }
0x61: {  	_ =	swait.ge [sflag:s30], $0x50  }
0x62: {  	[sflag:s30] =	ssyncset.done $0x0  }
0x63: {  	[sflag:s30] =	ssyncadd.s32 $0xFFFFFFB0  }
0x64: {  	_ =	swait.ge [sflag:s30], $0x50  }
0x65: {  	[sflag:s30] =	ssyncset.done $0x0  }
0x66: {  	p1 =	por $0x1, $0x1;
	[sflag:s30] =	ssyncadd.s32 $0xFFFFFFB0  }
0x67: {  	[tilespmem:s0], [sflag:$0x1] =	stream.indirect.gather [hbm4b:s4+s31], $0x80, s15, s31, $0xb8;
	[tilespmem:$0x1DB80] =	vst v63  }
0x68: {  	s15 =	simm.s32 @!p1 $0x9  }
0x69: {  	_ =	swait.ge @!p1 [sflag:s15], $0x2800  }
0x6a: {  	s19 =	rddreg [dreg:$0x6];
	[sflag:s15] =	ssyncset.done @!p1 $0x0  }
0x6b: {  	s7 =	rddreg [dreg:$0x5];
	[sflag:s15] =	ssyncadd.s32 @!p1 $0xFFFFD800;
	s19 =	sadd.s32 $0x0, s19  }
0x6c: {  	[tilespmem:s3], [sflag:$0x6] =	stream.linear.gather [hbm4b:s19+s2], $0x50, $0x38;
	[tilespmem:$0x1DB80] =	vst v63  }
0x6d: {  	s21 =	sadd.s32 $0x0, s7  }
0x6e: {  	[tilespmem:s8], [sflag:$0x6] =	stream.linear.gather [hbm4b:s21+s2], $0x50, $0x38;
	[tilespmem:$0x1DB80] =	vst v63  }
0x6f: {  	_ =	swait.ge [sflag:s9], $0x50  }
0x70: {  	[sflag:s9] =	ssyncset.done $0x0  }
0x71: {  	[sflag:s9] =	ssyncadd.s32 $0xFFFFFFB0  }
0x72: {  	_ =	swait.ge [sflag:s9], $0x50  }
0x73: {  	[sflag:s9] =	ssyncset.done $0x0  }
0x74: {  	[sflag:s9] =	ssyncadd.s32 $0xFFFFFFB0  }
0x75: {  	[tilespmem:s10], [sflag:$0x2] =	stream.indirect.gather [hbm4b:s4+s31], $0x80, s28, s31, $0xb8;
	[tilespmem:$0x1DB80] =	vst v63  }
0x76: {  	_ =	swait.ge [sflag:s11], $0x2800  }
0x77: {  	[sflag:s11] =	ssyncset.done $0x0  }
0x78: {  	[sflag:s11] =	ssyncadd.s32 $0xFFFFD800  }
0x79: {  	[spmem:s1] =	stream.indirect.scatter.add.f32 [tilespmem:s0], [sflag:$0x7], $0x80, s26, s31, $0xb8;
	[tilespmem:$0x1DB80] =	vst v63  }
0x7a: {  	_ =	swait.ge [sflag:s12], $0x2800  }
0x7b: {  	s7 =	rddreg [dreg:$0x17]  }
0x7c: {  	[sflag:s12] =	ssyncset.done $0x0;
	s22 =	sshrl.u32 s7, $0x3  }
0x7d: {  	[sflag:s12] =	ssyncadd.s32 $0xFFFFD800;
	s23 =	sadd.s32 s5, s22  }
0x7e: {  	[tilespmem:s2], [sflag:$0x4] =	stream.linear.gather [hbm4b:s23+s2], $0x50, $0x38;
	[tilespmem:$0x1DB80] =	vst v63  }
0x7f: {  	s15 =	sadd.s32 s6, s22  }
0x80: {  	[tilespmem:s26], [sflag:$0x4] =	stream.linear.gather [hbm4b:s15+s2], $0x50, $0x38;
	[tilespmem:$0x1DB80] =	vst v63  }
0x81: {  	_ =	swait.ge [sflag:s13], $0x50  }
0x82: {  	[sflag:s13] =	ssyncset.done $0x0  }
0x83: {  	[sflag:s13] =	ssyncadd.s32 $0xFFFFFFB0  }
0x84: {  	_ =	swait.ge [sflag:s13], $0x50  }
0x85: {  	[sflag:s13] =	ssyncset.done $0x0  }
0x86: {  	[sflag:s13] =	ssyncadd.s32 $0xFFFFFFB0  }
0x87: {  	[tilespmem:s14], [sflag:$0x3] =	stream.indirect.gather [hbm4b:s4+s31], $0x80, s3, s31, $0xb8;
	[tilespmem:$0x1DB80] =	vst v63  }
0x88: {  	_ =	swait.ge [sflag:s16], $0x2800  }
0x89: {  	[sflag:s16] =	ssyncset.done $0x0  }
0x8a: {  	[sflag:s16] =	ssyncadd.s32 $0xFFFFD800  }
0x8b: {  	[spmem:s1] =	stream.indirect.scatter.add.f32 [tilespmem:s10], [sflag:$0x8], $0x80, s29, s31, $0xb8;
	[tilespmem:$0x1DB80] =	vst v63  }
0x8c: {  	_ =	swait.ge [sflag:s17], $0x2800  }
0x8d: {  	s21 =	rddreg [dreg:$0x4];
	[sflag:s17] =	ssyncset.done $0x0  }
0x8e: {  	s22 =	rddreg [dreg:$0x3];
	[sflag:s17] =	ssyncadd.s32 $0xFFFFD800;
	s15 =	sadd.s32 $0x0, s21  }
0x8f: {  	[tilespmem:s28], [sflag:$0x5] =	stream.linear.gather [hbm4b:s15+s2], $0x50, $0x38;
	[tilespmem:$0x1DB80] =	vst v63  }
0x90: {  	s23 =	sadd.s32 $0x0, s22  }
0x91: {  	[tilespmem:s29], [sflag:$0x5] =	stream.linear.gather [hbm4b:s23+s2], $0x50, $0x38;
	[tilespmem:$0x1DB80] =	vst v63  }
0x92: {  	_ =	swait.ge [sflag:s30], $0x50  }
0x93: {  	[sflag:s30] =	ssyncset.done $0x0  }
0x94: {  	[sflag:s30] =	ssyncadd.s32 $0xFFFFFFB0  }
0x95: {  	_ =	swait.ge [sflag:s30], $0x50  }
0x96: {  	[sflag:s30] =	ssyncset.done $0x0  }
0x97: {  	[sflag:s30] =	ssyncadd.s32 $0xFFFFFFB0  }
0x98: {  	[tilespmem:s0], [sflag:$0x1] =	stream.indirect.gather [hbm4b:s4+s31], $0x80, s2, s31, $0xb8;
	[tilespmem:$0x1DB80] =	vst v63  }
0x99: {  	p2 =	por $0x0, $0x0;
	s19 =	simm.s32 $0x3C;
	_ =	swait.ge [sflag:s18], $0x2800  }
0x9a: {  	s21 =	simm.s32 $0x1E;
	s22 =	sadd.s32 $0xF0, s7;
	[sflag:s18] =	ssyncset.done $0x0  }
.LBB2_4:
0x9b: {  	s23 =	simm.s32 @!p2 $0x9;
	[sflag:s18] =	ssyncadd.s32 $0xFFFFD800  }
0x9c: {  	[spmem:s1] =	stream.indirect.scatter.add.f32 [tilespmem:s14], [sflag:$0x9], $0x80, s8, s31, $0xb8;
	[tilespmem:$0x1DB80] =	vst v63  }
0x9d: {  	_ =	swait.ge @!p2 [sflag:s23], $0x2800  }
0x9e: {  	[sflag:s23] =	ssyncset.done @!p2 $0x0;
	s7 =	rddreg [dreg:$0x6]  }
0x9f: {  	[sflag:s23] =	ssyncadd.s32 @!p2 $0xFFFFD800;
	s23 =	rddreg [dreg:$0x5];
	s7 =	sadd.s32 s21, s7  }
0xa0: {  	[tilespmem:s3], [sflag:$0x6] =	stream.linear.gather [hbm4b:s7+s2], $0x50, $0x38;
	[tilespmem:$0x1DB80] =	vst v63  }
0xa1: {  	s23 =	sadd.s32 s21, s23  }
0xa2: {  	[tilespmem:s8], [sflag:$0x6] =	stream.linear.gather [hbm4b:s23+s2], $0x50, $0x38;
	[tilespmem:$0x1DB80] =	vst v63  }
0xa3: {  	_ =	swait.ge [sflag:s9], $0x50  }
0xa4: {  	[sflag:s9] =	ssyncset.done $0x0  }
0xa5: {  	[sflag:s9] =	ssyncadd.s32 $0xFFFFFFB0  }
0xa6: {  	_ =	swait.ge [sflag:s9], $0x50  }
0xa7: {  	[sflag:s9] =	ssyncset.done $0x0  }
0xa8: {  	[sflag:s9] =	ssyncadd.s32 $0xFFFFFFB0  }
0xa9: {  	[tilespmem:s10], [sflag:$0x2] =	stream.indirect.gather [hbm4b:s4+s31], $0x80, s28, s31, $0xb8;
	[tilespmem:$0x1DB80] =	vst v63  }
0xaa: {  	_ =	swait.ge [sflag:s11], $0x2800  }
0xab: {  	[sflag:s11] =	ssyncset.done $0x0  }
0xac: {  	[sflag:s11] =	ssyncadd.s32 $0xFFFFD800  }
0xad: {  	[spmem:s1] =	stream.indirect.scatter.add.f32 [tilespmem:s0], [sflag:$0x7], $0x80, s26, s31, $0xb8;
	[tilespmem:$0x1DB80] =	vst v63  }
0xae: {  	_ =	swait.ge [sflag:s12], $0x2800  }
0xaf: {  	s7 =	sshrl.u32 s22, $0x3;
	[sflag:s12] =	ssyncset.done $0x0  }
0xb0: {  	s23 =	sadd.s32 s5, s7;
	[sflag:s12] =	ssyncadd.s32 $0xFFFFD800  }
0xb1: {  	[tilespmem:s2], [sflag:$0x4] =	stream.linear.gather [hbm4b:s23+s2], $0x50, $0x38;
	[tilespmem:$0x1DB80] =	vst v63  }
0xb2: {  	s7 =	sadd.s32 s6, s7  }
0xb3: {  	[tilespmem:s26], [sflag:$0x4] =	stream.linear.gather [hbm4b:s7+s2], $0x50, $0x38;
	[tilespmem:$0x1DB80] =	vst v63  }
0xb4: {  	_ =	swait.ge [sflag:s13], $0x50  }
0xb5: {  	[sflag:s13] =	ssyncset.done $0x0  }
0xb6: {  	[sflag:s13] =	ssyncadd.s32 $0xFFFFFFB0  }
0xb7: {  	_ =	swait.ge [sflag:s13], $0x50  }
0xb8: {  	[sflag:s13] =	ssyncset.done $0x0  }
0xb9: {  	[sflag:s13] =	ssyncadd.s32 $0xFFFFFFB0  }
0xba: {  	[tilespmem:s14], [sflag:$0x3] =	stream.indirect.gather [hbm4b:s4+s31], $0x80, s3, s31, $0xb8;
	[tilespmem:$0x1DB80] =	vst v63  }
0xbb: {  	_ =	swait.ge [sflag:s16], $0x2800  }
0xbc: {  	[sflag:s16] =	ssyncset.done $0x0  }
0xbd: {  	[sflag:s16] =	ssyncadd.s32 $0xFFFFD800  }
0xbe: {  	[spmem:s1] =	stream.indirect.scatter.add.f32 [tilespmem:s10], [sflag:$0x8], $0x80, s29, s31, $0xb8;
	[tilespmem:$0x1DB80] =	vst v63  }
0xbf: {  	_ =	swait.ge [sflag:s17], $0x2800  }
0xc0: {  	s7 =	rddreg [dreg:$0x4];
	[sflag:s17] =	ssyncset.done $0x0  }
0xc1: {  	s23 =	rddreg [dreg:$0x3];
	[sflag:s17] =	ssyncadd.s32 $0xFFFFD800;
	s7 =	sadd.s32 s21, s7  }
0xc2: {  	[tilespmem:s28], [sflag:$0x5] =	stream.linear.gather [hbm4b:s7+s2], $0x50, $0x38;
	[tilespmem:$0x1DB80] =	vst v63  }
0xc3: {  	s23 =	sadd.s32 s21, s23  }
0xc4: {  	[tilespmem:s29], [sflag:$0x5] =	stream.linear.gather [hbm4b:s23+s2], $0x50, $0x38;
	[tilespmem:$0x1DB80] =	vst v63  }
0xc5: {  	_ =	swait.ge [sflag:s30], $0x50  }
0xc6: {  	[sflag:s30] =	ssyncset.done $0x0  }
0xc7: {  	s15 =	smov.u32 s19;
	s19 =	sadd.s32 $0x1E, s19;
	[sflag:s30] =	ssyncadd.s32 $0xFFFFFFB0  }
0xc8: {  	p1 =	sne.s32 s19, $0x4CE;
	_ =	swait.ge [sflag:s30], $0x50  }
.Ltmp1:
0xc9: {  	[sflag:s30] =	ssyncset.done $0x0;
	(pc) =	sbr.rel @p1 .LBB2_4-.Ltmp1, $4  }
0xca: {  	[sflag:s30] =	ssyncadd.s32 $0xFFFFFFB0  }
0xcb: {  	[tilespmem:s0], [sflag:$0x1] =	stream.indirect.gather [hbm4b:s4+s31], $0x80, s2, s31, $0xb8;
	[tilespmem:$0x1DB80] =	vst v63  }
0xcc: {  	s21 =	smov.u32 s15;
	_ =	swait.ge [sflag:s18], $0x2800  }
0xcd: {  	s22 =	sadd.s32 $0xF0, s22;
	p2 =	seq.s32 s21, $0x0;
	[sflag:s18] =	ssyncset.done $0x0  }
0xce: {  	s7 =	simm.s32 @!p2 $0x9;
	[sflag:s18] =	ssyncadd.s32 $0xFFFFD800  }
0xcf: {  	[spmem:s1] =	stream.indirect.scatter.add.f32 [tilespmem:s14], [sflag:$0x9], $0x80, s8, s31, $0xb8;
	[tilespmem:$0x1DB80] =	vst v63  }
0xd0: {  	_ =	swait.ge @!p2 [sflag:s7], $0x2800  }
0xd1: {  	s15 =	rddreg [dreg:$0x6];
	[sflag:s7] =	ssyncset.done @!p2 $0x0  }
0xd2: {  	s19 =	rddreg [dreg:$0x5];
	[sflag:s7] =	ssyncadd.s32 @!p2 $0xFFFFD800;
	s15 =	sadd.s32 s21, s15  }
0xd3: {  	[tilespmem:s3], [sflag:$0x6] =	stream.linear.gather [hbm4b:s15+s2], $0x50, $0x38;
	[tilespmem:$0x1DB80] =	vst v63  }
0xd4: {  	s19 =	sadd.s32 s21, s19  }
0xd5: {  	[tilespmem:s8], [sflag:$0x6] =	stream.linear.gather [hbm4b:s19+s2], $0x50, $0x38;
	[tilespmem:$0x1DB80] =	vst v63  }
0xd6: {  	_ =	swait.ge [sflag:s9], $0x50  }
0xd7: {  	[sflag:s9] =	ssyncset.done $0x0  }
0xd8: {  	[sflag:s9] =	ssyncadd.s32 $0xFFFFFFB0  }
0xd9: {  	_ =	swait.ge [sflag:s9], $0x50  }
0xda: {  	[sflag:s9] =	ssyncset.done $0x0  }
0xdb: {  	[sflag:s9] =	ssyncadd.s32 $0xFFFFFFB0  }
0xdc: {  	[tilespmem:s10], [sflag:$0x2] =	stream.indirect.gather [hbm4b:s4+s31], $0x80, s28, s31, $0xb8;
	[tilespmem:$0x1DB80] =	vst v63  }
0xdd: {  	_ =	swait.ge [sflag:s11], $0x2800  }
0xde: {  	[sflag:s11] =	ssyncset.done $0x0  }
0xdf: {  	[sflag:s11] =	ssyncadd.s32 $0xFFFFD800  }
0xe0: {  	[spmem:s1] =	stream.indirect.scatter.add.f32 [tilespmem:s0], [sflag:$0x7], $0x80, s26, s31, $0xb8;
	[tilespmem:$0x1DB80] =	vst v63  }
0xe1: {  	_ =	swait.ge [sflag:s12], $0x2800  }
0xe2: {  	s22 =	sshrl.u32 s22, $0x3;
	[sflag:s12] =	ssyncset.done $0x0  }
0xe3: {  	s23 =	sadd.s32 s5, s22;
	[sflag:s12] =	ssyncadd.s32 $0xFFFFD800  }
0xe4: {  	[tilespmem:s2], [sflag:$0x4] =	stream.linear.gather [hbm4b:s23+s2], $0x50, $0x38;
	[tilespmem:$0x1DB80] =	vst v63  }
0xe5: {  	s7 =	sadd.s32 s6, s22  }
0xe6: {  	[tilespmem:s26], [sflag:$0x4] =	stream.linear.gather [hbm4b:s7+s2], $0x50, $0x38;
	[tilespmem:$0x1DB80] =	vst v63  }
0xe7: {  	_ =	swait.ge [sflag:s13], $0x50  }
0xe8: {  	[sflag:s13] =	ssyncset.done $0x0  }
0xe9: {  	[sflag:s13] =	ssyncadd.s32 $0xFFFFFFB0  }
0xea: {  	_ =	swait.ge [sflag:s13], $0x50  }
0xeb: {  	[sflag:s13] =	ssyncset.done $0x0  }
0xec: {  	[sflag:s13] =	ssyncadd.s32 $0xFFFFFFB0  }
0xed: {  	[tilespmem:s14], [sflag:$0x3] =	stream.indirect.gather [hbm4b:s4+s31], $0x80, s3, s31, $0xb8;
	[tilespmem:$0x1DB80] =	vst v63  }
0xee: {  	_ =	swait.ge [sflag:s16], $0x2800  }
0xef: {  	[sflag:s16] =	ssyncset.done $0x0  }
0xf0: {  	[sflag:s16] =	ssyncadd.s32 $0xFFFFD800  }
0xf1: {  	[spmem:s1] =	stream.indirect.scatter.add.f32 [tilespmem:s10], [sflag:$0x8], $0x80, s29, s31, $0xb8;
	[tilespmem:$0x1DB80] =	vst v63  }
0xf2: {  	_ =	swait.ge [sflag:s17], $0x2800  }
0xf3: {  	s15 =	rddreg [dreg:$0x4];
	[sflag:s17] =	ssyncset.done $0x0  }
0xf4: {  	s19 =	rddreg [dreg:$0x3];
	[sflag:s17] =	ssyncadd.s32 $0xFFFFD800;
	s7 =	sadd.s32 s21, s15  }
0xf5: {  	[tilespmem:s28], [sflag:$0x5] =	stream.linear.gather [hbm4b:s7+s2], $0x50, $0x38;
	[tilespmem:$0x1DB80] =	vst v63  }
0xf6: {  	s22 =	sadd.s32 s21, s19  }
0xf7: {  	[tilespmem:s29], [sflag:$0x5] =	stream.linear.gather [hbm4b:s22+s2], $0x50, $0x38;
	[tilespmem:$0x1DB80] =	vst v63  }
0xf8: {  	_ =	swait.ge [sflag:s30], $0x50  }
0xf9: {  	[sflag:s30] =	ssyncset.done $0x0  }
0xfa: {  	[sflag:s30] =	ssyncadd.s32 $0xFFFFFFB0  }
0xfb: {  	_ =	swait.ge [sflag:s30], $0x50  }
0xfc: {  	[sflag:s30] =	ssyncset.done $0x0  }
0xfd: {  	[sflag:s30] =	ssyncadd.s32 $0xFFFFFFB0  }
0xfe: {  	[tilespmem:s0], [sflag:$0x1] =	stream.indirect.gather [hbm4b:s4+s31], $0x80, s2, s31, $0xb8;
	[tilespmem:$0x1DB80] =	vst v63  }
0xff: {  	_ =	swait.ge [sflag:s18], $0x2800  }
0x100: {  	[sflag:s18] =	ssyncset.done $0x0  }
0x101: {  	s23 =	simm.s32 $0x9;
	[sflag:s18] =	ssyncadd.s32 $0xFFFFD800  }
0x102: {  	[spmem:s1] =	stream.indirect.scatter.add.f32 [tilespmem:s14], [sflag:$0x9], $0x80, s8, s31, $0xb8;
	[tilespmem:$0x1DB80] =	vst v63  }
0x103: {  	_ =	swait.ge [sflag:s23], $0x2800  }
0x104: {  	[sflag:s23] =	ssyncset.done $0x0  }
0x105: {  	[sflag:s23] =	ssyncadd.s32 $0xFFFFD800  }
0x106: {  	_ =	swait.ge [sflag:s9], $0x50  }
0x107: {  	[sflag:s9] =	ssyncset.done $0x0  }
0x108: {  	[sflag:s9] =	ssyncadd.s32 $0xFFFFFFB0  }
0x109: {  	_ =	swait.ge [sflag:s9], $0x50  }
0x10a: {  	[sflag:s9] =	ssyncset.done $0x0  }
0x10b: {  	[sflag:s9] =	ssyncadd.s32 $0xFFFFFFB0  }
0x10c: {  	[tilespmem:s10], [sflag:$0x2] =	stream.indirect.gather [hbm4b:s4+s31], $0x80, s28, s31, $0xb8;
	[tilespmem:$0x1DB80] =	vst v63  }
0x10d: {  	_ =	swait.ge [sflag:s11], $0x2800  }
0x10e: {  	[sflag:s11] =	ssyncset.done $0x0  }
0x10f: {  	[sflag:s11] =	ssyncadd.s32 $0xFFFFD800  }
0x110: {  	[spmem:s1] =	stream.indirect.scatter.add.f32 [tilespmem:s0], [sflag:$0x7], $0x80, s26, s31, $0xb8;
	[tilespmem:$0x1DB80] =	vst v63  }
0x111: {  	_ =	swait.ge [sflag:s12], $0x2800  }
0x112: {  	[sflag:s12] =	ssyncset.done $0x0  }
0x113: {  	[sflag:s12] =	ssyncadd.s32 $0xFFFFD800  }
0x114: {  	_ =	swait.ge [sflag:s16], $0x2800  }
0x115: {  	[sflag:s16] =	ssyncset.done $0x0  }
0x116: {  	[sflag:s16] =	ssyncadd.s32 $0xFFFFD800  }
0x117: {  	[spmem:s1] =	stream.indirect.scatter.add.f32 [tilespmem:s10], [sflag:$0x8], $0x80, s29, s31, $0xb8;
	[tilespmem:$0x1DB80] =	vst v63  }
0x118: {  	_ =	swait.ge [sflag:s17], $0x2800  }
0x119: {  	[sflag:s17] =	ssyncset.done $0x0  }
0x11a: {  	[sflag:s17] =	ssyncadd.s32 $0xFFFFD800  }
0x11b: {  	s15 =	stileid.u32;
	[bflag:$0x0] =	sbarrier.arrive $0xFFFF  }
0x11c: {  	s7 =	sshll.u32 s15, $0x6;
	s21 =	rddreg [dreg:$0x7]  }
0x11d: {  	s7 =	sor.u32 $0x1C0A, s7;
	s22 =	rddreg [dreg:$0x12];
	s19 =	sshrl.u32 s21, $0x3  }
0x11e: {  	[hbm:s22], [sflag:s7] =	dma.local [spmem:s19], $0x2700  }
0x11f: {  	_ =	swait.ge [sflag:s25], $0x2700  }
0x120: {  	[sflag:s25] =	ssyncset.done $0x0;
	s22 =	rddreg [dreg:$0xf]  }
0x121: {  	s19 =	rddreg [dreg:$0x15];
	[sflag:s25] =	ssyncadd.s32 $0xFFFFD900;
	s15 =	sshrl.u32 @!p0 s22, $0x3  }
0x122: {  	[hbm:s19], [sflag:s7] =	dma.local @!p0 [spmem:s15], $0x100  }
0x123: {  	s7 =	simm.s32 @!p0 $0xA  }
0x124: {  	_ =	swait.ge @!p0 [sflag:s7], $0x100  }
0x125: {  	s20 =	sadd.s32 $0x1, s20;
	s23 =	rddreg [dreg:$0x16]  }
0x126: {  	p1 =	sne.s32 s20, s23  }
.Ltmp2:
0x127: {  	_ = 	snop;
	(pc) =	sbr.rel @p1 .LBB2_1-.Ltmp2, $3  }
0x128: {  	_ =	sdelay $0x1  }
0x129: {  	[sflag:s7] =	ssyncset.done @!p0 $0x0  }
0x12a: {  	[sflag:s7] =	ssyncadd.s32 @!p0 $0xFFFFFF00  }
0x12b: {  	_ =	sfence.sel $0x180000  }
0x12c: {  	[bflag:$0x0] =	sbarrier.arrive $0xFFFF  }
0x12d: {  	_ =	strace $0x9000004A  }
0x12e: {  	s0 =	stileid.u32;
	[bflag:$0x2] =	sbarrier.arrive $0xFFFF  }
0x12f: {  	p0 =	sne.s32 s0, $0x0;
	s0 =	rddreg [dreg:$0x2]  }
0x130: {  	s0 =	sadd.s32 @!p0 $0x100000, s0  }
0x131: {  	[sflag:s0] =	ssyncadd.tile.s32 @!p0 $0x1;
	_ =	shalt  }
.Lfunc_end2:
_tile_overlayer_lowered:
.L_overlay_start_2:
0x132: {  	(tag) =	ssettag $0x2  }
0x133: {  	s0 =	rddreg [dreg:$0x0];
	s2 =	stileid.u32  }
0x134: {  	s1 =	rddreg [dreg:$0x1];
	p0 =	sne.s32 s2, $0x0  }
0x135: {  	s3 =	rddreg [dreg:$0x2];
	[bflag:$0x3] =	sbarrier.arrive $0xFFFF;
	s2 =	simm.s32 @!p0 $0x1C0A  }
0x136: {  	[timem:s3], [sflag:s2] =	dma.local @!p0 [hbm:s0], s1  }
0x137: {  	s0 =	simm.s32 @!p0 $0xA  }
0x138: {  	_ =	swait.ge @!p0 [sflag:s0], s1  }
0x139: {  	s1 =	ssub.s32 @!p0 $0x0, s1;
	[sflag:s0] =	ssyncset.done @!p0 $0x0  }
0x13a: {  	[sflag:s0] =	ssyncadd.s32 @!p0 s1  }
0x13b: {  	[bflag:$0x3] =	sbarrier.arrive $0xFFFF  }
0x13c: {  	_ =	shalt  }

// kernel: kernel.15.cloned.1.call-start
scs
__scs_entry_jumppad:
0x0: {  	(pc) =	sbr.rel $0x88, $3  }
0x1: {  	(tag) =	ssettag $0x0;
	lr =	simm.s32 $0x1  }
0x2: {  	[smem:$0x3F92] =	sst lr;
	_ =	strace $0xD0000000  }
0x3: {  	_ = 	snop  }
0x4: {  	_ = 	snop  }
0x5: {  	_ = 	snop  }
0x6: {  	_ = 	snop  }
0x7: {  	_ = 	snop  }
__scs_overlays_trampoline_lowered:
0x8: {  	[smem:$0x3FA1] =	sst s0  }
0x9: {  	[smem:$0x3FA2] =	sst s1  }
0xa: {  	[smem:$0x3FA3] =	sst s2  }
0xb: {  	[smem:$0x3FA4] =	sst s3  }
0xc: {  	[smem:$0x3FA5] =	sst s4  }
0xd: {  	[smem:$0x3FA6] =	sst s5  }
0xe: {  	[smem:$0x3FA7] =	sst s6  }
0xf: {  	[smem:$0x3FA8] =	sst s7  }
0x10: {  	[smem:$0x3FA9] =	sst s8  }
0x11: {  	[smem:$0x3FAA] =	sst s9;
	s0 =	simm.s32 @!p0 $0x0  }
0x12: {  	s1 =	sld [smem:$0x3F90];
	s0 =	simm.s32 @p0 $0x1  }
0x13: {  	[smem:$0x3FAB] =	sst s0;
	s0 =	simm.s32 @!p1 $0x0  }
0x14: {  	s2 =	sld [smem:$0x3F8F];
	s0 =	simm.s32 @p1 $0x1  }
0x15: {  	[smem:$0x3FAC] =	sst s0;
	s0 =	simm.s32 @!p2 $0x0  }
0x16: {  	s3 =	sld [smem:$0x3FDB];
	s0 =	simm.s32 @p2 $0x1  }
0x17: {  	s4 =	simm.s32 $0x1BF5;
	[smem:$0x3FAE] =	sst s0  }
0x18: {  	s0 =	sld [smem:$0x3F91];
	_ =	swait.ge [sflag:s4], $0x0  }
0x19: {  	s7 =	sld [smem:$0x3F92]  }
0x1a: {  	s8 =	sadd.s32 $0xFFFFE003, lr  }
0x1b: {  	s9 =	sadd.s32 $0xFFFFFEF7, lr;
	s5 =	simm.s32 $0xFFFFFFFF;
	p2 =	slt.u32 s8, $0xFFFFF086  }
0x1c: {  	p1 =	slt.u32 s9, $0xF7A;
	s5 =	simm.s32 @!p2 $0x0  }
0x1d: {  	s5 =	simm.s32 @p1 $0x1;
	p0 =	seq.s32 s7, s2  }
0x1e: {  	s7 =	smul.u32 @!p0 $0xF7A, s2;
	p2 =	seq.s32 @!p0 s5, $0x0  }
0x1f: {  	s9 =	smul.u32 $0xF7A, s1;
	s8 =	simm.s32 @!p0 $0x1BF5;
	p2 =	por !p2, p0  }
0x20: {  	[sflag:s8] =	ssyncset.s32 @!p0 $0xFFFFF086;
	s6 =	sadd.s32 @!p0 s3, s7;
	s7 =	simm.s32 @!p0 $0x108  }
0x21: {  	s3 =	sadd.s32 s3, s9;
	s6 =	sadd.s32 @!p0 $0x88, s6;
	s7 =	simm.s32 @p2 $0x1082  }
0x22: {  	[simem:s7], [sflag:s8] =	dma.local @!p0 [hbm:s6], $0xF7A  }
0x23: {  	s9 =	sor.u32 $0xD0000000, s2;
	s6 =	simm.s32 $0x108;
	_ =	swait.ge @!p0 [sflag:s8], $0x0  }
0x24: {  	s3 =	sadd.s32 $0x88, s3;
	s6 =	simm.s32 @!p1 $0x1082;
	[sflag:s4] =	ssyncset.s32 $0xFFFFF086  }
0x25: {  	[simem:s6], [sflag:s4] =	dma.local [hbm:s3], $0xF7A  }
0x26: {  	[smem:$0x3F92] =	sst s1;
	(tag) =	ssettag s2;
	_ =	strace s9  }
0x27: {  	s1 =	sld [smem:$0x3FA2]  }
0x28: {  	s2 =	sld [smem:$0x3FA3]  }
0x29: {  	s4 =	sld [smem:$0x3FA5]  }
0x2a: {  	p0 =	seq.s32 s5, $0x0;
	s5 =	sld [smem:$0x3FA6]  }
0x2b: {  	s6 =	sld [smem:$0x3FA7]  }
0x2c: {  	s7 =	sld [smem:$0x3FA8]  }
0x2d: {  	s3 =	simm.s32 $0x108;
	s8 =	sld [smem:$0x3FA9]  }
0x2e: {  	s3 =	simm.s32 @!p0 $0x1082;
	s9 =	sld [smem:$0x3FAA]  }
0x2f: {  	lr =	sadd.s32 s0, s3;
	s0 =	sld [smem:$0x3FA1]  }
0x30: {  	s3 =	sld [smem:$0x3FA4]  }
0x31: {  	[smem:$0x3FAD] =	sst s10  }
0x32: {  	s10 =	sld [smem:$0x3FAB];
	_ =	sdelay $0x3  }
0x33: {  	p0 =	seq.s32 s10, $0x1;
	s10 =	sld [smem:$0x3FAD];
	_ =	sdelay $0x3  }
0x34: {  	[smem:$0x3FAD] =	sst s10  }
0x35: {  	s10 =	sld [smem:$0x3FAC];
	_ =	sdelay $0x3  }
0x36: {  	p1 =	seq.s32 s10, $0x1;
	s10 =	sld [smem:$0x3FAD];
	_ =	sdelay $0x3  }
0x37: {  	[smem:$0x3FAD] =	sst s10  }
0x38: {  	s10 =	sld [smem:$0x3FAE]  }
0x39: {  	_ = 	snop;
	(pc) =	sbr.ind lr, $3  }
0x3a: {  	_ = 	snop  }
0x3b: {  	_ = 	snop  }
0x3c: {  	p2 =	seq.s32 s10, $0x1;
	s10 =	sld [smem:$0x3FAD]  }
0x3d: {  	_ =	shalt  }
0x3e: {  	_ =	shalt  }
0x3f: {  	_ =	shalt  }
0x40: {  	_ =	shalt  }
0x41: {  	_ =	shalt  }
0x42: {  	_ =	shalt  }
0x43: {  	_ =	shalt  }
0x44: {  	_ =	shalt  }
0x45: {  	_ =	shalt  }
0x46: {  	_ =	shalt  }
0x47: {  	_ =	shalt  }
0x48: {  	_ =	shalt  }
0x49: {  	_ =	shalt  }
0x4a: {  	_ =	shalt  }
0x4b: {  	_ =	shalt  }
0x4c: {  	_ =	shalt  }
0x4d: {  	_ =	shalt  }
0x4e: {  	_ =	shalt  }
0x4f: {  	_ =	shalt  }
0x50: {  	_ =	shalt  }
0x51: {  	_ =	shalt  }
0x52: {  	_ =	shalt  }
0x53: {  	_ =	shalt  }
0x54: {  	_ =	shalt  }
0x55: {  	_ =	shalt  }
0x56: {  	_ =	shalt  }
0x57: {  	_ =	shalt  }
0x58: {  	_ =	shalt  }
0x59: {  	_ =	shalt  }
0x5a: {  	_ =	shalt  }
0x5b: {  	_ =	shalt  }
0x5c: {  	_ =	shalt  }
0x5d: {  	_ =	shalt  }
0x5e: {  	_ =	shalt  }
0x5f: {  	_ =	shalt  }
0x60: {  	_ =	shalt  }
0x61: {  	_ =	shalt  }
0x62: {  	_ =	shalt  }
0x63: {  	_ =	shalt  }
0x64: {  	_ =	shalt  }
0x65: {  	_ =	shalt  }
0x66: {  	_ =	shalt  }
0x67: {  	_ =	shalt  }
0x68: {  	_ =	shalt  }
0x69: {  	_ =	shalt  }
0x6a: {  	_ =	shalt  }
0x6b: {  	_ =	shalt  }
0x6c: {  	_ =	shalt  }
0x6d: {  	_ =	shalt  }
0x6e: {  	_ =	shalt  }
0x6f: {  	_ =	shalt  }
0x70: {  	_ =	shalt  }
0x71: {  	_ =	shalt  }
0x72: {  	_ =	shalt  }
0x73: {  	_ =	shalt  }
0x74: {  	_ =	shalt  }
0x75: {  	_ =	shalt  }
0x76: {  	_ =	shalt  }
0x77: {  	_ =	shalt  }
0x78: {  	_ =	shalt  }
0x79: {  	_ =	shalt  }
0x7a: {  	_ =	shalt  }
0x7b: {  	_ =	shalt  }
0x7c: {  	_ =	shalt  }
0x7d: {  	_ =	shalt  }
0x7e: {  	_ =	shalt  }
0x7f: {  	_ =	shalt  }
0x80: {  	_ =	shalt  }
0x81: {  	_ =	shalt  }
0x82: {  	_ =	shalt  }
0x83: {  	_ =	shalt  }
0x84: {  	_ =	shalt  }
0x85: {  	_ =	shalt  }
0x86: {  	_ =	shalt  }
0x87: {  	_ =	shalt  }
.Lfunc_end0:
.L_simem_size_0:
called_computation.2_lowered:
.L_overlay_start_0:
0x88: {  	s2 =	sld [smem:$0x3FD9]  }
0x89: {  	s3 =	sld [smem:$0x3FFE];
	_ =	sdelay $0x1  }
0x8a: {  	s1 =	srdreg.scid  }
0x8b: {  	s0 =	sand.u32 $0x1, s1  }
0x8c: {  	s16 =	sshll.u32 s0, $0xA;
	s2 =	sadd.s32 s3, s2  }
0x8d: {  	s2 =	sadd.s32 s2, s16  }
0x8e: {  	[smem:$0x3FB9] =	sst s2  }
0x8f: {  	_ = 	snop  }
0x90: {  	(tm) =	ssettm $0x1  }
0x91: {  	s17 =	sld [smem:$0x3FFB];
	_ =	sdelay $0x3  }
0x92: {  	_ =	strace s17  }
0x93: {  	s2 =	sld [smem:$0x3FFC];
	_ =	sdelay $0x3  }
0x94: {  	_ =	strace s2  }
0x95: {  	s2 =	sld [smem:$0x3FFD];
	_ =	sdelay $0x3  }
0x96: {  	_ =	strace s2  }
0x97: {  	_ =	strace $0x8FFFFFFF  }
0x98: {  	s18 =	sld [smem:$0x3FDB];
	_ =	sdelay $0x1  }
0x99: {  	s19 =	simm.s32 $_scs_section_size  }
0x9a: {  	s4 =	simm.s32 $_size__tile_overlayer_lowered;
	s5 =	simm.s32 $_tile_overlayer_lowered  }
0x9b: {  	s22 =	simm.s32 $0x1BFF;
	s21 =	sshll.u32 s5, $0x1;
	s2 =	sadd.s32 s19, s18  }
0x9c: {  	s6 =	simm.s32 $0x0;
	s20 =	sshll.u32 s4, $0x1;
	s4 =	sadd.s32 s21, s2  }
0x9d: {  	[timem:s6], [sflag:s22] =	dma.local [hbm:s4], s20  }
0x9e: {  	_ =	swait.ge [sflag:s22], s20  }
0x9f: {  	s3 =	ssub.s32 $0x0, s20;
	[sflag:s22] =	ssyncset.done $0x0  }
0xa0: {  	[sflag:s22] =	ssyncadd.s32 s3;
	_ =	sdelay $0x1  }
0xa1: {  	s23 =	simm.s32 $0x1B8B  }
0xa2: {  	_ =	swait.ge [sflag:s23], $0x1  }
0xa3: {  	[sflag:s23] =	ssyncset.done $0x0  }
0xa4: {  	s25 =	simm.s32 $0x1B8E;
	s24 =	sld [smem:$0x3FFE];
	[sflag:s23] =	ssyncadd.s32 $0xFFFFFFFF  }
0xa5: {  	s26 =	simm.s32 $execute0_lowered;
	[smem:$0x3FD2] =	sst s25  }
0xa6: {  	s4 =	sshll.u32 s26, $0x1;
	_ =	strace $0x8000004C;
	[dreg:$0x1] =	wrdreg $0xFFFFFFFF  }
0xa7: {  	s28 =	simm.s32 $_size_execute0_lowered;
	s2 =	sadd.s32 s2, s4;
	[dreg:$0x0] =	wrdreg $0x0  }
0xa8: {  	s4 =	sshll.u32 s28, $0x1;
	[dreg:$0x2] =	wrdreg s2  }
0xa9: {  	[dreg:$0x3] =	wrdreg s4  }
0xaa: {  	[dreg:$0x4] =	wrdreg $0xC0  }
0xab: {  	_ =	task [dreg:s6], $0x5FFFF  }
0xac: {  	[dreg:$0x1] =	wrdreg $0xFFFFFFFF  }
0xad: {  	[dreg:$0x0] =	wrdreg $0x60  }
0xae: {  	[dreg:$0x2] =	wrdreg s24  }
0xaf: {  	[dreg:$0x3] =	wrdreg $0x7000  }
0xb0: {  	[dreg:$0x4] =	wrdreg $0x9  }
0xb1: {  	_ =	task.clear_ibuf [dreg:s6], $0x5FFFF;
	_ =	strace $0x9000004C  }
0xb2: {  	s29 =	simm.s32 $0x9;
	_ =	strace $0x8000004E  }
0xb3: {  	_ =	swait.ge [sflag:s29], $0x1  }
0xb4: {  	[sflag:s29] =	ssyncadd.s32 $0xFFFFFFFF  }
0xb5: {  	_ =	strace $0x9000004E  }
0xb6: {  	_ =	sfence  }
0xb7: {  	s30 =	sld [smem:$0x0];
	_ =	sdelay $0x2  }
0xb8: {  	s31 =	sshll.u32 s1, $0xD;
	s1 =	sshrl.u32 s1, $0x2  }
0xb9: {  	s3 =	sand.u32 $0x4000, s31;
	s1 =	sadd.s32 s1, s30  }
0xba: {  	s0 =	sor.u32 s3, s0;
	s1 =	sshll.u32 s1, $0x11  }
0xbb: {  	s0 =	sor.u32 s1, s0  }
0xbc: {  	s0 =	sadd.s32 $0x8F2B, s0  }
0xbd: {  	[sflag:s0] =	ssyncadd.remote.s32 $0x1  }
0xbe: {  	_ =	sfence.sel $0xFFFF  }
0xbf: {  	[dreg:$0x0] =	wrdreg $0xFFFFFFFF;
	(pc) =	sbr.abs _section_cstart, $3  }
0xc0: {  	[dreg:$0x1] =	wrdreg $0xFFFFFFFF  }
0xc1: {  	_ =	task.clear_ibuf [dreg:s6], $0x2FFFF;
	_ =	strace $0x9FFFFFFF  }
0xc2: {  	(tm) =	ssettm $0x7FFFFFFF  }
0xc3: {  	_ =	shalt  }
tec
execute0_lowered:
.L_overlay_start_1:
0x0: {  	(tag) =	ssettag $0x1  }
0x1: {  	s0 =	rddreg [dreg:$0x0]  }
0x2: {  	s1 =	rddreg [dreg:$0x1];
	s2 =	simm.s32 $0x0  }
0x3: {  	s3 =	srdreg.scid;
	s14 =	stileid.u32;
	s28 =	simm.s32 $0x5  }
0x4: {  	s29 =	simm.s32 $0x380;
	s30 =	simm.s32 $0x1;
	s31 =	simm.s32 $0x7  }
0x5: {  	[smem:$0x7FF] =	sst s2;
	s3 =	sand.u32 $0x1, s3;
	s4 =	sadd.s32 $0x16A00, s0  }
0x6: {  	s5 =	sadd.s32 $0xCC00, s0;
	s9 =	smul.u32 $0x270, s14;
	s16 =	sadd.s32 $0x2700, s1  }
0x7: {  	s13 =	smul.u32 $0x2710, s14;
	p0 =	sne.s32 s14, $0xF;
	_ =	strace $0x8000004D  }
0x8: {  	s6 =	sshll.u32 s3, $0x4;
	s8 =	ssub.s32 $0x2, s3;
	s11 =	smul.u32 $0x2710, s3  }
0x9: {  	s3 =	smul.u32 $0x27100, s3;
	[dreg:$0x7] =	wrdreg s16;
	s7 =	sor.u32 s14, s6  }
0xa: {  	s6 =	sadd.s32 $0x2E00, s0;
	s0 =	sadd.s32 $0x3DC00, s0;
	s24 =	sshrl.u32 s8, $0x1  }
0xb: {  	s15 =	sadd.s32 s9, s1;
	s10 =	smul.u32 $0x2710, s7;
	s12 =	ssub.s32 s8, s24  }
0xc: {  	s9 =	sadd.s32 s9, s11;
	s3 =	sadd.s32 s13, s3;
	s19 =	sshrl.u32 s11, $0x3  }
0xd: {  	s7 =	simm.s32 $0x480;
	s11 =	simm.s32 $0x3;
	s9 =	sshrl.u32 s9, $0x3  }
0xe: {  	s17 =	sadd.s32 $0x140, s3;
	s21 =	sadd.s32 $0xA0, s3;
	s3 =	sadd.s32 $0xF0, s3  }
0xf: {  	s10 =	sshrl.u32 s10, $0x3;
	s18 =	sadd.s32 s0, s9;
	s0 =	sadd.s32 s0, s19  }
0x10: {  	s23 =	sshrl.u32 s21, $0x3;
	[dreg:$0xf] =	wrdreg s3;
	s19 =	simm.s32 $0x180  }
0x11: {  	s21 =	simm.s32 $0x200;
	s3 =	simm.s32 $0x400;
	s9 =	simm.s32 $0x2  }
0x12: {  	s25 =	sadd.s32 s5, s10;
	s26 =	sadd.s32 s6, s10;
	[dreg:$0xc] =	wrdreg s18  }
0x13: {  	s10 =	sadd.s32 $0xA, s10;
	s0 =	sadd.s32 $0x4E0, s0;
	[dreg:$0x8] =	wrdreg s25  }
0x14: {  	s24 =	sadd.s32 s23, s6;
	s18 =	simm.s32 $0xA;
	[dreg:$0x9] =	wrdreg s26  }
0x15: {  	s8 =	sadd.s32 s5, s10;
	s13 =	sadd.s32 s6, s10;
	[dreg:$0xd] =	wrdreg s0  }
0x16: {  	s10 =	sshrl.u32 s17, $0x3;
	s25 =	smax.u32 s12, $0x1;
	[dreg:$0x5] =	wrdreg s24  }
0x17: {  	s26 =	sadd.s32 s23, s5;
	s23 =	simm.s32 $0x50;
	[dreg:$0xa] =	wrdreg s8  }
0x18: {  	s24 =	simm.s32 $0x300;
	s0 =	simm.s32 $0x6;
	[dreg:$0xb] =	wrdreg s13  }
0x19: {  	s20 =	sadd.s32 s10, s6;
	s22 =	sadd.s32 s10, s5;
	[dreg:$0xe] =	wrdreg s25  }
0x1a: {  	[dreg:$0x6] =	wrdreg s26;
	s25 =	simm.s32 $0x100;
	s26 =	simm.s32 $0x280  }
0x1b: {  	s10 =	simm.s32 $0x8;
	s13 =	simm.s32 $0x0;
	[dreg:$0x3] =	wrdreg s20  }
0x1c: {  	v0 =	vimm.f32 $0.0e+00;
	[dreg:$0x4] =	wrdreg s22;
	s20 =	simm.s32 $0x80;
	s22 =	simm.s32 $0x4  }
.LBB2_1:
0x1d: {  	[tilespmem:$0x480] =	vst v0  }
0x1e: {  	[tilespmem:$0x490] =	vst v0  }
0x1f: {  	[tilespmem:$0x4A0] =	vst v0  }
0x20: {  	[tilespmem:$0x4B0] =	vst v0  }
0x21: {  	[tilespmem:$0x4C0] =	vst v0  }
0x22: {  	[tilespmem:$0x4D0] =	vst v0  }
0x23: {  	[tilespmem:$0x4E0] =	vst v0  }
0x24: {  	[tilespmem:$0x4F0] =	vst v0  }
0x25: {  	[tilespmem:$0x500] =	vst v0  }
0x26: {  	[tilespmem:$0x510] =	vst v0  }
0x27: {  	[tilespmem:$0x520] =	vst v0  }
0x28: {  	[tilespmem:$0x530] =	vst v0  }
0x29: {  	[tilespmem:$0x540] =	vst v0  }
0x2a: {  	[tilespmem:$0x550] =	vst v0  }
0x2b: {  	[tilespmem:$0x560] =	vst v0  }
0x2c: {  	[tilespmem:$0x570] =	vst v0  }
0x2d: {  	[tilespmem:$0x580] =	vst v0  }
0x2e: {  	[tilespmem:$0x590] =	vst v0  }
0x2f: {  	[tilespmem:$0x5A0] =	vst v0  }
0x30: {  	[tilespmem:$0x5B0] =	vst v0  }
0x31: {  	[tilespmem:$0x5C0] =	vst v0  }
0x32: {  	[tilespmem:$0x5D0] =	vst v0  }
0x33: {  	[tilespmem:$0x5E0] =	vst v0  }
0x34: {  	[tilespmem:$0x5F0] =	vst v0  }
0x35: {  	[tilespmem:$0x600] =	vst v0  }
0x36: {  	[tilespmem:$0x610] =	vst v0  }
0x37: {  	[tilespmem:$0x620] =	vst v0  }
0x38: {  	[tilespmem:$0x630] =	vst v0  }
0x39: {  	[tilespmem:$0x640] =	vst v0  }
0x3a: {  	[tilespmem:$0x650] =	vst v0  }
0x3b: {  	[tilespmem:$0x660] =	vst v0  }
0x3c: {  	[tilespmem:$0x670] =	vst v0  }
0x3d: {  	[tilespmem:$0x680] =	vst v0  }
0x3e: {  	[tilespmem:$0x690] =	vst v0  }
0x3f: {  	[tilespmem:$0x6A0] =	vst v0  }
0x40: {  	[tilespmem:$0x6B0] =	vst v0  }
0x41: {  	[tilespmem:$0x6C0] =	vst v0  }
0x42: {  	[tilespmem:$0x6D0] =	vst v0  }
0x43: {  	[tilespmem:$0x6E0] =	vst v0  }
0x44: {  	[spmem:s15] =	stream.linear.scatter [tilespmem:s7], [sflag:$0xA], $0x270, $0x38;
	[tilespmem:$0x978] =	vst v63  }
0x45: {  	_ =	swait.ge [sflag:s18], $0x270  }
0x46: {  	[sflag:s18] =	ssyncset.done $0x0  }
0x47: {  	s12 =	simm.s32 @!p0 $0x480;
	[sflag:s18] =	ssyncadd.s32 $0xFFFFFD90  }
0x48: {  	[spmem:s16] =	stream.linear.scatter @!p0 [tilespmem:s12], [sflag:$0xA], $0x10, $0x38;
	[tilespmem:$0x978] =	vst v63  }
0x49: {  	s12 =	simm.s32 @!p0 $0xA  }
0x4a: {  	_ =	swait.ge @!p0 [sflag:s12], $0x10  }
0x4b: {  	[sflag:s12] =	ssyncset.done @!p0 $0x0  }
0x4c: {  	[sflag:s12] =	ssyncadd.s32 @!p0 $0xFFFFFFF0  }
0x4d: {  	[bflag:$0x0] =	sbarrier.arrive $0xFFFF  }
0x4e: {  	s12 =	rddreg [dreg:$0x8]  }
0x4f: {  	[tilespmem:s2], [sflag:$0x4] =	stream.linear.gather [hbm4b:s12+s2], $0x50, $0x38;
	[tilespmem:$0x978] =	vst v63  }
0x50: {  	s14 =	rddreg [dreg:$0x9]  }
0x51: {  	[tilespmem:s19], [sflag:$0x4] =	stream.linear.gather [hbm4b:s14+s2], $0x50, $0x38;
	[tilespmem:$0x978] =	vst v63  }
0x52: {  	s17 =	smov.u32 s15;
	s15 =	rddreg [dreg:$0xa]  }
0x53: {  	[tilespmem:s20], [sflag:$0x5] =	stream.linear.gather [hbm4b:s15+s2], $0x50, $0x38;
	[tilespmem:$0x978] =	vst v63  }
0x54: {  	s16 =	rddreg [dreg:$0xb]  }
0x55: {  	[tilespmem:s21], [sflag:$0x5] =	stream.linear.gather [hbm4b:s16+s2], $0x50, $0x38;
	[tilespmem:$0x978] =	vst v63  }
0x56: {  	_ =	swait.ge [sflag:s22], $0x50  }
0x57: {  	[sflag:s22] =	ssyncset.done $0x0  }
0x58: {  	[sflag:s22] =	ssyncadd.s32 $0xFFFFFFB0  }
0x59: {  	_ =	swait.ge [sflag:s22], $0x50  }
0x5a: {  	[sflag:s22] =	ssyncset.done $0x0  }
0x5b: {  	[sflag:s22] =	ssyncadd.s32 $0xFFFFFFB0  }
0x5c: {  	v1 =	vld [tilespmem:$0x0]  }
0x5d: {  	v2 =	vld [tilespmem:$0x10]  }
0x5e: {  	v3 =	vld [tilespmem:$0x20]  }
0x5f: {  	v4 =	vld [tilespmem:$0x30]  }
0x60: {  	v5 =	vld [tilespmem:$0x40]  }
0x61: {  	v1 =	vshll.u32 v1, $0x7  }
0x62: {  	[tilespmem:$0x0] =	vst v1;
	v1 =	vshll.u32 v2, $0x7  }
0x63: {  	[tilespmem:$0x10] =	vst v1;
	v1 =	vshll.u32 v3, $0x7  }
0x64: {  	[tilespmem:$0x20] =	vst v1;
	v1 =	vshll.u32 v4, $0x7  }
0x65: {  	p1 =	por $0x1, $0x1;
	[tilespmem:$0x30] =	vst v1;
	v1 =	vshll.u32 v5, $0x7  }
0x66: {  	s12 =	simm.s32 @!p1 $0x9;
	[tilespmem:$0x40] =	vst v1  }
0x67: {  	[tilespmem:s24], [sflag:$0x1] =	stream.indirect.gather [hbm4b:s4+s23], $0x1, s2, s23, $0xb8;
	[tilespmem:$0x978] =	vst v63  }
0x68: {  	_ =	swait.ge @!p1 [sflag:s12], $0x50  }
0x69: {  	s14 =	rddreg [dreg:$0x6];
	[sflag:s12] =	ssyncset.done @!p1 $0x0  }
0x6a: {  	s8 =	rddreg [dreg:$0x5];
	[sflag:s12] =	ssyncadd.s32 @!p1 $0xFFFFFFB0;
	s16 =	sadd.s32 $0x0, s14  }
0x6b: {  	[tilespmem:s25], [sflag:$0x6] =	stream.linear.gather [hbm4b:s16+s2], $0x50, $0x38;
	[tilespmem:$0x978] =	vst v63  }
0x6c: {  	s7 =	sadd.s32 $0x0, s8  }
0x6d: {  	[tilespmem:s26], [sflag:$0x6] =	stream.linear.gather [hbm4b:s7+s2], $0x50, $0x38;
	[tilespmem:$0x978] =	vst v63  }
0x6e: {  	_ =	swait.ge [sflag:s28], $0x50  }
0x6f: {  	[sflag:s28] =	ssyncset.done $0x0  }
0x70: {  	[sflag:s28] =	ssyncadd.s32 $0xFFFFFFB0  }
0x71: {  	_ =	swait.ge [sflag:s28], $0x50  }
0x72: {  	[sflag:s28] =	ssyncset.done $0x0  }
0x73: {  	[sflag:s28] =	ssyncadd.s32 $0xFFFFFFB0  }
0x74: {  	v1 =	vld [tilespmem:$0xC0]  }
0x75: {  	v2 =	vld [tilespmem:$0xB0]  }
0x76: {  	v3 =	vld [tilespmem:$0x90]  }
0x77: {  	v60 =	vld [tilespmem:$0x80]  }
0x78: {  	v61 =	vld [tilespmem:$0xA0]  }
0x79: {  	v1 =	vshll.u32 v1, $0x7  }
0x7a: {  	v2 =	vshll.u32 v2, $0x7;
	[tilespmem:$0xC0] =	vst v1  }
0x7b: {  	v1 =	vshll.u32 v3, $0x7;
	[tilespmem:$0xB0] =	vst v2  }
0x7c: {  	v2 =	vshll.u32 v60, $0x7;
	[tilespmem:$0x90] =	vst v1  }
0x7d: {  	[tilespmem:$0x80] =	vst v2;
	v1 =	vshll.u32 v61, $0x7  }
0x7e: {  	[tilespmem:$0xA0] =	vst v1  }
0x7f: {  	[tilespmem:s29], [sflag:$0x2] =	stream.indirect.gather [hbm4b:s4+s23], $0x1, s20, s23, $0xb8;
	[tilespmem:$0x978] =	vst v63  }
0x80: {  	_ =	swait.ge [sflag:s30], $0x50  }
0x81: {  	[sflag:s30] =	ssyncset.done $0x0  }
0x82: {  	[sflag:s30] =	ssyncadd.s32 $0xFFFFFFB0  }
0x83: {  	[spmem:s1] =	stream.indirect.scatter.add.f32 [tilespmem:s24], [sflag:$0x7], $0x1, s19, s23, $0xb8;
	[tilespmem:$0x978] =	vst v63  }
0x84: {  	_ =	swait.ge [sflag:s31], $0x50  }
0x85: {  	s16 =	rddreg [dreg:$0xf]  }
0x86: {  	[sflag:s31] =	ssyncset.done $0x0;
	s8 =	sshrl.u32 s16, $0x3  }
0x87: {  	[sflag:s31] =	ssyncadd.s32 $0xFFFFFFB0;
	s15 =	sadd.s32 s5, s8  }
0x88: {  	[tilespmem:s2], [sflag:$0x4] =	stream.linear.gather [hbm4b:s15+s2], $0x50, $0x38;
	[tilespmem:$0x978] =	vst v63  }
0x89: {  	s12 =	sadd.s32 s6, s8  }
0x8a: {  	[tilespmem:s19], [sflag:$0x4] =	stream.linear.gather [hbm4b:s12+s2], $0x50, $0x38;
	[tilespmem:$0x978] =	vst v63  }
0x8b: {  	_ =	swait.ge [sflag:s0], $0x50  }
0x8c: {  	[sflag:s0] =	ssyncset.done $0x0  }
0x8d: {  	[sflag:s0] =	ssyncadd.s32 $0xFFFFFFB0  }
0x8e: {  	_ =	swait.ge [sflag:s0], $0x50  }
0x8f: {  	[sflag:s0] =	ssyncset.done $0x0  }
0x90: {  	[sflag:s0] =	ssyncadd.s32 $0xFFFFFFB0  }
0x91: {  	v1 =	vld [tilespmem:$0x140]  }
0x92: {  	v2 =	vld [tilespmem:$0x110]  }
0x93: {  	v3 =	vld [tilespmem:$0x120]  }
0x94: {  	v63 =	vld [tilespmem:$0x100]  }
0x95: {  	v62 =	vld [tilespmem:$0x130]  }
0x96: {  	v1 =	vshll.u32 v1, $0x7  }
0x97: {  	v2 =	vshll.u32 v2, $0x7;
	[tilespmem:$0x140] =	vst v1  }
0x98: {  	[tilespmem:$0x110] =	vst v2;
	v1 =	vshll.u32 v3, $0x7  }
0x99: {  	v2 =	vshll.u32 v63, $0x7;
	[tilespmem:$0x120] =	vst v1  }
0x9a: {  	v1 =	vshll.u32 v62, $0x7;
	[tilespmem:$0x100] =	vst v2  }
0x9b: {  	[tilespmem:$0x130] =	vst v1  }
0x9c: {  	[tilespmem:s3], [sflag:$0x3] =	stream.indirect.gather [hbm4b:s4+s23], $0x1, s25, s23, $0xb8;
	[tilespmem:$0x978] =	vst v63  }
0x9d: {  	_ =	swait.ge [sflag:s9], $0x50  }
0x9e: {  	[sflag:s9] =	ssyncset.done $0x0  }
0x9f: {  	[sflag:s9] =	ssyncadd.s32 $0xFFFFFFB0  }
0xa0: {  	[spmem:s1] =	stream.indirect.scatter.add.f32 [tilespmem:s29], [sflag:$0x8], $0x1, s21, s23, $0xb8;
	[tilespmem:$0x978] =	vst v63  }
0xa1: {  	_ =	swait.ge [sflag:s10], $0x50  }
0xa2: {  	s14 =	simm.s32 $0x0;
	s15 =	simm.s32 $0x1E;
	s12 =	rddreg [dreg:$0x4]  }
.LBB2_2:
0xa3: {  	[sflag:s10] =	ssyncset.done $0x0  }
0xa4: {  	s7 =	rddreg [dreg:$0x3];
	s12 =	sadd.s32 s14, s12;
	[sflag:s10] =	ssyncadd.s32 $0xFFFFFFB0  }
0xa5: {  	[tilespmem:s20], [sflag:$0x5] =	stream.linear.gather [hbm4b:s12+s2], $0x50, $0x38;
	[tilespmem:$0x978] =	vst v63  }
0xa6: {  	s7 =	sadd.s32 s14, s7  }
0xa7: {  	[tilespmem:s21], [sflag:$0x5] =	stream.linear.gather [hbm4b:s7+s2], $0x50, $0x38;
	[tilespmem:$0x978] =	vst v63  }
0xa8: {  	_ =	swait.ge [sflag:s22], $0x50  }
0xa9: {  	[sflag:s22] =	ssyncset.done $0x0  }
0xaa: {  	[sflag:s22] =	ssyncadd.s32 $0xFFFFFFB0  }
0xab: {  	_ =	swait.ge [sflag:s22], $0x50  }
0xac: {  	[sflag:s22] =	ssyncset.done $0x0  }
0xad: {  	[sflag:s22] =	ssyncadd.s32 $0xFFFFFFB0  }
0xae: {  	v1 =	vld [tilespmem:$0x0]  }
0xaf: {  	v2 =	vld [tilespmem:$0x10]  }
0xb0: {  	v5 =	vld [tilespmem:$0x20]  }
0xb1: {  	v3 =	vld [tilespmem:$0x30]  }
0xb2: {  	v4 =	vld [tilespmem:$0x40]  }
0xb3: {  	v1 =	vshll.u32 v1, $0x7  }
0xb4: {  	[tilespmem:$0x0] =	vst v1;
	v1 =	vshll.u32 v2, $0x7  }
0xb5: {  	v2 =	vshll.u32 v5, $0x7;
	[tilespmem:$0x10] =	vst v1  }
0xb6: {  	v1 =	vshll.u32 v3, $0x7;
	[tilespmem:$0x20] =	vst v2  }
0xb7: {  	[tilespmem:$0x30] =	vst v1;
	v1 =	vshll.u32 v4, $0x7  }
0xb8: {  	s8 =	smov.u32 s15;
	[tilespmem:$0x40] =	vst v1  }
0xb9: {  	[tilespmem:s24], [sflag:$0x1] =	stream.indirect.gather [hbm4b:s4+s23], $0x1, s2, s23, $0xb8;
	[tilespmem:$0x978] =	vst v63  }
0xba: {  	s14 =	smov.u32 s8;
	_ =	swait.ge [sflag:s11], $0x50  }
0xbb: {  	p2 =	seq.s32 s14, $0x0;
	[sflag:s11] =	ssyncset.done $0x0  }
0xbc: {  	s7 =	simm.s32 @!p2 $0x9;
	[sflag:s11] =	ssyncadd.s32 $0xFFFFFFB0  }
0xbd: {  	[spmem:s1] =	stream.indirect.scatter.add.f32 [tilespmem:s3], [sflag:$0x9], $0x1, s26, s23, $0xb8;
	[tilespmem:$0x978] =	vst v63  }
0xbe: {  	_ =	swait.ge @!p2 [sflag:s7], $0x50  }
0xbf: {  	[sflag:s7] =	ssyncset.done @!p2 $0x0;
	s8 =	rddreg [dreg:$0x6]  }
0xc0: {  	s12 =	rddreg [dreg:$0x5];
	[sflag:s7] =	ssyncadd.s32 @!p2 $0xFFFFFFB0;
	s8 =	sadd.s32 s14, s8  }
0xc1: {  	[tilespmem:s25], [sflag:$0x6] =	stream.linear.gather [hbm4b:s8+s2], $0x50, $0x38;
	[tilespmem:$0x978] =	vst v63  }
0xc2: {  	s7 =	sadd.s32 s14, s12  }
0xc3: {  	[tilespmem:s26], [sflag:$0x6] =	stream.linear.gather [hbm4b:s7+s2], $0x50, $0x38;
	[tilespmem:$0x978] =	vst v63  }
0xc4: {  	_ =	swait.ge [sflag:s28], $0x50  }
0xc5: {  	[sflag:s28] =	ssyncset.done $0x0  }
0xc6: {  	[sflag:s28] =	ssyncadd.s32 $0xFFFFFFB0  }
0xc7: {  	_ =	swait.ge [sflag:s28], $0x50  }
0xc8: {  	[sflag:s28] =	ssyncset.done $0x0  }
0xc9: {  	[sflag:s28] =	ssyncadd.s32 $0xFFFFFFB0  }
0xca: {  	v1 =	vld [tilespmem:$0xC0]  }
0xcb: {  	v2 =	vld [tilespmem:$0xB0]  }
0xcc: {  	v3 =	vld [tilespmem:$0x90]  }
0xcd: {  	v60 =	vld [tilespmem:$0x80]  }
0xce: {  	v61 =	vld [tilespmem:$0xA0]  }
0xcf: {  	v1 =	vshll.u32 v1, $0x7  }
0xd0: {  	v2 =	vshll.u32 v2, $0x7;
	[tilespmem:$0xC0] =	vst v1  }
0xd1: {  	v1 =	vshll.u32 v3, $0x7;
	[tilespmem:$0xB0] =	vst v2  }
0xd2: {  	v2 =	vshll.u32 v60, $0x7;
	[tilespmem:$0x90] =	vst v1  }
0xd3: {  	[tilespmem:$0x80] =	vst v2;
	v1 =	vshll.u32 v61, $0x7  }
0xd4: {  	[tilespmem:$0xA0] =	vst v1  }
0xd5: {  	[tilespmem:s29], [sflag:$0x2] =	stream.indirect.gather [hbm4b:s4+s23], $0x1, s20, s23, $0xb8;
	[tilespmem:$0x978] =	vst v63  }
0xd6: {  	_ =	swait.ge [sflag:s30], $0x50  }
0xd7: {  	[sflag:s30] =	ssyncset.done $0x0  }
0xd8: {  	[sflag:s30] =	ssyncadd.s32 $0xFFFFFFB0  }
0xd9: {  	[spmem:s1] =	stream.indirect.scatter.add.f32 [tilespmem:s24], [sflag:$0x7], $0x1, s19, s23, $0xb8;
	[tilespmem:$0x978] =	vst v63  }
0xda: {  	s16 =	sadd.s32 $0xF0, s16;
	_ =	swait.ge [sflag:s31], $0x50  }
0xdb: {  	s7 =	sshrl.u32 s16, $0x3;
	[sflag:s31] =	ssyncset.done $0x0  }
0xdc: {  	s12 =	sadd.s32 s5, s7;
	[sflag:s31] =	ssyncadd.s32 $0xFFFFFFB0  }
0xdd: {  	[tilespmem:s2], [sflag:$0x4] =	stream.linear.gather [hbm4b:s12+s2], $0x50, $0x38;
	[tilespmem:$0x978] =	vst v63  }
0xde: {  	s7 =	sadd.s32 s6, s7  }
0xdf: {  	[tilespmem:s19], [sflag:$0x4] =	stream.linear.gather [hbm4b:s7+s2], $0x50, $0x38;
	[tilespmem:$0x978] =	vst v63  }
0xe0: {  	_ =	swait.ge [sflag:s0], $0x50  }
0xe1: {  	[sflag:s0] =	ssyncset.done $0x0  }
0xe2: {  	[sflag:s0] =	ssyncadd.s32 $0xFFFFFFB0  }
0xe3: {  	_ =	swait.ge [sflag:s0], $0x50  }
0xe4: {  	[sflag:s0] =	ssyncset.done $0x0  }
0xe5: {  	[sflag:s0] =	ssyncadd.s32 $0xFFFFFFB0  }
0xe6: {  	v1 =	vld [tilespmem:$0x140]  }
0xe7: {  	v2 =	vld [tilespmem:$0x110]  }
0xe8: {  	v3 =	vld [tilespmem:$0x120]  }
0xe9: {  	v63 =	vld [tilespmem:$0x100]  }
0xea: {  	v62 =	vld [tilespmem:$0x130]  }
0xeb: {  	v1 =	vshll.u32 v1, $0x7  }
0xec: {  	v2 =	vshll.u32 v2, $0x7;
	[tilespmem:$0x140] =	vst v1  }
0xed: {  	[tilespmem:$0x110] =	vst v2;
	v1 =	vshll.u32 v3, $0x7  }
0xee: {  	v2 =	vshll.u32 v63, $0x7;
	[tilespmem:$0x120] =	vst v1  }
0xef: {  	v1 =	vshll.u32 v62, $0x7;
	[tilespmem:$0x100] =	vst v2  }
0xf0: {  	s15 =	sadd.s32 $0x1E, s15;
	[tilespmem:$0x130] =	vst v1  }
0xf1: {  	[tilespmem:s3], [sflag:$0x3] =	stream.indirect.gather [hbm4b:s4+s23], $0x1, s25, s23, $0xb8;
	[tilespmem:$0x978] =	vst v63  }
0xf2: {  	p1 =	sne.s32 s15, $0x4CE;
	_ =	swait.ge [sflag:s9], $0x50  }
.Ltmp0:
0xf3: {  	[sflag:s9] =	ssyncset.done $0x0;
	(pc) =	sbr.rel @p1 .LBB2_2-.Ltmp0, $4  }
0xf4: {  	[sflag:s9] =	ssyncadd.s32 $0xFFFFFFB0  }
0xf5: {  	[spmem:s1] =	stream.indirect.scatter.add.f32 [tilespmem:s29], [sflag:$0x8], $0x1, s21, s23, $0xb8;
	[tilespmem:$0x978] =	vst v63  }
0xf6: {  	_ =	swait.ge [sflag:s10], $0x50  }
0xf7: {  	s12 =	rddreg [dreg:$0x4]  }
0xf8: {  	[sflag:s10] =	ssyncset.done $0x0  }
0xf9: {  	s7 =	rddreg [dreg:$0x3];
	s8 =	sadd.s32 s14, s12;
	[sflag:s10] =	ssyncadd.s32 $0xFFFFFFB0  }
0xfa: {  	[tilespmem:s20], [sflag:$0x5] =	stream.linear.gather [hbm4b:s8+s2], $0x50, $0x38;
	[tilespmem:$0x978] =	vst v63  }
0xfb: {  	s7 =	sadd.s32 s14, s7  }
0xfc: {  	[tilespmem:s21], [sflag:$0x5] =	stream.linear.gather [hbm4b:s7+s2], $0x50, $0x38;
	[tilespmem:$0x978] =	vst v63  }
0xfd: {  	_ =	swait.ge [sflag:s22], $0x50  }
0xfe: {  	[sflag:s22] =	ssyncset.done $0x0  }
0xff: {  	[sflag:s22] =	ssyncadd.s32 $0xFFFFFFB0  }
0x100: {  	_ =	swait.ge [sflag:s22], $0x50  }
0x101: {  	[sflag:s22] =	ssyncset.done $0x0  }
0x102: {  	[sflag:s22] =	ssyncadd.s32 $0xFFFFFFB0  }
0x103: {  	v1 =	vld [tilespmem:$0x0]  }
0x104: {  	v2 =	vld [tilespmem:$0x10]  }
0x105: {  	v5 =	vld [tilespmem:$0x20]  }
0x106: {  	v3 =	vld [tilespmem:$0x30]  }
0x107: {  	v4 =	vld [tilespmem:$0x40]  }
0x108: {  	v1 =	vshll.u32 v1, $0x7  }
0x109: {  	[tilespmem:$0x0] =	vst v1;
	v1 =	vshll.u32 v2, $0x7  }
0x10a: {  	v2 =	vshll.u32 v5, $0x7;
	[tilespmem:$0x10] =	vst v1  }
0x10b: {  	v1 =	vshll.u32 v3, $0x7;
	[tilespmem:$0x20] =	vst v2  }
0x10c: {  	[tilespmem:$0x30] =	vst v1;
	v1 =	vshll.u32 v4, $0x7  }
0x10d: {  	[tilespmem:$0x40] =	vst v1  }
0x10e: {  	[tilespmem:s24], [sflag:$0x1] =	stream.indirect.gather [hbm4b:s4+s23], $0x1, s2, s23, $0xb8;
	[tilespmem:$0x978] =	vst v63  }
0x10f: {  	_ =	swait.ge [sflag:s11], $0x50  }
0x110: {  	[sflag:s11] =	ssyncset.done $0x0  }
0x111: {  	s12 =	simm.s32 $0x9;
	[sflag:s11] =	ssyncadd.s32 $0xFFFFFFB0  }
0x112: {  	[spmem:s1] =	stream.indirect.scatter.add.f32 [tilespmem:s3], [sflag:$0x9], $0x1, s26, s23, $0xb8;
	[tilespmem:$0x978] =	vst v63  }
0x113: {  	_ =	swait.ge [sflag:s12], $0x50  }
0x114: {  	[sflag:s12] =	ssyncset.done $0x0  }
0x115: {  	[sflag:s12] =	ssyncadd.s32 $0xFFFFFFB0  }
0x116: {  	_ =	swait.ge [sflag:s28], $0x50  }
0x117: {  	[sflag:s28] =	ssyncset.done $0x0  }
0x118: {  	[sflag:s28] =	ssyncadd.s32 $0xFFFFFFB0  }
0x119: {  	_ =	swait.ge [sflag:s28], $0x50  }
0x11a: {  	[sflag:s28] =	ssyncset.done $0x0  }
0x11b: {  	[sflag:s28] =	ssyncadd.s32 $0xFFFFFFB0  }
0x11c: {  	v1 =	vld [tilespmem:$0x80]  }
0x11d: {  	v2 =	vld [tilespmem:$0x90]  }
0x11e: {  	v3 =	vld [tilespmem:$0xA0]  }
0x11f: {  	v62 =	vld [tilespmem:$0xB0]  }
0x120: {  	v63 =	vld [tilespmem:$0xC0]  }
0x121: {  	v1 =	vshll.u32 v1, $0x7  }
0x122: {  	[tilespmem:$0x80] =	vst v1;
	v1 =	vshll.u32 v2, $0x7  }
0x123: {  	[tilespmem:$0x90] =	vst v1;
	v1 =	vshll.u32 v3, $0x7  }
0x124: {  	[tilespmem:$0xA0] =	vst v1;
	v1 =	vshll.u32 v62, $0x7  }
0x125: {  	[tilespmem:$0xB0] =	vst v1;
	v1 =	vshll.u32 v63, $0x7  }
0x126: {  	[tilespmem:$0xC0] =	vst v1  }
0x127: {  	[tilespmem:s29], [sflag:$0x2] =	stream.indirect.gather [hbm4b:s4+s23], $0x1, s20, s23, $0xb8;
	[tilespmem:$0x978] =	vst v63  }
0x128: {  	_ =	swait.ge [sflag:s30], $0x50  }
0x129: {  	[sflag:s30] =	ssyncset.done $0x0  }
0x12a: {  	[sflag:s30] =	ssyncadd.s32 $0xFFFFFFB0  }
0x12b: {  	[spmem:s1] =	stream.indirect.scatter.add.f32 [tilespmem:s24], [sflag:$0x7], $0x1, s19, s23, $0xb8;
	[tilespmem:$0x978] =	vst v63  }
0x12c: {  	_ =	swait.ge [sflag:s31], $0x50  }
0x12d: {  	[sflag:s31] =	ssyncset.done $0x0  }
0x12e: {  	[sflag:s31] =	ssyncadd.s32 $0xFFFFFFB0  }
0x12f: {  	_ =	swait.ge [sflag:s9], $0x50  }
0x130: {  	[sflag:s9] =	ssyncset.done $0x0  }
0x131: {  	[sflag:s9] =	ssyncadd.s32 $0xFFFFFFB0  }
0x132: {  	[spmem:s1] =	stream.indirect.scatter.add.f32 [tilespmem:s29], [sflag:$0x8], $0x1, s21, s23, $0xb8;
	[tilespmem:$0x978] =	vst v63  }
0x133: {  	_ =	swait.ge [sflag:s10], $0x50  }
0x134: {  	[sflag:s10] =	ssyncset.done $0x0  }
0x135: {  	[sflag:s10] =	ssyncadd.s32 $0xFFFFFFB0  }
0x136: {  	s14 =	simm.s32 $0x480;
	[bflag:$0x0] =	sbarrier.arrive $0xFFFF  }
0x137: {  	[tilespmem:s14], [sflag:$0xA] =	stream.linear.gather [spmem:s17], $0x270, $0x38;
	[tilespmem:$0x978] =	vst v63  }
0x138: {  	_ =	swait.ge [sflag:s18], $0x270  }
0x139: {  	[sflag:s18] =	ssyncset.done $0x0  }
0x13a: {  	s16 =	rddreg [dreg:$0xc];
	[sflag:s18] =	ssyncadd.s32 $0xFFFFFD90  }
0x13b: {  	[hbm4b:s16+s2] =	stream.linear.scatter [tilespmem:s14], [sflag:$0xA], $0x270, $0x38;
	[tilespmem:$0x978] =	vst v63  }
0x13c: {  	_ =	swait.ge [sflag:s18], $0x270  }
0x13d: {  	s8 =	simm.s32 @!p0 $0xA;
	[sflag:s18] =	ssyncset.done $0x0  }
0x13e: {  	s7 =	simm.s32 @!p0 $0x480;
	s16 =	rddreg [dreg:$0x7];
	[sflag:s18] =	ssyncadd.s32 $0xFFFFFD90  }
0x13f: {  	[tilespmem:s7], [sflag:$0xA] =	stream.linear.gather @!p0 [spmem:s16], $0x10, $0x38;
	[tilespmem:$0x978] =	vst v63  }
0x140: {  	_ =	swait.ge @!p0 [sflag:s8], $0x10  }
0x141: {  	[sflag:s8] =	ssyncset.done @!p0 $0x0  }
0x142: {  	s12 =	simm.s32 @!p0 $0x0;
	s14 =	rddreg [dreg:$0xd];
	[sflag:s8] =	ssyncadd.s32 @!p0 $0xFFFFFFF0  }
0x143: {  	[hbm4b:s14+s12] =	stream.linear.scatter @!p0 [tilespmem:s7], [sflag:$0xA], $0x10, $0x38;
	[tilespmem:$0x978] =	vst v63  }
0x144: {  	_ =	swait.ge @!p0 [sflag:s8], $0x10  }
0x145: {  	s15 =	smov.u32 s17;
	s13 =	sadd.s32 $0x1, s13;
	s17 =	rddreg [dreg:$0xe]  }
0x146: {  	p1 =	sne.s32 s13, s17  }
.Ltmp1:
0x147: {  	_ = 	snop;
	(pc) =	sbr.rel @p1 .LBB2_1-.Ltmp1, $3  }
0x148: {  	_ =	sdelay $0x1  }
0x149: {  	[sflag:s8] =	ssyncset.done @!p0 $0x0  }
0x14a: {  	s7 =	simm.s32 $0x480;
	[sflag:s8] =	ssyncadd.s32 @!p0 $0xFFFFFFF0  }
0x14b: {  	_ =	sfence.sel $0x180000  }
0x14c: {  	[bflag:$0x0] =	sbarrier.arrive $0xFFFF  }
0x14d: {  	_ =	strace $0x9000004D  }
0x14e: {  	s0 =	stileid.u32;
	[bflag:$0x2] =	sbarrier.arrive $0xFFFF  }
0x14f: {  	p0 =	sne.s32 s0, $0x0;
	s0 =	rddreg [dreg:$0x2]  }
0x150: {  	s0 =	sadd.s32 @!p0 $0x100000, s0  }
0x151: {  	[sflag:s0] =	ssyncadd.tile.s32 @!p0 $0x1;
	_ =	shalt  }
.Lfunc_end2:
_tile_overlayer_lowered:
.L_overlay_start_2:
0x152: {  	(tag) =	ssettag $0x2  }
0x153: {  	s0 =	rddreg [dreg:$0x0];
	s2 =	stileid.u32  }
0x154: {  	s1 =	rddreg [dreg:$0x1];
	p0 =	sne.s32 s2, $0x0  }
0x155: {  	s3 =	rddreg [dreg:$0x2];
	[bflag:$0x3] =	sbarrier.arrive $0xFFFF;
	s2 =	simm.s32 @!p0 $0x1C0A  }
0x156: {  	[timem:s3], [sflag:s2] =	dma.local @!p0 [hbm:s0], s1  }
0x157: {  	s0 =	simm.s32 @!p0 $0xA  }
0x158: {  	_ =	swait.ge @!p0 [sflag:s0], s1  }
0x159: {  	s1 =	ssub.s32 @!p0 $0x0, s1;
	[sflag:s0] =	ssyncset.done @!p0 $0x0  }
0x15a: {  	[sflag:s0] =	ssyncadd.s32 @!p0 s1  }
0x15b: {  	[bflag:$0x3] =	sbarrier.arrive $0xFFFF  }
0x15c: {  	_ =	shalt  }

// kernel: kernel.9.cloned.1.call-start
scs
__scs_entry_jumppad:
0x0: {  	(pc) =	sbr.rel $0x88, $3  }
0x1: {  	(tag) =	ssettag $0x0;
	lr =	simm.s32 $0x1  }
0x2: {  	[smem:$0x3F92] =	sst lr;
	_ =	strace $0xD0000000  }
0x3: {  	_ = 	snop  }
0x4: {  	_ = 	snop  }
0x5: {  	_ = 	snop  }
0x6: {  	_ = 	snop  }
0x7: {  	_ = 	snop  }
__scs_overlays_trampoline_lowered:
0x8: {  	[smem:$0x3FA1] =	sst s0  }
0x9: {  	[smem:$0x3FA2] =	sst s1  }
0xa: {  	[smem:$0x3FA3] =	sst s2  }
0xb: {  	[smem:$0x3FA4] =	sst s3  }
0xc: {  	[smem:$0x3FA5] =	sst s4  }
0xd: {  	[smem:$0x3FA6] =	sst s5  }
0xe: {  	[smem:$0x3FA7] =	sst s6  }
0xf: {  	[smem:$0x3FA8] =	sst s7  }
0x10: {  	[smem:$0x3FA9] =	sst s8  }
0x11: {  	[smem:$0x3FAA] =	sst s9;
	s0 =	simm.s32 @!p0 $0x0  }
0x12: {  	s1 =	sld [smem:$0x3F90];
	s0 =	simm.s32 @p0 $0x1  }
0x13: {  	[smem:$0x3FAB] =	sst s0;
	s0 =	simm.s32 @!p1 $0x0  }
0x14: {  	s2 =	sld [smem:$0x3F8F];
	s0 =	simm.s32 @p1 $0x1  }
0x15: {  	[smem:$0x3FAC] =	sst s0;
	s0 =	simm.s32 @!p2 $0x0  }
0x16: {  	s3 =	sld [smem:$0x3FDB];
	s0 =	simm.s32 @p2 $0x1  }
0x17: {  	s4 =	simm.s32 $0x1BF5;
	[smem:$0x3FAE] =	sst s0  }
0x18: {  	s0 =	sld [smem:$0x3F91];
	_ =	swait.ge [sflag:s4], $0x0  }
0x19: {  	s7 =	sld [smem:$0x3F92]  }
0x1a: {  	s8 =	sadd.s32 $0xFFFFE003, lr  }
0x1b: {  	s9 =	sadd.s32 $0xFFFFFEF7, lr;
	s5 =	simm.s32 $0xFFFFFFFF;
	p2 =	slt.u32 s8, $0xFFFFF086  }
0x1c: {  	p1 =	slt.u32 s9, $0xF7A;
	s5 =	simm.s32 @!p2 $0x0  }
0x1d: {  	s5 =	simm.s32 @p1 $0x1;
	p0 =	seq.s32 s7, s2  }
0x1e: {  	s7 =	smul.u32 @!p0 $0xF7A, s2;
	p2 =	seq.s32 @!p0 s5, $0x0  }
0x1f: {  	s9 =	smul.u32 $0xF7A, s1;
	s8 =	simm.s32 @!p0 $0x1BF5;
	p2 =	por !p2, p0  }
0x20: {  	[sflag:s8] =	ssyncset.s32 @!p0 $0xFFFFF086;
	s6 =	sadd.s32 @!p0 s3, s7;
	s7 =	simm.s32 @!p0 $0x108  }
0x21: {  	s3 =	sadd.s32 s3, s9;
	s6 =	sadd.s32 @!p0 $0x88, s6;
	s7 =	simm.s32 @p2 $0x1082  }
0x22: {  	[simem:s7], [sflag:s8] =	dma.local @!p0 [hbm:s6], $0xF7A  }
0x23: {  	s9 =	sor.u32 $0xD0000000, s2;
	s6 =	simm.s32 $0x108;
	_ =	swait.ge @!p0 [sflag:s8], $0x0  }
0x24: {  	s3 =	sadd.s32 $0x88, s3;
	s6 =	simm.s32 @!p1 $0x1082;
	[sflag:s4] =	ssyncset.s32 $0xFFFFF086  }
0x25: {  	[simem:s6], [sflag:s4] =	dma.local [hbm:s3], $0xF7A  }
0x26: {  	[smem:$0x3F92] =	sst s1;
	(tag) =	ssettag s2;
	_ =	strace s9  }
0x27: {  	s1 =	sld [smem:$0x3FA2]  }
0x28: {  	s2 =	sld [smem:$0x3FA3]  }
0x29: {  	s4 =	sld [smem:$0x3FA5]  }
0x2a: {  	p0 =	seq.s32 s5, $0x0;
	s5 =	sld [smem:$0x3FA6]  }
0x2b: {  	s6 =	sld [smem:$0x3FA7]  }
0x2c: {  	s7 =	sld [smem:$0x3FA8]  }
0x2d: {  	s3 =	simm.s32 $0x108;
	s8 =	sld [smem:$0x3FA9]  }
0x2e: {  	s3 =	simm.s32 @!p0 $0x1082;
	s9 =	sld [smem:$0x3FAA]  }
0x2f: {  	lr =	sadd.s32 s0, s3;
	s0 =	sld [smem:$0x3FA1]  }
0x30: {  	s3 =	sld [smem:$0x3FA4]  }
0x31: {  	[smem:$0x3FAD] =	sst s10  }
0x32: {  	s10 =	sld [smem:$0x3FAB];
	_ =	sdelay $0x3  }
0x33: {  	p0 =	seq.s32 s10, $0x1;
	s10 =	sld [smem:$0x3FAD];
	_ =	sdelay $0x3  }
0x34: {  	[smem:$0x3FAD] =	sst s10  }
0x35: {  	s10 =	sld [smem:$0x3FAC];
	_ =	sdelay $0x3  }
0x36: {  	p1 =	seq.s32 s10, $0x1;
	s10 =	sld [smem:$0x3FAD];
	_ =	sdelay $0x3  }
0x37: {  	[smem:$0x3FAD] =	sst s10  }
0x38: {  	s10 =	sld [smem:$0x3FAE]  }
0x39: {  	_ = 	snop;
	(pc) =	sbr.ind lr, $3  }
0x3a: {  	_ = 	snop  }
0x3b: {  	_ = 	snop  }
0x3c: {  	p2 =	seq.s32 s10, $0x1;
	s10 =	sld [smem:$0x3FAD]  }
0x3d: {  	_ =	shalt  }
0x3e: {  	_ =	shalt  }
0x3f: {  	_ =	shalt  }
0x40: {  	_ =	shalt  }
0x41: {  	_ =	shalt  }
0x42: {  	_ =	shalt  }
0x43: {  	_ =	shalt  }
0x44: {  	_ =	shalt  }
0x45: {  	_ =	shalt  }
0x46: {  	_ =	shalt  }
0x47: {  	_ =	shalt  }
0x48: {  	_ =	shalt  }
0x49: {  	_ =	shalt  }
0x4a: {  	_ =	shalt  }
0x4b: {  	_ =	shalt  }
0x4c: {  	_ =	shalt  }
0x4d: {  	_ =	shalt  }
0x4e: {  	_ =	shalt  }
0x4f: {  	_ =	shalt  }
0x50: {  	_ =	shalt  }
0x51: {  	_ =	shalt  }
0x52: {  	_ =	shalt  }
0x53: {  	_ =	shalt  }
0x54: {  	_ =	shalt  }
0x55: {  	_ =	shalt  }
0x56: {  	_ =	shalt  }
0x57: {  	_ =	shalt  }
0x58: {  	_ =	shalt  }
0x59: {  	_ =	shalt  }
0x5a: {  	_ =	shalt  }
0x5b: {  	_ =	shalt  }
0x5c: {  	_ =	shalt  }
0x5d: {  	_ =	shalt  }
0x5e: {  	_ =	shalt  }
0x5f: {  	_ =	shalt  }
0x60: {  	_ =	shalt  }
0x61: {  	_ =	shalt  }
0x62: {  	_ =	shalt  }
0x63: {  	_ =	shalt  }
0x64: {  	_ =	shalt  }
0x65: {  	_ =	shalt  }
0x66: {  	_ =	shalt  }
0x67: {  	_ =	shalt  }
0x68: {  	_ =	shalt  }
0x69: {  	_ =	shalt  }
0x6a: {  	_ =	shalt  }
0x6b: {  	_ =	shalt  }
0x6c: {  	_ =	shalt  }
0x6d: {  	_ =	shalt  }
0x6e: {  	_ =	shalt  }
0x6f: {  	_ =	shalt  }
0x70: {  	_ =	shalt  }
0x71: {  	_ =	shalt  }
0x72: {  	_ =	shalt  }
0x73: {  	_ =	shalt  }
0x74: {  	_ =	shalt  }
0x75: {  	_ =	shalt  }
0x76: {  	_ =	shalt  }
0x77: {  	_ =	shalt  }
0x78: {  	_ =	shalt  }
0x79: {  	_ =	shalt  }
0x7a: {  	_ =	shalt  }
0x7b: {  	_ =	shalt  }
0x7c: {  	_ =	shalt  }
0x7d: {  	_ =	shalt  }
0x7e: {  	_ =	shalt  }
0x7f: {  	_ =	shalt  }
0x80: {  	_ =	shalt  }
0x81: {  	_ =	shalt  }
0x82: {  	_ =	shalt  }
0x83: {  	_ =	shalt  }
0x84: {  	_ =	shalt  }
0x85: {  	_ =	shalt  }
0x86: {  	_ =	shalt  }
0x87: {  	_ =	shalt  }
.Lfunc_end0:
.L_simem_size_0:
called_computation_lowered:
.L_overlay_start_0:
0x88: {  	s2 =	sld [smem:$0x3FD9]  }
0x89: {  	s3 =	sld [smem:$0x3FFE];
	_ =	sdelay $0x1  }
0x8a: {  	s1 =	srdreg.scid  }
0x8b: {  	s0 =	sand.u32 $0x1, s1  }
0x8c: {  	s16 =	sshll.u32 s0, $0xA;
	s2 =	sadd.s32 s3, s2  }
0x8d: {  	s2 =	sadd.s32 s2, s16  }
0x8e: {  	[smem:$0x3FB9] =	sst s2  }
0x8f: {  	_ = 	snop  }
0x90: {  	(tm) =	ssettm $0x1  }
0x91: {  	s17 =	sld [smem:$0x3FFB];
	_ =	sdelay $0x3  }
0x92: {  	_ =	strace s17  }
0x93: {  	s2 =	sld [smem:$0x3FFC];
	_ =	sdelay $0x3  }
0x94: {  	_ =	strace s2  }
0x95: {  	s2 =	sld [smem:$0x3FFD];
	_ =	sdelay $0x3  }
0x96: {  	_ =	strace s2  }
0x97: {  	_ =	strace $0x8FFFFFFF  }
0x98: {  	s18 =	sld [smem:$0x3FDB];
	_ =	sdelay $0x1  }
0x99: {  	s19 =	simm.s32 $_scs_section_size  }
0x9a: {  	s4 =	simm.s32 $_size__tile_overlayer_lowered;
	s5 =	simm.s32 $_tile_overlayer_lowered  }
0x9b: {  	s22 =	simm.s32 $0x1BFF;
	s21 =	sshll.u32 s5, $0x1;
	s2 =	sadd.s32 s19, s18  }
0x9c: {  	s6 =	simm.s32 $0x0;
	s20 =	sshll.u32 s4, $0x1;
	s4 =	sadd.s32 s21, s2  }
0x9d: {  	[timem:s6], [sflag:s22] =	dma.local [hbm:s4], s20  }
0x9e: {  	_ =	swait.ge [sflag:s22], s20  }
0x9f: {  	s3 =	ssub.s32 $0x0, s20;
	[sflag:s22] =	ssyncset.done $0x0  }
0xa0: {  	[sflag:s22] =	ssyncadd.s32 s3;
	_ =	sdelay $0x1  }
0xa1: {  	s23 =	simm.s32 $0x1B8B  }
0xa2: {  	_ =	swait.ge [sflag:s23], $0x1  }
0xa3: {  	[sflag:s23] =	ssyncset.done $0x0  }
0xa4: {  	s25 =	simm.s32 $0x1B8E;
	s24 =	sld [smem:$0x3FFE];
	[sflag:s23] =	ssyncadd.s32 $0xFFFFFFFF  }
0xa5: {  	s26 =	simm.s32 $execute0_lowered;
	[smem:$0x3FD2] =	sst s25  }
0xa6: {  	s4 =	sshll.u32 s26, $0x1;
	_ =	strace $0x80000046;
	[dreg:$0x1] =	wrdreg $0xFFFFFFFF  }
0xa7: {  	s28 =	simm.s32 $_size_execute0_lowered;
	s2 =	sadd.s32 s2, s4;
	[dreg:$0x0] =	wrdreg $0x0  }
0xa8: {  	s4 =	sshll.u32 s28, $0x1;
	[dreg:$0x2] =	wrdreg s2  }
0xa9: {  	[dreg:$0x3] =	wrdreg s4  }
0xaa: {  	[dreg:$0x4] =	wrdreg $0xC0  }
0xab: {  	_ =	task [dreg:s6], $0x5FFFF  }
0xac: {  	[dreg:$0x1] =	wrdreg $0xFFFFFFFF  }
0xad: {  	[dreg:$0x0] =	wrdreg $0x60  }
0xae: {  	[dreg:$0x2] =	wrdreg s24  }
0xaf: {  	[dreg:$0x3] =	wrdreg $0xA3000  }
0xb0: {  	[dreg:$0x4] =	wrdreg $0x1DE800  }
0xb1: {  	[dreg:$0x5] =	wrdreg $0x9  }
0xb2: {  	_ =	task.clear_ibuf [dreg:s6], $0x6FFFF;
	_ =	strace $0x90000046  }
0xb3: {  	s29 =	simm.s32 $0x9;
	_ =	strace $0x80000048  }
0xb4: {  	_ =	swait.ge [sflag:s29], $0x1  }
0xb5: {  	[sflag:s29] =	ssyncadd.s32 $0xFFFFFFFF  }
0xb6: {  	_ =	strace $0x90000048  }
0xb7: {  	_ =	sfence  }
0xb8: {  	s30 =	sld [smem:$0x0];
	_ =	sdelay $0x2  }
0xb9: {  	s31 =	sshll.u32 s1, $0xD;
	s1 =	sshrl.u32 s1, $0x2  }
0xba: {  	s3 =	sand.u32 $0x4000, s31;
	s1 =	sadd.s32 s1, s30  }
0xbb: {  	s0 =	sor.u32 s3, s0;
	s1 =	sshll.u32 s1, $0x11  }
0xbc: {  	s0 =	sor.u32 s1, s0  }
0xbd: {  	s0 =	sadd.s32 $0x8F2B, s0  }
0xbe: {  	[sflag:s0] =	ssyncadd.remote.s32 $0x1  }
0xbf: {  	_ =	sfence.sel $0xFFFF  }
0xc0: {  	[dreg:$0x0] =	wrdreg $0xFFFFFFFF;
	(pc) =	sbr.abs _section_cstart, $3  }
0xc1: {  	[dreg:$0x1] =	wrdreg $0xFFFFFFFF  }
0xc2: {  	_ =	task.clear_ibuf [dreg:s6], $0x2FFFF;
	_ =	strace $0x9FFFFFFF  }
0xc3: {  	(tm) =	ssettm $0x7FFFFFFF  }
tec
execute0_lowered:
.L_overlay_start_1:
0x0: {  	(tag) =	ssettag $0x1  }
0x1: {  	s0 =	rddreg [dreg:$0x0]  }
0x2: {  	s1 =	rddreg [dreg:$0x1]  }
0x3: {  	s2 =	rddreg [dreg:$0x2];
	s3 =	simm.s32 $0x0;
	s4 =	srdreg.scid  }
0x4: {  	s16 =	stileid.u32;
	[smem:$0x7FF] =	sst s3  }
0x5: {  	s5 =	sadd.s32 $0x16A00, s0;
	s6 =	sadd.s32 $0xCC00, s0;
	s9 =	smul.u32 $0x4E000, s16  }
0x6: {  	s4 =	sand.u32 $0x1, s4;
	s7 =	sadd.s32 $0x2E00, s0;
	s12 =	smul.u32 $0x270, s16  }
0x7: {  	s10 =	sadd.s32 $0x3E600, s0;
	s0 =	sadd.s32 $0x3DC00, s0;
	s15 =	smul.u32 $0x2710, s16  }
0x8: {  	p0 =	sne.s32 s16, $0xF;
	s31 =	sadd.s32 $0x138000, s1;
	_ =	strace $0x80000047  }
0x9: {  	s8 =	ssub.s32 $0x2, s4;
	s17 =	sshll.u32 s4, $0x4;
	s19 =	smul.u32 $0x2710, s4  }
0xa: {  	s4 =	smul.u32 $0x27100, s4;
	[dreg:$0x1b] =	wrdreg s31;
	s11 =	sshrl.u32 s8, $0x1  }
0xb: {  	s9 =	sshrl.u32 s9, $0x2;
	s29 =	sadd.s32 s12, s2;
	s8 =	ssub.s32 s8, s11  }
0xc: {  	s11 =	sor.u32 s16, s17;
	s28 =	sadd.s32 s9, s1;
	[dreg:$0xf] =	wrdreg s29  }
0xd: {  	s22 =	sadd.s32 s12, s19;
	s9 =	sadd.s32 $0x2700, s28;
	[dreg:$0x8] =	wrdreg s28  }
0xe: {  	s4 =	sadd.s32 s15, s4;
	s18 =	sadd.s32 $0x4E00, s28;
	[dreg:$0x9] =	wrdreg s9  }
0xf: {  	s16 =	simm.s32 $0x280;
	s13 =	sadd.s32 $0x7500, s28;
	[dreg:$0xa] =	wrdreg s18  }
0x10: {  	s20 =	sadd.s32 $0x9C00, s28;
	s11 =	smul.u32 $0x2710, s11;
	[dreg:$0xb] =	wrdreg s13  }
0x11: {  	s21 =	sadd.s32 $0xC300, s28;
	s14 =	sadd.s32 $0xEA00, s28;
	[dreg:$0xc] =	wrdreg s20  }
0x12: {  	s23 =	sshll.u32 s22, $0x4;
	s25 =	sshrl.u32 s22, $0x3;
	[dreg:$0xd] =	wrdreg s21  }
0x13: {  	s30 =	sadd.s32 $0x140, s4;
	s17 =	sadd.s32 $0xA0, s4;
	[dreg:$0xe] =	wrdreg s14  }
0x14: {  	s24 =	sadd.s32 s10, s23;
	s9 =	sadd.s32 $0x2700, s19;
	s12 =	sadd.s32 s0, s25  }
0x15: {  	s14 =	sshrl.u32 s30, $0x3;
	s25 =	sadd.s32 $0xF0, s4;
	s30 =	sadd.s32 $0x2700, s2  }
0x16: {  	s4 =	simm.s32 $0x180;
	s13 =	simm.s32 $0x300;
	[dreg:$0x10] =	wrdreg s24  }
0x17: {  	s11 =	sshrl.u32 s11, $0x3;
	[dreg:$0x11] =	wrdreg s12;
	s26 =	sshll.u32 s9, $0x4  }
0x18: {  	s9 =	sshrl.u32 s9, $0x3;
	s15 =	sadd.s32 s14, s7;
	[dreg:$0x19] =	wrdreg s25  }
0x19: {  	s18 =	sadd.s32 s14, s6;
	s24 =	smax.u32 s8, $0x1;
	[dreg:$0x1c] =	wrdreg s30  }
0x1a: {  	s12 =	simm.s32 $0x50;
	s14 =	simm.s32 $0x100;
	[dreg:$0x4] =	wrdreg s15  }
0x1b: {  	s25 =	simm.s32 $0x0;
	s10 =	sadd.s32 s10, s26;
	[dreg:$0x5] =	wrdreg s18  }
0x1c: {  	s0 =	sadd.s32 s0, s9;
	s9 =	sshrl.u32 s17, $0x3;
	[dreg:$0x18] =	wrdreg s24  }
0x1d: {  	s19 =	sadd.s32 s6, s11;
	s21 =	sadd.s32 $0xA, s11;
	[dreg:$0x12] =	wrdreg s10  }
0x1e: {  	s22 =	sadd.s32 s7, s11;
	s26 =	sadd.s32 $0x11100, s28;
	[dreg:$0x13] =	wrdreg s0  }
0x1f: {  	s11 =	simm.s32 $0x4;
	s17 =	simm.s32 $0x5;
	[dreg:$0x14] =	wrdreg s19  }
0x20: {  	s18 =	simm.s32 $0x2B00;
	s24 =	simm.s32 $0x2;
	[dreg:$0x15] =	wrdreg s22  }
0x21: {  	s20 =	sadd.s32 s9, s7;
	s9 =	sadd.s32 s9, s6;
	[dreg:$0x1a] =	wrdreg s26  }
0x22: {  	s23 =	sadd.s32 s6, s21;
	s0 =	sadd.s32 s7, s21;
	[dreg:$0x6] =	wrdreg s20  }
0x23: {  	s10 =	simm.s32 $0x200;
	s19 =	simm.s32 $0x1;
	[dreg:$0x7] =	wrdreg s9  }
0x24: {  	s21 =	simm.s32 $0x7;
	s22 =	simm.s32 $0x6;
	[dreg:$0x16] =	wrdreg s23  }
0x25: {  	s26 =	simm.s32 $0x8;
	[dreg:$0x17] =	wrdreg s0;
	s9 =	simm.s32 $0x80  }
0x26: {  	v0 =	vimm.f32 $0.0e+00;
	v1 =	vimm.f32 $1.000000000e+00;
	s20 =	simm.s32 $0x1DB80;
	s23 =	simm.s32 $0x5300;
	s0 =	simm.s32 $0x3  }
.LBB2_1:
0x27: {  	[dreg:$0x1d] =	wrdreg s25;
	s8 =	simm.s32 $0x0;
	s15 =	simm.s32 $0x200  }
.LBB2_2:
0x28: {  	p1 =	sne.s32 s15, $0x9A00;
	[tilespmem:s8+$0x7B70] =	vst v0  }
0x29: {  	[tilespmem:s8+$0x7B00] =	vst v0  }
0x2a: {  	[tilespmem:s8+$0x7B10] =	vst v0  }
.Ltmp0:
0x2b: {  	[tilespmem:s8+$0x7B20] =	vst v0;
	(pc) =	sbr.rel @p1 .LBB2_2-.Ltmp0, $4  }
0x2c: {  	[tilespmem:s8+$0x7B30] =	vst v0  }
0x2d: {  	[tilespmem:s8+$0x7B40] =	vst v0  }
0x2e: {  	[tilespmem:s8+$0x7B50] =	vst v0  }
0x2f: {  	[tilespmem:s8+$0x7B60] =	vst v0;
	s8 =	sshra.s32 s15, $0x2;
	s15 =	sadd.s32 $0x200, s15  }
0x30: {  	[tilespmem:s8+$0x7B70] =	vst v0  }
0x31: {  	[tilespmem:s8+$0x7B00] =	vst v0  }
0x32: {  	[tilespmem:s8+$0x7B10] =	vst v0  }
0x33: {  	[tilespmem:s8+$0x7B20] =	vst v0  }
0x34: {  	[tilespmem:s8+$0x7B30] =	vst v0  }
0x35: {  	[tilespmem:s8+$0x7B40] =	vst v0  }
0x36: {  	[tilespmem:s8+$0x7B50] =	vst v0  }
0x37: {  	[tilespmem:s8+$0x7B60] =	vst v0;
	s15 =	simm.s32 $0x7B00;
	s25 =	simm.s32 $0xA  }
0x38: {  	[spmem:s28] =	stream.linear.scatter [tilespmem:s15], [sflag:$0xA], $0x2700, $0x38;
	[tilespmem:$0x1E0F8] =	vst v63  }
0x39: {  	_ =	swait.ge [sflag:s25], $0x2700  }
0x3a: {  	[sflag:s25] =	ssyncset.done $0x0  }
0x3b: {  	s30 =	rddreg [dreg:$0x9];
	[sflag:s25] =	ssyncadd.s32 $0xFFFFD900  }
0x3c: {  	[spmem:s30] =	stream.linear.scatter [tilespmem:s15], [sflag:$0xA], $0x2700, $0x38;
	[tilespmem:$0x1E0F8] =	vst v63  }
0x3d: {  	_ =	swait.ge [sflag:s25], $0x2700  }
0x3e: {  	[sflag:s25] =	ssyncset.done $0x0  }
0x3f: {  	s30 =	rddreg [dreg:$0xa];
	[sflag:s25] =	ssyncadd.s32 $0xFFFFD900  }
0x40: {  	[spmem:s30] =	stream.linear.scatter [tilespmem:s15], [sflag:$0xA], $0x2700, $0x38;
	[tilespmem:$0x1E0F8] =	vst v63  }
0x41: {  	_ =	swait.ge [sflag:s25], $0x2700  }
0x42: {  	[sflag:s25] =	ssyncset.done $0x0  }
0x43: {  	s30 =	rddreg [dreg:$0xb];
	[sflag:s25] =	ssyncadd.s32 $0xFFFFD900  }
0x44: {  	[spmem:s30] =	stream.linear.scatter [tilespmem:s15], [sflag:$0xA], $0x2700, $0x38;
	[tilespmem:$0x1E0F8] =	vst v63  }
0x45: {  	_ =	swait.ge [sflag:s25], $0x2700  }
0x46: {  	[sflag:s25] =	ssyncset.done $0x0  }
0x47: {  	s30 =	rddreg [dreg:$0xc];
	[sflag:s25] =	ssyncadd.s32 $0xFFFFD900  }
0x48: {  	[spmem:s30] =	stream.linear.scatter [tilespmem:s15], [sflag:$0xA], $0x2700, $0x38;
	[tilespmem:$0x1E0F8] =	vst v63  }
0x49: {  	_ =	swait.ge [sflag:s25], $0x2700  }
0x4a: {  	[sflag:s25] =	ssyncset.done $0x0  }
0x4b: {  	s30 =	rddreg [dreg:$0xd];
	[sflag:s25] =	ssyncadd.s32 $0xFFFFD900  }
0x4c: {  	[spmem:s30] =	stream.linear.scatter [tilespmem:s15], [sflag:$0xA], $0x2700, $0x38;
	[tilespmem:$0x1E0F8] =	vst v63  }
0x4d: {  	_ =	swait.ge [sflag:s25], $0x2700  }
0x4e: {  	[sflag:s25] =	ssyncset.done $0x0  }
0x4f: {  	s30 =	rddreg [dreg:$0xe];
	[sflag:s25] =	ssyncadd.s32 $0xFFFFD900  }
0x50: {  	[spmem:s30] =	stream.linear.scatter [tilespmem:s15], [sflag:$0xA], $0x2700, $0x38;
	[tilespmem:$0x1E0F8] =	vst v63  }
0x51: {  	_ =	swait.ge [sflag:s25], $0x2700  }
0x52: {  	[sflag:s25] =	ssyncset.done $0x0  }
0x53: {  	s30 =	rddreg [dreg:$0x1a];
	[sflag:s25] =	ssyncadd.s32 $0xFFFFD900  }
0x54: {  	[spmem:s30] =	stream.linear.scatter [tilespmem:s15], [sflag:$0xA], $0x2700, $0x38;
	[tilespmem:$0x1E0F8] =	vst v63  }
0x55: {  	_ =	swait.ge [sflag:s25], $0x2700  }
0x56: {  	[sflag:s25] =	ssyncset.done $0x0  }
0x57: {  	[sflag:s25] =	ssyncadd.s32 $0xFFFFD900  }
0x58: {  	[tilespmem:$0x1DB80] =	vst v1  }
0x59: {  	[tilespmem:$0x1DB90] =	vst v1  }
0x5a: {  	[tilespmem:$0x1DBA0] =	vst v1  }
0x5b: {  	[tilespmem:$0x1DBB0] =	vst v1  }
0x5c: {  	[tilespmem:$0x1DBC0] =	vst v1  }
0x5d: {  	[tilespmem:$0x1DC00] =	vst v0  }
0x5e: {  	[tilespmem:$0x1DC10] =	vst v0  }
0x5f: {  	[tilespmem:$0x1DC20] =	vst v0  }
0x60: {  	[tilespmem:$0x1DC30] =	vst v0  }
0x61: {  	[tilespmem:$0x1DC40] =	vst v0  }
0x62: {  	[tilespmem:$0x1DC50] =	vst v0  }
0x63: {  	[tilespmem:$0x1DC60] =	vst v0  }
0x64: {  	[tilespmem:$0x1DC70] =	vst v0  }
0x65: {  	[tilespmem:$0x1DC80] =	vst v0  }
0x66: {  	[tilespmem:$0x1DC90] =	vst v0  }
0x67: {  	[tilespmem:$0x1DCA0] =	vst v0  }
0x68: {  	[tilespmem:$0x1DCB0] =	vst v0  }
0x69: {  	[tilespmem:$0x1DCC0] =	vst v0  }
0x6a: {  	[tilespmem:$0x1DCD0] =	vst v0  }
0x6b: {  	[tilespmem:$0x1DCE0] =	vst v0  }
0x6c: {  	[tilespmem:$0x1DCF0] =	vst v0  }
0x6d: {  	[tilespmem:$0x1DD00] =	vst v0  }
0x6e: {  	[tilespmem:$0x1DD10] =	vst v0  }
0x6f: {  	[tilespmem:$0x1DD20] =	vst v0  }
0x70: {  	[tilespmem:$0x1DD30] =	vst v0  }
0x71: {  	[tilespmem:$0x1DD40] =	vst v0  }
0x72: {  	[tilespmem:$0x1DD50] =	vst v0  }
0x73: {  	[tilespmem:$0x1DD60] =	vst v0  }
0x74: {  	[tilespmem:$0x1DD70] =	vst v0  }
0x75: {  	[tilespmem:$0x1DD80] =	vst v0  }
0x76: {  	[tilespmem:$0x1DD90] =	vst v0  }
0x77: {  	[tilespmem:$0x1DDA0] =	vst v0  }
0x78: {  	[tilespmem:$0x1DDB0] =	vst v0  }
0x79: {  	[tilespmem:$0x1DDC0] =	vst v0  }
0x7a: {  	[tilespmem:$0x1DDD0] =	vst v0  }
0x7b: {  	[tilespmem:$0x1DDE0] =	vst v0  }
0x7c: {  	[tilespmem:$0x1DDF0] =	vst v0  }
0x7d: {  	[tilespmem:$0x1DE00] =	vst v0  }
0x7e: {  	[tilespmem:$0x1DE10] =	vst v0  }
0x7f: {  	[tilespmem:$0x1DE20] =	vst v0  }
0x80: {  	[tilespmem:$0x1DE30] =	vst v0  }
0x81: {  	[tilespmem:$0x1DE40] =	vst v0  }
0x82: {  	[tilespmem:$0x1DE50] =	vst v0  }
0x83: {  	s15 =	simm.s32 $0x1DC00;
	[tilespmem:$0x1DE60] =	vst v0  }
0x84: {  	[spmem:s29] =	stream.linear.scatter [tilespmem:s15], [sflag:$0xA], $0x270, $0x38;
	[tilespmem:$0x1E0F8] =	vst v63  }
0x85: {  	_ =	swait.ge [sflag:s25], $0x270  }
0x86: {  	[sflag:s25] =	ssyncset.done $0x0  }
0x87: {  	s8 =	simm.s32 @!p0 $0x7B00;
	[sflag:s25] =	ssyncadd.s32 $0xFFFFFD90  }
0x88: {  	[spmem:s31] =	stream.linear.scatter @!p0 [tilespmem:s8], [sflag:$0xA], $0x800, $0x38;
	[tilespmem:$0x1E0F8] =	vst v63  }
0x89: {  	s8 =	simm.s32 @!p0 $0xA  }
0x8a: {  	_ =	swait.ge @!p0 [sflag:s8], $0x800  }
0x8b: {  	[sflag:s8] =	ssyncset.done @!p0 $0x0  }
0x8c: {  	s15 =	simm.s32 @!p0 $0x1DC00;
	s25 =	rddreg [dreg:$0x1c];
	[sflag:s8] =	ssyncadd.s32 @!p0 $0xFFFFF800  }
0x8d: {  	[spmem:s25] =	stream.linear.scatter @!p0 [tilespmem:s15], [sflag:$0xA], $0x10, $0x38;
	[tilespmem:$0x1E0F8] =	vst v63  }
0x8e: {  	_ =	swait.ge @!p0 [sflag:s8], $0x10  }
0x8f: {  	[sflag:s8] =	ssyncset.done @!p0 $0x0  }
0x90: {  	[sflag:s8] =	ssyncadd.s32 @!p0 $0xFFFFFFF0  }
0x91: {  	[bflag:$0x0] =	sbarrier.arrive $0xFFFF  }
0x92: {  	s8 =	simm.s32 $0x0;
	s30 =	rddreg [dreg:$0x14]  }
0x93: {  	[tilespmem:s8], [sflag:$0x4] =	stream.linear.gather [hbm4b:s30+s8], $0x50, $0x38;
	[tilespmem:$0x1E0F8] =	vst v63  }
0x94: {  	s31 =	rddreg [dreg:$0x15]  }
0x95: {  	[tilespmem:s4], [sflag:$0x4] =	stream.linear.gather [hbm4b:s31+s8], $0x50, $0x38;
	[tilespmem:$0x1E0F8] =	vst v63  }
0x96: {  	s25 =	rddreg [dreg:$0x16]  }
0x97: {  	[tilespmem:s9], [sflag:$0x5] =	stream.linear.gather [hbm4b:s25+s8], $0x50, $0x38;
	[tilespmem:$0x1E0F8] =	vst v63  }
0x98: {  	s30 =	rddreg [dreg:$0x17]  }
0x99: {  	[tilespmem:s10], [sflag:$0x5] =	stream.linear.gather [hbm4b:s30+s8], $0x50, $0x38;
	[tilespmem:$0x1E0F8] =	vst v63  }
0x9a: {  	_ =	swait.ge [sflag:s11], $0x50  }
0x9b: {  	[sflag:s11] =	ssyncset.done $0x0  }
0x9c: {  	[sflag:s11] =	ssyncadd.s32 $0xFFFFFFB0  }
0x9d: {  	_ =	swait.ge [sflag:s11], $0x50  }
0x9e: {  	p1 =	por $0x1, $0x1;
	[sflag:s11] =	ssyncset.done $0x0  }
0x9f: {  	p1 =	por p1, p1;
	[sflag:s11] =	ssyncadd.s32 $0xFFFFFFB0  }
0xa0: {  	[tilespmem:s13], [sflag:$0x1] =	stream.indirect.gather [hbm4b:s5+s12], $0x80, s8, s12, $0xb8;
	[tilespmem:$0x1E0F8] =	vst v63  }
0xa1: {  	s8 =	simm.s32 @!p1 $0x9  }
0xa2: {  	_ =	swait.ge @!p1 [sflag:s8], $0x2800  }
0xa3: {  	[sflag:s8] =	ssyncset.done @!p1 $0x0  }
0xa4: {  	[sflag:s8] =	ssyncadd.s32 @!p1 $0xFFFFD800  }
0xa5: {  	_ =	swait.ge @!p1 [sflag:s8], $0x50  }
0xa6: {  	s31 =	rddreg [dreg:$0x7];
	[sflag:s8] =	ssyncset.done @!p1 $0x0  }
0xa7: {  	s28 =	rddreg [dreg:$0x6];
	[sflag:s8] =	ssyncadd.s32 @!p1 $0xFFFFFFB0;
	s15 =	sadd.s32 $0x0, s31  }
0xa8: {  	[tilespmem:s14], [sflag:$0x6] =	stream.linear.gather [hbm4b:s15+s3], $0x50, $0x38;
	[tilespmem:$0x1E0F8] =	vst v63  }
0xa9: {  	s25 =	sadd.s32 $0x0, s28  }
0xaa: {  	[tilespmem:s16], [sflag:$0x6] =	stream.linear.gather [hbm4b:s25+s3], $0x50, $0x38;
	[tilespmem:$0x1E0F8] =	vst v63  }
0xab: {  	_ =	swait.ge [sflag:s17], $0x50  }
0xac: {  	[sflag:s17] =	ssyncset.done $0x0  }
0xad: {  	[sflag:s17] =	ssyncadd.s32 $0xFFFFFFB0  }
0xae: {  	_ =	swait.ge [sflag:s17], $0x50  }
0xaf: {  	[sflag:s17] =	ssyncset.done $0x0  }
0xb0: {  	[sflag:s17] =	ssyncadd.s32 $0xFFFFFFB0  }
0xb1: {  	[tilespmem:s18], [sflag:$0x2] =	stream.indirect.gather [hbm4b:s5+s12], $0x80, s9, s12, $0xb8;
	[tilespmem:$0x1E0F8] =	vst v63  }
0xb2: {  	_ =	swait.ge [sflag:s19], $0x2800  }
0xb3: {  	[sflag:s19] =	ssyncset.done $0x0  }
0xb4: {  	[sflag:s19] =	ssyncadd.s32 $0xFFFFD800  }
0xb5: {  	[spmem:s1] =	stream.indirect.scatter.add.f32 [tilespmem:s13], [sflag:$0x7], $0x80, s4, s12, $0xb8;
	[tilespmem:$0x1E0F8] =	vst v63  }
0xb6: {  	_ = 	snop  }
0xb7: {  	[spmem:s2] =	stream.indirect.scatter.add.f32 [tilespmem:s20], [sflag:$0x7], $0x1, s4, s12, $0xb8;
	[tilespmem:$0x1E0F8] =	vst v63  }
0xb8: {  	_ =	swait.ge [sflag:s21], $0x2800  }
0xb9: {  	[sflag:s21] =	ssyncset.done $0x0  }
0xba: {  	[sflag:s21] =	ssyncadd.s32 $0xFFFFD800  }
0xbb: {  	_ =	swait.ge [sflag:s21], $0x50  }
0xbc: {  	s25 =	rddreg [dreg:$0x19]  }
0xbd: {  	[sflag:s21] =	ssyncset.done $0x0;
	s30 =	sshrl.u32 s25, $0x3  }
0xbe: {  	[sflag:s21] =	ssyncadd.s32 $0xFFFFFFB0;
	s31 =	sadd.s32 s6, s30  }
0xbf: {  	[tilespmem:s3], [sflag:$0x4] =	stream.linear.gather [hbm4b:s31+s3], $0x50, $0x38;
	[tilespmem:$0x1E0F8] =	vst v63  }
0xc0: {  	s8 =	sadd.s32 s7, s30  }
0xc1: {  	[tilespmem:s4], [sflag:$0x4] =	stream.linear.gather [hbm4b:s8+s3], $0x50, $0x38;
	[tilespmem:$0x1E0F8] =	vst v63  }
0xc2: {  	_ =	swait.ge [sflag:s22], $0x50  }
0xc3: {  	[sflag:s22] =	ssyncset.done $0x0  }
0xc4: {  	[sflag:s22] =	ssyncadd.s32 $0xFFFFFFB0  }
0xc5: {  	_ =	swait.ge [sflag:s22], $0x50  }
0xc6: {  	[sflag:s22] =	ssyncset.done $0x0  }
0xc7: {  	[sflag:s22] =	ssyncadd.s32 $0xFFFFFFB0  }
0xc8: {  	[tilespmem:s23], [sflag:$0x3] =	stream.indirect.gather [hbm4b:s5+s12], $0x80, s14, s12, $0xb8;
	[tilespmem:$0x1E0F8] =	vst v63  }
0xc9: {  	_ =	swait.ge [sflag:s24], $0x2800  }
0xca: {  	[sflag:s24] =	ssyncset.done $0x0  }
0xcb: {  	[sflag:s24] =	ssyncadd.s32 $0xFFFFD800  }
0xcc: {  	[spmem:s1] =	stream.indirect.scatter.add.f32 [tilespmem:s18], [sflag:$0x8], $0x80, s10, s12, $0xb8;
	[tilespmem:$0x1E0F8] =	vst v63  }
0xcd: {  	_ = 	snop  }
0xce: {  	[spmem:s2] =	stream.indirect.scatter.add.f32 [tilespmem:s20], [sflag:$0x8], $0x1, s10, s12, $0xb8;
	[tilespmem:$0x1E0F8] =	vst v63  }
0xcf: {  	_ =	swait.ge [sflag:s26], $0x2800  }
0xd0: {  	[sflag:s26] =	ssyncset.done $0x0  }
0xd1: {  	[sflag:s26] =	ssyncadd.s32 $0xFFFFD800  }
0xd2: {  	_ =	swait.ge [sflag:s26], $0x50  }
0xd3: {  	s15 =	rddreg [dreg:$0x5];
	[sflag:s26] =	ssyncset.done $0x0  }
0xd4: {  	s30 =	rddreg [dreg:$0x4];
	[sflag:s26] =	ssyncadd.s32 $0xFFFFFFB0;
	s8 =	sadd.s32 $0x0, s15  }
0xd5: {  	[tilespmem:s9], [sflag:$0x5] =	stream.linear.gather [hbm4b:s8+s3], $0x50, $0x38;
	[tilespmem:$0x1E0F8] =	vst v63  }
0xd6: {  	s31 =	sadd.s32 $0x0, s30  }
0xd7: {  	[tilespmem:s10], [sflag:$0x5] =	stream.linear.gather [hbm4b:s31+s3], $0x50, $0x38;
	[tilespmem:$0x1E0F8] =	vst v63  }
0xd8: {  	_ =	swait.ge [sflag:s11], $0x50  }
0xd9: {  	[sflag:s11] =	ssyncset.done $0x0  }
0xda: {  	[sflag:s11] =	ssyncadd.s32 $0xFFFFFFB0  }
0xdb: {  	_ =	swait.ge [sflag:s11], $0x50  }
0xdc: {  	[sflag:s11] =	ssyncset.done $0x0  }
0xdd: {  	[sflag:s11] =	ssyncadd.s32 $0xFFFFFFB0  }
0xde: {  	[tilespmem:s13], [sflag:$0x1] =	stream.indirect.gather [hbm4b:s5+s12], $0x80, s3, s12, $0xb8;
	[tilespmem:$0x1E0F8] =	vst v63  }
0xdf: {  	p6 =	por $0x0, $0x0;
	_ =	swait.ge [sflag:s0], $0x2800  }
0xe0: {  	s28 =	simm.s32 $0x1E;
	p1 =	por p6, p6;
	[sflag:s0] =	ssyncset.done $0x0  }
0xe1: {  	s29 =	sadd.s32 $0xF0, s25;
	s8 =	simm.s32 $0x3C;
	[sflag:s0] =	ssyncadd.s32 $0xFFFFD800  }
0xe2: {  	[spmem:s1] =	stream.indirect.scatter.add.f32 [tilespmem:s23], [sflag:$0x9], $0x80, s16, s12, $0xb8;
	[tilespmem:$0x1E0F8] =	vst v63  }
.LBB2_4:
0xe3: {  	[spmem:s2] =	stream.indirect.scatter.add.f32 [tilespmem:s20], [sflag:$0x9], $0x1, s16, s12, $0xb8;
	[tilespmem:$0x1E0F8] =	vst v63  }
0xe4: {  	s30 =	simm.s32 @!p1 $0x9  }
0xe5: {  	_ =	swait.ge @!p1 [sflag:s30], $0x2800  }
0xe6: {  	[sflag:s30] =	ssyncset.done @!p1 $0x0  }
0xe7: {  	[sflag:s30] =	ssyncadd.s32 @!p1 $0xFFFFD800  }
0xe8: {  	_ =	swait.ge @!p1 [sflag:s30], $0x50  }
0xe9: {  	s25 =	rddreg [dreg:$0x7];
	[sflag:s30] =	ssyncset.done @!p1 $0x0  }
0xea: {  	s31 =	rddreg [dreg:$0x6];
	[sflag:s30] =	ssyncadd.s32 @!p1 $0xFFFFFFB0;
	s25 =	sadd.s32 s28, s25  }
0xeb: {  	[tilespmem:s14], [sflag:$0x6] =	stream.linear.gather [hbm4b:s25+s3], $0x50, $0x38;
	[tilespmem:$0x1E0F8] =	vst v63  }
0xec: {  	s30 =	sadd.s32 s28, s31  }
0xed: {  	[tilespmem:s16], [sflag:$0x6] =	stream.linear.gather [hbm4b:s30+s3], $0x50, $0x38;
	[tilespmem:$0x1E0F8] =	vst v63  }
0xee: {  	_ =	swait.ge [sflag:s17], $0x50  }
0xef: {  	[sflag:s17] =	ssyncset.done $0x0  }
0xf0: {  	[sflag:s17] =	ssyncadd.s32 $0xFFFFFFB0  }
0xf1: {  	_ =	swait.ge [sflag:s17], $0x50  }
0xf2: {  	[sflag:s17] =	ssyncset.done $0x0  }
0xf3: {  	[sflag:s17] =	ssyncadd.s32 $0xFFFFFFB0  }
0xf4: {  	[tilespmem:s18], [sflag:$0x2] =	stream.indirect.gather [hbm4b:s5+s12], $0x80, s9, s12, $0xb8;
	[tilespmem:$0x1E0F8] =	vst v63  }
0xf5: {  	_ =	swait.ge [sflag:s19], $0x2800  }
0xf6: {  	[sflag:s19] =	ssyncset.done $0x0  }
0xf7: {  	[sflag:s19] =	ssyncadd.s32 $0xFFFFD800  }
0xf8: {  	[spmem:s1] =	stream.indirect.scatter.add.f32 [tilespmem:s13], [sflag:$0x7], $0x80, s4, s12, $0xb8;
	[tilespmem:$0x1E0F8] =	vst v63  }
0xf9: {  	_ = 	snop  }
0xfa: {  	[spmem:s2] =	stream.indirect.scatter.add.f32 [tilespmem:s20], [sflag:$0x7], $0x1, s4, s12, $0xb8;
	[tilespmem:$0x1E0F8] =	vst v63  }
0xfb: {  	_ =	swait.ge [sflag:s21], $0x2800  }
0xfc: {  	[sflag:s21] =	ssyncset.done $0x0  }
0xfd: {  	[sflag:s21] =	ssyncadd.s32 $0xFFFFD800  }
0xfe: {  	_ =	swait.ge [sflag:s21], $0x50  }
0xff: {  	s25 =	sshrl.u32 s29, $0x3;
	[sflag:s21] =	ssyncset.done $0x0  }
0x100: {  	s31 =	sadd.s32 s6, s25;
	[sflag:s21] =	ssyncadd.s32 $0xFFFFFFB0  }
0x101: {  	[tilespmem:s3], [sflag:$0x4] =	stream.linear.gather [hbm4b:s31+s3], $0x50, $0x38;
	[tilespmem:$0x1E0F8] =	vst v63  }
0x102: {  	s25 =	sadd.s32 s7, s25  }
0x103: {  	[tilespmem:s4], [sflag:$0x4] =	stream.linear.gather [hbm4b:s25+s3], $0x50, $0x38;
	[tilespmem:$0x1E0F8] =	vst v63  }
0x104: {  	_ =	swait.ge [sflag:s22], $0x50  }
0x105: {  	[sflag:s22] =	ssyncset.done $0x0  }
0x106: {  	[sflag:s22] =	ssyncadd.s32 $0xFFFFFFB0  }
0x107: {  	_ =	swait.ge [sflag:s22], $0x50  }
0x108: {  	[sflag:s22] =	ssyncset.done $0x0  }
0x109: {  	[sflag:s22] =	ssyncadd.s32 $0xFFFFFFB0  }
0x10a: {  	[tilespmem:s23], [sflag:$0x3] =	stream.indirect.gather [hbm4b:s5+s12], $0x80, s14, s12, $0xb8;
	[tilespmem:$0x1E0F8] =	vst v63  }
0x10b: {  	_ =	swait.ge [sflag:s24], $0x2800  }
0x10c: {  	[sflag:s24] =	ssyncset.done $0x0  }
0x10d: {  	[sflag:s24] =	ssyncadd.s32 $0xFFFFD800  }
0x10e: {  	[spmem:s1] =	stream.indirect.scatter.add.f32 [tilespmem:s18], [sflag:$0x8], $0x80, s10, s12, $0xb8;
	[tilespmem:$0x1E0F8] =	vst v63  }
0x10f: {  	_ = 	snop  }
0x110: {  	[spmem:s2] =	stream.indirect.scatter.add.f32 [tilespmem:s20], [sflag:$0x8], $0x1, s10, s12, $0xb8;
	[tilespmem:$0x1E0F8] =	vst v63  }
0x111: {  	_ =	swait.ge [sflag:s26], $0x2800  }
0x112: {  	[sflag:s26] =	ssyncset.done $0x0  }
0x113: {  	[sflag:s26] =	ssyncadd.s32 $0xFFFFD800  }
0x114: {  	_ =	swait.ge [sflag:s26], $0x50  }
0x115: {  	s25 =	rddreg [dreg:$0x5];
	[sflag:s26] =	ssyncset.done $0x0  }
0x116: {  	s31 =	rddreg [dreg:$0x4];
	[sflag:s26] =	ssyncadd.s32 $0xFFFFFFB0;
	s25 =	sadd.s32 s28, s25  }
0x117: {  	[tilespmem:s9], [sflag:$0x5] =	stream.linear.gather [hbm4b:s25+s3], $0x50, $0x38;
	[tilespmem:$0x1E0F8] =	vst v63  }
0x118: {  	s31 =	sadd.s32 s28, s31  }
0x119: {  	[tilespmem:s10], [sflag:$0x5] =	stream.linear.gather [hbm4b:s31+s3], $0x50, $0x38;
	[tilespmem:$0x1E0F8] =	vst v63  }
0x11a: {  	_ =	swait.ge [sflag:s11], $0x50  }
0x11b: {  	[sflag:s11] =	ssyncset.done $0x0  }
0x11c: {  	[sflag:s11] =	ssyncadd.s32 $0xFFFFFFB0  }
0x11d: {  	_ =	swait.ge [sflag:s11], $0x50  }
0x11e: {  	s15 =	smov.u32 s8;
	s8 =	sadd.s32 $0x1E, s8;
	[sflag:s11] =	ssyncset.done $0x0  }
0x11f: {  	p2 =	sne.s32 s8, $0x4CE;
	[sflag:s11] =	ssyncadd.s32 $0xFFFFFFB0  }
0x120: {  	[tilespmem:s13], [sflag:$0x1] =	stream.indirect.gather [hbm4b:s5+s12], $0x80, s3, s12, $0xb8;
	[tilespmem:$0x1E0F8] =	vst v63  }
.Ltmp1:
0x121: {  	_ = 	snop;
	(pc) =	sbr.rel @p2 .LBB2_4-.Ltmp1, $4  }
0x122: {  	p3 =	seq.s32 s15, $0x0;
	_ =	swait.ge [sflag:s0], $0x2800  }
0x123: {  	p1 =	por p3, p3;
	[sflag:s0] =	ssyncset.done $0x0  }
0x124: {  	s29 =	sadd.s32 $0xF0, s29;
	s28 =	smov.u32 s15;
	[sflag:s0] =	ssyncadd.s32 $0xFFFFD800  }
0x125: {  	[spmem:s1] =	stream.indirect.scatter.add.f32 [tilespmem:s23], [sflag:$0x9], $0x80, s16, s12, $0xb8;
	[tilespmem:$0x1E0F8] =	vst v63  }
0x126: {  	[spmem:s2] =	stream.indirect.scatter.add.f32 [tilespmem:s20], [sflag:$0x9], $0x1, s16, s12, $0xb8;
	[tilespmem:$0x1E0F8] =	vst v63  }
0x127: {  	s8 =	simm.s32 @!p1 $0x9  }
0x128: {  	_ =	swait.ge @!p1 [sflag:s8], $0x2800  }
0x129: {  	[sflag:s8] =	ssyncset.done @!p1 $0x0  }
0x12a: {  	[sflag:s8] =	ssyncadd.s32 @!p1 $0xFFFFD800  }
0x12b: {  	_ =	swait.ge @!p1 [sflag:s8], $0x50  }
0x12c: {  	s15 =	rddreg [dreg:$0x7];
	[sflag:s8] =	ssyncset.done @!p1 $0x0  }
0x12d: {  	s25 =	rddreg [dreg:$0x6];
	[sflag:s8] =	ssyncadd.s32 @!p1 $0xFFFFFFB0;
	s30 =	sadd.s32 s28, s15  }
0x12e: {  	[tilespmem:s14], [sflag:$0x6] =	stream.linear.gather [hbm4b:s30+s3], $0x50, $0x38;
	[tilespmem:$0x1E0F8] =	vst v63  }
0x12f: {  	s15 =	sadd.s32 s28, s25  }
0x130: {  	[tilespmem:s16], [sflag:$0x6] =	stream.linear.gather [hbm4b:s15+s3], $0x50, $0x38;
	[tilespmem:$0x1E0F8] =	vst v63  }
0x131: {  	_ =	swait.ge [sflag:s17], $0x50  }
0x132: {  	[sflag:s17] =	ssyncset.done $0x0  }
0x133: {  	[sflag:s17] =	ssyncadd.s32 $0xFFFFFFB0  }
0x134: {  	_ =	swait.ge [sflag:s17], $0x50  }
0x135: {  	[sflag:s17] =	ssyncset.done $0x0  }
0x136: {  	[sflag:s17] =	ssyncadd.s32 $0xFFFFFFB0  }
0x137: {  	[tilespmem:s18], [sflag:$0x2] =	stream.indirect.gather [hbm4b:s5+s12], $0x80, s9, s12, $0xb8;
	[tilespmem:$0x1E0F8] =	vst v63  }
0x138: {  	_ =	swait.ge [sflag:s19], $0x2800  }
0x139: {  	[sflag:s19] =	ssyncset.done $0x0  }
0x13a: {  	[sflag:s19] =	ssyncadd.s32 $0xFFFFD800  }
0x13b: {  	[spmem:s1] =	stream.indirect.scatter.add.f32 [tilespmem:s13], [sflag:$0x7], $0x80, s4, s12, $0xb8;
	[tilespmem:$0x1E0F8] =	vst v63  }
0x13c: {  	_ = 	snop  }
0x13d: {  	[spmem:s2] =	stream.indirect.scatter.add.f32 [tilespmem:s20], [sflag:$0x7], $0x1, s4, s12, $0xb8;
	[tilespmem:$0x1E0F8] =	vst v63  }
0x13e: {  	_ =	swait.ge [sflag:s21], $0x2800  }
0x13f: {  	[sflag:s21] =	ssyncset.done $0x0  }
0x140: {  	[sflag:s21] =	ssyncadd.s32 $0xFFFFD800  }
0x141: {  	_ =	swait.ge [sflag:s21], $0x50  }
0x142: {  	s25 =	sshrl.u32 s29, $0x3;
	[sflag:s21] =	ssyncset.done $0x0  }
0x143: {  	s30 =	sadd.s32 s6, s25;
	[sflag:s21] =	ssyncadd.s32 $0xFFFFFFB0  }
0x144: {  	[tilespmem:s3], [sflag:$0x4] =	stream.linear.gather [hbm4b:s30+s3], $0x50, $0x38;
	[tilespmem:$0x1E0F8] =	vst v63  }
0x145: {  	s8 =	sadd.s32 s7, s25  }
0x146: {  	[tilespmem:s4], [sflag:$0x4] =	stream.linear.gather [hbm4b:s8+s3], $0x50, $0x38;
	[tilespmem:$0x1E0F8] =	vst v63  }
0x147: {  	_ =	swait.ge [sflag:s22], $0x50  }
0x148: {  	[sflag:s22] =	ssyncset.done $0x0  }
0x149: {  	[sflag:s22] =	ssyncadd.s32 $0xFFFFFFB0  }
0x14a: {  	_ =	swait.ge [sflag:s22], $0x50  }
0x14b: {  	[sflag:s22] =	ssyncset.done $0x0  }
0x14c: {  	[sflag:s22] =	ssyncadd.s32 $0xFFFFFFB0  }
0x14d: {  	[tilespmem:s23], [sflag:$0x3] =	stream.indirect.gather [hbm4b:s5+s12], $0x80, s14, s12, $0xb8;
	[tilespmem:$0x1E0F8] =	vst v63  }
0x14e: {  	_ =	swait.ge [sflag:s24], $0x2800  }
0x14f: {  	[sflag:s24] =	ssyncset.done $0x0  }
0x150: {  	[sflag:s24] =	ssyncadd.s32 $0xFFFFD800  }
0x151: {  	[spmem:s1] =	stream.indirect.scatter.add.f32 [tilespmem:s18], [sflag:$0x8], $0x80, s10, s12, $0xb8;
	[tilespmem:$0x1E0F8] =	vst v63  }
0x152: {  	_ = 	snop  }
0x153: {  	[spmem:s2] =	stream.indirect.scatter.add.f32 [tilespmem:s20], [sflag:$0x8], $0x1, s10, s12, $0xb8;
	[tilespmem:$0x1E0F8] =	vst v63  }
0x154: {  	_ =	swait.ge [sflag:s26], $0x2800  }
0x155: {  	[sflag:s26] =	ssyncset.done $0x0  }
0x156: {  	[sflag:s26] =	ssyncadd.s32 $0xFFFFD800  }
0x157: {  	_ =	swait.ge [sflag:s26], $0x50  }
0x158: {  	s25 =	rddreg [dreg:$0x5];
	[sflag:s26] =	ssyncset.done $0x0  }
0x159: {  	s30 =	rddreg [dreg:$0x4];
	[sflag:s26] =	ssyncadd.s32 $0xFFFFFFB0;
	s8 =	sadd.s32 s28, s25  }
0x15a: {  	[tilespmem:s9], [sflag:$0x5] =	stream.linear.gather [hbm4b:s8+s3], $0x50, $0x38;
	[tilespmem:$0x1E0F8] =	vst v63  }
0x15b: {  	s25 =	sadd.s32 s28, s30  }
0x15c: {  	[tilespmem:s10], [sflag:$0x5] =	stream.linear.gather [hbm4b:s25+s3], $0x50, $0x38;
	[tilespmem:$0x1E0F8] =	vst v63  }
0x15d: {  	_ =	swait.ge [sflag:s11], $0x50  }
0x15e: {  	[sflag:s11] =	ssyncset.done $0x0  }
0x15f: {  	[sflag:s11] =	ssyncadd.s32 $0xFFFFFFB0  }
0x160: {  	_ =	swait.ge [sflag:s11], $0x50  }
0x161: {  	[sflag:s11] =	ssyncset.done $0x0  }
0x162: {  	[sflag:s11] =	ssyncadd.s32 $0xFFFFFFB0  }
0x163: {  	[tilespmem:s13], [sflag:$0x1] =	stream.indirect.gather [hbm4b:s5+s12], $0x80, s3, s12, $0xb8;
	[tilespmem:$0x1E0F8] =	vst v63  }
0x164: {  	_ =	swait.ge [sflag:s0], $0x2800  }
0x165: {  	[sflag:s0] =	ssyncset.done $0x0  }
0x166: {  	[sflag:s0] =	ssyncadd.s32 $0xFFFFD800  }
0x167: {  	[spmem:s1] =	stream.indirect.scatter.add.f32 [tilespmem:s23], [sflag:$0x9], $0x80, s16, s12, $0xb8;
	[tilespmem:$0x1E0F8] =	vst v63  }
0x168: {  	s30 =	simm.s32 $0x9  }
0x169: {  	[spmem:s2] =	stream.indirect.scatter.add.f32 [tilespmem:s20], [sflag:$0x9], $0x1, s16, s12, $0xb8;
	[tilespmem:$0x1E0F8] =	vst v63  }
0x16a: {  	_ =	swait.ge [sflag:s30], $0x2800  }
0x16b: {  	[sflag:s30] =	ssyncset.done $0x0  }
0x16c: {  	[sflag:s30] =	ssyncadd.s32 $0xFFFFD800  }
0x16d: {  	_ =	swait.ge [sflag:s30], $0x50  }
0x16e: {  	[sflag:s30] =	ssyncset.done $0x0  }
0x16f: {  	[sflag:s30] =	ssyncadd.s32 $0xFFFFFFB0  }
0x170: {  	_ =	swait.ge [sflag:s17], $0x50  }
0x171: {  	[sflag:s17] =	ssyncset.done $0x0  }
0x172: {  	[sflag:s17] =	ssyncadd.s32 $0xFFFFFFB0  }
0x173: {  	_ =	swait.ge [sflag:s17], $0x50  }
0x174: {  	[sflag:s17] =	ssyncset.done $0x0  }
0x175: {  	[sflag:s17] =	ssyncadd.s32 $0xFFFFFFB0  }
0x176: {  	[tilespmem:s18], [sflag:$0x2] =	stream.indirect.gather [hbm4b:s5+s12], $0x80, s9, s12, $0xb8;
	[tilespmem:$0x1E0F8] =	vst v63  }
0x177: {  	_ =	swait.ge [sflag:s19], $0x2800  }
0x178: {  	[sflag:s19] =	ssyncset.done $0x0  }
0x179: {  	[sflag:s19] =	ssyncadd.s32 $0xFFFFD800  }
0x17a: {  	[spmem:s1] =	stream.indirect.scatter.add.f32 [tilespmem:s13], [sflag:$0x7], $0x80, s4, s12, $0xb8;
	[tilespmem:$0x1E0F8] =	vst v63  }
0x17b: {  	_ = 	snop  }
0x17c: {  	[spmem:s2] =	stream.indirect.scatter.add.f32 [tilespmem:s20], [sflag:$0x7], $0x1, s4, s12, $0xb8;
	[tilespmem:$0x1E0F8] =	vst v63  }
0x17d: {  	_ =	swait.ge [sflag:s21], $0x2800  }
0x17e: {  	[sflag:s21] =	ssyncset.done $0x0  }
0x17f: {  	[sflag:s21] =	ssyncadd.s32 $0xFFFFD800  }
0x180: {  	_ =	swait.ge [sflag:s21], $0x50  }
0x181: {  	[sflag:s21] =	ssyncset.done $0x0  }
0x182: {  	[sflag:s21] =	ssyncadd.s32 $0xFFFFFFB0  }
0x183: {  	_ =	swait.ge [sflag:s24], $0x2800  }
0x184: {  	[sflag:s24] =	ssyncset.done $0x0  }
0x185: {  	[sflag:s24] =	ssyncadd.s32 $0xFFFFD800  }
0x186: {  	[spmem:s1] =	stream.indirect.scatter.add.f32 [tilespmem:s18], [sflag:$0x8], $0x80, s10, s12, $0xb8;
	[tilespmem:$0x1E0F8] =	vst v63  }
0x187: {  	_ = 	snop  }
0x188: {  	[spmem:s2] =	stream.indirect.scatter.add.f32 [tilespmem:s20], [sflag:$0x8], $0x1, s10, s12, $0xb8;
	[tilespmem:$0x1E0F8] =	vst v63  }
0x189: {  	_ =	swait.ge [sflag:s26], $0x2800  }
0x18a: {  	[sflag:s26] =	ssyncset.done $0x0  }
0x18b: {  	[sflag:s26] =	ssyncadd.s32 $0xFFFFD800  }
0x18c: {  	_ =	swait.ge [sflag:s26], $0x50  }
0x18d: {  	[sflag:s26] =	ssyncset.done $0x0  }
0x18e: {  	[sflag:s26] =	ssyncadd.s32 $0xFFFFFFB0  }
0x18f: {  	s15 =	stileid.u32;
	[bflag:$0x0] =	sbarrier.arrive $0xFFFF  }
0x190: {  	s8 =	sshll.u32 s15, $0x6;
	s28 =	rddreg [dreg:$0x8]  }
0x191: {  	s8 =	sor.u32 $0x1C0A, s8;
	s30 =	rddreg [dreg:$0x10];
	s25 =	sshrl.u32 s28, $0x3  }
0x192: {  	[hbm:s30], [sflag:s8] =	dma.local [spmem:s25], $0x2700  }
0x193: {  	s25 =	simm.s32 $0xA  }
0x194: {  	_ =	swait.ge [sflag:s25], $0x2700  }
0x195: {  	[sflag:s25] =	ssyncset.done $0x0  }
0x196: {  	s30 =	simm.s32 $0x1DC00;
	s29 =	rddreg [dreg:$0xf];
	[sflag:s25] =	ssyncadd.s32 $0xFFFFD900  }
0x197: {  	[tilespmem:s30], [sflag:$0xA] =	stream.linear.gather [spmem:s29], $0x270, $0x38;
	[tilespmem:$0x1E0F8] =	vst v63  }
0x198: {  	_ =	swait.ge [sflag:s25], $0x270  }
0x199: {  	[sflag:s25] =	ssyncset.done $0x0  }
0x19a: {  	s15 =	rddreg [dreg:$0x11];
	[sflag:s25] =	ssyncadd.s32 $0xFFFFFD90  }
0x19b: {  	[hbm4b:s15+s3] =	stream.linear.scatter [tilespmem:s30], [sflag:$0xA], $0x270, $0x38;
	[tilespmem:$0x1E0F8] =	vst v63  }
0x19c: {  	_ =	swait.ge [sflag:s25], $0x270  }
0x19d: {  	[sflag:s25] =	ssyncset.done $0x0;
	s31 =	rddreg [dreg:$0x1b]  }
0x19e: {  	[sflag:s25] =	ssyncadd.s32 $0xFFFFFD90;
	s15 =	sshrl.u32 @!p0 s31, $0x3;
	s25 =	rddreg [dreg:$0x12]  }
0x19f: {  	[hbm:s25], [sflag:s8] =	dma.local @!p0 [spmem:s15], $0x100  }
0x1a0: {  	s8 =	simm.s32 @!p0 $0xA  }
0x1a1: {  	_ =	swait.ge @!p0 [sflag:s8], $0x100  }
0x1a2: {  	[sflag:s8] =	ssyncset.done @!p0 $0x0  }
0x1a3: {  	s15 =	simm.s32 @!p0 $0x1DC00;
	s25 =	rddreg [dreg:$0x1c];
	[sflag:s8] =	ssyncadd.s32 @!p0 $0xFFFFFF00  }
0x1a4: {  	[tilespmem:s15], [sflag:$0xA] =	stream.linear.gather @!p0 [spmem:s25], $0x10, $0x38;
	[tilespmem:$0x1E0F8] =	vst v63  }
0x1a5: {  	_ =	swait.ge @!p0 [sflag:s8], $0x10  }
0x1a6: {  	[sflag:s8] =	ssyncset.done @!p0 $0x0  }
0x1a7: {  	s25 =	simm.s32 @!p0 $0x0;
	s30 =	rddreg [dreg:$0x13];
	[sflag:s8] =	ssyncadd.s32 @!p0 $0xFFFFFFF0  }
0x1a8: {  	[hbm4b:s30+s25] =	stream.linear.scatter @!p0 [tilespmem:s15], [sflag:$0xA], $0x10, $0x38;
	[tilespmem:$0x1E0F8] =	vst v63  }
0x1a9: {  	_ =	swait.ge @!p0 [sflag:s8], $0x10  }
0x1aa: {  	s15 =	rddreg [dreg:$0x1d]  }
0x1ab: {  	s30 =	rddreg [dreg:$0x18];
	s25 =	sadd.s32 $0x1, s15  }
0x1ac: {  	p1 =	sne.s32 s25, s30  }
.Ltmp2:
0x1ad: {  	_ = 	snop;
	(pc) =	sbr.rel @p1 .LBB2_1-.Ltmp2, $3  }
0x1ae: {  	_ =	sdelay $0x1  }
0x1af: {  	[sflag:s8] =	ssyncset.done @!p0 $0x0  }
0x1b0: {  	[sflag:s8] =	ssyncadd.s32 @!p0 $0xFFFFFFF0  }
0x1b1: {  	_ =	sfence.sel $0x180000  }
0x1b2: {  	[bflag:$0x0] =	sbarrier.arrive $0xFFFF  }
0x1b3: {  	_ =	strace $0x90000047  }
0x1b4: {  	s0 =	stileid.u32;
	[bflag:$0x2] =	sbarrier.arrive $0xFFFF  }
0x1b5: {  	p0 =	sne.s32 s0, $0x0;
	s0 =	rddreg [dreg:$0x3]  }
0x1b6: {  	s0 =	sadd.s32 @!p0 $0x100000, s0  }
0x1b7: {  	[sflag:s0] =	ssyncadd.tile.s32 @!p0 $0x1;
	_ =	shalt  }
.Lfunc_end2:
_tile_overlayer_lowered:
.L_overlay_start_2:
0x1b8: {  	(tag) =	ssettag $0x2  }
0x1b9: {  	s0 =	rddreg [dreg:$0x0];
	s2 =	stileid.u32  }
0x1ba: {  	s1 =	rddreg [dreg:$0x1];
	p0 =	sne.s32 s2, $0x0  }
0x1bb: {  	s3 =	rddreg [dreg:$0x2];
	[bflag:$0x3] =	sbarrier.arrive $0xFFFF;
	s2 =	simm.s32 @!p0 $0x1C0A  }
0x1bc: {  	[timem:s3], [sflag:s2] =	dma.local @!p0 [hbm:s0], s1  }
0x1bd: {  	s0 =	simm.s32 @!p0 $0xA  }
0x1be: {  	_ =	swait.ge @!p0 [sflag:s0], s1  }
0x1bf: {  	s1 =	ssub.s32 @!p0 $0x0, s1;
	[sflag:s0] =	ssyncset.done @!p0 $0x0  }
0x1c0: {  	[sflag:s0] =	ssyncadd.s32 @!p0 s1  }
0x1c1: {  	[bflag:$0x3] =	sbarrier.arrive $0xFFFF  }
0x1c2: {  	_ =	shalt  }

</sc_bundles>
